<compile_context>
chip_gen: v7x
topology: tpu7x:2x2x1
jax: 0.10.2.dev20260603
libtpu: 0.0.44.dev20260713+nightly
codegen_flags: <defaults>
</compile_context>

<pallas_src>
import jax
import jax.numpy as jnp
from jax import lax
from jax.experimental import pallas as pl
from jax.experimental.pallas import tpu as pltpu
from jax.experimental.pallas import tpu_sc as plsc

N_NODES = 10000
DIM = 128
WORDS = DIM // 2
ROW = 2 * WORDS
N_ROWS = N_NODES // 2
N_EDGES = 320000
LANES = 16

_info = plsc.get_sparse_core_info()
NC = _info.num_cores
NS = _info.num_subcores
NW = NC * NS

EDGES_PER_W = N_EDGES // NW
CHUNK = 80
ROUNDS = EDGES_PER_W // CHUNK
GROUPS = CHUNK // LANES

STRIPE = (N_ROWS // NS) // 8 * 8
TAIL = N_ROWS - STRIPE * NS


def _body(z_hbm, src_hbm, dst_hbm, out_hbm,
          zspm, sidx, didx,
          gidx_sa, gidx_da, gidx_sb, gidx_db,
          srows_a, drows_a, srows_b, drows_b, outv,
          sem_sa, sem_da, sem_sb, sem_db):
    sid = lax.axis_index("s")
    wid = sid * NC + lax.axis_index("c")
    base_w = wid * EDGES_PER_W

    lanes_i = lax.iota(jnp.int32, LANES)

    sbase = pl.multiple_of(sid * STRIPE, 8)
    pltpu.sync_copy(z_hbm.at[pl.ds(sbase, STRIPE), :],
                    zspm.at[pl.ds(sbase, STRIPE), :])
    pltpu.sync_copy(z_hbm.at[pl.ds(STRIPE * NS, TAIL), :],
                    zspm.at[pl.ds(STRIPE * NS, TAIL), :])

    pltpu.sync_copy(src_hbm.at[wid], sidx)
    pltpu.sync_copy(dst_hbm.at[wid], didx)

    plsc.subcore_barrier()

    def fire(r, gidx_s, gidx_d, srows, drows, sem_s, sem_d):
        for j in range(CHUNK // LANES):
            sl = pl.ds(j * LANES, LANES)
            gidx_s[sl] = lax.shift_right_logical(sidx[r, sl], 1)
            gidx_d[sl] = lax.shift_right_logical(didx[r, sl], 1)
        pltpu.async_copy(zspm.at[gidx_s], srows, sem_s)
        pltpu.async_copy(zspm.at[gidx_d], drows, sem_d)

    def drain(gidx_s, gidx_d, srows, drows, sem_s, sem_d):
        pltpu.make_async_copy(zspm.at[gidx_s], srows, sem_s).wait()
        pltpu.make_async_copy(zspm.at[gidx_d], drows, sem_d).wait()

    def compute(r, srows, drows):
        def group_body(g, carry):
            e0 = g * LANES
            soffv = (sidx[r, pl.ds(e0, LANES)] & 1) * WORDS
            doffv = (didx[r, pl.ds(e0, LANES)] & 1) * WORDS
            acc = jnp.zeros((LANES,), jnp.float32)
            for e in range(LANES):
                soff = soffv[e]
                doff = doffv[e]
                pb = []
                for j in range(WORDS // LANES):
                    sw = srows[e0 + e, pl.ds(soff + j * LANES, LANES)]
                    dw = drows[e0 + e, pl.ds(doff + j * LANES, LANES)]
                    pb.append(plsc.bitcast(sw, jnp.bfloat16)
                              * plsc.bitcast(dw, jnp.bfloat16))
                q = (pb[0] + pb[1]) + (pb[2] + pb[3])
                qlo, qhi = plsc.unpack(q, format=plsc.PackFormat.INTERLEAVED)
                s = jnp.sum(qlo + qhi)
                acc = jnp.where(lanes_i == e, s, acc)
            outv[pl.ds(r * CHUNK + e0, LANES)] = 1.0 / (1.0 + jnp.exp(-acc))
            return carry

        lax.fori_loop(0, GROUPS, group_body, 0, unroll=False)

    fire(0, gidx_sa, gidx_da, srows_a, drows_a, sem_sa, sem_da)

    def pair_body(i, carry):
        r0 = 2 * i
        fire(r0 + 1, gidx_sb, gidx_db, srows_b, drows_b, sem_sb, sem_db)
        drain(gidx_sa, gidx_da, srows_a, drows_a, sem_sa, sem_da)
        compute(r0, srows_a, drows_a)
        fire(r0 + 2, gidx_sa, gidx_da, srows_a, drows_a, sem_sa, sem_da)
        drain(gidx_sb, gidx_db, srows_b, drows_b, sem_sb, sem_db)
        compute(r0 + 1, srows_b, drows_b)
        return carry

    lax.fori_loop(0, (ROUNDS - 1) // 2, pair_body, 0, unroll=False)
    drain(gidx_sa, gidx_da, srows_a, drows_a, sem_sa, sem_da)
    compute(ROUNDS - 1, srows_a, drows_a)

    pltpu.sync_copy(outv, out_hbm.at[pl.ds(base_w, EDGES_PER_W)])


@jax.jit
def _decode(z_pack, src, dst):
    mesh = plsc.VectorSubcoreMesh(core_axis_name="c", subcore_axis_name="s")
    return pl.kernel(
        _body,
        out_type=jax.ShapeDtypeStruct((N_EDGES,), jnp.float32),
        mesh=mesh,
        compiler_params=pltpu.CompilerParams(needs_layout_passes=False),
        scratch_types=[
            pltpu.VMEM_SHARED((N_ROWS, ROW), jnp.int32),
            pltpu.VMEM((ROUNDS, CHUNK), jnp.int32),
            pltpu.VMEM((ROUNDS, CHUNK), jnp.int32),
            pltpu.VMEM((CHUNK,), jnp.int32),
            pltpu.VMEM((CHUNK,), jnp.int32),
            pltpu.VMEM((CHUNK,), jnp.int32),
            pltpu.VMEM((CHUNK,), jnp.int32),
            pltpu.VMEM((CHUNK, ROW), jnp.int32),
            pltpu.VMEM((CHUNK, ROW), jnp.int32),
            pltpu.VMEM((CHUNK, ROW), jnp.int32),
            pltpu.VMEM((CHUNK, ROW), jnp.int32),
            pltpu.VMEM((EDGES_PER_W,), jnp.float32),
            pltpu.SemaphoreType.DMA,
            pltpu.SemaphoreType.DMA,
            pltpu.SemaphoreType.DMA,
            pltpu.SemaphoreType.DMA,
        ],
    )(z_pack, src, dst)


def kernel(z, edge_index):
    zb = z.astype(jnp.bfloat16)
    z_pack = lax.bitcast_convert_type(
        zb.reshape(N_NODES, WORDS, 2), jnp.int32).reshape(N_ROWS, ROW)
    src = edge_index[0].reshape(NW, ROUNDS, CHUNK)
    dst = edge_index[1].reshape(NW, ROUNDS, CHUNK)
    return _decode(z_pack, src, dst)

# --- scband reference (transcript-rebuilt; emitter-appended) ---
"""Pipeline reference for scband-inner-product-decoder-13288628814621 (READ-ONLY COPY).

The authoritative reference and input builder live on the scoring server;
editing this copy changes nothing except your own understanding.
"""

import jax, jax.numpy as jnp
import numpy as np


def setup_inputs(seed: int = 0) -> dict:
    key = jax.random.key(seed)
    k1, k2 = jax.random.split(key)
    z = jax.random.normal(k1, (10000, 128), dtype=jnp.float32)
    edge_index = jax.random.randint(k2, (2, 320000), 0, 10000, dtype=jnp.int64 if jax.config.jax_enable_x64 else jnp.int32).astype(jnp.int32)
    return {"z": z, "edge_index": edge_index}


def reference(z, edge_index):
    # Inner product decoder: gather src/dst node embeddings, elementwise
    # multiply, reduce over feature dim, sigmoid activation.
    src = jnp.take(z, edge_index[0], axis=0)
    dst = jnp.take(z, edge_index[1], axis=0)
    edge_prob = jnp.sum(src * dst, axis=1)
    return jax.nn.sigmoid(edge_prob)

if __name__ == "__main__":
    import jax
    _d = setup_inputs()
    print(jax.jit(kernel)(*tuple(_d.values())))

</pallas_src>

<mosaic_0001>
#map = affine_map<(d0, d1) -> (0, 0)>
#map1 = affine_map<(d0, d1) -> (0, 0, 0)>
#map2 = affine_map<(d0, d1) -> (0)>
module attributes {stable_mosaic.version = 14 : i64} {
  func.func @_body(%arg0: i32, %arg1: i32, %arg2: memref<5000x128xi32, #tpu.memory_space<hbm>>, %arg3: memref<32x125x80xi32, #tpu.memory_space<hbm>>, %arg4: memref<32x125x80xi32, #tpu.memory_space<hbm>>, %arg5: memref<320000xf32, #tpu.memory_space<hbm>>, %arg6: memref<5000x128xi32, #tpu.memory_space<vmem_shared>>, %arg7: memref<125x80xi32, #tpu.memory_space<vmem>>, %arg8: memref<125x80xi32, #tpu.memory_space<vmem>>, %arg9: memref<80xi32, #tpu.memory_space<vmem>>, %arg10: memref<80xi32, #tpu.memory_space<vmem>>, %arg11: memref<80xi32, #tpu.memory_space<vmem>>, %arg12: memref<80xi32, #tpu.memory_space<vmem>>, %arg13: memref<80x128xi32, #tpu.memory_space<vmem>>, %arg14: memref<80x128xi32, #tpu.memory_space<vmem>>, %arg15: memref<80x128xi32, #tpu.memory_space<vmem>>, %arg16: memref<80x128xi32, #tpu.memory_space<vmem>>, %arg17: memref<10000xf32, #tpu.memory_space<vmem>>, %arg18: memref<!tpu.dma_semaphore, #tpu.memory_space<semaphore_mem>>, %arg19: memref<!tpu.dma_semaphore, #tpu.memory_space<semaphore_mem>>, %arg20: memref<!tpu.dma_semaphore, #tpu.memory_space<semaphore_mem>>, %arg21: memref<!tpu.dma_semaphore, #tpu.memory_space<semaphore_mem>>) attributes {dimension_semantics = [#tpu.dimension_semantics<core_parallel>, #tpu.dimension_semantics<subcore_parallel>], iteration_bounds = array<i64: 2, 16>, scalar_prefetch = 0 : i64, scratch_operands = 16 : i64, tpu.core_type = #tpu.core_type<sc_vector_subcore>, window_params = [{transform_indices = #map}, {transform_indices = #map1}, {transform_indices = #map1}, {transform_indices = #map2}]} {
    %mul3A = arith.constant 2 : i32
    %mul3A_0 = arith.muli %arg1, %mul3A : i32
    %add3A = arith.addi %mul3A_0, %arg0 : i32
    %mul3A_1 = arith.constant 10000 : i32
    %mul3A_2 = arith.muli %add3A, %mul3A_1 : i32
    %iota3A = tpu.iota {dimensions = array<i32: 0>} : vector<16xi32>
    %mul3A_3 = arith.constant 312 : i32
    %mul3A_4 = arith.muli %arg1, %mul3A_3 : i32
    %multiple_of3A = tpu.assume_multiple %mul3A_4, 8 : i32
    "tpu.region"() ({
      %run_scoped3A = tpu.sem_alloc : memref<!tpu.dma_semaphore, #tpu.memory_space<semaphore_mem>>
      %dma_start3A_113 = arith.constant 0 : i32
      %dma_start3A_114 = tpu.memref_slice %arg6[%multiple_of3A, %dma_start3A_113] : memref<5000x128xi32, #tpu.memory_space<vmem_shared>> -> memref<312x128xi32, #tpu.memory_space<vmem_shared>>
      %dma_start3A_115 = arith.constant 0 : i32
      %dma_start3A_116 = tpu.memref_slice %arg2[%multiple_of3A, %dma_start3A_115] : memref<5000x128xi32, #tpu.memory_space<hbm>> -> memref<312x128xi32, #tpu.memory_space<hbm>>
      tpu.enqueue_dma source(%dma_start3A_116 : memref<312x128xi32, #tpu.memory_space<hbm>>) target(%dma_start3A_114 : memref<312x128xi32, #tpu.memory_space<vmem_shared>>) target_semaphore(%run_scoped3A : memref<!tpu.dma_semaphore, #tpu.memory_space<semaphore_mem>>)
      %dma_wait3A_117 = arith.constant 0 : i32
      %dma_wait3A_118 = tpu.memref_slice %arg6[%multiple_of3A, %dma_wait3A_117] : memref<5000x128xi32, #tpu.memory_space<vmem_shared>> -> memref<312x128xi32, #tpu.memory_space<vmem_shared>>
      %dma_wait3A_119 = arith.constant 0 : i32
      %dma_wait3A_120 = tpu.memref_slice %arg2[%multiple_of3A, %dma_wait3A_119] : memref<5000x128xi32, #tpu.memory_space<hbm>> -> memref<312x128xi32, #tpu.memory_space<hbm>>
      tpu.wait_dma2 semaphore(%run_scoped3A : memref<!tpu.dma_semaphore, #tpu.memory_space<semaphore_mem>>) src(%dma_wait3A_120 : memref<312x128xi32, #tpu.memory_space<hbm>>) dst(%dma_wait3A_118 : memref<312x128xi32, #tpu.memory_space<vmem_shared>>)
      tpu.yield
    }) : () -> ()
    "tpu.region"() ({
      %run_scoped3A = tpu.sem_alloc : memref<!tpu.dma_semaphore, #tpu.memory_space<semaphore_mem>>
      %dma_start3A_113 = arith.constant 4992 : i32
      %dma_start3A_114 = arith.constant 0 : i32
      %dma_start3A_115 = tpu.memref_slice %arg6[%dma_start3A_113, %dma_start3A_114] : memref<5000x128xi32, #tpu.memory_space<vmem_shared>> -> memref<8x128xi32, #tpu.memory_space<vmem_shared>>
      %dma_start3A_116 = arith.constant 4992 : i32
      %dma_start3A_117 = arith.constant 0 : i32
      %dma_start3A_118 = tpu.memref_slice %arg2[%dma_start3A_116, %dma_start3A_117] : memref<5000x128xi32, #tpu.memory_space<hbm>> -> memref<8x128xi32, #tpu.memory_space<hbm>>
      tpu.enqueue_dma source(%dma_start3A_118 : memref<8x128xi32, #tpu.memory_space<hbm>>) target(%dma_start3A_115 : memref<8x128xi32, #tpu.memory_space<vmem_shared>>) target_semaphore(%run_scoped3A : memref<!tpu.dma_semaphore, #tpu.memory_space<semaphore_mem>>)
      %dma_wait3A_119 = arith.constant 4992 : i32
      %dma_wait3A_120 = arith.constant 0 : i32
      %dma_wait3A_121 = tpu.memref_slice %arg6[%dma_wait3A_119, %dma_wait3A_120] : memref<5000x128xi32, #tpu.memory_space<vmem_shared>> -> memref<8x128xi32, #tpu.memory_space<vmem_shared>>
      %dma_wait3A_122 = arith.constant 4992 : i32
      %dma_wait3A_123 = arith.constant 0 : i32
      %dma_wait3A_124 = tpu.memref_slice %arg2[%dma_wait3A_122, %dma_wait3A_123] : memref<5000x128xi32, #tpu.memory_space<hbm>> -> memref<8x128xi32, #tpu.memory_space<hbm>>
      tpu.wait_dma2 semaphore(%run_scoped3A : memref<!tpu.dma_semaphore, #tpu.memory_space<semaphore_mem>>) src(%dma_wait3A_124 : memref<8x128xi32, #tpu.memory_space<hbm>>) dst(%dma_wait3A_121 : memref<8x128xi32, #tpu.memory_space<vmem_shared>>)
      tpu.yield
    }) : () -> ()
    "tpu.region"() ({
      %run_scoped3A = tpu.sem_alloc : memref<!tpu.dma_semaphore, #tpu.memory_space<semaphore_mem>>
      %dma_start3A_113 = arith.constant 0 : i32
      %dma_start3A_114 = arith.constant 0 : i32
      %dma_start3A_115 = tpu.memref_slice %arg3[%add3A, %dma_start3A_113, %dma_start3A_114] : memref<32x125x80xi32, #tpu.memory_space<hbm>> -> memref<1x125x80xi32, #tpu.memory_space<hbm>>
      %dma_start3A_116 = tpu.memref_squeeze %dma_start3A_115 : memref<1x125x80xi32, #tpu.memory_space<hbm>> -> memref<125x80xi32, #tpu.memory_space<hbm>>
      %dma_start3A_117 = arith.constant 0 : i32
      %dma_start3A_118 = arith.constant 0 : i32
      %dma_start3A_119 = tpu.memref_slice %arg3[%add3A, %dma_start3A_117, %dma_start3A_118] : memref<32x125x80xi32, #tpu.memory_space<hbm>> -> memref<1x125x80xi32, #tpu.memory_space<hbm>>
      %dma_start3A_120 = tpu.memref_squeeze %dma_start3A_119 : memref<1x125x80xi32, #tpu.memory_space<hbm>> -> memref<125x80xi32, #tpu.memory_space<hbm>>
      tpu.enqueue_dma source(%dma_start3A_120 : memref<125x80xi32, #tpu.memory_space<hbm>>) target(%arg7 : memref<125x80xi32, #tpu.memory_space<vmem>>) target_semaphore(%run_scoped3A : memref<!tpu.dma_semaphore, #tpu.memory_space<semaphore_mem>>)
      %dma_wait3A_121 = arith.constant 0 : i32
      %dma_wait3A_122 = arith.constant 0 : i32
      %dma_wait3A_123 = tpu.memref_slice %arg3[%add3A, %dma_wait3A_121, %dma_wait3A_122] : memref<32x125x80xi32, #tpu.memory_space<hbm>> -> memref<1x125x80xi32, #tpu.memory_space<hbm>>
      %dma_wait3A_124 = tpu.memref_squeeze %dma_wait3A_123 : memref<1x125x80xi32, #tpu.memory_space<hbm>> -> memref<125x80xi32, #tpu.memory_space<hbm>>
      %dma_wait3A_125 = arith.constant 0 : i32
      %dma_wait3A_126 = arith.constant 0 : i32
      %dma_wait3A_127 = tpu.memref_slice %arg3[%add3A, %dma_wait3A_125, %dma_wait3A_126] : memref<32x125x80xi32, #tpu.memory_space<hbm>> -> memref<1x125x80xi32, #tpu.memory_space<hbm>>
      %dma_wait3A_128 = tpu.memref_squeeze %dma_wait3A_127 : memref<1x125x80xi32, #tpu.memory_space<hbm>> -> memref<125x80xi32, #tpu.memory_space<hbm>>
      tpu.wait_dma2 semaphore(%run_scoped3A : memref<!tpu.dma_semaphore, #tpu.memory_space<semaphore_mem>>) src(%dma_wait3A_128 : memref<125x80xi32, #tpu.memory_space<hbm>>) dst(%arg7 : memref<125x80xi32, #tpu.memory_space<vmem>>)
      tpu.yield
    }) : () -> ()
    "tpu.region"() ({
      %run_scoped3A = tpu.sem_alloc : memref<!tpu.dma_semaphore, #tpu.memory_space<semaphore_mem>>
      %dma_start3A_113 = arith.constant 0 : i32
      %dma_start3A_114 = arith.constant 0 : i32
      %dma_start3A_115 = tpu.memref_slice %arg4[%add3A, %dma_start3A_113, %dma_start3A_114] : memref<32x125x80xi32, #tpu.memory_space<hbm>> -> memref<1x125x80xi32, #tpu.memory_space<hbm>>
      %dma_start3A_116 = tpu.memref_squeeze %dma_start3A_115 : memref<1x125x80xi32, #tpu.memory_space<hbm>> -> memref<125x80xi32, #tpu.memory_space<hbm>>
      %dma_start3A_117 = arith.constant 0 : i32
      %dma_start3A_118 = arith.constant 0 : i32
      %dma_start3A_119 = tpu.memref_slice %arg4[%add3A, %dma_start3A_117, %dma_start3A_118] : memref<32x125x80xi32, #tpu.memory_space<hbm>> -> memref<1x125x80xi32, #tpu.memory_space<hbm>>
      %dma_start3A_120 = tpu.memref_squeeze %dma_start3A_119 : memref<1x125x80xi32, #tpu.memory_space<hbm>> -> memref<125x80xi32, #tpu.memory_space<hbm>>
      tpu.enqueue_dma source(%dma_start3A_120 : memref<125x80xi32, #tpu.memory_space<hbm>>) target(%arg8 : memref<125x80xi32, #tpu.memory_space<vmem>>) target_semaphore(%run_scoped3A : memref<!tpu.dma_semaphore, #tpu.memory_space<semaphore_mem>>)
      %dma_wait3A_121 = arith.constant 0 : i32
      %dma_wait3A_122 = arith.constant 0 : i32
      %dma_wait3A_123 = tpu.memref_slice %arg4[%add3A, %dma_wait3A_121, %dma_wait3A_122] : memref<32x125x80xi32, #tpu.memory_space<hbm>> -> memref<1x125x80xi32, #tpu.memory_space<hbm>>
      %dma_wait3A_124 = tpu.memref_squeeze %dma_wait3A_123 : memref<1x125x80xi32, #tpu.memory_space<hbm>> -> memref<125x80xi32, #tpu.memory_space<hbm>>
      %dma_wait3A_125 = arith.constant 0 : i32
      %dma_wait3A_126 = arith.constant 0 : i32
      %dma_wait3A_127 = tpu.memref_slice %arg4[%add3A, %dma_wait3A_125, %dma_wait3A_126] : memref<32x125x80xi32, #tpu.memory_space<hbm>> -> memref<1x125x80xi32, #tpu.memory_space<hbm>>
      %dma_wait3A_128 = tpu.memref_squeeze %dma_wait3A_127 : memref<1x125x80xi32, #tpu.memory_space<hbm>> -> memref<125x80xi32, #tpu.memory_space<hbm>>
      tpu.wait_dma2 semaphore(%run_scoped3A : memref<!tpu.dma_semaphore, #tpu.memory_space<semaphore_mem>>) src(%dma_wait3A_128 : memref<125x80xi32, #tpu.memory_space<hbm>>) dst(%arg8 : memref<125x80xi32, #tpu.memory_space<vmem>>)
      tpu.yield
    }) : () -> ()
    %barrier3A = arith.constant 0 : index
    tpu.barrier barrier_id(%barrier3A)
    %get3A = arith.constant 0 : i32
    %get3A_5 = arith.index_cast %get3A : i32 to index
    %get3A_6 = arith.constant 0 : index
    %get3A_7 = tpu.vector_load %arg7[%get3A_5, %get3A_6] {strides = array<i32>} : memref<125x80xi32, #tpu.memory_space<vmem>>, vector<16xi32>,
    %shift_right_logical3A = arith.constant 1 : i32
    %shift_right_logical3A_8 = vector.broadcast %shift_right_logical3A : i32 to vector<16xi32>
    %shift_right_logical3A_9 = arith.shrui %get3A_7, %shift_right_logical3A_8 : vector<16xi32>
    %swap3A = arith.constant 0 : index
    %swap3A_10 = tpu.vector_load %arg9[%swap3A] {strides = array<i32>} : memref<80xi32, #tpu.memory_space<vmem>>, vector<16xi32>,
    tpu.vector_store %arg9[%swap3A], %shift_right_logical3A_9 {strides = array<i32>} : memref<80xi32, #tpu.memory_space<vmem>>, vector<16xi32>,
    %get3A_11 = arith.constant 0 : i32
    %get3A_12 = arith.index_cast %get3A_11 : i32 to index
    %get3A_13 = arith.constant 0 : index
    %get3A_14 = tpu.vector_load %arg8[%get3A_12, %get3A_13] {strides = array<i32>} : memref<125x80xi32, #tpu.memory_space<vmem>>, vector<16xi32>,
    %shift_right_logical3A_15 = arith.constant 1 : i32
    %shift_right_logical3A_16 = vector.broadcast %shift_right_logical3A_15 : i32 to vector<16xi32>
    %shift_right_logical3A_17 = arith.shrui %get3A_14, %shift_right_logical3A_16 : vector<16xi32>
    %swap3A_18 = arith.constant 0 : index
    %swap3A_19 = tpu.vector_load %arg10[%swap3A_18] {strides = array<i32>} : memref<80xi32, #tpu.memory_space<vmem>>, vector<16xi32>,
    tpu.vector_store %arg10[%swap3A_18], %shift_right_logical3A_17 {strides = array<i32>} : memref<80xi32, #tpu.memory_space<vmem>>, vector<16xi32>,
    %get3A_20 = arith.constant 0 : i32
    %get3A_21 = arith.index_cast %get3A_20 : i32 to index
    %get3A_22 = arith.constant 16 : index
    %get3A_23 = tpu.vector_load %arg7[%get3A_21, %get3A_22] {strides = array<i32>} : memref<125x80xi32, #tpu.memory_space<vmem>>, vector<16xi32>,
    %shift_right_logical3A_24 = arith.constant 1 : i32
    %shift_right_logical3A_25 = vector.broadcast %shift_right_logical3A_24 : i32 to vector<16xi32>
    %shift_right_logical3A_26 = arith.shrui %get3A_23, %shift_right_logical3A_25 : vector<16xi32>
    %swap3A_27 = arith.constant 16 : index
    %swap3A_28 = tpu.vector_load %arg9[%swap3A_27] {strides = array<i32>} : memref<80xi32, #tpu.memory_space<vmem>>, vector<16xi32>,
    tpu.vector_store %arg9[%swap3A_27], %shift_right_logical3A_26 {strides = array<i32>} : memref<80xi32, #tpu.memory_space<vmem>>, vector<16xi32>,
    %get3A_29 = arith.constant 0 : i32
    %get3A_30 = arith.index_cast %get3A_29 : i32 to index
    %get3A_31 = arith.constant 16 : index
    %get3A_32 = tpu.vector_load %arg8[%get3A_30, %get3A_31] {strides = array<i32>} : memref<125x80xi32, #tpu.memory_space<vmem>>, vector<16xi32>,
    %shift_right_logical3A_33 = arith.constant 1 : i32
    %shift_right_logical3A_34 = vector.broadcast %shift_right_logical3A_33 : i32 to vector<16xi32>
    %shift_right_logical3A_35 = arith.shrui %get3A_32, %shift_right_logical3A_34 : vector<16xi32>
    %swap3A_36 = arith.constant 16 : index
    %swap3A_37 = tpu.vector_load %arg10[%swap3A_36] {strides = array<i32>} : memref<80xi32, #tpu.memory_space<vmem>>, vector<16xi32>,
    tpu.vector_store %arg10[%swap3A_36], %shift_right_logical3A_35 {strides = array<i32>} : memref<80xi32, #tpu.memory_space<vmem>>, vector<16xi32>,
    %get3A_38 = arith.constant 0 : i32
    %get3A_39 = arith.index_cast %get3A_38 : i32 to index
    %get3A_40 = arith.constant 32 : index
    %get3A_41 = tpu.vector_load %arg7[%get3A_39, %get3A_40] {strides = array<i32>} : memref<125x80xi32, #tpu.memory_space<vmem>>, vector<16xi32>,
    %shift_right_logical3A_42 = arith.constant 1 : i32
    %shift_right_logical3A_43 = vector.broadcast %shift_right_logical3A_42 : i32 to vector<16xi32>
    %shift_right_logical3A_44 = arith.shrui %get3A_41, %shift_right_logical3A_43 : vector<16xi32>
    %swap3A_45 = arith.constant 32 : index
    %swap3A_46 = tpu.vector_load %arg9[%swap3A_45] {strides = array<i32>} : memref<80xi32, #tpu.memory_space<vmem>>, vector<16xi32>,
    tpu.vector_store %arg9[%swap3A_45], %shift_right_logical3A_44 {strides = array<i32>} : memref<80xi32, #tpu.memory_space<vmem>>, vector<16xi32>,
    %get3A_47 = arith.constant 0 : i32
    %get3A_48 = arith.index_cast %get3A_47 : i32 to index
    %get3A_49 = arith.constant 32 : index
    %get3A_50 = tpu.vector_load %arg8[%get3A_48, %get3A_49] {strides = array<i32>} : memref<125x80xi32, #tpu.memory_space<vmem>>, vector<16xi32>,
    %shift_right_logical3A_51 = arith.constant 1 : i32
    %shift_right_logical3A_52 = vector.broadcast %shift_right_logical3A_51 : i32 to vector<16xi32>
    %shift_right_logical3A_53 = arith.shrui %get3A_50, %shift_right_logical3A_52 : vector<16xi32>
    %swap3A_54 = arith.constant 32 : index
    %swap3A_55 = tpu.vector_load %arg10[%swap3A_54] {strides = array<i32>} : memref<80xi32, #tpu.memory_space<vmem>>, vector<16xi32>,
    tpu.vector_store %arg10[%swap3A_54], %shift_right_logical3A_53 {strides = array<i32>} : memref<80xi32, #tpu.memory_space<vmem>>, vector<16xi32>,
    %get3A_56 = arith.constant 0 : i32
    %get3A_57 = arith.index_cast %get3A_56 : i32 to index
    %get3A_58 = arith.constant 48 : index
    %get3A_59 = tpu.vector_load %arg7[%get3A_57, %get3A_58] {strides = array<i32>} : memref<125x80xi32, #tpu.memory_space<vmem>>, vector<16xi32>,
    %shift_right_logical3A_60 = arith.constant 1 : i32
    %shift_right_logical3A_61 = vector.broadcast %shift_right_logical3A_60 : i32 to vector<16xi32>
    %shift_right_logical3A_62 = arith.shrui %get3A_59, %shift_right_logical3A_61 : vector<16xi32>
    %swap3A_63 = arith.constant 48 : index
    %swap3A_64 = tpu.vector_load %arg9[%swap3A_63] {strides = array<i32>} : memref<80xi32, #tpu.memory_space<vmem>>, vector<16xi32>,
    tpu.vector_store %arg9[%swap3A_63], %shift_right_logical3A_62 {strides = array<i32>} : memref<80xi32, #tpu.memory_space<vmem>>, vector<16xi32>,
    %get3A_65 = arith.constant 0 : i32
    %get3A_66 = arith.index_cast %get3A_65 : i32 to index
    %get3A_67 = arith.constant 48 : index
    %get3A_68 = tpu.vector_load %arg8[%get3A_66, %get3A_67] {strides = array<i32>} : memref<125x80xi32, #tpu.memory_space<vmem>>, vector<16xi32>,
    %shift_right_logical3A_69 = arith.constant 1 : i32
    %shift_right_logical3A_70 = vector.broadcast %shift_right_logical3A_69 : i32 to vector<16xi32>
    %shift_right_logical3A_71 = arith.shrui %get3A_68, %shift_right_logical3A_70 : vector<16xi32>
    %swap3A_72 = arith.constant 48 : index
    %swap3A_73 = tpu.vector_load %arg10[%swap3A_72] {strides = array<i32>} : memref<80xi32, #tpu.memory_space<vmem>>, vector<16xi32>,
    tpu.vector_store %arg10[%swap3A_72], %shift_right_logical3A_71 {strides = array<i32>} : memref<80xi32, #tpu.memory_space<vmem>>, vector<16xi32>,
    %get3A_74 = arith.constant 0 : i32
    %get3A_75 = arith.index_cast %get3A_74 : i32 to index
    %get3A_76 = arith.constant 64 : index
    %get3A_77 = tpu.vector_load %arg7[%get3A_75, %get3A_76] {strides = array<i32>} : memref<125x80xi32, #tpu.memory_space<vmem>>, vector<16xi32>,
    %shift_right_logical3A_78 = arith.constant 1 : i32
    %shift_right_logical3A_79 = vector.broadcast %shift_right_logical3A_78 : i32 to vector<16xi32>
    %shift_right_logical3A_80 = arith.shrui %get3A_77, %shift_right_logical3A_79 : vector<16xi32>
    %swap3A_81 = arith.constant 64 : index
    %swap3A_82 = tpu.vector_load %arg9[%swap3A_81] {strides = array<i32>} : memref<80xi32, #tpu.memory_space<vmem>>, vector<16xi32>,
    tpu.vector_store %arg9[%swap3A_81], %shift_right_logical3A_80 {strides = array<i32>} : memref<80xi32, #tpu.memory_space<vmem>>, vector<16xi32>,
    %get3A_83 = arith.constant 0 : i32
    %get3A_84 = arith.index_cast %get3A_83 : i32 to index
    %get3A_85 = arith.constant 64 : index
    %get3A_86 = tpu.vector_load %arg8[%get3A_84, %get3A_85] {strides = array<i32>} : memref<125x80xi32, #tpu.memory_space<vmem>>, vector<16xi32>,
    %shift_right_logical3A_87 = arith.constant 1 : i32
    %shift_right_logical3A_88 = vector.broadcast %shift_right_logical3A_87 : i32 to vector<16xi32>
    %shift_right_logical3A_89 = arith.shrui %get3A_86, %shift_right_logical3A_88 : vector<16xi32>
    %swap3A_90 = arith.constant 64 : index
    %swap3A_91 = tpu.vector_load %arg10[%swap3A_90] {strides = array<i32>} : memref<80xi32, #tpu.memory_space<vmem>>, vector<16xi32>,
    tpu.vector_store %arg10[%swap3A_90], %shift_right_logical3A_89 {strides = array<i32>} : memref<80xi32, #tpu.memory_space<vmem>>, vector<16xi32>,
    %dma_start3A = arith.constant 0 : i32
    %dma_start3A_92 = arith.constant 0 : i32
    %dma_start3A_93 = tpu.memref_slice %arg6[%dma_start3A, %dma_start3A_92] : memref<5000x128xi32, #tpu.memory_space<vmem_shared>> -> memref<5000x128xi32, #tpu.memory_space<vmem_shared>>
    tpu.enqueue_indirect_dma source(%dma_start3A_93 : memref<5000x128xi32, #tpu.memory_space<vmem_shared>>) target(%arg13 : memref<80x128xi32, #tpu.memory_space<vmem>>) offsets(%arg9 : memref<80xi32, #tpu.memory_space<vmem>>) semaphore(%arg18 : memref<!tpu.dma_semaphore, #tpu.memory_space<semaphore_mem>>)
    %dma_start3A_94 = arith.constant 0 : i32
    %dma_start3A_95 = arith.constant 0 : i32
    %dma_start3A_96 = tpu.memref_slice %arg6[%dma_start3A_94, %dma_start3A_95] : memref<5000x128xi32, #tpu.memory_space<vmem_shared>> -> memref<5000x128xi32, #tpu.memory_space<vmem_shared>>
    tpu.enqueue_indirect_dma source(%dma_start3A_96 : memref<5000x128xi32, #tpu.memory_space<vmem_shared>>) target(%arg14 : memref<80x128xi32, #tpu.memory_space<vmem>>) offsets(%arg10 : memref<80xi32, #tpu.memory_space<vmem>>) semaphore(%arg19 : memref<!tpu.dma_semaphore, #tpu.memory_space<semaphore_mem>>)
    %scan3A = arith.constant 0 : i32
    %scan3A_97 = arith.constant 0 : i32
    %scan3A_98 = arith.constant 62 : i32
    %scan3A_99 = arith.addi %scan3A_97, %scan3A_98 : i32
    %scan3A_100 = arith.constant 1 : i32
    scf.for %scan3A_113 = %scan3A_97 to %scan3A_99 step %scan3A_100  : i32 {
      %mul3A_114 = arith.constant 2 : i32
      %mul3A_115 = arith.muli %mul3A_114, %scan3A_113 : i32
      %add3A_116 = arith.constant 1 : i32
      %add3A_117 = arith.addi %mul3A_115, %add3A_116 : i32
      %get3A_118 = arith.index_cast %add3A_117 : i32 to index
      %get3A_119 = arith.constant 0 : index
      %get3A_120 = tpu.vector_load %arg7[%get3A_118, %get3A_119] {strides = array<i32>} : memref<125x80xi32, #tpu.memory_space<vmem>>, vector<16xi32>,
      %shift_right_logical3A_121 = arith.constant 1 : i32
      %shift_right_logical3A_122 = vector.broadcast %shift_right_logical3A_121 : i32 to vector<16xi32>
      %shift_right_logical3A_123 = arith.shrui %get3A_120, %shift_right_logical3A_122 : vector<16xi32>
      %swap3A_124 = arith.constant 0 : index
      %swap3A_125 = tpu.vector_load %arg11[%swap3A_124] {strides = array<i32>} : memref<80xi32, #tpu.memory_space<vmem>>, vector<16xi32>,
      tpu.vector_store %arg11[%swap3A_124], %shift_right_logical3A_123 {strides = array<i32>} : memref<80xi32, #tpu.memory_space<vmem>>, vector<16xi32>,
      %get3A_126 = arith.index_cast %add3A_117 : i32 to index
      %get3A_127 = arith.constant 0 : index
      %get3A_128 = tpu.vector_load %arg8[%get3A_126, %get3A_127] {strides = array<i32>} : memref<125x80xi32, #tpu.memory_space<vmem>>, vector<16xi32>,
      %shift_right_logical3A_129 = arith.constant 1 : i32
      %shift_right_logical3A_130 = vector.broadcast %shift_right_logical3A_129 : i32 to vector<16xi32>
      %shift_right_logical3A_131 = arith.shrui %get3A_128, %shift_right_logical3A_130 : vector<16xi32>
      %swap3A_132 = arith.constant 0 : index
      %swap3A_133 = tpu.vector_load %arg12[%swap3A_132] {strides = array<i32>} : memref<80xi32, #tpu.memory_space<vmem>>, vector<16xi32>,
      tpu.vector_store %arg12[%swap3A_132], %shift_right_logical3A_131 {strides = array<i32>} : memref<80xi32, #tpu.memory_space<vmem>>, vector<16xi32>,
      %get3A_134 = arith.index_cast %add3A_117 : i32 to index
      %get3A_135 = arith.constant 16 : index
      %get3A_136 = tpu.vector_load %arg7[%get3A_134, %get3A_135] {strides = array<i32>} : memref<125x80xi32, #tpu.memory_space<vmem>>, vector<16xi32>,
      %shift_right_logical3A_137 = arith.constant 1 : i32
      %shift_right_logical3A_138 = vector.broadcast %shift_right_logical3A_137 : i32 to vector<16xi32>
      %shift_right_logical3A_139 = arith.shrui %get3A_136, %shift_right_logical3A_138 : vector<16xi32>
      %swap3A_140 = arith.constant 16 : index
      %swap3A_141 = tpu.vector_load %arg11[%swap3A_140] {strides = array<i32>} : memref<80xi32, #tpu.memory_space<vmem>>, vector<16xi32>,
      tpu.vector_store %arg11[%swap3A_140], %shift_right_logical3A_139 {strides = array<i32>} : memref<80xi32, #tpu.memory_space<vmem>>, vector<16xi32>,
      %get3A_142 = arith.index_cast %add3A_117 : i32 to index
      %get3A_143 = arith.constant 16 : index
      %get3A_144 = tpu.vector_load %arg8[%get3A_142, %get3A_143] {strides = array<i32>} : memref<125x80xi32, #tpu.memory_space<vmem>>, vector<16xi32>,
      %shift_right_logical3A_145 = arith.constant 1 : i32
      %shift_right_logical3A_146 = vector.broadcast %shift_right_logical3A_145 : i32 to vector<16xi32>
      %shift_right_logical3A_147 = arith.shrui %get3A_144, %shift_right_logical3A_146 : vector<16xi32>
      %swap3A_148 = arith.constant 16 : index
      %swap3A_149 = tpu.vector_load %arg12[%swap3A_148] {strides = array<i32>} : memref<80xi32, #tpu.memory_space<vmem>>, vector<16xi32>,
      tpu.vector_store %arg12[%swap3A_148], %shift_right_logical3A_147 {strides = array<i32>} : memref<80xi32, #tpu.memory_space<vmem>>, vector<16xi32>,
      %get3A_150 = arith.index_cast %add3A_117 : i32 to index
      %get3A_151 = arith.constant 32 : index
      %get3A_152 = tpu.vector_load %arg7[%get3A_150, %get3A_151] {strides = array<i32>} : memref<125x80xi32, #tpu.memory_space<vmem>>, vector<16xi32>,
      %shift_right_logical3A_153 = arith.constant 1 : i32
      %shift_right_logical3A_154 = vector.broadcast %shift_right_logical3A_153 : i32 to vector<16xi32>
      %shift_right_logical3A_155 = arith.shrui %get3A_152, %shift_right_logical3A_154 : vector<16xi32>
      %swap3A_156 = arith.constant 32 : index
      %swap3A_157 = tpu.vector_load %arg11[%swap3A_156] {strides = array<i32>} : memref<80xi32, #tpu.memory_space<vmem>>, vector<16xi32>,
      tpu.vector_store %arg11[%swap3A_156], %shift_right_logical3A_155 {strides = array<i32>} : memref<80xi32, #tpu.memory_space<vmem>>, vector<16xi32>,
      %get3A_158 = arith.index_cast %add3A_117 : i32 to index
      %get3A_159 = arith.constant 32 : index
      %get3A_160 = tpu.vector_load %arg8[%get3A_158, %get3A_159] {strides = array<i32>} : memref<125x80xi32, #tpu.memory_space<vmem>>, vector<16xi32>,
      %shift_right_logical3A_161 = arith.constant 1 : i32
      %shift_right_logical3A_162 = vector.broadcast %shift_right_logical3A_161 : i32 to vector<16xi32>
      %shift_right_logical3A_163 = arith.shrui %get3A_160, %shift_right_logical3A_162 : vector<16xi32>
      %swap3A_164 = arith.constant 32 : index
      %swap3A_165 = tpu.vector_load %arg12[%swap3A_164] {strides = array<i32>} : memref<80xi32, #tpu.memory_space<vmem>>, vector<16xi32>,
      tpu.vector_store %arg12[%swap3A_164], %shift_right_logical3A_163 {strides = array<i32>} : memref<80xi32, #tpu.memory_space<vmem>>, vector<16xi32>,
      %get3A_166 = arith.index_cast %add3A_117 : i32 to index
      %get3A_167 = arith.constant 48 : index
      %get3A_168 = tpu.vector_load %arg7[%get3A_166, %get3A_167] {strides = array<i32>} : memref<125x80xi32, #tpu.memory_space<vmem>>, vector<16xi32>,
      %shift_right_logical3A_169 = arith.constant 1 : i32
      %shift_right_logical3A_170 = vector.broadcast %shift_right_logical3A_169 : i32 to vector<16xi32>
      %shift_right_logical3A_171 = arith.shrui %get3A_168, %shift_right_logical3A_170 : vector<16xi32>
      %swap3A_172 = arith.constant 48 : index
      %swap3A_173 = tpu.vector_load %arg11[%swap3A_172] {strides = array<i32>} : memref<80xi32, #tpu.memory_space<vmem>>, vector<16xi32>,
      tpu.vector_store %arg11[%swap3A_172], %shift_right_logical3A_171 {strides = array<i32>} : memref<80xi32, #tpu.memory_space<vmem>>, vector<16xi32>,
      %get3A_174 = arith.index_cast %add3A_117 : i32 to index
      %get3A_175 = arith.constant 48 : index
      %get3A_176 = tpu.vector_load %arg8[%get3A_174, %get3A_175] {strides = array<i32>} : memref<125x80xi32, #tpu.memory_space<vmem>>, vector<16xi32>,
      %shift_right_logical3A_177 = arith.constant 1 : i32
      %shift_right_logical3A_178 = vector.broadcast %shift_right_logical3A_177 : i32 to vector<16xi32>
      %shift_right_logical3A_179 = arith.shrui %get3A_176, %shift_right_logical3A_178 : vector<16xi32>
      %swap3A_180 = arith.constant 48 : index
      %swap3A_181 = tpu.vector_load %arg12[%swap3A_180] {strides = array<i32>} : memref<80xi32, #tpu.memory_space<vmem>>, vector<16xi32>,
      tpu.vector_store %arg12[%swap3A_180], %shift_right_logical3A_179 {strides = array<i32>} : memref<80xi32, #tpu.memory_space<vmem>>, vector<16xi32>,
      %get3A_182 = arith.index_cast %add3A_117 : i32 to index
      %get3A_183 = arith.constant 64 : index
      %get3A_184 = tpu.vector_load %arg7[%get3A_182, %get3A_183] {strides = array<i32>} : memref<125x80xi32, #tpu.memory_space<vmem>>, vector<16xi32>,
      %shift_right_logical3A_185 = arith.constant 1 : i32
      %shift_right_logical3A_186 = vector.broadcast %shift_right_logical3A_185 : i32 to vector<16xi32>
      %shift_right_logical3A_187 = arith.shrui %get3A_184, %shift_right_logical3A_186 : vector<16xi32>
      %swap3A_188 = arith.constant 64 : index
      %swap3A_189 = tpu.vector_load %arg11[%swap3A_188] {strides = array<i32>} : memref<80xi32, #tpu.memory_space<vmem>>, vector<16xi32>,
      tpu.vector_store %arg11[%swap3A_188], %shift_right_logical3A_187 {strides = array<i32>} : memref<80xi32, #tpu.memory_space<vmem>>, vector<16xi32>,
      %get3A_190 = arith.index_cast %add3A_117 : i32 to index
      %get3A_191 = arith.constant 64 : index
      %get3A_192 = tpu.vector_load %arg8[%get3A_190, %get3A_191] {strides = array<i32>} : memref<125x80xi32, #tpu.memory_space<vmem>>, vector<16xi32>,
      %shift_right_logical3A_193 = arith.constant 1 : i32
      %shift_right_logical3A_194 = vector.broadcast %shift_right_logical3A_193 : i32 to vector<16xi32>
      %shift_right_logical3A_195 = arith.shrui %get3A_192, %shift_right_logical3A_194 : vector<16xi32>
      %swap3A_196 = arith.constant 64 : index
      %swap3A_197 = tpu.vector_load %arg12[%swap3A_196] {strides = array<i32>} : memref<80xi32, #tpu.memory_space<vmem>>, vector<16xi32>,
      tpu.vector_store %arg12[%swap3A_196], %shift_right_logical3A_195 {strides = array<i32>} : memref<80xi32, #tpu.memory_space<vmem>>, vector<16xi32>,
      %dma_start3A_198 = arith.constant 0 : i32
      %dma_start3A_199 = arith.constant 0 : i32
      %dma_start3A_200 = tpu.memref_slice %arg6[%dma_start3A_198, %dma_start3A_199] : memref<5000x128xi32, #tpu.memory_space<vmem_shared>> -> memref<5000x128xi32, #tpu.memory_space<vmem_shared>>
      tpu.enqueue_indirect_dma source(%dma_start3A_200 : memref<5000x128xi32, #tpu.memory_space<vmem_shared>>) target(%arg15 : memref<80x128xi32, #tpu.memory_space<vmem>>) offsets(%arg11 : memref<80xi32, #tpu.memory_space<vmem>>) semaphore(%arg20 : memref<!tpu.dma_semaphore, #tpu.memory_space<semaphore_mem>>)
      %dma_start3A_201 = arith.constant 0 : i32
      %dma_start3A_202 = arith.constant 0 : i32
      %dma_start3A_203 = tpu.memref_slice %arg6[%dma_start3A_201, %dma_start3A_202] : memref<5000x128xi32, #tpu.memory_space<vmem_shared>> -> memref<5000x128xi32, #tpu.memory_space<vmem_shared>>
      tpu.enqueue_indirect_dma source(%dma_start3A_203 : memref<5000x128xi32, #tpu.memory_space<vmem_shared>>) target(%arg16 : memref<80x128xi32, #tpu.memory_space<vmem>>) offsets(%arg12 : memref<80xi32, #tpu.memory_space<vmem>>) semaphore(%arg21 : memref<!tpu.dma_semaphore, #tpu.memory_space<semaphore_mem>>)
      %dma_wait3A_204 = arith.constant 0 : i32
      %dma_wait3A_205 = arith.constant 0 : i32
      %dma_wait3A_206 = tpu.memref_slice %arg6[%dma_wait3A_204, %dma_wait3A_205] : memref<5000x128xi32, #tpu.memory_space<vmem_shared>> -> memref<5000x128xi32, #tpu.memory_space<vmem_shared>>
      tpu.wait_indirect_dma semaphore(%arg18 : memref<!tpu.dma_semaphore, #tpu.memory_space<semaphore_mem>>) src(%dma_wait3A_206 : memref<5000x128xi32, #tpu.memory_space<vmem_shared>>) dst(%arg13 : memref<80x128xi32, #tpu.memory_space<vmem>>)
      %dma_wait3A_207 = arith.constant 0 : i32
      %dma_wait3A_208 = arith.constant 0 : i32
      %dma_wait3A_209 = tpu.memref_slice %arg6[%dma_wait3A_207, %dma_wait3A_208] : memref<5000x128xi32, #tpu.memory_space<vmem_shared>> -> memref<5000x128xi32, #tpu.memory_space<vmem_shared>>
      tpu.wait_indirect_dma semaphore(%arg19 : memref<!tpu.dma_semaphore, #tpu.memory_space<semaphore_mem>>) src(%dma_wait3A_209 : memref<5000x128xi32, #tpu.memory_space<vmem_shared>>) dst(%arg14 : memref<80x128xi32, #tpu.memory_space<vmem>>)
      %scan3A_210 = arith.constant 0 : i32
      %scan3A_211 = arith.constant 0 : i32
      %scan3A_212 = arith.constant 5 : i32
      %scan3A_213 = arith.addi %scan3A_211, %scan3A_212 : i32
      %scan3A_214 = arith.constant 1 : i32
      scf.for %scan3A_318 = %scan3A_211 to %scan3A_213 step %scan3A_214  : i32 {
        %mul3A_319 = arith.constant 16 : i32
        %mul3A_320 = arith.muli %scan3A_318, %mul3A_319 : i32
        %get3A_321 = arith.index_cast %mul3A_115 : i32 to index
        %get3A_322 = arith.index_cast %mul3A_320 : i32 to index
        %get3A_323 = tpu.vector_load %arg7[%get3A_321, %get3A_322] {strides = array<i32>} : memref<125x80xi32, #tpu.memory_space<vmem>>, vector<16xi32>,
        %and3A = arith.constant 1 : i32
        %and3A_324 = vector.broadcast %and3A : i32 to vector<16xi32>
        %and3A_325 = arith.andi %get3A_323, %and3A_324 : vector<16xi32>
        %mul3A_326 = arith.constant 64 : i32
        %mul3A_327 = vector.broadcast %mul3A_326 : i32 to vector<16xi32>
        %mul3A_328 = arith.muli %and3A_325, %mul3A_327 : vector<16xi32>
        %get3A_329 = arith.index_cast %mul3A_115 : i32 to index
        %get3A_330 = arith.index_cast %mul3A_320 : i32 to index
        %get3A_331 = tpu.vector_load %arg8[%get3A_329, %get3A_330] {strides = array<i32>} : memref<125x80xi32, #tpu.memory_space<vmem>>, vector<16xi32>,
        %and3A_332 = arith.constant 1 : i32
        %and3A_333 = vector.broadcast %and3A_332 : i32 to vector<16xi32>
        %and3A_334 = arith.andi %get3A_331, %and3A_333 : vector<16xi32>
        %mul3A_335 = arith.constant 64 : i32
        %mul3A_336 = vector.broadcast %mul3A_335 : i32 to vector<16xi32>
        %mul3A_337 = arith.muli %and3A_334, %mul3A_336 : vector<16xi32>
        %broadcast_in_dim3A = arith.constant 0.000000e+00 : f32
        %broadcast_in_dim3A_338 = vector.broadcast %broadcast_in_dim3A : f32 to vector<16xf32>
        %slice3A = vector.extract_strided_slice %mul3A_328 {offsets = [0], sizes = [1], strides = [1]} : vector<16xi32> to vector<1xi32>
        %squeeze3A = vector.extract %slice3A[0] : i32 from vector<1xi32>
        %slice3A_339 = vector.extract_strided_slice %mul3A_337 {offsets = [0], sizes = [1], strides = [1]} : vector<16xi32> to vector<1xi32>
        %squeeze3A_340 = vector.extract %slice3A_339[0] : i32 from vector<1xi32>
        %add3A_341 = arith.constant 0 : i32
        %add3A_342 = arith.addi %mul3A_320, %add3A_341 : i32
        %add3A_343 = arith.constant 0 : i32
        %add3A_344 = arith.addi %squeeze3A, %add3A_343 : i32
        %get3A_345 = arith.index_cast %add3A_342 : i32 to index
        %get3A_346 = arith.index_cast %add3A_344 : i32 to index
        %get3A_347 = tpu.vector_load %arg13[%get3A_345, %get3A_346] {strides = array<i32>} : memref<80x128xi32, #tpu.memory_space<vmem>>, vector<16xi32>,
        %add3A_348 = arith.constant 0 : i32
        %add3A_349 = arith.addi %mul3A_320, %add3A_348 : i32
        %add3A_350 = arith.constant 0 : i32
        %add3A_351 = arith.addi %squeeze3A_340, %add3A_350 : i32
        %get3A_352 = arith.index_cast %add3A_349 : i32 to index
        %get3A_353 = arith.index_cast %add3A_351 : i32 to index
        %get3A_354 = tpu.vector_load %arg14[%get3A_352, %get3A_353] {strides = array<i32>} : memref<80x128xi32, #tpu.memory_space<vmem>>, vector<16xi32>,
        %bitcast3A = vector.bitcast %get3A_347 : vector<16xi32> to vector<32xbf16>
        %bitcast3A_355 = vector.bitcast %get3A_354 : vector<16xi32> to vector<32xbf16>
        %mul3A_356 = arith.mulf %bitcast3A, %bitcast3A_355 : vector<32xbf16>
        %add3A_357 = arith.constant 0 : i32
        %add3A_358 = arith.addi %mul3A_320, %add3A_357 : i32
        %add3A_359 = arith.constant 16 : i32
        %add3A_360 = arith.addi %squeeze3A, %add3A_359 : i32
        %get3A_361 = arith.index_cast %add3A_358 : i32 to index
        %get3A_362 = arith.index_cast %add3A_360 : i32 to index
        %get3A_363 = tpu.vector_load %arg13[%get3A_361, %get3A_362] {strides = array<i32>} : memref<80x128xi32, #tpu.memory_space<vmem>>, vector<16xi32>,
        %add3A_364 = arith.constant 0 : i32
        %add3A_365 = arith.addi %mul3A_320, %add3A_364 : i32
        %add3A_366 = arith.constant 16 : i32
        %add3A_367 = arith.addi %squeeze3A_340, %add3A_366 : i32
        %get3A_368 = arith.index_cast %add3A_365 : i32 to index
        %get3A_369 = arith.index_cast %add3A_367 : i32 to index
        %get3A_370 = tpu.vector_load %arg14[%get3A_368, %get3A_369] {strides = array<i32>} : memref<80x128xi32, #tpu.memory_space<vmem>>, vector<16xi32>,
        %bitcast3A_371 = vector.bitcast %get3A_363 : vector<16xi32> to vector<32xbf16>
        %bitcast3A_372 = vector.bitcast %get3A_370 : vector<16xi32> to vector<32xbf16>
        %mul3A_373 = arith.mulf %bitcast3A_371, %bitcast3A_372 : vector<32xbf16>
        %add3A_374 = arith.constant 0 : i32
        %add3A_375 = arith.addi %mul3A_320, %add3A_374 : i32
        %add3A_376 = arith.constant 32 : i32
        %add3A_377 = arith.addi %squeeze3A, %add3A_376 : i32
        %get3A_378 = arith.index_cast %add3A_375 : i32 to index
        %get3A_379 = arith.index_cast %add3A_377 : i32 to index
        %get3A_380 = tpu.vector_load %arg13[%get3A_378, %get3A_379] {strides = array<i32>} : memref<80x128xi32, #tpu.memory_space<vmem>>, vector<16xi32>,
        %add3A_381 = arith.constant 0 : i32
        %add3A_382 = arith.addi %mul3A_320, %add3A_381 : i32
        %add3A_383 = arith.constant 32 : i32
        %add3A_384 = arith.addi %squeeze3A_340, %add3A_383 : i32
        %get3A_385 = arith.index_cast %add3A_382 : i32 to index
        %get3A_386 = arith.index_cast %add3A_384 : i32 to index
        %get3A_387 = tpu.vector_load %arg14[%get3A_385, %get3A_386] {strides = array<i32>} : memref<80x128xi32, #tpu.memory_space<vmem>>, vector<16xi32>,
        %bitcast3A_388 = vector.bitcast %get3A_380 : vector<16xi32> to vector<32xbf16>
        %bitcast3A_389 = vector.bitcast %get3A_387 : vector<16xi32> to vector<32xbf16>
        %mul3A_390 = arith.mulf %bitcast3A_388, %bitcast3A_389 : vector<32xbf16>
        %add3A_391 = arith.constant 0 : i32
        %add3A_392 = arith.addi %mul3A_320, %add3A_391 : i32
        %add3A_393 = arith.constant 48 : i32
        %add3A_394 = arith.addi %squeeze3A, %add3A_393 : i32
        %get3A_395 = arith.index_cast %add3A_392 : i32 to index
        %get3A_396 = arith.index_cast %add3A_394 : i32 to index
        %get3A_397 = tpu.vector_load %arg13[%get3A_395, %get3A_396] {strides = array<i32>} : memref<80x128xi32, #tpu.memory_space<vmem>>, vector<16xi32>,
        %add3A_398 = arith.constant 0 : i32
        %add3A_399 = arith.addi %mul3A_320, %add3A_398 : i32
        %add3A_400 = arith.constant 48 : i32
        %add3A_401 = arith.addi %squeeze3A_340, %add3A_400 : i32
        %get3A_402 = arith.index_cast %add3A_399 : i32 to index
        %get3A_403 = arith.index_cast %add3A_401 : i32 to index
        %get3A_404 = tpu.vector_load %arg14[%get3A_402, %get3A_403] {strides = array<i32>} : memref<80x128xi32, #tpu.memory_space<vmem>>, vector<16xi32>,
        %bitcast3A_405 = vector.bitcast %get3A_397 : vector<16xi32> to vector<32xbf16>
        %bitcast3A_406 = vector.bitcast %get3A_404 : vector<16xi32> to vector<32xbf16>
        %mul3A_407 = arith.mulf %bitcast3A_405, %bitcast3A_406 : vector<32xbf16>
        %add3A_408 = arith.addf %mul3A_356, %mul3A_373 : vector<32xbf16>
        %add3A_409 = arith.addf %mul3A_390, %mul3A_407 : vector<32xbf16>
        %add3A_410 = arith.addf %add3A_408, %add3A_409 : vector<32xbf16>
        %unpack3A = tpu.unpack_subelements %add3A_410, 0 {pack_format = #tpu.pack_format<interleaved>} : vector<32xbf16> -> vector<16xf32>
        %unpack3A_411 = tpu.unpack_subelements %add3A_410, 1 {pack_format = #tpu.pack_format<interleaved>} : vector<32xbf16> -> vector<16xf32>
        %add3A_412 = arith.addf %unpack3A, %unpack3A_411 : vector<16xf32>
        %reduce_sum3A = arith.constant true
        %reduce_sum3A_413 = vector.broadcast %reduce_sum3A : i1 to vector<16xi1>
        %reduce_sum3A_414 = tpu.scan <sum>, %add3A_412 masked %reduce_sum3A_413 : vector<16xf32>, vector<16xi1> -> vector<16xf32>
        %reduce_sum3A_415 = vector.extract %reduce_sum3A_414[15] : f32 from vector<16xf32>
        %eq3A = arith.constant 0 : i32
        %eq3A_416 = vector.broadcast %eq3A : i32 to vector<16xi32>
        %eq3A_417 = arith.cmpi eq, %iota3A, %eq3A_416 : vector<16xi32>
        %broadcast_in_dim3A_418 = vector.broadcast %reduce_sum3A_415 : f32 to vector<16xf32>
        %select_n3A = arith.select %eq3A_417, %broadcast_in_dim3A_418, %broadcast_in_dim3A_338 : vector<16xi1>, vector<16xf32>
        %slice3A_419 = vector.extract_strided_slice %mul3A_328 {offsets = [1], sizes = [1], strides = [1]} : vector<16xi32> to vector<1xi32>
        %squeeze3A_420 = vector.extract %slice3A_419[0] : i32 from vector<1xi32>
        %slice3A_421 = vector.extract_strided_slice %mul3A_337 {offsets = [1], sizes = [1], strides = [1]} : vector<16xi32> to vector<1xi32>
        %squeeze3A_422 = vector.extract %slice3A_421[0] : i32 from vector<1xi32>
        %add3A_423 = arith.constant 1 : i32
        %add3A_424 = arith.addi %mul3A_320, %add3A_423 : i32
        %add3A_425 = arith.constant 0 : i32
        %add3A_426 = arith.addi %squeeze3A_420, %add3A_425 : i32
        %get3A_427 = arith.index_cast %add3A_424 : i32 to index
        %get3A_428 = arith.index_cast %add3A_426 : i32 to index
        %get3A_429 = tpu.vector_load %arg13[%get3A_427, %get3A_428] {strides = array<i32>} : memref<80x128xi32, #tpu.memory_space<vmem>>, vector<16xi32>,
        %add3A_430 = arith.constant 1 : i32
        %add3A_431 = arith.addi %mul3A_320, %add3A_430 : i32
        %add3A_432 = arith.constant 0 : i32
        %add3A_433 = arith.addi %squeeze3A_422, %add3A_432 : i32
        %get3A_434 = arith.index_cast %add3A_431 : i32 to index
        %get3A_435 = arith.index_cast %add3A_433 : i32 to index
        %get3A_436 = tpu.vector_load %arg14[%get3A_434, %get3A_435] {strides = array<i32>} : memref<80x128xi32, #tpu.memory_space<vmem>>, vector<16xi32>,
        %bitcast3A_437 = vector.bitcast %get3A_429 : vector<16xi32> to vector<32xbf16>
        %bitcast3A_438 = vector.bitcast %get3A_436 : vector<16xi32> to vector<32xbf16>
        %mul3A_439 = arith.mulf %bitcast3A_437, %bitcast3A_438 : vector<32xbf16>
        %add3A_440 = arith.constant 1 : i32
        %add3A_441 = arith.addi %mul3A_320, %add3A_440 : i32
        %add3A_442 = arith.constant 16 : i32
        %add3A_443 = arith.addi %squeeze3A_420, %add3A_442 : i32
        %get3A_444 = arith.index_cast %add3A_441 : i32 to index
        %get3A_445 = arith.index_cast %add3A_443 : i32 to index
        %get3A_446 = tpu.vector_load %arg13[%get3A_444, %get3A_445] {strides = array<i32>} : memref<80x128xi32, #tpu.memory_space<vmem>>, vector<16xi32>,
        %add3A_447 = arith.constant 1 : i32
        %add3A_448 = arith.addi %mul3A_320, %add3A_447 : i32
        %add3A_449 = arith.constant 16 : i32
        %add3A_450 = arith.addi %squeeze3A_422, %add3A_449 : i32
        %get3A_451 = arith.index_cast %add3A_448 : i32 to index
        %get3A_452 = arith.index_cast %add3A_450 : i32 to index
        %get3A_453 = tpu.vector_load %arg14[%get3A_451, %get3A_452] {strides = array<i32>} : memref<80x128xi32, #tpu.memory_space<vmem>>, vector<16xi32>,
        %bitcast3A_454 = vector.bitcast %get3A_446 : vector<16xi32> to vector<32xbf16>
        %bitcast3A_455 = vector.bitcast %get3A_453 : vector<16xi32> to vector<32xbf16>
        %mul3A_456 = arith.mulf %bitcast3A_454, %bitcast3A_455 : vector<32xbf16>
        %add3A_457 = arith.constant 1 : i32
        %add3A_458 = arith.addi %mul3A_320, %add3A_457 : i32
        %add3A_459 = arith.constant 32 : i32
        %add3A_460 = arith.addi %squeeze3A_420, %add3A_459 : i32
        %get3A_461 = arith.index_cast %add3A_458 : i32 to index
        %get3A_462 = arith.index_cast %add3A_460 : i32 to index
        %get3A_463 = tpu.vector_load %arg13[%get3A_461, %get3A_462] {strides = array<i32>} : memref<80x128xi32, #tpu.memory_space<vmem>>, vector<16xi32>,
        %add3A_464 = arith.constant 1 : i32
        %add3A_465 = arith.addi %mul3A_320, %add3A_464 : i32
        %add3A_466 = arith.constant 32 : i32
        %add3A_467 = arith.addi %squeeze3A_422, %add3A_466 : i32
        %get3A_468 = arith.index_cast %add3A_465 : i32 to index
        %get3A_469 = arith.index_cast %add3A_467 : i32 to index
        %get3A_470 = tpu.vector_load %arg14[%get3A_468, %get3A_469] {strides = array<i32>} : memref<80x128xi32, #tpu.memory_space<vmem>>, vector<16xi32>,
        %bitcast3A_471 = vector.bitcast %get3A_463 : vector<16xi32> to vector<32xbf16>
        %bitcast3A_472 = vector.bitcast %get3A_470 : vector<16xi32> to vector<32xbf16>
        %mul3A_473 = arith.mulf %bitcast3A_471, %bitcast3A_472 : vector<32xbf16>
        %add3A_474 = arith.constant 1 : i32
        %add3A_475 = arith.addi %mul3A_320, %add3A_474 : i32
        %add3A_476 = arith.constant 48 : i32
        %add3A_477 = arith.addi %squeeze3A_420, %add3A_476 : i32
        %get3A_478 = arith.index_cast %add3A_475 : i32 to index
        %get3A_479 = arith.index_cast %add3A_477 : i32 to index
        %get3A_480 = tpu.vector_load %arg13[%get3A_478, %get3A_479] {strides = array<i32>} : memref<80x128xi32, #tpu.memory_space<vmem>>, vector<16xi32>,
        %add3A_481 = arith.constant 1 : i32
        %add3A_482 = arith.addi %mul3A_320, %add3A_481 : i32
        %add3A_483 = arith.constant 48 : i32
        %add3A_484 = arith.addi %squeeze3A_422, %add3A_483 : i32
        %get3A_485 = arith.index_cast %add3A_482 : i32 to index
        %get3A_486 = arith.index_cast %add3A_484 : i32 to index
        %get3A_487 = tpu.vector_load %arg14[%get3A_485, %get3A_486] {strides = array<i32>} : memref<80x128xi32, #tpu.memory_space<vmem>>, vector<16xi32>,
        %bitcast3A_488 = vector.bitcast %get3A_480 : vector<16xi32> to vector<32xbf16>
        %bitcast3A_489 = vector.bitcast %get3A_487 : vector<16xi32> to vector<32xbf16>
        %mul3A_490 = arith.mulf %bitcast3A_488, %bitcast3A_489 : vector<32xbf16>
        %add3A_491 = arith.addf %mul3A_439, %mul3A_456 : vector<32xbf16>
        %add3A_492 = arith.addf %mul3A_473, %mul3A_490 : vector<32xbf16>
        %add3A_493 = arith.addf %add3A_491, %add3A_492 : vector<32xbf16>
        %unpack3A_494 = tpu.unpack_subelements %add3A_493, 0 {pack_format = #tpu.pack_format<interleaved>} : vector<32xbf16> -> vector<16xf32>
        %unpack3A_495 = tpu.unpack_subelements %add3A_493, 1 {pack_format = #tpu.pack_format<interleaved>} : vector<32xbf16> -> vector<16xf32>
        %add3A_496 = arith.addf %unpack3A_494, %unpack3A_495 : vector<16xf32>
        %reduce_sum3A_497 = arith.constant true
        %reduce_sum3A_498 = vector.broadcast %reduce_sum3A_497 : i1 to vector<16xi1>
        %reduce_sum3A_499 = tpu.scan <sum>, %add3A_496 masked %reduce_sum3A_498 : vector<16xf32>, vector<16xi1> -> vector<16xf32>
        %reduce_sum3A_500 = vector.extract %reduce_sum3A_499[15] : f32 from vector<16xf32>
        %eq3A_501 = arith.constant 1 : i32
        %eq3A_502 = vector.broadcast %eq3A_501 : i32 to vector<16xi32>
        %eq3A_503 = arith.cmpi eq, %iota3A, %eq3A_502 : vector<16xi32>
        %broadcast_in_dim3A_504 = vector.broadcast %reduce_sum3A_500 : f32 to vector<16xf32>
        %select_n3A_505 = arith.select %eq3A_503, %broadcast_in_dim3A_504, %select_n3A : vector<16xi1>, vector<16xf32>
        %slice3A_506 = vector.extract_strided_slice %mul3A_328 {offsets = [2], sizes = [1], strides = [1]} : vector<16xi32> to vector<1xi32>
        %squeeze3A_507 = vector.extract %slice3A_506[0] : i32 from vector<1xi32>
        %slice3A_508 = vector.extract_strided_slice %mul3A_337 {offsets = [2], sizes = [1], strides = [1]} : vector<16xi32> to vector<1xi32>
        %squeeze3A_509 = vector.extract %slice3A_508[0] : i32 from vector<1xi32>
        %add3A_510 = arith.constant 2 : i32
        %add3A_511 = arith.addi %mul3A_320, %add3A_510 : i32
        %add3A_512 = arith.constant 0 : i32
        %add3A_513 = arith.addi %squeeze3A_507, %add3A_512 : i32
        %get3A_514 = arith.index_cast %add3A_511 : i32 to index
        %get3A_515 = arith.index_cast %add3A_513 : i32 to index
        %get3A_516 = tpu.vector_load %arg13[%get3A_514, %get3A_515] {strides = array<i32>} : memref<80x128xi32, #tpu.memory_space<vmem>>, vector<16xi32>,
        %add3A_517 = arith.constant 2 : i32
        %add3A_518 = arith.addi %mul3A_320, %add3A_517 : i32
        %add3A_519 = arith.constant 0 : i32
        %add3A_520 = arith.addi %squeeze3A_509, %add3A_519 : i32
        %get3A_521 = arith.index_cast %add3A_518 : i32 to index
        %get3A_522 = arith.index_cast %add3A_520 : i32 to index
        %get3A_523 = tpu.vector_load %arg14[%get3A_521, %get3A_522] {strides = array<i32>} : memref<80x128xi32, #tpu.memory_space<vmem>>, vector<16xi32>,
        %bitcast3A_524 = vector.bitcast %get3A_516 : vector<16xi32> to vector<32xbf16>
        %bitcast3A_525 = vector.bitcast %get3A_523 : vector<16xi32> to vector<32xbf16>
        %mul3A_526 = arith.mulf %bitcast3A_524, %bitcast3A_525 : vector<32xbf16>
        %add3A_527 = arith.constant 2 : i32
        %add3A_528 = arith.addi %mul3A_320, %add3A_527 : i32
        %add3A_529 = arith.constant 16 : i32
        %add3A_530 = arith.addi %squeeze3A_507, %add3A_529 : i32
        %get3A_531 = arith.index_cast %add3A_528 : i32 to index
        %get3A_532 = arith.index_cast %add3A_530 : i32 to index
        %get3A_533 = tpu.vector_load %arg13[%get3A_531, %get3A_532] {strides = array<i32>} : memref<80x128xi32, #tpu.memory_space<vmem>>, vector<16xi32>,
        %add3A_534 = arith.constant 2 : i32
        %add3A_535 = arith.addi %mul3A_320, %add3A_534 : i32
        %add3A_536 = arith.constant 16 : i32
        %add3A_537 = arith.addi %squeeze3A_509, %add3A_536 : i32
        %get3A_538 = arith.index_cast %add3A_535 : i32 to index
        %get3A_539 = arith.index_cast %add3A_537 : i32 to index
        %get3A_540 = tpu.vector_load %arg14[%get3A_538, %get3A_539] {strides = array<i32>} : memref<80x128xi32, #tpu.memory_space<vmem>>, vector<16xi32>,
        %bitcast3A_541 = vector.bitcast %get3A_533 : vector<16xi32> to vector<32xbf16>
        %bitcast3A_542 = vector.bitcast %get3A_540 : vector<16xi32> to vector<32xbf16>
        %mul3A_543 = arith.mulf %bitcast3A_541, %bitcast3A_542 : vector<32xbf16>
        %add3A_544 = arith.constant 2 : i32
        %add3A_545 = arith.addi %mul3A_320, %add3A_544 : i32
        %add3A_546 = arith.constant 32 : i32
        %add3A_547 = arith.addi %squeeze3A_507, %add3A_546 : i32
        %get3A_548 = arith.index_cast %add3A_545 : i32 to index
        %get3A_549 = arith.index_cast %add3A_547 : i32 to index
        %get3A_550 = tpu.vector_load %arg13[%get3A_548, %get3A_549] {strides = array<i32>} : memref<80x128xi32, #tpu.memory_space<vmem>>, vector<16xi32>,
        %add3A_551 = arith.constant 2 : i32
        %add3A_552 = arith.addi %mul3A_320, %add3A_551 : i32
        %add3A_553 = arith.constant 32 : i32
        %add3A_554 = arith.addi %squeeze3A_509, %add3A_553 : i32
        %get3A_555 = arith.index_cast %add3A_552 : i32 to index
        %get3A_556 = arith.index_cast %add3A_554 : i32 to index
        %get3A_557 = tpu.vector_load %arg14[%get3A_555, %get3A_556] {strides = array<i32>} : memref<80x128xi32, #tpu.memory_space<vmem>>, vector<16xi32>,
        %bitcast3A_558 = vector.bitcast %get3A_550 : vector<16xi32> to vector<32xbf16>
        %bitcast3A_559 = vector.bitcast %get3A_557 : vector<16xi32> to vector<32xbf16>
        %mul3A_560 = arith.mulf %bitcast3A_558, %bitcast3A_559 : vector<32xbf16>
        %add3A_561 = arith.constant 2 : i32
        %add3A_562 = arith.addi %mul3A_320, %add3A_561 : i32
        %add3A_563 = arith.constant 48 : i32
        %add3A_564 = arith.addi %squeeze3A_507, %add3A_563 : i32
        %get3A_565 = arith.index_cast %add3A_562 : i32 to index
        %get3A_566 = arith.index_cast %add3A_564 : i32 to index
        %get3A_567 = tpu.vector_load %arg13[%get3A_565, %get3A_566] {strides = array<i32>} : memref<80x128xi32, #tpu.memory_space<vmem>>, vector<16xi32>,
        %add3A_568 = arith.constant 2 : i32
        %add3A_569 = arith.addi %mul3A_320, %add3A_568 : i32
        %add3A_570 = arith.constant 48 : i32
        %add3A_571 = arith.addi %squeeze3A_509, %add3A_570 : i32
        %get3A_572 = arith.index_cast %add3A_569 : i32 to index
        %get3A_573 = arith.index_cast %add3A_571 : i32 to index
        %get3A_574 = tpu.vector_load %arg14[%get3A_572, %get3A_573] {strides = array<i32>} : memref<80x128xi32, #tpu.memory_space<vmem>>, vector<16xi32>,
        %bitcast3A_575 = vector.bitcast %get3A_567 : vector<16xi32> to vector<32xbf16>
        %bitcast3A_576 = vector.bitcast %get3A_574 : vector<16xi32> to vector<32xbf16>
        %mul3A_577 = arith.mulf %bitcast3A_575, %bitcast3A_576 : vector<32xbf16>
        %add3A_578 = arith.addf %mul3A_526, %mul3A_543 : vector<32xbf16>
        %add3A_579 = arith.addf %mul3A_560, %mul3A_577 : vector<32xbf16>
        %add3A_580 = arith.addf %add3A_578, %add3A_579 : vector<32xbf16>
        %unpack3A_581 = tpu.unpack_subelements %add3A_580, 0 {pack_format = #tpu.pack_format<interleaved>} : vector<32xbf16> -> vector<16xf32>
        %unpack3A_582 = tpu.unpack_subelements %add3A_580, 1 {pack_format = #tpu.pack_format<interleaved>} : vector<32xbf16> -> vector<16xf32>
        %add3A_583 = arith.addf %unpack3A_581, %unpack3A_582 : vector<16xf32>
        %reduce_sum3A_584 = arith.constant true
        %reduce_sum3A_585 = vector.broadcast %reduce_sum3A_584 : i1 to vector<16xi1>
        %reduce_sum3A_586 = tpu.scan <sum>, %add3A_583 masked %reduce_sum3A_585 : vector<16xf32>, vector<16xi1> -> vector<16xf32>
        %reduce_sum3A_587 = vector.extract %reduce_sum3A_586[15] : f32 from vector<16xf32>
        %eq3A_588 = arith.constant 2 : i32
        %eq3A_589 = vector.broadcast %eq3A_588 : i32 to vector<16xi32>
        %eq3A_590 = arith.cmpi eq, %iota3A, %eq3A_589 : vector<16xi32>
        %broadcast_in_dim3A_591 = vector.broadcast %reduce_sum3A_587 : f32 to vector<16xf32>
        %select_n3A_592 = arith.select %eq3A_590, %broadcast_in_dim3A_591, %select_n3A_505 : vector<16xi1>, vector<16xf32>
        %slice3A_593 = vector.extract_strided_slice %mul3A_328 {offsets = [3], sizes = [1], strides = [1]} : vector<16xi32> to vector<1xi32>
        %squeeze3A_594 = vector.extract %slice3A_593[0] : i32 from vector<1xi32>
        %slice3A_595 = vector.extract_strided_slice %mul3A_337 {offsets = [3], sizes = [1], strides = [1]} : vector<16xi32> to vector<1xi32>
        %squeeze3A_596 = vector.extract %slice3A_595[0] : i32 from vector<1xi32>
        %add3A_597 = arith.constant 3 : i32
        %add3A_598 = arith.addi %mul3A_320, %add3A_597 : i32
        %add3A_599 = arith.constant 0 : i32
        %add3A_600 = arith.addi %squeeze3A_594, %add3A_599 : i32
        %get3A_601 = arith.index_cast %add3A_598 : i32 to index
        %get3A_602 = arith.index_cast %add3A_600 : i32 to index
        %get3A_603 = tpu.vector_load %arg13[%get3A_601, %get3A_602] {strides = array<i32>} : memref<80x128xi32, #tpu.memory_space<vmem>>, vector<16xi32>,
        %add3A_604 = arith.constant 3 : i32
        %add3A_605 = arith.addi %mul3A_320, %add3A_604 : i32
        %add3A_606 = arith.constant 0 : i32
        %add3A_607 = arith.addi %squeeze3A_596, %add3A_606 : i32
        %get3A_608 = arith.index_cast %add3A_605 : i32 to index
        %get3A_609 = arith.index_cast %add3A_607 : i32 to index
        %get3A_610 = tpu.vector_load %arg14[%get3A_608, %get3A_609] {strides = array<i32>} : memref<80x128xi32, #tpu.memory_space<vmem>>, vector<16xi32>,
        %bitcast3A_611 = vector.bitcast %get3A_603 : vector<16xi32> to vector<32xbf16>
        %bitcast3A_612 = vector.bitcast %get3A_610 : vector<16xi32> to vector<32xbf16>
        %mul3A_613 = arith.mulf %bitcast3A_611, %bitcast3A_612 : vector<32xbf16>
        %add3A_614 = arith.constant 3 : i32
        %add3A_615 = arith.addi %mul3A_320, %add3A_614 : i32
        %add3A_616 = arith.constant 16 : i32
        %add3A_617 = arith.addi %squeeze3A_594, %add3A_616 : i32
        %get3A_618 = arith.index_cast %add3A_615 : i32 to index
        %get3A_619 = arith.index_cast %add3A_617 : i32 to index
        %get3A_620 = tpu.vector_load %arg13[%get3A_618, %get3A_619] {strides = array<i32>} : memref<80x128xi32, #tpu.memory_space<vmem>>, vector<16xi32>,
        %add3A_621 = arith.constant 3 : i32
        %add3A_622 = arith.addi %mul3A_320, %add3A_621 : i32
        %add3A_623 = arith.constant 16 : i32
        %add3A_624 = arith.addi %squeeze3A_596, %add3A_623 : i32
        %get3A_625 = arith.index_cast %add3A_622 : i32 to index
        %get3A_626 = arith.index_cast %add3A_624 : i32 to index
        %get3A_627 = tpu.vector_load %arg14[%get3A_625, %get3A_626] {strides = array<i32>} : memref<80x128xi32, #tpu.memory_space<vmem>>, vector<16xi32>,
        %bitcast3A_628 = vector.bitcast %get3A_620 : vector<16xi32> to vector<32xbf16>
        %bitcast3A_629 = vector.bitcast %get3A_627 : vector<16xi32> to vector<32xbf16>
        %mul3A_630 = arith.mulf %bitcast3A_628, %bitcast3A_629 : vector<32xbf16>
        %add3A_631 = arith.constant 3 : i32
        %add3A_632 = arith.addi %mul3A_320, %add3A_631 : i32
        %add3A_633 = arith.constant 32 : i32
        %add3A_634 = arith.addi %squeeze3A_594, %add3A_633 : i32
        %get3A_635 = arith.index_cast %add3A_632 : i32 to index
        %get3A_636 = arith.index_cast %add3A_634 : i32 to index
        %get3A_637 = tpu.vector_load %arg13[%get3A_635, %get3A_636] {strides = array<i32>} : memref<80x128xi32, #tpu.memory_space<vmem>>, vector<16xi32>,
        %add3A_638 = arith.constant 3 : i32
        %add3A_639 = arith.addi %mul3A_320, %add3A_638 : i32
        %add3A_640 = arith.constant 32 : i32
        %add3A_641 = arith.addi %squeeze3A_596, %add3A_640 : i32
        %get3A_642 = arith.index_cast %add3A_639 : i32 to index
        %get3A_643 = arith.index_cast %add3A_641 : i32 to index
        %get3A_644 = tpu.vector_load %arg14[%get3A_642, %get3A_643] {strides = array<i32>} : memref<80x128xi32, #tpu.memory_space<vmem>>, vector<16xi32>,
        %bitcast3A_645 = vector.bitcast %get3A_637 : vector<16xi32> to vector<32xbf16>
        %bitcast3A_646 = vector.bitcast %get3A_644 : vector<16xi32> to vector<32xbf16>
        %mul3A_647 = arith.mulf %bitcast3A_645, %bitcast3A_646 : vector<32xbf16>
        %add3A_648 = arith.constant 3 : i32
        %add3A_649 = arith.addi %mul3A_320, %add3A_648 : i32
        %add3A_650 = arith.constant 48 : i32
        %add3A_651 = arith.addi %squeeze3A_594, %add3A_650 : i32
        %get3A_652 = arith.index_cast %add3A_649 : i32 to index
        %get3A_653 = arith.index_cast %add3A_651 : i32 to index
        %get3A_654 = tpu.vector_load %arg13[%get3A_652, %get3A_653] {strides = array<i32>} : memref<80x128xi32, #tpu.memory_space<vmem>>, vector<16xi32>,
        %add3A_655 = arith.constant 3 : i32
        %add3A_656 = arith.addi %mul3A_320, %add3A_655 : i32
        %add3A_657 = arith.constant 48 : i32
        %add3A_658 = arith.addi %squeeze3A_596, %add3A_657 : i32
        %get3A_659 = arith.index_cast %add3A_656 : i32 to index
        %get3A_660 = arith.index_cast %add3A_658 : i32 to index
        %get3A_661 = tpu.vector_load %arg14[%get3A_659, %get3A_660] {strides = array<i32>} : memref<80x128xi32, #tpu.memory_space<vmem>>, vector<16xi32>,
        %bitcast3A_662 = vector.bitcast %get3A_654 : vector<16xi32> to vector<32xbf16>
        %bitcast3A_663 = vector.bitcast %get3A_661 : vector<16xi32> to vector<32xbf16>
        %mul3A_664 = arith.mulf %bitcast3A_662, %bitcast3A_663 : vector<32xbf16>
        %add3A_665 = arith.addf %mul3A_613, %mul3A_630 : vector<32xbf16>
        %add3A_666 = arith.addf %mul3A_647, %mul3A_664 : vector<32xbf16>
        %add3A_667 = arith.addf %add3A_665, %add3A_666 : vector<32xbf16>
        %unpack3A_668 = tpu.unpack_subelements %add3A_667, 0 {pack_format = #tpu.pack_format<interleaved>} : vector<32xbf16> -> vector<16xf32>
        %unpack3A_669 = tpu.unpack_subelements %add3A_667, 1 {pack_format = #tpu.pack_format<interleaved>} : vector<32xbf16> -> vector<16xf32>
        %add3A_670 = arith.addf %unpack3A_668, %unpack3A_669 : vector<16xf32>
        %reduce_sum3A_671 = arith.constant true
        %reduce_sum3A_672 = vector.broadcast %reduce_sum3A_671 : i1 to vector<16xi1>
        %reduce_sum3A_673 = tpu.scan <sum>, %add3A_670 masked %reduce_sum3A_672 : vector<16xf32>, vector<16xi1> -> vector<16xf32>
        %reduce_sum3A_674 = vector.extract %reduce_sum3A_673[15] : f32 from vector<16xf32>
        %eq3A_675 = arith.constant 3 : i32
        %eq3A_676 = vector.broadcast %eq3A_675 : i32 to vector<16xi32>
        %eq3A_677 = arith.cmpi eq, %iota3A, %eq3A_676 : vector<16xi32>
        %broadcast_in_dim3A_678 = vector.broadcast %reduce_sum3A_674 : f32 to vector<16xf32>
        %select_n3A_679 = arith.select %eq3A_677, %broadcast_in_dim3A_678, %select_n3A_592 : vector<16xi1>, vector<16xf32>
        %slice3A_680 = vector.extract_strided_slice %mul3A_328 {offsets = [4], sizes = [1], strides = [1]} : vector<16xi32> to vector<1xi32>
        %squeeze3A_681 = vector.extract %slice3A_680[0] : i32 from vector<1xi32>
        %slice3A_682 = vector.extract_strided_slice %mul3A_337 {offsets = [4], sizes = [1], strides = [1]} : vector<16xi32> to vector<1xi32>
        %squeeze3A_683 = vector.extract %slice3A_682[0] : i32 from vector<1xi32>
        %add3A_684 = arith.constant 4 : i32
        %add3A_685 = arith.addi %mul3A_320, %add3A_684 : i32
        %add3A_686 = arith.constant 0 : i32
        %add3A_687 = arith.addi %squeeze3A_681, %add3A_686 : i32
        %get3A_688 = arith.index_cast %add3A_685 : i32 to index
        %get3A_689 = arith.index_cast %add3A_687 : i32 to index
        %get3A_690 = tpu.vector_load %arg13[%get3A_688, %get3A_689] {strides = array<i32>} : memref<80x128xi32, #tpu.memory_space<vmem>>, vector<16xi32>,
        %add3A_691 = arith.constant 4 : i32
        %add3A_692 = arith.addi %mul3A_320, %add3A_691 : i32
        %add3A_693 = arith.constant 0 : i32
        %add3A_694 = arith.addi %squeeze3A_683, %add3A_693 : i32
        %get3A_695 = arith.index_cast %add3A_692 : i32 to index
        %get3A_696 = arith.index_cast %add3A_694 : i32 to index
        %get3A_697 = tpu.vector_load %arg14[%get3A_695, %get3A_696] {strides = array<i32>} : memref<80x128xi32, #tpu.memory_space<vmem>>, vector<16xi32>,
        %bitcast3A_698 = vector.bitcast %get3A_690 : vector<16xi32> to vector<32xbf16>
        %bitcast3A_699 = vector.bitcast %get3A_697 : vector<16xi32> to vector<32xbf16>
        %mul3A_700 = arith.mulf %bitcast3A_698, %bitcast3A_699 : vector<32xbf16>
        %add3A_701 = arith.constant 4 : i32
        %add3A_702 = arith.addi %mul3A_320, %add3A_701 : i32
        %add3A_703 = arith.constant 16 : i32
        %add3A_704 = arith.addi %squeeze3A_681, %add3A_703 : i32
        %get3A_705 = arith.index_cast %add3A_702 : i32 to index
        %get3A_706 = arith.index_cast %add3A_704 : i32 to index
        %get3A_707 = tpu.vector_load %arg13[%get3A_705, %get3A_706] {strides = array<i32>} : memref<80x128xi32, #tpu.memory_space<vmem>>, vector<16xi32>,
        %add3A_708 = arith.constant 4 : i32
        %add3A_709 = arith.addi %mul3A_320, %add3A_708 : i32
        %add3A_710 = arith.constant 16 : i32
        %add3A_711 = arith.addi %squeeze3A_683, %add3A_710 : i32
        %get3A_712 = arith.index_cast %add3A_709 : i32 to index
        %get3A_713 = arith.index_cast %add3A_711 : i32 to index
        %get3A_714 = tpu.vector_load %arg14[%get3A_712, %get3A_713] {strides = array<i32>} : memref<80x128xi32, #tpu.memory_space<vmem>>, vector<16xi32>,
        %bitcast3A_715 = vector.bitcast %get3A_707 : vector<16xi32> to vector<32xbf16>
        %bitcast3A_716 = vector.bitcast %get3A_714 : vector<16xi32> to vector<32xbf16>
        %mul3A_717 = arith.mulf %bitcast3A_715, %bitcast3A_716 : vector<32xbf16>
        %add3A_718 = arith.constant 4 : i32
        %add3A_719 = arith.addi %mul3A_320, %add3A_718 : i32
        %add3A_720 = arith.constant 32 : i32
        %add3A_721 = arith.addi %squeeze3A_681, %add3A_720 : i32
        %get3A_722 = arith.index_cast %add3A_719 : i32 to index
        %get3A_723 = arith.index_cast %add3A_721 : i32 to index
        %get3A_724 = tpu.vector_load %arg13[%get3A_722, %get3A_723] {strides = array<i32>} : memref<80x128xi32, #tpu.memory_space<vmem>>, vector<16xi32>,
        %add3A_725 = arith.constant 4 : i32
        %add3A_726 = arith.addi %mul3A_320, %add3A_725 : i32
        %add3A_727 = arith.constant 32 : i32
        %add3A_728 = arith.addi %squeeze3A_683, %add3A_727 : i32
        %get3A_729 = arith.index_cast %add3A_726 : i32 to index
        %get3A_730 = arith.index_cast %add3A_728 : i32 to index
        %get3A_731 = tpu.vector_load %arg14[%get3A_729, %get3A_730] {strides = array<i32>} : memref<80x128xi32, #tpu.memory_space<vmem>>, vector<16xi32>,
        %bitcast3A_732 = vector.bitcast %get3A_724 : vector<16xi32> to vector<32xbf16>
        %bitcast3A_733 = vector.bitcast %get3A_731 : vector<16xi32> to vector<32xbf16>
        %mul3A_734 = arith.mulf %bitcast3A_732, %bitcast3A_733 : vector<32xbf16>
        %add3A_735 = arith.constant 4 : i32
        %add3A_736 = arith.addi %mul3A_320, %add3A_735 : i32
        %add3A_737 = arith.constant 48 : i32
        %add3A_738 = arith.addi %squeeze3A_681, %add3A_737 : i32
        %get3A_739 = arith.index_cast %add3A_736 : i32 to index
        %get3A_740 = arith.index_cast %add3A_738 : i32 to index
        %get3A_741 = tpu.vector_load %arg13[%get3A_739, %get3A_740] {strides = array<i32>} : memref<80x128xi32, #tpu.memory_space<vmem>>, vector<16xi32>,
        %add3A_742 = arith.constant 4 : i32
        %add3A_743 = arith.addi %mul3A_320, %add3A_742 : i32
        %add3A_744 = arith.constant 48 : i32
        %add3A_745 = arith.addi %squeeze3A_683, %add3A_744 : i32
        %get3A_746 = arith.index_cast %add3A_743 : i32 to index
        %get3A_747 = arith.index_cast %add3A_745 : i32 to index
        %get3A_748 = tpu.vector_load %arg14[%get3A_746, %get3A_747] {strides = array<i32>} : memref<80x128xi32, #tpu.memory_space<vmem>>, vector<16xi32>,
        %bitcast3A_749 = vector.bitcast %get3A_741 : vector<16xi32> to vector<32xbf16>
        %bitcast3A_750 = vector.bitcast %get3A_748 : vector<16xi32> to vector<32xbf16>
        %mul3A_751 = arith.mulf %bitcast3A_749, %bitcast3A_750 : vector<32xbf16>
        %add3A_752 = arith.addf %mul3A_700, %mul3A_717 : vector<32xbf16>
        %add3A_753 = arith.addf %mul3A_734, %mul3A_751 : vector<32xbf16>
        %add3A_754 = arith.addf %add3A_752, %add3A_753 : vector<32xbf16>
        %unpack3A_755 = tpu.unpack_subelements %add3A_754, 0 {pack_format = #tpu.pack_format<interleaved>} : vector<32xbf16> -> vector<16xf32>
        %unpack3A_756 = tpu.unpack_subelements %add3A_754, 1 {pack_format = #tpu.pack_format<interleaved>} : vector<32xbf16> -> vector<16xf32>
        %add3A_757 = arith.addf %unpack3A_755, %unpack3A_756 : vector<16xf32>
        %reduce_sum3A_758 = arith.constant true
        %reduce_sum3A_759 = vector.broadcast %reduce_sum3A_758 : i1 to vector<16xi1>
        %reduce_sum3A_760 = tpu.scan <sum>, %add3A_757 masked %reduce_sum3A_759 : vector<16xf32>, vector<16xi1> -> vector<16xf32>
        %reduce_sum3A_761 = vector.extract %reduce_sum3A_760[15] : f32 from vector<16xf32>
        %eq3A_762 = arith.constant 4 : i32
        %eq3A_763 = vector.broadcast %eq3A_762 : i32 to vector<16xi32>
        %eq3A_764 = arith.cmpi eq, %iota3A, %eq3A_763 : vector<16xi32>
        %broadcast_in_dim3A_765 = vector.broadcast %reduce_sum3A_761 : f32 to vector<16xf32>
        %select_n3A_766 = arith.select %eq3A_764, %broadcast_in_dim3A_765, %select_n3A_679 : vector<16xi1>, vector<16xf32>
        %slice3A_767 = vector.extract_strided_slice %mul3A_328 {offsets = [5], sizes = [1], strides = [1]} : vector<16xi32> to vector<1xi32>
        %squeeze3A_768 = vector.extract %slice3A_767[0] : i32 from vector<1xi32>
        %slice3A_769 = vector.extract_strided_slice %mul3A_337 {offsets = [5], sizes = [1], strides = [1]} : vector<16xi32> to vector<1xi32>
        %squeeze3A_770 = vector.extract %slice3A_769[0] : i32 from vector<1xi32>
        %add3A_771 = arith.constant 5 : i32
        %add3A_772 = arith.addi %mul3A_320, %add3A_771 : i32
        %add3A_773 = arith.constant 0 : i32
        %add3A_774 = arith.addi %squeeze3A_768, %add3A_773 : i32
        %get3A_775 = arith.index_cast %add3A_772 : i32 to index
        %get3A_776 = arith.index_cast %add3A_774 : i32 to index
        %get3A_777 = tpu.vector_load %arg13[%get3A_775, %get3A_776] {strides = array<i32>} : memref<80x128xi32, #tpu.memory_space<vmem>>, vector<16xi32>,
        %add3A_778 = arith.constant 5 : i32
        %add3A_779 = arith.addi %mul3A_320, %add3A_778 : i32
        %add3A_780 = arith.constant 0 : i32
        %add3A_781 = arith.addi %squeeze3A_770, %add3A_780 : i32
        %get3A_782 = arith.index_cast %add3A_779 : i32 to index
        %get3A_783 = arith.index_cast %add3A_781 : i32 to index
        %get3A_784 = tpu.vector_load %arg14[%get3A_782, %get3A_783] {strides = array<i32>} : memref<80x128xi32, #tpu.memory_space<vmem>>, vector<16xi32>,
        %bitcast3A_785 = vector.bitcast %get3A_777 : vector<16xi32> to vector<32xbf16>
        %bitcast3A_786 = vector.bitcast %get3A_784 : vector<16xi32> to vector<32xbf16>
        %mul3A_787 = arith.mulf %bitcast3A_785, %bitcast3A_786 : vector<32xbf16>
        %add3A_788 = arith.constant 5 : i32
        %add3A_789 = arith.addi %mul3A_320, %add3A_788 : i32
        %add3A_790 = arith.constant 16 : i32
        %add3A_791 = arith.addi %squeeze3A_768, %add3A_790 : i32
        %get3A_792 = arith.index_cast %add3A_789 : i32 to index
        %get3A_793 = arith.index_cast %add3A_791 : i32 to index
        %get3A_794 = tpu.vector_load %arg13[%get3A_792, %get3A_793] {strides = array<i32>} : memref<80x128xi32, #tpu.memory_space<vmem>>, vector<16xi32>,
        %add3A_795 = arith.constant 5 : i32
        %add3A_796 = arith.addi %mul3A_320, %add3A_795 : i32
        %add3A_797 = arith.constant 16 : i32
        %add3A_798 = arith.addi %squeeze3A_770, %add3A_797 : i32
        %get3A_799 = arith.index_cast %add3A_796 : i32 to index
        %get3A_800 = arith.index_cast %add3A_798 : i32 to index
        %get3A_801 = tpu.vector_load %arg14[%get3A_799, %get3A_800] {strides = array<i32>} : memref<80x128xi32, #tpu.memory_space<vmem>>, vector<16xi32>,
        %bitcast3A_802 = vector.bitcast %get3A_794 : vector<16xi32> to vector<32xbf16>
        %bitcast3A_803 = vector.bitcast %get3A_801 : vector<16xi32> to vector<32xbf16>
        %mul3A_804 = arith.mulf %bitcast3A_802, %bitcast3A_803 : vector<32xbf16>
        %add3A_805 = arith.constant 5 : i32
        %add3A_806 = arith.addi %mul3A_320, %add3A_805 : i32
        %add3A_807 = arith.constant 32 : i32
        %add3A_808 = arith.addi %squeeze3A_768, %add3A_807 : i32
        %get3A_809 = arith.index_cast %add3A_806 : i32 to index
        %get3A_810 = arith.index_cast %add3A_808 : i32 to index
        %get3A_811 = tpu.vector_load %arg13[%get3A_809, %get3A_810] {strides = array<i32>} : memref<80x128xi32, #tpu.memory_space<vmem>>, vector<16xi32>,
        %add3A_812 = arith.constant 5 : i32
        %add3A_813 = arith.addi %mul3A_320, %add3A_812 : i32
        %add3A_814 = arith.constant 32 : i32
        %add3A_815 = arith.addi %squeeze3A_770, %add3A_814 : i32
        %get3A_816 = arith.index_cast %add3A_813 : i32 to index
        %get3A_817 = arith.index_cast %add3A_815 : i32 to index
        %get3A_818 = tpu.vector_load %arg14[%get3A_816, %get3A_817] {strides = array<i32>} : memref<80x128xi32, #tpu.memory_space<vmem>>, vector<16xi32>,
        %bitcast3A_819 = vector.bitcast %get3A_811 : vector<16xi32> to vector<32xbf16>
        %bitcast3A_820 = vector.bitcast %get3A_818 : vector<16xi32> to vector<32xbf16>
        %mul3A_821 = arith.mulf %bitcast3A_819, %bitcast3A_820 : vector<32xbf16>
        %add3A_822 = arith.constant 5 : i32
        %add3A_823 = arith.addi %mul3A_320, %add3A_822 : i32
        %add3A_824 = arith.constant 48 : i32
        %add3A_825 = arith.addi %squeeze3A_768, %add3A_824 : i32
        %get3A_826 = arith.index_cast %add3A_823 : i32 to index
        %get3A_827 = arith.index_cast %add3A_825 : i32 to index
        %get3A_828 = tpu.vector_load %arg13[%get3A_826, %get3A_827] {strides = array<i32>} : memref<80x128xi32, #tpu.memory_space<vmem>>, vector<16xi32>,
        %add3A_829 = arith.constant 5 : i32
        %add3A_830 = arith.addi %mul3A_320, %add3A_829 : i32
        %add3A_831 = arith.constant 48 : i32
        %add3A_832 = arith.addi %squeeze3A_770, %add3A_831 : i32
        %get3A_833 = arith.index_cast %add3A_830 : i32 to index
        %get3A_834 = arith.index_cast %add3A_832 : i32 to index
        %get3A_835 = tpu.vector_load %arg14[%get3A_833, %get3A_834] {strides = array<i32>} : memref<80x128xi32, #tpu.memory_space<vmem>>, vector<16xi32>,
        %bitcast3A_836 = vector.bitcast %get3A_828 : vector<16xi32> to vector<32xbf16>
        %bitcast3A_837 = vector.bitcast %get3A_835 : vector<16xi32> to vector<32xbf16>
        %mul3A_838 = arith.mulf %bitcast3A_836, %bitcast3A_837 : vector<32xbf16>
        %add3A_839 = arith.addf %mul3A_787, %mul3A_804 : vector<32xbf16>
        %add3A_840 = arith.addf %mul3A_821, %mul3A_838 : vector<32xbf16>
        %add3A_841 = arith.addf %add3A_839, %add3A_840 : vector<32xbf16>
        %unpack3A_842 = tpu.unpack_subelements %add3A_841, 0 {pack_format = #tpu.pack_format<interleaved>} : vector<32xbf16> -> vector<16xf32>
        %unpack3A_843 = tpu.unpack_subelements %add3A_841, 1 {pack_format = #tpu.pack_format<interleaved>} : vector<32xbf16> -> vector<16xf32>
        %add3A_844 = arith.addf %unpack3A_842, %unpack3A_843 : vector<16xf32>
        %reduce_sum3A_845 = arith.constant true
        %reduce_sum3A_846 = vector.broadcast %reduce_sum3A_845 : i1 to vector<16xi1>
        %reduce_sum3A_847 = tpu.scan <sum>, %add3A_844 masked %reduce_sum3A_846 : vector<16xf32>, vector<16xi1> -> vector<16xf32>
        %reduce_sum3A_848 = vector.extract %reduce_sum3A_847[15] : f32 from vector<16xf32>
        %eq3A_849 = arith.constant 5 : i32
        %eq3A_850 = vector.broadcast %eq3A_849 : i32 to vector<16xi32>
        %eq3A_851 = arith.cmpi eq, %iota3A, %eq3A_850 : vector<16xi32>
        %broadcast_in_dim3A_852 = vector.broadcast %reduce_sum3A_848 : f32 to vector<16xf32>
        %select_n3A_853 = arith.select %eq3A_851, %broadcast_in_dim3A_852, %select_n3A_766 : vector<16xi1>, vector<16xf32>
        %slice3A_854 = vector.extract_strided_slice %mul3A_328 {offsets = [6], sizes = [1], strides = [1]} : vector<16xi32> to vector<1xi32>
        %squeeze3A_855 = vector.extract %slice3A_854[0] : i32 from vector<1xi32>
        %slice3A_856 = vector.extract_strided_slice %mul3A_337 {offsets = [6], sizes = [1], strides = [1]} : vector<16xi32> to vector<1xi32>
        %squeeze3A_857 = vector.extract %slice3A_856[0] : i32 from vector<1xi32>
        %add3A_858 = arith.constant 6 : i32
        %add3A_859 = arith.addi %mul3A_320, %add3A_858 : i32
        %add3A_860 = arith.constant 0 : i32
        %add3A_861 = arith.addi %squeeze3A_855, %add3A_860 : i32
        %get3A_862 = arith.index_cast %add3A_859 : i32 to index
        %get3A_863 = arith.index_cast %add3A_861 : i32 to index
        %get3A_864 = tpu.vector_load %arg13[%get3A_862, %get3A_863] {strides = array<i32>} : memref<80x128xi32, #tpu.memory_space<vmem>>, vector<16xi32>,
        %add3A_865 = arith.constant 6 : i32
        %add3A_866 = arith.addi %mul3A_320, %add3A_865 : i32
        %add3A_867 = arith.constant 0 : i32
        %add3A_868 = arith.addi %squeeze3A_857, %add3A_867 : i32
        %get3A_869 = arith.index_cast %add3A_866 : i32 to index
        %get3A_870 = arith.index_cast %add3A_868 : i32 to index
        %get3A_871 = tpu.vector_load %arg14[%get3A_869, %get3A_870] {strides = array<i32>} : memref<80x128xi32, #tpu.memory_space<vmem>>, vector<16xi32>,
        %bitcast3A_872 = vector.bitcast %get3A_864 : vector<16xi32> to vector<32xbf16>
        %bitcast3A_873 = vector.bitcast %get3A_871 : vector<16xi32> to vector<32xbf16>
        %mul3A_874 = arith.mulf %bitcast3A_872, %bitcast3A_873 : vector<32xbf16>
        %add3A_875 = arith.constant 6 : i32
        %add3A_876 = arith.addi %mul3A_320, %add3A_875 : i32
        %add3A_877 = arith.constant 16 : i32
        %add3A_878 = arith.addi %squeeze3A_855, %add3A_877 : i32
        %get3A_879 = arith.index_cast %add3A_876 : i32 to index
        %get3A_880 = arith.index_cast %add3A_878 : i32 to index
        %get3A_881 = tpu.vector_load %arg13[%get3A_879, %get3A_880] {strides = array<i32>} : memref<80x128xi32, #tpu.memory_space<vmem>>, vector<16xi32>,
        %add3A_882 = arith.constant 6 : i32
        %add3A_883 = arith.addi %mul3A_320, %add3A_882 : i32
        %add3A_884 = arith.constant 16 : i32
        %add3A_885 = arith.addi %squeeze3A_857, %add3A_884 : i32
        %get3A_886 = arith.index_cast %add3A_883 : i32 to index
        %get3A_887 = arith.index_cast %add3A_885 : i32 to index
        %get3A_888 = tpu.vector_load %arg14[%get3A_886, %get3A_887] {strides = array<i32>} : memref<80x128xi32, #tpu.memory_space<vmem>>, vector<16xi32>,
        %bitcast3A_889 = vector.bitcast %get3A_881 : vector<16xi32> to vector<32xbf16>
        %bitcast3A_890 = vector.bitcast %get3A_888 : vector<16xi32> to vector<32xbf16>
        %mul3A_891 = arith.mulf %bitcast3A_889, %bitcast3A_890 : vector<32xbf16>
        %add3A_892 = arith.constant 6 : i32
        %add3A_893 = arith.addi %mul3A_320, %add3A_892 : i32
        %add3A_894 = arith.constant 32 : i32
        %add3A_895 = arith.addi %squeeze3A_855, %add3A_894 : i32
        %get3A_896 = arith.index_cast %add3A_893 : i32 to index
        %get3A_897 = arith.index_cast %add3A_895 : i32 to index
        %get3A_898 = tpu.vector_load %arg13[%get3A_896, %get3A_897] {strides = array<i32>} : memref<80x128xi32, #tpu.memory_space<vmem>>, vector<16xi32>,
        %add3A_899 = arith.constant 6 : i32
        %add3A_900 = arith.addi %mul3A_320, %add3A_899 : i32
        %add3A_901 = arith.constant 32 : i32
        %add3A_902 = arith.addi %squeeze3A_857, %add3A_901 : i32
        %get3A_903 = arith.index_cast %add3A_900 : i32 to index
        %get3A_904 = arith.index_cast %add3A_902 : i32 to index
        %get3A_905 = tpu.vector_load %arg14[%get3A_903, %get3A_904] {strides = array<i32>} : memref<80x128xi32, #tpu.memory_space<vmem>>, vector<16xi32>,
        %bitcast3A_906 = vector.bitcast %get3A_898 : vector<16xi32> to vector<32xbf16>
        %bitcast3A_907 = vector.bitcast %get3A_905 : vector<16xi32> to vector<32xbf16>
        %mul3A_908 = arith.mulf %bitcast3A_906, %bitcast3A_907 : vector<32xbf16>
        %add3A_909 = arith.constant 6 : i32
        %add3A_910 = arith.addi %mul3A_320, %add3A_909 : i32
        %add3A_911 = arith.constant 48 : i32
        %add3A_912 = arith.addi %squeeze3A_855, %add3A_911 : i32
        %get3A_913 = arith.index_cast %add3A_910 : i32 to index
        %get3A_914 = arith.index_cast %add3A_912 : i32 to index
        %get3A_915 = tpu.vector_load %arg13[%get3A_913, %get3A_914] {strides = array<i32>} : memref<80x128xi32, #tpu.memory_space<vmem>>, vector<16xi32>,
        %add3A_916 = arith.constant 6 : i32
        %add3A_917 = arith.addi %mul3A_320, %add3A_916 : i32
        %add3A_918 = arith.constant 48 : i32
        %add3A_919 = arith.addi %squeeze3A_857, %add3A_918 : i32
        %get3A_920 = arith.index_cast %add3A_917 : i32 to index
        %get3A_921 = arith.index_cast %add3A_919 : i32 to index
        %get3A_922 = tpu.vector_load %arg14[%get3A_920, %get3A_921] {strides = array<i32>} : memref<80x128xi32, #tpu.memory_space<vmem>>, vector<16xi32>,
        %bitcast3A_923 = vector.bitcast %get3A_915 : vector<16xi32> to vector<32xbf16>
        %bitcast3A_924 = vector.bitcast %get3A_922 : vector<16xi32> to vector<32xbf16>
        %mul3A_925 = arith.mulf %bitcast3A_923, %bitcast3A_924 : vector<32xbf16>
        %add3A_926 = arith.addf %mul3A_874, %mul3A_891 : vector<32xbf16>
        %add3A_927 = arith.addf %mul3A_908, %mul3A_925 : vector<32xbf16>
        %add3A_928 = arith.addf %add3A_926, %add3A_927 : vector<32xbf16>
        %unpack3A_929 = tpu.unpack_subelements %add3A_928, 0 {pack_format = #tpu.pack_format<interleaved>} : vector<32xbf16> -> vector<16xf32>
        %unpack3A_930 = tpu.unpack_subelements %add3A_928, 1 {pack_format = #tpu.pack_format<interleaved>} : vector<32xbf16> -> vector<16xf32>
        %add3A_931 = arith.addf %unpack3A_929, %unpack3A_930 : vector<16xf32>
        %reduce_sum3A_932 = arith.constant true
        %reduce_sum3A_933 = vector.broadcast %reduce_sum3A_932 : i1 to vector<16xi1>
        %reduce_sum3A_934 = tpu.scan <sum>, %add3A_931 masked %reduce_sum3A_933 : vector<16xf32>, vector<16xi1> -> vector<16xf32>
        %reduce_sum3A_935 = vector.extract %reduce_sum3A_934[15] : f32 from vector<16xf32>
        %eq3A_936 = arith.constant 6 : i32
        %eq3A_937 = vector.broadcast %eq3A_936 : i32 to vector<16xi32>
        %eq3A_938 = arith.cmpi eq, %iota3A, %eq3A_937 : vector<16xi32>
        %broadcast_in_dim3A_939 = vector.broadcast %reduce_sum3A_935 : f32 to vector<16xf32>
        %select_n3A_940 = arith.select %eq3A_938, %broadcast_in_dim3A_939, %select_n3A_853 : vector<16xi1>, vector<16xf32>
        %slice3A_941 = vector.extract_strided_slice %mul3A_328 {offsets = [7], sizes = [1], strides = [1]} : vector<16xi32> to vector<1xi32>
        %squeeze3A_942 = vector.extract %slice3A_941[0] : i32 from vector<1xi32>
        %slice3A_943 = vector.extract_strided_slice %mul3A_337 {offsets = [7], sizes = [1], strides = [1]} : vector<16xi32> to vector<1xi32>
        %squeeze3A_944 = vector.extract %slice3A_943[0] : i32 from vector<1xi32>
        %add3A_945 = arith.constant 7 : i32
        %add3A_946 = arith.addi %mul3A_320, %add3A_945 : i32
        %add3A_947 = arith.constant 0 : i32
        %add3A_948 = arith.addi %squeeze3A_942, %add3A_947 : i32
        %get3A_949 = arith.index_cast %add3A_946 : i32 to index
        %get3A_950 = arith.index_cast %add3A_948 : i32 to index
        %get3A_951 = tpu.vector_load %arg13[%get3A_949, %get3A_950] {strides = array<i32>} : memref<80x128xi32, #tpu.memory_space<vmem>>, vector<16xi32>,
        %add3A_952 = arith.constant 7 : i32
        %add3A_953 = arith.addi %mul3A_320, %add3A_952 : i32
        %add3A_954 = arith.constant 0 : i32
        %add3A_955 = arith.addi %squeeze3A_944, %add3A_954 : i32
        %get3A_956 = arith.index_cast %add3A_953 : i32 to index
        %get3A_957 = arith.index_cast %add3A_955 : i32 to index
        %get3A_958 = tpu.vector_load %arg14[%get3A_956, %get3A_957] {strides = array<i32>} : memref<80x128xi32, #tpu.memory_space<vmem>>, vector<16xi32>,
        %bitcast3A_959 = vector.bitcast %get3A_951 : vector<16xi32> to vector<32xbf16>
        %bitcast3A_960 = vector.bitcast %get3A_958 : vector<16xi32> to vector<32xbf16>
        %mul3A_961 = arith.mulf %bitcast3A_959, %bitcast3A_960 : vector<32xbf16>
        %add3A_962 = arith.constant 7 : i32
        %add3A_963 = arith.addi %mul3A_320, %add3A_962 : i32
        %add3A_964 = arith.constant 16 : i32
        %add3A_965 = arith.addi %squeeze3A_942, %add3A_964 : i32
        %get3A_966 = arith.index_cast %add3A_963 : i32 to index
        %get3A_967 = arith.index_cast %add3A_965 : i32 to index
        %get3A_968 = tpu.vector_load %arg13[%get3A_966, %get3A_967] {strides = array<i32>} : memref<80x128xi32, #tpu.memory_space<vmem>>, vector<16xi32>,
        %add3A_969 = arith.constant 7 : i32
        %add3A_970 = arith.addi %mul3A_320, %add3A_969 : i32
        %add3A_971 = arith.constant 16 : i32
        %add3A_972 = arith.addi %squeeze3A_944, %add3A_971 : i32
        %get3A_973 = arith.index_cast %add3A_970 : i32 to index
        %get3A_974 = arith.index_cast %add3A_972 : i32 to index
        %get3A_975 = tpu.vector_load %arg14[%get3A_973, %get3A_974] {strides = array<i32>} : memref<80x128xi32, #tpu.memory_space<vmem>>, vector<16xi32>,
        %bitcast3A_976 = vector.bitcast %get3A_968 : vector<16xi32> to vector<32xbf16>
        %bitcast3A_977 = vector.bitcast %get3A_975 : vector<16xi32> to vector<32xbf16>
        %mul3A_978 = arith.mulf %bitcast3A_976, %bitcast3A_977 : vector<32xbf16>
        %add3A_979 = arith.constant 7 : i32
        %add3A_980 = arith.addi %mul3A_320, %add3A_979 : i32
        %add3A_981 = arith.constant 32 : i32
        %add3A_982 = arith.addi %squeeze3A_942, %add3A_981 : i32
        %get3A_983 = arith.index_cast %add3A_980 : i32 to index
        %get3A_984 = arith.index_cast %add3A_982 : i32 to index
        %get3A_985 = tpu.vector_load %arg13[%get3A_983, %get3A_984] {strides = array<i32>} : memref<80x128xi32, #tpu.memory_space<vmem>>, vector<16xi32>,
        %add3A_986 = arith.constant 7 : i32
        %add3A_987 = arith.addi %mul3A_320, %add3A_986 : i32
        %add3A_988 = arith.constant 32 : i32
        %add3A_989 = arith.addi %squeeze3A_944, %add3A_988 : i32
        %get3A_990 = arith.index_cast %add3A_987 : i32 to index
        %get3A_991 = arith.index_cast %add3A_989 : i32 to index
        %get3A_992 = tpu.vector_load %arg14[%get3A_990, %get3A_991] {strides = array<i32>} : memref<80x128xi32, #tpu.memory_space<vmem>>, vector<16xi32>,
        %bitcast3A_993 = vector.bitcast %get3A_985 : vector<16xi32> to vector<32xbf16>
        %bitcast3A_994 = vector.bitcast %get3A_992 : vector<16xi32> to vector<32xbf16>
        %mul3A_995 = arith.mulf %bitcast3A_993, %bitcast3A_994 : vector<32xbf16>
        %add3A_996 = arith.constant 7 : i32
        %add3A_997 = arith.addi %mul3A_320, %add3A_996 : i32
        %add3A_998 = arith.constant 48 : i32
        %add3A_999 = arith.addi %squeeze3A_942, %add3A_998 : i32
        %get3A_1000 = arith.index_cast %add3A_997 : i32 to index
        %get3A_1001 = arith.index_cast %add3A_999 : i32 to index
        %get3A_1002 = tpu.vector_load %arg13[%get3A_1000, %get3A_1001] {strides = array<i32>} : memref<80x128xi32, #tpu.memory_space<vmem>>, vector<16xi32>,
        %add3A_1003 = arith.constant 7 : i32
        %add3A_1004 = arith.addi %mul3A_320, %add3A_1003 : i32
        %add3A_1005 = arith.constant 48 : i32
        %add3A_1006 = arith.addi %squeeze3A_944, %add3A_1005 : i32
        %get3A_1007 = arith.index_cast %add3A_1004 : i32 to index
        %get3A_1008 = arith.index_cast %add3A_1006 : i32 to index
        %get3A_1009 = tpu.vector_load %arg14[%get3A_1007, %get3A_1008] {strides = array<i32>} : memref<80x128xi32, #tpu.memory_space<vmem>>, vector<16xi32>,
        %bitcast3A_1010 = vector.bitcast %get3A_1002 : vector<16xi32> to vector<32xbf16>
        %bitcast3A_1011 = vector.bitcast %get3A_1009 : vector<16xi32> to vector<32xbf16>
        %mul3A_1012 = arith.mulf %bitcast3A_1010, %bitcast3A_1011 : vector<32xbf16>
        %add3A_1013 = arith.addf %mul3A_961, %mul3A_978 : vector<32xbf16>
        %add3A_1014 = arith.addf %mul3A_995, %mul3A_1012 : vector<32xbf16>
        %add3A_1015 = arith.addf %add3A_1013, %add3A_1014 : vector<32xbf16>
        %unpack3A_1016 = tpu.unpack_subelements %add3A_1015, 0 {pack_format = #tpu.pack_format<interleaved>} : vector<32xbf16> -> vector<16xf32>
        %unpack3A_1017 = tpu.unpack_subelements %add3A_1015, 1 {pack_format = #tpu.pack_format<interleaved>} : vector<32xbf16> -> vector<16xf32>
        %add3A_1018 = arith.addf %unpack3A_1016, %unpack3A_1017 : vector<16xf32>
        %reduce_sum3A_1019 = arith.constant true
        %reduce_sum3A_1020 = vector.broadcast %reduce_sum3A_1019 : i1 to vector<16xi1>
        %reduce_sum3A_1021 = tpu.scan <sum>, %add3A_1018 masked %reduce_sum3A_1020 : vector<16xf32>, vector<16xi1> -> vector<16xf32>
        %reduce_sum3A_1022 = vector.extract %reduce_sum3A_1021[15] : f32 from vector<16xf32>
        %eq3A_1023 = arith.constant 7 : i32
        %eq3A_1024 = vector.broadcast %eq3A_1023 : i32 to vector<16xi32>
        %eq3A_1025 = arith.cmpi eq, %iota3A, %eq3A_1024 : vector<16xi32>
        %broadcast_in_dim3A_1026 = vector.broadcast %reduce_sum3A_1022 : f32 to vector<16xf32>
        %select_n3A_1027 = arith.select %eq3A_1025, %broadcast_in_dim3A_1026, %select_n3A_940 : vector<16xi1>, vector<16xf32>
        %slice3A_1028 = vector.extract_strided_slice %mul3A_328 {offsets = [8], sizes = [1], strides = [1]} : vector<16xi32> to vector<1xi32>
        %squeeze3A_1029 = vector.extract %slice3A_1028[0] : i32 from vector<1xi32>
        %slice3A_1030 = vector.extract_strided_slice %mul3A_337 {offsets = [8], sizes = [1], strides = [1]} : vector<16xi32> to vector<1xi32>
        %squeeze3A_1031 = vector.extract %slice3A_1030[0] : i32 from vector<1xi32>
        %add3A_1032 = arith.constant 8 : i32
        %add3A_1033 = arith.addi %mul3A_320, %add3A_1032 : i32
        %add3A_1034 = arith.constant 0 : i32
        %add3A_1035 = arith.addi %squeeze3A_1029, %add3A_1034 : i32
        %get3A_1036 = arith.index_cast %add3A_1033 : i32 to index
        %get3A_1037 = arith.index_cast %add3A_1035 : i32 to index
        %get3A_1038 = tpu.vector_load %arg13[%get3A_1036, %get3A_1037] {strides = array<i32>} : memref<80x128xi32, #tpu.memory_space<vmem>>, vector<16xi32>,
        %add3A_1039 = arith.constant 8 : i32
        %add3A_1040 = arith.addi %mul3A_320, %add3A_1039 : i32
        %add3A_1041 = arith.constant 0 : i32
        %add3A_1042 = arith.addi %squeeze3A_1031, %add3A_1041 : i32
        %get3A_1043 = arith.index_cast %add3A_1040 : i32 to index
        %get3A_1044 = arith.index_cast %add3A_1042 : i32 to index
        %get3A_1045 = tpu.vector_load %arg14[%get3A_1043, %get3A_1044] {strides = array<i32>} : memref<80x128xi32, #tpu.memory_space<vmem>>, vector<16xi32>,
        %bitcast3A_1046 = vector.bitcast %get3A_1038 : vector<16xi32> to vector<32xbf16>
        %bitcast3A_1047 = vector.bitcast %get3A_1045 : vector<16xi32> to vector<32xbf16>
        %mul3A_1048 = arith.mulf %bitcast3A_1046, %bitcast3A_1047 : vector<32xbf16>
        %add3A_1049 = arith.constant 8 : i32
        %add3A_1050 = arith.addi %mul3A_320, %add3A_1049 : i32
        %add3A_1051 = arith.constant 16 : i32
        %add3A_1052 = arith.addi %squeeze3A_1029, %add3A_1051 : i32
        %get3A_1053 = arith.index_cast %add3A_1050 : i32 to index
        %get3A_1054 = arith.index_cast %add3A_1052 : i32 to index
        %get3A_1055 = tpu.vector_load %arg13[%get3A_1053, %get3A_1054] {strides = array<i32>} : memref<80x128xi32, #tpu.memory_space<vmem>>, vector<16xi32>,
        %add3A_1056 = arith.constant 8 : i32
        %add3A_1057 = arith.addi %mul3A_320, %add3A_1056 : i32
        %add3A_1058 = arith.constant 16 : i32
        %add3A_1059 = arith.addi %squeeze3A_1031, %add3A_1058 : i32
        %get3A_1060 = arith.index_cast %add3A_1057 : i32 to index
        %get3A_1061 = arith.index_cast %add3A_1059 : i32 to index
        %get3A_1062 = tpu.vector_load %arg14[%get3A_1060, %get3A_1061] {strides = array<i32>} : memref<80x128xi32, #tpu.memory_space<vmem>>, vector<16xi32>,
        %bitcast3A_1063 = vector.bitcast %get3A_1055 : vector<16xi32> to vector<32xbf16>
        %bitcast3A_1064 = vector.bitcast %get3A_1062 : vector<16xi32> to vector<32xbf16>
        %mul3A_1065 = arith.mulf %bitcast3A_1063, %bitcast3A_1064 : vector<32xbf16>
        %add3A_1066 = arith.constant 8 : i32
        %add3A_1067 = arith.addi %mul3A_320, %add3A_1066 : i32
        %add3A_1068 = arith.constant 32 : i32
        %add3A_1069 = arith.addi %squeeze3A_1029, %add3A_1068 : i32
        %get3A_1070 = arith.index_cast %add3A_1067 : i32 to index
        %get3A_1071 = arith.index_cast %add3A_1069 : i32 to index
        %get3A_1072 = tpu.vector_load %arg13[%get3A_1070, %get3A_1071] {strides = array<i32>} : memref<80x128xi32, #tpu.memory_space<vmem>>, vector<16xi32>,
        %add3A_1073 = arith.constant 8 : i32
        %add3A_1074 = arith.addi %mul3A_320, %add3A_1073 : i32
        %add3A_1075 = arith.constant 32 : i32
        %add3A_1076 = arith.addi %squeeze3A_1031, %add3A_1075 : i32
        %get3A_1077 = arith.index_cast %add3A_1074 : i32 to index
        %get3A_1078 = arith.index_cast %add3A_1076 : i32 to index
        %get3A_1079 = tpu.vector_load %arg14[%get3A_1077, %get3A_1078] {strides = array<i32>} : memref<80x128xi32, #tpu.memory_space<vmem>>, vector<16xi32>,
        %bitcast3A_1080 = vector.bitcast %get3A_1072 : vector<16xi32> to vector<32xbf16>
        %bitcast3A_1081 = vector.bitcast %get3A_1079 : vector<16xi32> to vector<32xbf16>
        %mul3A_1082 = arith.mulf %bitcast3A_1080, %bitcast3A_1081 : vector<32xbf16>
        %add3A_1083 = arith.constant 8 : i32
        %add3A_1084 = arith.addi %mul3A_320, %add3A_1083 : i32
        %add3A_1085 = arith.constant 48 : i32
        %add3A_1086 = arith.addi %squeeze3A_1029, %add3A_1085 : i32
        %get3A_1087 = arith.index_cast %add3A_1084 : i32 to index
        %get3A_1088 = arith.index_cast %add3A_1086 : i32 to index
        %get3A_1089 = tpu.vector_load %arg13[%get3A_1087, %get3A_1088] {strides = array<i32>} : memref<80x128xi32, #tpu.memory_space<vmem>>, vector<16xi32>,
        %add3A_1090 = arith.constant 8 : i32
        %add3A_1091 = arith.addi %mul3A_320, %add3A_1090 : i32
        %add3A_1092 = arith.constant 48 : i32
        %add3A_1093 = arith.addi %squeeze3A_1031, %add3A_1092 : i32
        %get3A_1094 = arith.index_cast %add3A_1091 : i32 to index
        %get3A_1095 = arith.index_cast %add3A_1093 : i32 to index
        %get3A_1096 = tpu.vector_load %arg14[%get3A_1094, %get3A_1095] {strides = array<i32>} : memref<80x128xi32, #tpu.memory_space<vmem>>, vector<16xi32>,
        %bitcast3A_1097 = vector.bitcast %get3A_1089 : vector<16xi32> to vector<32xbf16>
        %bitcast3A_1098 = vector.bitcast %get3A_1096 : vector<16xi32> to vector<32xbf16>
        %mul3A_1099 = arith.mulf %bitcast3A_1097, %bitcast3A_1098 : vector<32xbf16>
        %add3A_1100 = arith.addf %mul3A_1048, %mul3A_1065 : vector<32xbf16>
        %add3A_1101 = arith.addf %mul3A_1082, %mul3A_1099 : vector<32xbf16>
        %add3A_1102 = arith.addf %add3A_1100, %add3A_1101 : vector<32xbf16>
        %unpack3A_1103 = tpu.unpack_subelements %add3A_1102, 0 {pack_format = #tpu.pack_format<interleaved>} : vector<32xbf16> -> vector<16xf32>
        %unpack3A_1104 = tpu.unpack_subelements %add3A_1102, 1 {pack_format = #tpu.pack_format<interleaved>} : vector<32xbf16> -> vector<16xf32>
        %add3A_1105 = arith.addf %unpack3A_1103, %unpack3A_1104 : vector<16xf32>
        %reduce_sum3A_1106 = arith.constant true
        %reduce_sum3A_1107 = vector.broadcast %reduce_sum3A_1106 : i1 to vector<16xi1>
        %reduce_sum3A_1108 = tpu.scan <sum>, %add3A_1105 masked %reduce_sum3A_1107 : vector<16xf32>, vector<16xi1> -> vector<16xf32>
        %reduce_sum3A_1109 = vector.extract %reduce_sum3A_1108[15] : f32 from vector<16xf32>
        %eq3A_1110 = arith.constant 8 : i32
        %eq3A_1111 = vector.broadcast %eq3A_1110 : i32 to vector<16xi32>
        %eq3A_1112 = arith.cmpi eq, %iota3A, %eq3A_1111 : vector<16xi32>
        %broadcast_in_dim3A_1113 = vector.broadcast %reduce_sum3A_1109 : f32 to vector<16xf32>
        %select_n3A_1114 = arith.select %eq3A_1112, %broadcast_in_dim3A_1113, %select_n3A_1027 : vector<16xi1>, vector<16xf32>
        %slice3A_1115 = vector.extract_strided_slice %mul3A_328 {offsets = [9], sizes = [1], strides = [1]} : vector<16xi32> to vector<1xi32>
        %squeeze3A_1116 = vector.extract %slice3A_1115[0] : i32 from vector<1xi32>
        %slice3A_1117 = vector.extract_strided_slice %mul3A_337 {offsets = [9], sizes = [1], strides = [1]} : vector<16xi32> to vector<1xi32>
        %squeeze3A_1118 = vector.extract %slice3A_1117[0] : i32 from vector<1xi32>
        %add3A_1119 = arith.constant 9 : i32
        %add3A_1120 = arith.addi %mul3A_320, %add3A_1119 : i32
        %add3A_1121 = arith.constant 0 : i32
        %add3A_1122 = arith.addi %squeeze3A_1116, %add3A_1121 : i32
        %get3A_1123 = arith.index_cast %add3A_1120 : i32 to index
        %get3A_1124 = arith.index_cast %add3A_1122 : i32 to index
        %get3A_1125 = tpu.vector_load %arg13[%get3A_1123, %get3A_1124] {strides = array<i32>} : memref<80x128xi32, #tpu.memory_space<vmem>>, vector<16xi32>,
        %add3A_1126 = arith.constant 9 : i32
        %add3A_1127 = arith.addi %mul3A_320, %add3A_1126 : i32
        %add3A_1128 = arith.constant 0 : i32
        %add3A_1129 = arith.addi %squeeze3A_1118, %add3A_1128 : i32
        %get3A_1130 = arith.index_cast %add3A_1127 : i32 to index
        %get3A_1131 = arith.index_cast %add3A_1129 : i32 to index
        %get3A_1132 = tpu.vector_load %arg14[%get3A_1130, %get3A_1131] {strides = array<i32>} : memref<80x128xi32, #tpu.memory_space<vmem>>, vector<16xi32>,
        %bitcast3A_1133 = vector.bitcast %get3A_1125 : vector<16xi32> to vector<32xbf16>
        %bitcast3A_1134 = vector.bitcast %get3A_1132 : vector<16xi32> to vector<32xbf16>
        %mul3A_1135 = arith.mulf %bitcast3A_1133, %bitcast3A_1134 : vector<32xbf16>
        %add3A_1136 = arith.constant 9 : i32
        %add3A_1137 = arith.addi %mul3A_320, %add3A_1136 : i32
        %add3A_1138 = arith.constant 16 : i32
        %add3A_1139 = arith.addi %squeeze3A_1116, %add3A_1138 : i32
        %get3A_1140 = arith.index_cast %add3A_1137 : i32 to index
        %get3A_1141 = arith.index_cast %add3A_1139 : i32 to index
        %get3A_1142 = tpu.vector_load %arg13[%get3A_1140, %get3A_1141] {strides = array<i32>} : memref<80x128xi32, #tpu.memory_space<vmem>>, vector<16xi32>,
        %add3A_1143 = arith.constant 9 : i32
        %add3A_1144 = arith.addi %mul3A_320, %add3A_1143 : i32
        %add3A_1145 = arith.constant 16 : i32
        %add3A_1146 = arith.addi %squeeze3A_1118, %add3A_1145 : i32
        %get3A_1147 = arith.index_cast %add3A_1144 : i32 to index
        %get3A_1148 = arith.index_cast %add3A_1146 : i32 to index
        %get3A_1149 = tpu.vector_load %arg14[%get3A_1147, %get3A_1148] {strides = array<i32>} : memref<80x128xi32, #tpu.memory_space<vmem>>, vector<16xi32>,
        %bitcast3A_1150 = vector.bitcast %get3A_1142 : vector<16xi32> to vector<32xbf16>
        %bitcast3A_1151 = vector.bitcast %get3A_1149 : vector<16xi32> to vector<32xbf16>
        %mul3A_1152 = arith.mulf %bitcast3A_1150, %bitcast3A_1151 : vector<32xbf16>
        %add3A_1153 = arith.constant 9 : i32
        %add3A_1154 = arith.addi %mul3A_320, %add3A_1153 : i32
        %add3A_1155 = arith.constant 32 : i32
        %add3A_1156 = arith.addi %squeeze3A_1116, %add3A_1155 : i32
        %get3A_1157 = arith.index_cast %add3A_1154 : i32 to index
        %get3A_1158 = arith.index_cast %add3A_1156 : i32 to index
        %get3A_1159 = tpu.vector_load %arg13[%get3A_1157, %get3A_1158] {strides = array<i32>} : memref<80x128xi32, #tpu.memory_space<vmem>>, vector<16xi32>,
        %add3A_1160 = arith.constant 9 : i32
        %add3A_1161 = arith.addi %mul3A_320, %add3A_1160 : i32
        %add3A_1162 = arith.constant 32 : i32
        %add3A_1163 = arith.addi %squeeze3A_1118, %add3A_1162 : i32
        %get3A_1164 = arith.index_cast %add3A_1161 : i32 to index
        %get3A_1165 = arith.index_cast %add3A_1163 : i32 to index
        %get3A_1166 = tpu.vector_load %arg14[%get3A_1164, %get3A_1165] {strides = array<i32>} : memref<80x128xi32, #tpu.memory_space<vmem>>, vector<16xi32>,
        %bitcast3A_1167 = vector.bitcast %get3A_1159 : vector<16xi32> to vector<32xbf16>
        %bitcast3A_1168 = vector.bitcast %get3A_1166 : vector<16xi32> to vector<32xbf16>
        %mul3A_1169 = arith.mulf %bitcast3A_1167, %bitcast3A_1168 : vector<32xbf16>
        %add3A_1170 = arith.constant 9 : i32
        %add3A_1171 = arith.addi %mul3A_320, %add3A_1170 : i32
        %add3A_1172 = arith.constant 48 : i32
        %add3A_1173 = arith.addi %squeeze3A_1116, %add3A_1172 : i32
        %get3A_1174 = arith.index_cast %add3A_1171 : i32 to index
        %get3A_1175 = arith.index_cast %add3A_1173 : i32 to index
        %get3A_1176 = tpu.vector_load %arg13[%get3A_1174, %get3A_1175] {strides = array<i32>} : memref<80x128xi32, #tpu.memory_space<vmem>>, vector<16xi32>,
        %add3A_1177 = arith.constant 9 : i32
        %add3A_1178 = arith.addi %mul3A_320, %add3A_1177 : i32
        %add3A_1179 = arith.constant 48 : i32
        %add3A_1180 = arith.addi %squeeze3A_1118, %add3A_1179 : i32
        %get3A_1181 = arith.index_cast %add3A_1178 : i32 to index
        %get3A_1182 = arith.index_cast %add3A_1180 : i32 to index
        %get3A_1183 = tpu.vector_load %arg14[%get3A_1181, %get3A_1182] {strides = array<i32>} : memref<80x128xi32, #tpu.memory_space<vmem>>, vector<16xi32>,
        %bitcast3A_1184 = vector.bitcast %get3A_1176 : vector<16xi32> to vector<32xbf16>
        %bitcast3A_1185 = vector.bitcast %get3A_1183 : vector<16xi32> to vector<32xbf16>
        %mul3A_1186 = arith.mulf %bitcast3A_1184, %bitcast3A_1185 : vector<32xbf16>
        %add3A_1187 = arith.addf %mul3A_1135, %mul3A_1152 : vector<32xbf16>
        %add3A_1188 = arith.addf %mul3A_1169, %mul3A_1186 : vector<32xbf16>
        %add3A_1189 = arith.addf %add3A_1187, %add3A_1188 : vector<32xbf16>
        %unpack3A_1190 = tpu.unpack_subelements %add3A_1189, 0 {pack_format = #tpu.pack_format<interleaved>} : vector<32xbf16> -> vector<16xf32>
        %unpack3A_1191 = tpu.unpack_subelements %add3A_1189, 1 {pack_format = #tpu.pack_format<interleaved>} : vector<32xbf16> -> vector<16xf32>
        %add3A_1192 = arith.addf %unpack3A_1190, %unpack3A_1191 : vector<16xf32>
        %reduce_sum3A_1193 = arith.constant true
        %reduce_sum3A_1194 = vector.broadcast %reduce_sum3A_1193 : i1 to vector<16xi1>
        %reduce_sum3A_1195 = tpu.scan <sum>, %add3A_1192 masked %reduce_sum3A_1194 : vector<16xf32>, vector<16xi1> -> vector<16xf32>
        %reduce_sum3A_1196 = vector.extract %reduce_sum3A_1195[15] : f32 from vector<16xf32>
        %eq3A_1197 = arith.constant 9 : i32
        %eq3A_1198 = vector.broadcast %eq3A_1197 : i32 to vector<16xi32>
        %eq3A_1199 = arith.cmpi eq, %iota3A, %eq3A_1198 : vector<16xi32>
        %broadcast_in_dim3A_1200 = vector.broadcast %reduce_sum3A_1196 : f32 to vector<16xf32>
        %select_n3A_1201 = arith.select %eq3A_1199, %broadcast_in_dim3A_1200, %select_n3A_1114 : vector<16xi1>, vector<16xf32>
        %slice3A_1202 = vector.extract_strided_slice %mul3A_328 {offsets = [10], sizes = [1], strides = [1]} : vector<16xi32> to vector<1xi32>
        %squeeze3A_1203 = vector.extract %slice3A_1202[0] : i32 from vector<1xi32>
        %slice3A_1204 = vector.extract_strided_slice %mul3A_337 {offsets = [10], sizes = [1], strides = [1]} : vector<16xi32> to vector<1xi32>
        %squeeze3A_1205 = vector.extract %slice3A_1204[0] : i32 from vector<1xi32>
        %add3A_1206 = arith.constant 10 : i32
        %add3A_1207 = arith.addi %mul3A_320, %add3A_1206 : i32
        %add3A_1208 = arith.constant 0 : i32
        %add3A_1209 = arith.addi %squeeze3A_1203, %add3A_1208 : i32
        %get3A_1210 = arith.index_cast %add3A_1207 : i32 to index
        %get3A_1211 = arith.index_cast %add3A_1209 : i32 to index
        %get3A_1212 = tpu.vector_load %arg13[%get3A_1210, %get3A_1211] {strides = array<i32>} : memref<80x128xi32, #tpu.memory_space<vmem>>, vector<16xi32>,
        %add3A_1213 = arith.constant 10 : i32
        %add3A_1214 = arith.addi %mul3A_320, %add3A_1213 : i32
        %add3A_1215 = arith.constant 0 : i32
        %add3A_1216 = arith.addi %squeeze3A_1205, %add3A_1215 : i32
        %get3A_1217 = arith.index_cast %add3A_1214 : i32 to index
        %get3A_1218 = arith.index_cast %add3A_1216 : i32 to index
        %get3A_1219 = tpu.vector_load %arg14[%get3A_1217, %get3A_1218] {strides = array<i32>} : memref<80x128xi32, #tpu.memory_space<vmem>>, vector<16xi32>,
        %bitcast3A_1220 = vector.bitcast %get3A_1212 : vector<16xi32> to vector<32xbf16>
        %bitcast3A_1221 = vector.bitcast %get3A_1219 : vector<16xi32> to vector<32xbf16>
        %mul3A_1222 = arith.mulf %bitcast3A_1220, %bitcast3A_1221 : vector<32xbf16>
        %add3A_1223 = arith.constant 10 : i32
        %add3A_1224 = arith.addi %mul3A_320, %add3A_1223 : i32
        %add3A_1225 = arith.constant 16 : i32
        %add3A_1226 = arith.addi %squeeze3A_1203, %add3A_1225 : i32
        %get3A_1227 = arith.index_cast %add3A_1224 : i32 to index
        %get3A_1228 = arith.index_cast %add3A_1226 : i32 to index
        %get3A_1229 = tpu.vector_load %arg13[%get3A_1227, %get3A_1228] {strides = array<i32>} : memref<80x128xi32, #tpu.memory_space<vmem>>, vector<16xi32>,
        %add3A_1230 = arith.constant 10 : i32
        %add3A_1231 = arith.addi %mul3A_320, %add3A_1230 : i32
        %add3A_1232 = arith.constant 16 : i32
        %add3A_1233 = arith.addi %squeeze3A_1205, %add3A_1232 : i32
        %get3A_1234 = arith.index_cast %add3A_1231 : i32 to index
        %get3A_1235 = arith.index_cast %add3A_1233 : i32 to index
        %get3A_1236 = tpu.vector_load %arg14[%get3A_1234, %get3A_1235] {strides = array<i32>} : memref<80x128xi32, #tpu.memory_space<vmem>>, vector<16xi32>,
        %bitcast3A_1237 = vector.bitcast %get3A_1229 : vector<16xi32> to vector<32xbf16>
        %bitcast3A_1238 = vector.bitcast %get3A_1236 : vector<16xi32> to vector<32xbf16>
        %mul3A_1239 = arith.mulf %bitcast3A_1237, %bitcast3A_1238 : vector<32xbf16>
        %add3A_1240 = arith.constant 10 : i32
        %add3A_1241 = arith.addi %mul3A_320, %add3A_1240 : i32
        %add3A_1242 = arith.constant 32 : i32
        %add3A_1243 = arith.addi %squeeze3A_1203, %add3A_1242 : i32
        %get3A_1244 = arith.index_cast %add3A_1241 : i32 to index
        %get3A_1245 = arith.index_cast %add3A_1243 : i32 to index
        %get3A_1246 = tpu.vector_load %arg13[%get3A_1244, %get3A_1245] {strides = array<i32>} : memref<80x128xi32, #tpu.memory_space<vmem>>, vector<16xi32>,
        %add3A_1247 = arith.constant 10 : i32
        %add3A_1248 = arith.addi %mul3A_320, %add3A_1247 : i32
        %add3A_1249 = arith.constant 32 : i32
        %add3A_1250 = arith.addi %squeeze3A_1205, %add3A_1249 : i32
        %get3A_1251 = arith.index_cast %add3A_1248 : i32 to index
        %get3A_1252 = arith.index_cast %add3A_1250 : i32 to index
        %get3A_1253 = tpu.vector_load %arg14[%get3A_1251, %get3A_1252] {strides = array<i32>} : memref<80x128xi32, #tpu.memory_space<vmem>>, vector<16xi32>,
        %bitcast3A_1254 = vector.bitcast %get3A_1246 : vector<16xi32> to vector<32xbf16>
        %bitcast3A_1255 = vector.bitcast %get3A_1253 : vector<16xi32> to vector<32xbf16>
        %mul3A_1256 = arith.mulf %bitcast3A_1254, %bitcast3A_1255 : vector<32xbf16>
        %add3A_1257 = arith.constant 10 : i32
        %add3A_1258 = arith.addi %mul3A_320, %add3A_1257 : i32
        %add3A_1259 = arith.constant 48 : i32
        %add3A_1260 = arith.addi %squeeze3A_1203, %add3A_1259 : i32
        %get3A_1261 = arith.index_cast %add3A_1258 : i32 to index
        %get3A_1262 = arith.index_cast %add3A_1260 : i32 to index
        %get3A_1263 = tpu.vector_load %arg13[%get3A_1261, %get3A_1262] {strides = array<i32>} : memref<80x128xi32, #tpu.memory_space<vmem>>, vector<16xi32>,
        %add3A_1264 = arith.constant 10 : i32
        %add3A_1265 = arith.addi %mul3A_320, %add3A_1264 : i32
        %add3A_1266 = arith.constant 48 : i32
        %add3A_1267 = arith.addi %squeeze3A_1205, %add3A_1266 : i32
        %get3A_1268 = arith.index_cast %add3A_1265 : i32 to index
        %get3A_1269 = arith.index_cast %add3A_1267 : i32 to index
        %get3A_1270 = tpu.vector_load %arg14[%get3A_1268, %get3A_1269] {strides = array<i32>} : memref<80x128xi32, #tpu.memory_space<vmem>>, vector<16xi32>,
        %bitcast3A_1271 = vector.bitcast %get3A_1263 : vector<16xi32> to vector<32xbf16>
        %bitcast3A_1272 = vector.bitcast %get3A_1270 : vector<16xi32> to vector<32xbf16>
        %mul3A_1273 = arith.mulf %bitcast3A_1271, %bitcast3A_1272 : vector<32xbf16>
        %add3A_1274 = arith.addf %mul3A_1222, %mul3A_1239 : vector<32xbf16>
        %add3A_1275 = arith.addf %mul3A_1256, %mul3A_1273 : vector<32xbf16>
        %add3A_1276 = arith.addf %add3A_1274, %add3A_1275 : vector<32xbf16>
        %unpack3A_1277 = tpu.unpack_subelements %add3A_1276, 0 {pack_format = #tpu.pack_format<interleaved>} : vector<32xbf16> -> vector<16xf32>
        %unpack3A_1278 = tpu.unpack_subelements %add3A_1276, 1 {pack_format = #tpu.pack_format<interleaved>} : vector<32xbf16> -> vector<16xf32>
        %add3A_1279 = arith.addf %unpack3A_1277, %unpack3A_1278 : vector<16xf32>
        %reduce_sum3A_1280 = arith.constant true
        %reduce_sum3A_1281 = vector.broadcast %reduce_sum3A_1280 : i1 to vector<16xi1>
        %reduce_sum3A_1282 = tpu.scan <sum>, %add3A_1279 masked %reduce_sum3A_1281 : vector<16xf32>, vector<16xi1> -> vector<16xf32>
        %reduce_sum3A_1283 = vector.extract %reduce_sum3A_1282[15] : f32 from vector<16xf32>
        %eq3A_1284 = arith.constant 10 : i32
        %eq3A_1285 = vector.broadcast %eq3A_1284 : i32 to vector<16xi32>
        %eq3A_1286 = arith.cmpi eq, %iota3A, %eq3A_1285 : vector<16xi32>
        %broadcast_in_dim3A_1287 = vector.broadcast %reduce_sum3A_1283 : f32 to vector<16xf32>
        %select_n3A_1288 = arith.select %eq3A_1286, %broadcast_in_dim3A_1287, %select_n3A_1201 : vector<16xi1>, vector<16xf32>
        %slice3A_1289 = vector.extract_strided_slice %mul3A_328 {offsets = [11], sizes = [1], strides = [1]} : vector<16xi32> to vector<1xi32>
        %squeeze3A_1290 = vector.extract %slice3A_1289[0] : i32 from vector<1xi32>
        %slice3A_1291 = vector.extract_strided_slice %mul3A_337 {offsets = [11], sizes = [1], strides = [1]} : vector<16xi32> to vector<1xi32>
        %squeeze3A_1292 = vector.extract %slice3A_1291[0] : i32 from vector<1xi32>
        %add3A_1293 = arith.constant 11 : i32
        %add3A_1294 = arith.addi %mul3A_320, %add3A_1293 : i32
        %add3A_1295 = arith.constant 0 : i32
        %add3A_1296 = arith.addi %squeeze3A_1290, %add3A_1295 : i32
        %get3A_1297 = arith.index_cast %add3A_1294 : i32 to index
        %get3A_1298 = arith.index_cast %add3A_1296 : i32 to index
        %get3A_1299 = tpu.vector_load %arg13[%get3A_1297, %get3A_1298] {strides = array<i32>} : memref<80x128xi32, #tpu.memory_space<vmem>>, vector<16xi32>,
        %add3A_1300 = arith.constant 11 : i32
        %add3A_1301 = arith.addi %mul3A_320, %add3A_1300 : i32
        %add3A_1302 = arith.constant 0 : i32
        %add3A_1303 = arith.addi %squeeze3A_1292, %add3A_1302 : i32
        %get3A_1304 = arith.index_cast %add3A_1301 : i32 to index
        %get3A_1305 = arith.index_cast %add3A_1303 : i32 to index
        %get3A_1306 = tpu.vector_load %arg14[%get3A_1304, %get3A_1305] {strides = array<i32>} : memref<80x128xi32, #tpu.memory_space<vmem>>, vector<16xi32>,
        %bitcast3A_1307 = vector.bitcast %get3A_1299 : vector<16xi32> to vector<32xbf16>
        %bitcast3A_1308 = vector.bitcast %get3A_1306 : vector<16xi32> to vector<32xbf16>
        %mul3A_1309 = arith.mulf %bitcast3A_1307, %bitcast3A_1308 : vector<32xbf16>
        %add3A_1310 = arith.constant 11 : i32
        %add3A_1311 = arith.addi %mul3A_320, %add3A_1310 : i32
        %add3A_1312 = arith.constant 16 : i32
        %add3A_1313 = arith.addi %squeeze3A_1290, %add3A_1312 : i32
        %get3A_1314 = arith.index_cast %add3A_1311 : i32 to index
        %get3A_1315 = arith.index_cast %add3A_1313 : i32 to index
        %get3A_1316 = tpu.vector_load %arg13[%get3A_1314, %get3A_1315] {strides = array<i32>} : memref<80x128xi32, #tpu.memory_space<vmem>>, vector<16xi32>,
        %add3A_1317 = arith.constant 11 : i32
        %add3A_1318 = arith.addi %mul3A_320, %add3A_1317 : i32
        %add3A_1319 = arith.constant 16 : i32
        %add3A_1320 = arith.addi %squeeze3A_1292, %add3A_1319 : i32
        %get3A_1321 = arith.index_cast %add3A_1318 : i32 to index
        %get3A_1322 = arith.index_cast %add3A_1320 : i32 to index
        %get3A_1323 = tpu.vector_load %arg14[%get3A_1321, %get3A_1322] {strides = array<i32>} : memref<80x128xi32, #tpu.memory_space<vmem>>, vector<16xi32>,
        %bitcast3A_1324 = vector.bitcast %get3A_1316 : vector<16xi32> to vector<32xbf16>
        %bitcast3A_1325 = vector.bitcast %get3A_1323 : vector<16xi32> to vector<32xbf16>
        %mul3A_1326 = arith.mulf %bitcast3A_1324, %bitcast3A_1325 : vector<32xbf16>
        %add3A_1327 = arith.constant 11 : i32
        %add3A_1328 = arith.addi %mul3A_320, %add3A_1327 : i32
        %add3A_1329 = arith.constant 32 : i32
        %add3A_1330 = arith.addi %squeeze3A_1290, %add3A_1329 : i32
        %get3A_1331 = arith.index_cast %add3A_1328 : i32 to index
        %get3A_1332 = arith.index_cast %add3A_1330 : i32 to index
        %get3A_1333 = tpu.vector_load %arg13[%get3A_1331, %get3A_1332] {strides = array<i32>} : memref<80x128xi32, #tpu.memory_space<vmem>>, vector<16xi32>,
        %add3A_1334 = arith.constant 11 : i32
        %add3A_1335 = arith.addi %mul3A_320, %add3A_1334 : i32
        %add3A_1336 = arith.constant 32 : i32
        %add3A_1337 = arith.addi %squeeze3A_1292, %add3A_1336 : i32
        %get3A_1338 = arith.index_cast %add3A_1335 : i32 to index
        %get3A_1339 = arith.index_cast %add3A_1337 : i32 to index
        %get3A_1340 = tpu.vector_load %arg14[%get3A_1338, %get3A_1339] {strides = array<i32>} : memref<80x128xi32, #tpu.memory_space<vmem>>, vector<16xi32>,
        %bitcast3A_1341 = vector.bitcast %get3A_1333 : vector<16xi32> to vector<32xbf16>
        %bitcast3A_1342 = vector.bitcast %get3A_1340 : vector<16xi32> to vector<32xbf16>
        %mul3A_1343 = arith.mulf %bitcast3A_1341, %bitcast3A_1342 : vector<32xbf16>
        %add3A_1344 = arith.constant 11 : i32
        %add3A_1345 = arith.addi %mul3A_320, %add3A_1344 : i32
        %add3A_1346 = arith.constant 48 : i32
        %add3A_1347 = arith.addi %squeeze3A_1290, %add3A_1346 : i32
        %get3A_1348 = arith.index_cast %add3A_1345 : i32 to index
        %get3A_1349 = arith.index_cast %add3A_1347 : i32 to index
        %get3A_1350 = tpu.vector_load %arg13[%get3A_1348, %get3A_1349] {strides = array<i32>} : memref<80x128xi32, #tpu.memory_space<vmem>>, vector<16xi32>,
        %add3A_1351 = arith.constant 11 : i32
        %add3A_1352 = arith.addi %mul3A_320, %add3A_1351 : i32
        %add3A_1353 = arith.constant 48 : i32
        %add3A_1354 = arith.addi %squeeze3A_1292, %add3A_1353 : i32
        %get3A_1355 = arith.index_cast %add3A_1352 : i32 to index
        %get3A_1356 = arith.index_cast %add3A_1354 : i32 to index
        %get3A_1357 = tpu.vector_load %arg14[%get3A_1355, %get3A_1356] {strides = array<i32>} : memref<80x128xi32, #tpu.memory_space<vmem>>, vector<16xi32>,
        %bitcast3A_1358 = vector.bitcast %get3A_1350 : vector<16xi32> to vector<32xbf16>
        %bitcast3A_1359 = vector.bitcast %get3A_1357 : vector<16xi32> to vector<32xbf16>
        %mul3A_1360 = arith.mulf %bitcast3A_1358, %bitcast3A_1359 : vector<32xbf16>
        %add3A_1361 = arith.addf %mul3A_1309, %mul3A_1326 : vector<32xbf16>
        %add3A_1362 = arith.addf %mul3A_1343, %mul3A_1360 : vector<32xbf16>
        %add3A_1363 = arith.addf %add3A_1361, %add3A_1362 : vector<32xbf16>
        %unpack3A_1364 = tpu.unpack_subelements %add3A_1363, 0 {pack_format = #tpu.pack_format<interleaved>} : vector<32xbf16> -> vector<16xf32>
        %unpack3A_1365 = tpu.unpack_subelements %add3A_1363, 1 {pack_format = #tpu.pack_format<interleaved>} : vector<32xbf16> -> vector<16xf32>
        %add3A_1366 = arith.addf %unpack3A_1364, %unpack3A_1365 : vector<16xf32>
        %reduce_sum3A_1367 = arith.constant true
        %reduce_sum3A_1368 = vector.broadcast %reduce_sum3A_1367 : i1 to vector<16xi1>
        %reduce_sum3A_1369 = tpu.scan <sum>, %add3A_1366 masked %reduce_sum3A_1368 : vector<16xf32>, vector<16xi1> -> vector<16xf32>
        %reduce_sum3A_1370 = vector.extract %reduce_sum3A_1369[15] : f32 from vector<16xf32>
        %eq3A_1371 = arith.constant 11 : i32
        %eq3A_1372 = vector.broadcast %eq3A_1371 : i32 to vector<16xi32>
        %eq3A_1373 = arith.cmpi eq, %iota3A, %eq3A_1372 : vector<16xi32>
        %broadcast_in_dim3A_1374 = vector.broadcast %reduce_sum3A_1370 : f32 to vector<16xf32>
        %select_n3A_1375 = arith.select %eq3A_1373, %broadcast_in_dim3A_1374, %select_n3A_1288 : vector<16xi1>, vector<16xf32>
        %slice3A_1376 = vector.extract_strided_slice %mul3A_328 {offsets = [12], sizes = [1], strides = [1]} : vector<16xi32> to vector<1xi32>
        %squeeze3A_1377 = vector.extract %slice3A_1376[0] : i32 from vector<1xi32>
        %slice3A_1378 = vector.extract_strided_slice %mul3A_337 {offsets = [12], sizes = [1], strides = [1]} : vector<16xi32> to vector<1xi32>
        %squeeze3A_1379 = vector.extract %slice3A_1378[0] : i32 from vector<1xi32>
        %add3A_1380 = arith.constant 12 : i32
        %add3A_1381 = arith.addi %mul3A_320, %add3A_1380 : i32
        %add3A_1382 = arith.constant 0 : i32
        %add3A_1383 = arith.addi %squeeze3A_1377, %add3A_1382 : i32
        %get3A_1384 = arith.index_cast %add3A_1381 : i32 to index
        %get3A_1385 = arith.index_cast %add3A_1383 : i32 to index
        %get3A_1386 = tpu.vector_load %arg13[%get3A_1384, %get3A_1385] {strides = array<i32>} : memref<80x128xi32, #tpu.memory_space<vmem>>, vector<16xi32>,
        %add3A_1387 = arith.constant 12 : i32
        %add3A_1388 = arith.addi %mul3A_320, %add3A_1387 : i32
        %add3A_1389 = arith.constant 0 : i32
        %add3A_1390 = arith.addi %squeeze3A_1379, %add3A_1389 : i32
        %get3A_1391 = arith.index_cast %add3A_1388 : i32 to index
        %get3A_1392 = arith.index_cast %add3A_1390 : i32 to index
        %get3A_1393 = tpu.vector_load %arg14[%get3A_1391, %get3A_1392] {strides = array<i32>} : memref<80x128xi32, #tpu.memory_space<vmem>>, vector<16xi32>,
        %bitcast3A_1394 = vector.bitcast %get3A_1386 : vector<16xi32> to vector<32xbf16>
        %bitcast3A_1395 = vector.bitcast %get3A_1393 : vector<16xi32> to vector<32xbf16>
        %mul3A_1396 = arith.mulf %bitcast3A_1394, %bitcast3A_1395 : vector<32xbf16>
        %add3A_1397 = arith.constant 12 : i32
        %add3A_1398 = arith.addi %mul3A_320, %add3A_1397 : i32
        %add3A_1399 = arith.constant 16 : i32
        %add3A_1400 = arith.addi %squeeze3A_1377, %add3A_1399 : i32
        %get3A_1401 = arith.index_cast %add3A_1398 : i32 to index
        %get3A_1402 = arith.index_cast %add3A_1400 : i32 to index
        %get3A_1403 = tpu.vector_load %arg13[%get3A_1401, %get3A_1402] {strides = array<i32>} : memref<80x128xi32, #tpu.memory_space<vmem>>, vector<16xi32>,
        %add3A_1404 = arith.constant 12 : i32
        %add3A_1405 = arith.addi %mul3A_320, %add3A_1404 : i32
        %add3A_1406 = arith.constant 16 : i32
        %add3A_1407 = arith.addi %squeeze3A_1379, %add3A_1406 : i32
        %get3A_1408 = arith.index_cast %add3A_1405 : i32 to index
        %get3A_1409 = arith.index_cast %add3A_1407 : i32 to index
        %get3A_1410 = tpu.vector_load %arg14[%get3A_1408, %get3A_1409] {strides = array<i32>} : memref<80x128xi32, #tpu.memory_space<vmem>>, vector<16xi32>,
        %bitcast3A_1411 = vector.bitcast %get3A_1403 : vector<16xi32> to vector<32xbf16>
        %bitcast3A_1412 = vector.bitcast %get3A_1410 : vector<16xi32> to vector<32xbf16>
        %mul3A_1413 = arith.mulf %bitcast3A_1411, %bitcast3A_1412 : vector<32xbf16>
        %add3A_1414 = arith.constant 12 : i32
        %add3A_1415 = arith.addi %mul3A_320, %add3A_1414 : i32
        %add3A_1416 = arith.constant 32 : i32
        %add3A_1417 = arith.addi %squeeze3A_1377, %add3A_1416 : i32
        %get3A_1418 = arith.index_cast %add3A_1415 : i32 to index
        %get3A_1419 = arith.index_cast %add3A_1417 : i32 to index
        %get3A_1420 = tpu.vector_load %arg13[%get3A_1418, %get3A_1419] {strides = array<i32>} : memref<80x128xi32, #tpu.memory_space<vmem>>, vector<16xi32>,
        %add3A_1421 = arith.constant 12 : i32
        %add3A_1422 = arith.addi %mul3A_320, %add3A_1421 : i32
        %add3A_1423 = arith.constant 32 : i32
        %add3A_1424 = arith.addi %squeeze3A_1379, %add3A_1423 : i32
        %get3A_1425 = arith.index_cast %add3A_1422 : i32 to index
        %get3A_1426 = arith.index_cast %add3A_1424 : i32 to index
        %get3A_1427 = tpu.vector_load %arg14[%get3A_1425, %get3A_1426] {strides = array<i32>} : memref<80x128xi32, #tpu.memory_space<vmem>>, vector<16xi32>,
        %bitcast3A_1428 = vector.bitcast %get3A_1420 : vector<16xi32> to vector<32xbf16>
        %bitcast3A_1429 = vector.bitcast %get3A_1427 : vector<16xi32> to vector<32xbf16>
        %mul3A_1430 = arith.mulf %bitcast3A_1428, %bitcast3A_1429 : vector<32xbf16>
        %add3A_1431 = arith.constant 12 : i32
        %add3A_1432 = arith.addi %mul3A_320, %add3A_1431 : i32
        %add3A_1433 = arith.constant 48 : i32
        %add3A_1434 = arith.addi %squeeze3A_1377, %add3A_1433 : i32
        %get3A_1435 = arith.index_cast %add3A_1432 : i32 to index
        %get3A_1436 = arith.index_cast %add3A_1434 : i32 to index
        %get3A_1437 = tpu.vector_load %arg13[%get3A_1435, %get3A_1436] {strides = array<i32>} : memref<80x128xi32, #tpu.memory_space<vmem>>, vector<16xi32>,
        %add3A_1438 = arith.constant 12 : i32
        %add3A_1439 = arith.addi %mul3A_320, %add3A_1438 : i32
        %add3A_1440 = arith.constant 48 : i32
        %add3A_1441 = arith.addi %squeeze3A_1379, %add3A_1440 : i32
        %get3A_1442 = arith.index_cast %add3A_1439 : i32 to index
        %get3A_1443 = arith.index_cast %add3A_1441 : i32 to index
        %get3A_1444 = tpu.vector_load %arg14[%get3A_1442, %get3A_1443] {strides = array<i32>} : memref<80x128xi32, #tpu.memory_space<vmem>>, vector<16xi32>,
        %bitcast3A_1445 = vector.bitcast %get3A_1437 : vector<16xi32> to vector<32xbf16>
        %bitcast3A_1446 = vector.bitcast %get3A_1444 : vector<16xi32> to vector<32xbf16>
        %mul3A_1447 = arith.mulf %bitcast3A_1445, %bitcast3A_1446 : vector<32xbf16>
        %add3A_1448 = arith.addf %mul3A_1396, %mul3A_1413 : vector<32xbf16>
        %add3A_1449 = arith.addf %mul3A_1430, %mul3A_1447 : vector<32xbf16>
        %add3A_1450 = arith.addf %add3A_1448, %add3A_1449 : vector<32xbf16>
        %unpack3A_1451 = tpu.unpack_subelements %add3A_1450, 0 {pack_format = #tpu.pack_format<interleaved>} : vector<32xbf16> -> vector<16xf32>
        %unpack3A_1452 = tpu.unpack_subelements %add3A_1450, 1 {pack_format = #tpu.pack_format<interleaved>} : vector<32xbf16> -> vector<16xf32>
        %add3A_1453 = arith.addf %unpack3A_1451, %unpack3A_1452 : vector<16xf32>
        %reduce_sum3A_1454 = arith.constant true
        %reduce_sum3A_1455 = vector.broadcast %reduce_sum3A_1454 : i1 to vector<16xi1>
        %reduce_sum3A_1456 = tpu.scan <sum>, %add3A_1453 masked %reduce_sum3A_1455 : vector<16xf32>, vector<16xi1> -> vector<16xf32>
        %reduce_sum3A_1457 = vector.extract %reduce_sum3A_1456[15] : f32 from vector<16xf32>
        %eq3A_1458 = arith.constant 12 : i32
        %eq3A_1459 = vector.broadcast %eq3A_1458 : i32 to vector<16xi32>
        %eq3A_1460 = arith.cmpi eq, %iota3A, %eq3A_1459 : vector<16xi32>
        %broadcast_in_dim3A_1461 = vector.broadcast %reduce_sum3A_1457 : f32 to vector<16xf32>
        %select_n3A_1462 = arith.select %eq3A_1460, %broadcast_in_dim3A_1461, %select_n3A_1375 : vector<16xi1>, vector<16xf32>
        %slice3A_1463 = vector.extract_strided_slice %mul3A_328 {offsets = [13], sizes = [1], strides = [1]} : vector<16xi32> to vector<1xi32>
        %squeeze3A_1464 = vector.extract %slice3A_1463[0] : i32 from vector<1xi32>
        %slice3A_1465 = vector.extract_strided_slice %mul3A_337 {offsets = [13], sizes = [1], strides = [1]} : vector<16xi32> to vector<1xi32>
        %squeeze3A_1466 = vector.extract %slice3A_1465[0] : i32 from vector<1xi32>
        %add3A_1467 = arith.constant 13 : i32
        %add3A_1468 = arith.addi %mul3A_320, %add3A_1467 : i32
        %add3A_1469 = arith.constant 0 : i32
        %add3A_1470 = arith.addi %squeeze3A_1464, %add3A_1469 : i32
        %get3A_1471 = arith.index_cast %add3A_1468 : i32 to index
        %get3A_1472 = arith.index_cast %add3A_1470 : i32 to index
        %get3A_1473 = tpu.vector_load %arg13[%get3A_1471, %get3A_1472] {strides = array<i32>} : memref<80x128xi32, #tpu.memory_space<vmem>>, vector<16xi32>,
        %add3A_1474 = arith.constant 13 : i32
        %add3A_1475 = arith.addi %mul3A_320, %add3A_1474 : i32
        %add3A_1476 = arith.constant 0 : i32
        %add3A_1477 = arith.addi %squeeze3A_1466, %add3A_1476 : i32
        %get3A_1478 = arith.index_cast %add3A_1475 : i32 to index
        %get3A_1479 = arith.index_cast %add3A_1477 : i32 to index
        %get3A_1480 = tpu.vector_load %arg14[%get3A_1478, %get3A_1479] {strides = array<i32>} : memref<80x128xi32, #tpu.memory_space<vmem>>, vector<16xi32>,
        %bitcast3A_1481 = vector.bitcast %get3A_1473 : vector<16xi32> to vector<32xbf16>
        %bitcast3A_1482 = vector.bitcast %get3A_1480 : vector<16xi32> to vector<32xbf16>
        %mul3A_1483 = arith.mulf %bitcast3A_1481, %bitcast3A_1482 : vector<32xbf16>
        %add3A_1484 = arith.constant 13 : i32
        %add3A_1485 = arith.addi %mul3A_320, %add3A_1484 : i32
        %add3A_1486 = arith.constant 16 : i32
        %add3A_1487 = arith.addi %squeeze3A_1464, %add3A_1486 : i32
        %get3A_1488 = arith.index_cast %add3A_1485 : i32 to index
        %get3A_1489 = arith.index_cast %add3A_1487 : i32 to index
        %get3A_1490 = tpu.vector_load %arg13[%get3A_1488, %get3A_1489] {strides = array<i32>} : memref<80x128xi32, #tpu.memory_space<vmem>>, vector<16xi32>,
        %add3A_1491 = arith.constant 13 : i32
        %add3A_1492 = arith.addi %mul3A_320, %add3A_1491 : i32
        %add3A_1493 = arith.constant 16 : i32
        %add3A_1494 = arith.addi %squeeze3A_1466, %add3A_1493 : i32
        %get3A_1495 = arith.index_cast %add3A_1492 : i32 to index
        %get3A_1496 = arith.index_cast %add3A_1494 : i32 to index
        %get3A_1497 = tpu.vector_load %arg14[%get3A_1495, %get3A_1496] {strides = array<i32>} : memref<80x128xi32, #tpu.memory_space<vmem>>, vector<16xi32>,
        %bitcast3A_1498 = vector.bitcast %get3A_1490 : vector<16xi32> to vector<32xbf16>
        %bitcast3A_1499 = vector.bitcast %get3A_1497 : vector<16xi32> to vector<32xbf16>
        %mul3A_1500 = arith.mulf %bitcast3A_1498, %bitcast3A_1499 : vector<32xbf16>
        %add3A_1501 = arith.constant 13 : i32
        %add3A_1502 = arith.addi %mul3A_320, %add3A_1501 : i32
        %add3A_1503 = arith.constant 32 : i32
        %add3A_1504 = arith.addi %squeeze3A_1464, %add3A_1503 : i32
        %get3A_1505 = arith.index_cast %add3A_1502 : i32 to index
        %get3A_1506 = arith.index_cast %add3A_1504 : i32 to index
        %get3A_1507 = tpu.vector_load %arg13[%get3A_1505, %get3A_1506] {strides = array<i32>} : memref<80x128xi32, #tpu.memory_space<vmem>>, vector<16xi32>,
        %add3A_1508 = arith.constant 13 : i32
        %add3A_1509 = arith.addi %mul3A_320, %add3A_1508 : i32
        %add3A_1510 = arith.constant 32 : i32
        %add3A_1511 = arith.addi %squeeze3A_1466, %add3A_1510 : i32
        %get3A_1512 = arith.index_cast %add3A_1509 : i32 to index
        %get3A_1513 = arith.index_cast %add3A_1511 : i32 to index
        %get3A_1514 = tpu.vector_load %arg14[%get3A_1512, %get3A_1513] {strides = array<i32>} : memref<80x128xi32, #tpu.memory_space<vmem>>, vector<16xi32>,
        %bitcast3A_1515 = vector.bitcast %get3A_1507 : vector<16xi32> to vector<32xbf16>
        %bitcast3A_1516 = vector.bitcast %get3A_1514 : vector<16xi32> to vector<32xbf16>
        %mul3A_1517 = arith.mulf %bitcast3A_1515, %bitcast3A_1516 : vector<32xbf16>
        %add3A_1518 = arith.constant 13 : i32
        %add3A_1519 = arith.addi %mul3A_320, %add3A_1518 : i32
        %add3A_1520 = arith.constant 48 : i32
        %add3A_1521 = arith.addi %squeeze3A_1464, %add3A_1520 : i32
        %get3A_1522 = arith.index_cast %add3A_1519 : i32 to index
        %get3A_1523 = arith.index_cast %add3A_1521 : i32 to index
        %get3A_1524 = tpu.vector_load %arg13[%get3A_1522, %get3A_1523] {strides = array<i32>} : memref<80x128xi32, #tpu.memory_space<vmem>>, vector<16xi32>,
        %add3A_1525 = arith.constant 13 : i32
        %add3A_1526 = arith.addi %mul3A_320, %add3A_1525 : i32
        %add3A_1527 = arith.constant 48 : i32
        %add3A_1528 = arith.addi %squeeze3A_1466, %add3A_1527 : i32
        %get3A_1529 = arith.index_cast %add3A_1526 : i32 to index
        %get3A_1530 = arith.index_cast %add3A_1528 : i32 to index
        %get3A_1531 = tpu.vector_load %arg14[%get3A_1529, %get3A_1530] {strides = array<i32>} : memref<80x128xi32, #tpu.memory_space<vmem>>, vector<16xi32>,
        %bitcast3A_1532 = vector.bitcast %get3A_1524 : vector<16xi32> to vector<32xbf16>
        %bitcast3A_1533 = vector.bitcast %get3A_1531 : vector<16xi32> to vector<32xbf16>
        %mul3A_1534 = arith.mulf %bitcast3A_1532, %bitcast3A_1533 : vector<32xbf16>
        %add3A_1535 = arith.addf %mul3A_1483, %mul3A_1500 : vector<32xbf16>
        %add3A_1536 = arith.addf %mul3A_1517, %mul3A_1534 : vector<32xbf16>
        %add3A_1537 = arith.addf %add3A_1535, %add3A_1536 : vector<32xbf16>
        %unpack3A_1538 = tpu.unpack_subelements %add3A_1537, 0 {pack_format = #tpu.pack_format<interleaved>} : vector<32xbf16> -> vector<16xf32>
        %unpack3A_1539 = tpu.unpack_subelements %add3A_1537, 1 {pack_format = #tpu.pack_format<interleaved>} : vector<32xbf16> -> vector<16xf32>
        %add3A_1540 = arith.addf %unpack3A_1538, %unpack3A_1539 : vector<16xf32>
        %reduce_sum3A_1541 = arith.constant true
        %reduce_sum3A_1542 = vector.broadcast %reduce_sum3A_1541 : i1 to vector<16xi1>
        %reduce_sum3A_1543 = tpu.scan <sum>, %add3A_1540 masked %reduce_sum3A_1542 : vector<16xf32>, vector<16xi1> -> vector<16xf32>
        %reduce_sum3A_1544 = vector.extract %reduce_sum3A_1543[15] : f32 from vector<16xf32>
        %eq3A_1545 = arith.constant 13 : i32
        %eq3A_1546 = vector.broadcast %eq3A_1545 : i32 to vector<16xi32>
        %eq3A_1547 = arith.cmpi eq, %iota3A, %eq3A_1546 : vector<16xi32>
        %broadcast_in_dim3A_1548 = vector.broadcast %reduce_sum3A_1544 : f32 to vector<16xf32>
        %select_n3A_1549 = arith.select %eq3A_1547, %broadcast_in_dim3A_1548, %select_n3A_1462 : vector<16xi1>, vector<16xf32>
        %slice3A_1550 = vector.extract_strided_slice %mul3A_328 {offsets = [14], sizes = [1], strides = [1]} : vector<16xi32> to vector<1xi32>
        %squeeze3A_1551 = vector.extract %slice3A_1550[0] : i32 from vector<1xi32>
        %slice3A_1552 = vector.extract_strided_slice %mul3A_337 {offsets = [14], sizes = [1], strides = [1]} : vector<16xi32> to vector<1xi32>
        %squeeze3A_1553 = vector.extract %slice3A_1552[0] : i32 from vector<1xi32>
        %add3A_1554 = arith.constant 14 : i32
        %add3A_1555 = arith.addi %mul3A_320, %add3A_1554 : i32
        %add3A_1556 = arith.constant 0 : i32
        %add3A_1557 = arith.addi %squeeze3A_1551, %add3A_1556 : i32
        %get3A_1558 = arith.index_cast %add3A_1555 : i32 to index
        %get3A_1559 = arith.index_cast %add3A_1557 : i32 to index
        %get3A_1560 = tpu.vector_load %arg13[%get3A_1558, %get3A_1559] {strides = array<i32>} : memref<80x128xi32, #tpu.memory_space<vmem>>, vector<16xi32>,
        %add3A_1561 = arith.constant 14 : i32
        %add3A_1562 = arith.addi %mul3A_320, %add3A_1561 : i32
        %add3A_1563 = arith.constant 0 : i32
        %add3A_1564 = arith.addi %squeeze3A_1553, %add3A_1563 : i32
        %get3A_1565 = arith.index_cast %add3A_1562 : i32 to index
        %get3A_1566 = arith.index_cast %add3A_1564 : i32 to index
        %get3A_1567 = tpu.vector_load %arg14[%get3A_1565, %get3A_1566] {strides = array<i32>} : memref<80x128xi32, #tpu.memory_space<vmem>>, vector<16xi32>,
        %bitcast3A_1568 = vector.bitcast %get3A_1560 : vector<16xi32> to vector<32xbf16>
        %bitcast3A_1569 = vector.bitcast %get3A_1567 : vector<16xi32> to vector<32xbf16>
        %mul3A_1570 = arith.mulf %bitcast3A_1568, %bitcast3A_1569 : vector<32xbf16>
        %add3A_1571 = arith.constant 14 : i32
        %add3A_1572 = arith.addi %mul3A_320, %add3A_1571 : i32
        %add3A_1573 = arith.constant 16 : i32
        %add3A_1574 = arith.addi %squeeze3A_1551, %add3A_1573 : i32
        %get3A_1575 = arith.index_cast %add3A_1572 : i32 to index
        %get3A_1576 = arith.index_cast %add3A_1574 : i32 to index
        %get3A_1577 = tpu.vector_load %arg13[%get3A_1575, %get3A_1576] {strides = array<i32>} : memref<80x128xi32, #tpu.memory_space<vmem>>, vector<16xi32>,
        %add3A_1578 = arith.constant 14 : i32
        %add3A_1579 = arith.addi %mul3A_320, %add3A_1578 : i32
        %add3A_1580 = arith.constant 16 : i32
        %add3A_1581 = arith.addi %squeeze3A_1553, %add3A_1580 : i32
        %get3A_1582 = arith.index_cast %add3A_1579 : i32 to index
        %get3A_1583 = arith.index_cast %add3A_1581 : i32 to index
        %get3A_1584 = tpu.vector_load %arg14[%get3A_1582, %get3A_1583] {strides = array<i32>} : memref<80x128xi32, #tpu.memory_space<vmem>>, vector<16xi32>,
        %bitcast3A_1585 = vector.bitcast %get3A_1577 : vector<16xi32> to vector<32xbf16>
        %bitcast3A_1586 = vector.bitcast %get3A_1584 : vector<16xi32> to vector<32xbf16>
        %mul3A_1587 = arith.mulf %bitcast3A_1585, %bitcast3A_1586 : vector<32xbf16>
        %add3A_1588 = arith.constant 14 : i32
        %add3A_1589 = arith.addi %mul3A_320, %add3A_1588 : i32
        %add3A_1590 = arith.constant 32 : i32
        %add3A_1591 = arith.addi %squeeze3A_1551, %add3A_1590 : i32
        %get3A_1592 = arith.index_cast %add3A_1589 : i32 to index
        %get3A_1593 = arith.index_cast %add3A_1591 : i32 to index
        %get3A_1594 = tpu.vector_load %arg13[%get3A_1592, %get3A_1593] {strides = array<i32>} : memref<80x128xi32, #tpu.memory_space<vmem>>, vector<16xi32>,
        %add3A_1595 = arith.constant 14 : i32
        %add3A_1596 = arith.addi %mul3A_320, %add3A_1595 : i32
        %add3A_1597 = arith.constant 32 : i32
        %add3A_1598 = arith.addi %squeeze3A_1553, %add3A_1597 : i32
        %get3A_1599 = arith.index_cast %add3A_1596 : i32 to index
        %get3A_1600 = arith.index_cast %add3A_1598 : i32 to index
        %get3A_1601 = tpu.vector_load %arg14[%get3A_1599, %get3A_1600] {strides = array<i32>} : memref<80x128xi32, #tpu.memory_space<vmem>>, vector<16xi32>,
        %bitcast3A_1602 = vector.bitcast %get3A_1594 : vector<16xi32> to vector<32xbf16>
        %bitcast3A_1603 = vector.bitcast %get3A_1601 : vector<16xi32> to vector<32xbf16>
        %mul3A_1604 = arith.mulf %bitcast3A_1602, %bitcast3A_1603 : vector<32xbf16>
        %add3A_1605 = arith.constant 14 : i32
        %add3A_1606 = arith.addi %mul3A_320, %add3A_1605 : i32
        %add3A_1607 = arith.constant 48 : i32
        %add3A_1608 = arith.addi %squeeze3A_1551, %add3A_1607 : i32
        %get3A_1609 = arith.index_cast %add3A_1606 : i32 to index
        %get3A_1610 = arith.index_cast %add3A_1608 : i32 to index
        %get3A_1611 = tpu.vector_load %arg13[%get3A_1609, %get3A_1610] {strides = array<i32>} : memref<80x128xi32, #tpu.memory_space<vmem>>, vector<16xi32>,
        %add3A_1612 = arith.constant 14 : i32
        %add3A_1613 = arith.addi %mul3A_320, %add3A_1612 : i32
        %add3A_1614 = arith.constant 48 : i32
        %add3A_1615 = arith.addi %squeeze3A_1553, %add3A_1614 : i32
        %get3A_1616 = arith.index_cast %add3A_1613 : i32 to index
        %get3A_1617 = arith.index_cast %add3A_1615 : i32 to index
        %get3A_1618 = tpu.vector_load %arg14[%get3A_1616, %get3A_1617] {strides = array<i32>} : memref<80x128xi32, #tpu.memory_space<vmem>>, vector<16xi32>,
        %bitcast3A_1619 = vector.bitcast %get3A_1611 : vector<16xi32> to vector<32xbf16>
        %bitcast3A_1620 = vector.bitcast %get3A_1618 : vector<16xi32> to vector<32xbf16>
        %mul3A_1621 = arith.mulf %bitcast3A_1619, %bitcast3A_1620 : vector<32xbf16>
        %add3A_1622 = arith.addf %mul3A_1570, %mul3A_1587 : vector<32xbf16>
        %add3A_1623 = arith.addf %mul3A_1604, %mul3A_1621 : vector<32xbf16>
        %add3A_1624 = arith.addf %add3A_1622, %add3A_1623 : vector<32xbf16>
        %unpack3A_1625 = tpu.unpack_subelements %add3A_1624, 0 {pack_format = #tpu.pack_format<interleaved>} : vector<32xbf16> -> vector<16xf32>
        %unpack3A_1626 = tpu.unpack_subelements %add3A_1624, 1 {pack_format = #tpu.pack_format<interleaved>} : vector<32xbf16> -> vector<16xf32>
        %add3A_1627 = arith.addf %unpack3A_1625, %unpack3A_1626 : vector<16xf32>
        %reduce_sum3A_1628 = arith.constant true
        %reduce_sum3A_1629 = vector.broadcast %reduce_sum3A_1628 : i1 to vector<16xi1>
        %reduce_sum3A_1630 = tpu.scan <sum>, %add3A_1627 masked %reduce_sum3A_1629 : vector<16xf32>, vector<16xi1> -> vector<16xf32>
        %reduce_sum3A_1631 = vector.extract %reduce_sum3A_1630[15] : f32 from vector<16xf32>
        %eq3A_1632 = arith.constant 14 : i32
        %eq3A_1633 = vector.broadcast %eq3A_1632 : i32 to vector<16xi32>
        %eq3A_1634 = arith.cmpi eq, %iota3A, %eq3A_1633 : vector<16xi32>
        %broadcast_in_dim3A_1635 = vector.broadcast %reduce_sum3A_1631 : f32 to vector<16xf32>
        %select_n3A_1636 = arith.select %eq3A_1634, %broadcast_in_dim3A_1635, %select_n3A_1549 : vector<16xi1>, vector<16xf32>
        %slice3A_1637 = vector.extract_strided_slice %mul3A_328 {offsets = [15], sizes = [1], strides = [1]} : vector<16xi32> to vector<1xi32>
        %squeeze3A_1638 = vector.extract %slice3A_1637[0] : i32 from vector<1xi32>
        %slice3A_1639 = vector.extract_strided_slice %mul3A_337 {offsets = [15], sizes = [1], strides = [1]} : vector<16xi32> to vector<1xi32>
        %squeeze3A_1640 = vector.extract %slice3A_1639[0] : i32 from vector<1xi32>
        %add3A_1641 = arith.constant 15 : i32
        %add3A_1642 = arith.addi %mul3A_320, %add3A_1641 : i32
        %add3A_1643 = arith.constant 0 : i32
        %add3A_1644 = arith.addi %squeeze3A_1638, %add3A_1643 : i32
        %get3A_1645 = arith.index_cast %add3A_1642 : i32 to index
        %get3A_1646 = arith.index_cast %add3A_1644 : i32 to index
        %get3A_1647 = tpu.vector_load %arg13[%get3A_1645, %get3A_1646] {strides = array<i32>} : memref<80x128xi32, #tpu.memory_space<vmem>>, vector<16xi32>,
        %add3A_1648 = arith.constant 15 : i32
        %add3A_1649 = arith.addi %mul3A_320, %add3A_1648 : i32
        %add3A_1650 = arith.constant 0 : i32
        %add3A_1651 = arith.addi %squeeze3A_1640, %add3A_1650 : i32
        %get3A_1652 = arith.index_cast %add3A_1649 : i32 to index
        %get3A_1653 = arith.index_cast %add3A_1651 : i32 to index
        %get3A_1654 = tpu.vector_load %arg14[%get3A_1652, %get3A_1653] {strides = array<i32>} : memref<80x128xi32, #tpu.memory_space<vmem>>, vector<16xi32>,
        %bitcast3A_1655 = vector.bitcast %get3A_1647 : vector<16xi32> to vector<32xbf16>
        %bitcast3A_1656 = vector.bitcast %get3A_1654 : vector<16xi32> to vector<32xbf16>
        %mul3A_1657 = arith.mulf %bitcast3A_1655, %bitcast3A_1656 : vector<32xbf16>
        %add3A_1658 = arith.constant 15 : i32
        %add3A_1659 = arith.addi %mul3A_320, %add3A_1658 : i32
        %add3A_1660 = arith.constant 16 : i32
        %add3A_1661 = arith.addi %squeeze3A_1638, %add3A_1660 : i32
        %get3A_1662 = arith.index_cast %add3A_1659 : i32 to index
        %get3A_1663 = arith.index_cast %add3A_1661 : i32 to index
        %get3A_1664 = tpu.vector_load %arg13[%get3A_1662, %get3A_1663] {strides = array<i32>} : memref<80x128xi32, #tpu.memory_space<vmem>>, vector<16xi32>,
        %add3A_1665 = arith.constant 15 : i32
        %add3A_1666 = arith.addi %mul3A_320, %add3A_1665 : i32
        %add3A_1667 = arith.constant 16 : i32
        %add3A_1668 = arith.addi %squeeze3A_1640, %add3A_1667 : i32
        %get3A_1669 = arith.index_cast %add3A_1666 : i32 to index
        %get3A_1670 = arith.index_cast %add3A_1668 : i32 to index
        %get3A_1671 = tpu.vector_load %arg14[%get3A_1669, %get3A_1670] {strides = array<i32>} : memref<80x128xi32, #tpu.memory_space<vmem>>, vector<16xi32>,
        %bitcast3A_1672 = vector.bitcast %get3A_1664 : vector<16xi32> to vector<32xbf16>
        %bitcast3A_1673 = vector.bitcast %get3A_1671 : vector<16xi32> to vector<32xbf16>
        %mul3A_1674 = arith.mulf %bitcast3A_1672, %bitcast3A_1673 : vector<32xbf16>
        %add3A_1675 = arith.constant 15 : i32
        %add3A_1676 = arith.addi %mul3A_320, %add3A_1675 : i32
        %add3A_1677 = arith.constant 32 : i32
        %add3A_1678 = arith.addi %squeeze3A_1638, %add3A_1677 : i32
        %get3A_1679 = arith.index_cast %add3A_1676 : i32 to index
        %get3A_1680 = arith.index_cast %add3A_1678 : i32 to index
        %get3A_1681 = tpu.vector_load %arg13[%get3A_1679, %get3A_1680] {strides = array<i32>} : memref<80x128xi32, #tpu.memory_space<vmem>>, vector<16xi32>,
        %add3A_1682 = arith.constant 15 : i32
        %add3A_1683 = arith.addi %mul3A_320, %add3A_1682 : i32
        %add3A_1684 = arith.constant 32 : i32
        %add3A_1685 = arith.addi %squeeze3A_1640, %add3A_1684 : i32
        %get3A_1686 = arith.index_cast %add3A_1683 : i32 to index
        %get3A_1687 = arith.index_cast %add3A_1685 : i32 to index
        %get3A_1688 = tpu.vector_load %arg14[%get3A_1686, %get3A_1687] {strides = array<i32>} : memref<80x128xi32, #tpu.memory_space<vmem>>, vector<16xi32>,
        %bitcast3A_1689 = vector.bitcast %get3A_1681 : vector<16xi32> to vector<32xbf16>
        %bitcast3A_1690 = vector.bitcast %get3A_1688 : vector<16xi32> to vector<32xbf16>
        %mul3A_1691 = arith.mulf %bitcast3A_1689, %bitcast3A_1690 : vector<32xbf16>
        %add3A_1692 = arith.constant 15 : i32
        %add3A_1693 = arith.addi %mul3A_320, %add3A_1692 : i32
        %add3A_1694 = arith.constant 48 : i32
        %add3A_1695 = arith.addi %squeeze3A_1638, %add3A_1694 : i32
        %get3A_1696 = arith.index_cast %add3A_1693 : i32 to index
        %get3A_1697 = arith.index_cast %add3A_1695 : i32 to index
        %get3A_1698 = tpu.vector_load %arg13[%get3A_1696, %get3A_1697] {strides = array<i32>} : memref<80x128xi32, #tpu.memory_space<vmem>>, vector<16xi32>,
        %add3A_1699 = arith.constant 15 : i32
        %add3A_1700 = arith.addi %mul3A_320, %add3A_1699 : i32
        %add3A_1701 = arith.constant 48 : i32
        %add3A_1702 = arith.addi %squeeze3A_1640, %add3A_1701 : i32
        %get3A_1703 = arith.index_cast %add3A_1700 : i32 to index
        %get3A_1704 = arith.index_cast %add3A_1702 : i32 to index
        %get3A_1705 = tpu.vector_load %arg14[%get3A_1703, %get3A_1704] {strides = array<i32>} : memref<80x128xi32, #tpu.memory_space<vmem>>, vector<16xi32>,
        %bitcast3A_1706 = vector.bitcast %get3A_1698 : vector<16xi32> to vector<32xbf16>
        %bitcast3A_1707 = vector.bitcast %get3A_1705 : vector<16xi32> to vector<32xbf16>
        %mul3A_1708 = arith.mulf %bitcast3A_1706, %bitcast3A_1707 : vector<32xbf16>
        %add3A_1709 = arith.addf %mul3A_1657, %mul3A_1674 : vector<32xbf16>
        %add3A_1710 = arith.addf %mul3A_1691, %mul3A_1708 : vector<32xbf16>
        %add3A_1711 = arith.addf %add3A_1709, %add3A_1710 : vector<32xbf16>
        %unpack3A_1712 = tpu.unpack_subelements %add3A_1711, 0 {pack_format = #tpu.pack_format<interleaved>} : vector<32xbf16> -> vector<16xf32>
        %unpack3A_1713 = tpu.unpack_subelements %add3A_1711, 1 {pack_format = #tpu.pack_format<interleaved>} : vector<32xbf16> -> vector<16xf32>
        %add3A_1714 = arith.addf %unpack3A_1712, %unpack3A_1713 : vector<16xf32>
        %reduce_sum3A_1715 = arith.constant true
        %reduce_sum3A_1716 = vector.broadcast %reduce_sum3A_1715 : i1 to vector<16xi1>
        %reduce_sum3A_1717 = tpu.scan <sum>, %add3A_1714 masked %reduce_sum3A_1716 : vector<16xf32>, vector<16xi1> -> vector<16xf32>
        %reduce_sum3A_1718 = vector.extract %reduce_sum3A_1717[15] : f32 from vector<16xf32>
        %eq3A_1719 = arith.constant 15 : i32
        %eq3A_1720 = vector.broadcast %eq3A_1719 : i32 to vector<16xi32>
        %eq3A_1721 = arith.cmpi eq, %iota3A, %eq3A_1720 : vector<16xi32>
        %broadcast_in_dim3A_1722 = vector.broadcast %reduce_sum3A_1718 : f32 to vector<16xf32>
        %select_n3A_1723 = arith.select %eq3A_1721, %broadcast_in_dim3A_1722, %select_n3A_1636 : vector<16xi1>, vector<16xf32>
        %neg3A = arith.constant 0.000000e+00 : f32
        %neg3A_1724 = vector.broadcast %neg3A : f32 to vector<16xf32>
        %neg3A_1725 = arith.subf %neg3A_1724, %select_n3A_1723 : vector<16xf32>
        %exp3A = math.exp %neg3A_1725 : vector<16xf32>
        %add3A_1726 = arith.constant 1.000000e+00 : f32
        %add3A_1727 = vector.broadcast %add3A_1726 : f32 to vector<16xf32>
        %add3A_1728 = arith.addf %add3A_1727, %exp3A : vector<16xf32>
        %div3A = arith.constant 1.000000e+00 : f32
        %div3A_1729 = vector.broadcast %div3A : f32 to vector<16xf32>
        %div3A_1730 = arith.divf %div3A_1729, %add3A_1728 : vector<16xf32>
        %mul3A_1731 = arith.constant 80 : i32
        %mul3A_1732 = arith.muli %mul3A_115, %mul3A_1731 : i32
        %add3A_1733 = arith.addi %mul3A_1732, %mul3A_320 : i32
        %swap3A_1734 = arith.index_cast %add3A_1733 : i32 to index
        %swap3A_1735 = tpu.vector_load %arg17[%swap3A_1734] {strides = array<i32>} : memref<10000xf32, #tpu.memory_space<vmem>>, vector<16xf32>,
        tpu.vector_store %arg17[%swap3A_1734], %div3A_1730 {strides = array<i32>} : memref<10000xf32, #tpu.memory_space<vmem>>, vector<16xf32>,
      }
      %scan3A_215 = arith.constant 5 : i32
      %add3A_216 = arith.constant 2 : i32
      %add3A_217 = arith.addi %mul3A_115, %add3A_216 : i32
      %get3A_218 = arith.index_cast %add3A_217 : i32 to index
      %get3A_219 = arith.constant 0 : index
      %get3A_220 = tpu.vector_load %arg7[%get3A_218, %get3A_219] {strides = array<i32>} : memref<125x80xi32, #tpu.memory_space<vmem>>, vector<16xi32>,
      %shift_right_logical3A_221 = arith.constant 1 : i32
      %shift_right_logical3A_222 = vector.broadcast %shift_right_logical3A_221 : i32 to vector<16xi32>
      %shift_right_logical3A_223 = arith.shrui %get3A_220, %shift_right_logical3A_222 : vector<16xi32>
      %swap3A_224 = arith.constant 0 : index
      %swap3A_225 = tpu.vector_load %arg9[%swap3A_224] {strides = array<i32>} : memref<80xi32, #tpu.memory_space<vmem>>, vector<16xi32>,
      tpu.vector_store %arg9[%swap3A_224], %shift_right_logical3A_223 {strides = array<i32>} : memref<80xi32, #tpu.memory_space<vmem>>, vector<16xi32>,
      %get3A_226 = arith.index_cast %add3A_217 : i32 to index
      %get3A_227 = arith.constant 0 : index
      %get3A_228 = tpu.vector_load %arg8[%get3A_226, %get3A_227] {strides = array<i32>} : memref<125x80xi32, #tpu.memory_space<vmem>>, vector<16xi32>,
      %shift_right_logical3A_229 = arith.constant 1 : i32
      %shift_right_logical3A_230 = vector.broadcast %shift_right_logical3A_229 : i32 to vector<16xi32>
      %shift_right_logical3A_231 = arith.shrui %get3A_228, %shift_right_logical3A_230 : vector<16xi32>
      %swap3A_232 = arith.constant 0 : index
      %swap3A_233 = tpu.vector_load %arg10[%swap3A_232] {strides = array<i32>} : memref<80xi32, #tpu.memory_space<vmem>>, vector<16xi32>,
      tpu.vector_store %arg10[%swap3A_232], %shift_right_logical3A_231 {strides = array<i32>} : memref<80xi32, #tpu.memory_space<vmem>>, vector<16xi32>,
      %get3A_234 = arith.index_cast %add3A_217 : i32 to index
      %get3A_235 = arith.constant 16 : index
      %get3A_236 = tpu.vector_load %arg7[%get3A_234, %get3A_235] {strides = array<i32>} : memref<125x80xi32, #tpu.memory_space<vmem>>, vector<16xi32>,
      %shift_right_logical3A_237 = arith.constant 1 : i32
      %shift_right_logical3A_238 = vector.broadcast %shift_right_logical3A_237 : i32 to vector<16xi32>
      %shift_right_logical3A_239 = arith.shrui %get3A_236, %shift_right_logical3A_238 : vector<16xi32>
      %swap3A_240 = arith.constant 16 : index
      %swap3A_241 = tpu.vector_load %arg9[%swap3A_240] {strides = array<i32>} : memref<80xi32, #tpu.memory_space<vmem>>, vector<16xi32>,
      tpu.vector_store %arg9[%swap3A_240], %shift_right_logical3A_239 {strides = array<i32>} : memref<80xi32, #tpu.memory_space<vmem>>, vector<16xi32>,
      %get3A_242 = arith.index_cast %add3A_217 : i32 to index
      %get3A_243 = arith.constant 16 : index
      %get3A_244 = tpu.vector_load %arg8[%get3A_242, %get3A_243] {strides = array<i32>} : memref<125x80xi32, #tpu.memory_space<vmem>>, vector<16xi32>,
      %shift_right_logical3A_245 = arith.constant 1 : i32
      %shift_right_logical3A_246 = vector.broadcast %shift_right_logical3A_245 : i32 to vector<16xi32>
      %shift_right_logical3A_247 = arith.shrui %get3A_244, %shift_right_logical3A_246 : vector<16xi32>
      %swap3A_248 = arith.constant 16 : index
      %swap3A_249 = tpu.vector_load %arg10[%swap3A_248] {strides = array<i32>} : memref<80xi32, #tpu.memory_space<vmem>>, vector<16xi32>,
      tpu.vector_store %arg10[%swap3A_248], %shift_right_logical3A_247 {strides = array<i32>} : memref<80xi32, #tpu.memory_space<vmem>>, vector<16xi32>,
      %get3A_250 = arith.index_cast %add3A_217 : i32 to index
      %get3A_251 = arith.constant 32 : index
      %get3A_252 = tpu.vector_load %arg7[%get3A_250, %get3A_251] {strides = array<i32>} : memref<125x80xi32, #tpu.memory_space<vmem>>, vector<16xi32>,
      %shift_right_logical3A_253 = arith.constant 1 : i32
      %shift_right_logical3A_254 = vector.broadcast %shift_right_logical3A_253 : i32 to vector<16xi32>
      %shift_right_logical3A_255 = arith.shrui %get3A_252, %shift_right_logical3A_254 : vector<16xi32>
      %swap3A_256 = arith.constant 32 : index
      %swap3A_257 = tpu.vector_load %arg9[%swap3A_256] {strides = array<i32>} : memref<80xi32, #tpu.memory_space<vmem>>, vector<16xi32>,
      tpu.vector_store %arg9[%swap3A_256], %shift_right_logical3A_255 {strides = array<i32>} : memref<80xi32, #tpu.memory_space<vmem>>, vector<16xi32>,
      %get3A_258 = arith.index_cast %add3A_217 : i32 to index
      %get3A_259 = arith.constant 32 : index
      %get3A_260 = tpu.vector_load %arg8[%get3A_258, %get3A_259] {strides = array<i32>} : memref<125x80xi32, #tpu.memory_space<vmem>>, vector<16xi32>,
      %shift_right_logical3A_261 = arith.constant 1 : i32
      %shift_right_logical3A_262 = vector.broadcast %shift_right_logical3A_261 : i32 to vector<16xi32>
      %shift_right_logical3A_263 = arith.shrui %get3A_260, %shift_right_logical3A_262 : vector<16xi32>
      %swap3A_264 = arith.constant 32 : index
      %swap3A_265 = tpu.vector_load %arg10[%swap3A_264] {strides = array<i32>} : memref<80xi32, #tpu.memory_space<vmem>>, vector<16xi32>,
      tpu.vector_store %arg10[%swap3A_264], %shift_right_logical3A_263 {strides = array<i32>} : memref<80xi32, #tpu.memory_space<vmem>>, vector<16xi32>,
      %get3A_266 = arith.index_cast %add3A_217 : i32 to index
      %get3A_267 = arith.constant 48 : index
      %get3A_268 = tpu.vector_load %arg7[%get3A_266, %get3A_267] {strides = array<i32>} : memref<125x80xi32, #tpu.memory_space<vmem>>, vector<16xi32>,
      %shift_right_logical3A_269 = arith.constant 1 : i32
      %shift_right_logical3A_270 = vector.broadcast %shift_right_logical3A_269 : i32 to vector<16xi32>
      %shift_right_logical3A_271 = arith.shrui %get3A_268, %shift_right_logical3A_270 : vector<16xi32>
      %swap3A_272 = arith.constant 48 : index
      %swap3A_273 = tpu.vector_load %arg9[%swap3A_272] {strides = array<i32>} : memref<80xi32, #tpu.memory_space<vmem>>, vector<16xi32>,
      tpu.vector_store %arg9[%swap3A_272], %shift_right_logical3A_271 {strides = array<i32>} : memref<80xi32, #tpu.memory_space<vmem>>, vector<16xi32>,
      %get3A_274 = arith.index_cast %add3A_217 : i32 to index
      %get3A_275 = arith.constant 48 : index
      %get3A_276 = tpu.vector_load %arg8[%get3A_274, %get3A_275] {strides = array<i32>} : memref<125x80xi32, #tpu.memory_space<vmem>>, vector<16xi32>,
      %shift_right_logical3A_277 = arith.constant 1 : i32
      %shift_right_logical3A_278 = vector.broadcast %shift_right_logical3A_277 : i32 to vector<16xi32>
      %shift_right_logical3A_279 = arith.shrui %get3A_276, %shift_right_logical3A_278 : vector<16xi32>
      %swap3A_280 = arith.constant 48 : index
      %swap3A_281 = tpu.vector_load %arg10[%swap3A_280] {strides = array<i32>} : memref<80xi32, #tpu.memory_space<vmem>>, vector<16xi32>,
      tpu.vector_store %arg10[%swap3A_280], %shift_right_logical3A_279 {strides = array<i32>} : memref<80xi32, #tpu.memory_space<vmem>>, vector<16xi32>,
      %get3A_282 = arith.index_cast %add3A_217 : i32 to index
      %get3A_283 = arith.constant 64 : index
      %get3A_284 = tpu.vector_load %arg7[%get3A_282, %get3A_283] {strides = array<i32>} : memref<125x80xi32, #tpu.memory_space<vmem>>, vector<16xi32>,
      %shift_right_logical3A_285 = arith.constant 1 : i32
      %shift_right_logical3A_286 = vector.broadcast %shift_right_logical3A_285 : i32 to vector<16xi32>
      %shift_right_logical3A_287 = arith.shrui %get3A_284, %shift_right_logical3A_286 : vector<16xi32>
      %swap3A_288 = arith.constant 64 : index
      %swap3A_289 = tpu.vector_load %arg9[%swap3A_288] {strides = array<i32>} : memref<80xi32, #tpu.memory_space<vmem>>, vector<16xi32>,
      tpu.vector_store %arg9[%swap3A_288], %shift_right_logical3A_287 {strides = array<i32>} : memref<80xi32, #tpu.memory_space<vmem>>, vector<16xi32>,
      %get3A_290 = arith.index_cast %add3A_217 : i32 to index
      %get3A_291 = arith.constant 64 : index
      %get3A_292 = tpu.vector_load %arg8[%get3A_290, %get3A_291] {strides = array<i32>} : memref<125x80xi32, #tpu.memory_space<vmem>>, vector<16xi32>,
      %shift_right_logical3A_293 = arith.constant 1 : i32
      %shift_right_logical3A_294 = vector.broadcast %shift_right_logical3A_293 : i32 to vector<16xi32>
      %shift_right_logical3A_295 = arith.shrui %get3A_292, %shift_right_logical3A_294 : vector<16xi32>
      %swap3A_296 = arith.constant 64 : index
      %swap3A_297 = tpu.vector_load %arg10[%swap3A_296] {strides = array<i32>} : memref<80xi32, #tpu.memory_space<vmem>>, vector<16xi32>,
      tpu.vector_store %arg10[%swap3A_296], %shift_right_logical3A_295 {strides = array<i32>} : memref<80xi32, #tpu.memory_space<vmem>>, vector<16xi32>,
      %dma_start3A_298 = arith.constant 0 : i32
      %dma_start3A_299 = arith.constant 0 : i32
      %dma_start3A_300 = tpu.memref_slice %arg6[%dma_start3A_298, %dma_start3A_299] : memref<5000x128xi32, #tpu.memory_space<vmem_shared>> -> memref<5000x128xi32, #tpu.memory_space<vmem_shared>>
      tpu.enqueue_indirect_dma source(%dma_start3A_300 : memref<5000x128xi32, #tpu.memory_space<vmem_shared>>) target(%arg13 : memref<80x128xi32, #tpu.memory_space<vmem>>) offsets(%arg9 : memref<80xi32, #tpu.memory_space<vmem>>) semaphore(%arg18 : memref<!tpu.dma_semaphore, #tpu.memory_space<semaphore_mem>>)
      %dma_start3A_301 = arith.constant 0 : i32
      %dma_start3A_302 = arith.constant 0 : i32
      %dma_start3A_303 = tpu.memref_slice %arg6[%dma_start3A_301, %dma_start3A_302] : memref<5000x128xi32, #tpu.memory_space<vmem_shared>> -> memref<5000x128xi32, #tpu.memory_space<vmem_shared>>
      tpu.enqueue_indirect_dma source(%dma_start3A_303 : memref<5000x128xi32, #tpu.memory_space<vmem_shared>>) target(%arg14 : memref<80x128xi32, #tpu.memory_space<vmem>>) offsets(%arg10 : memref<80xi32, #tpu.memory_space<vmem>>) semaphore(%arg19 : memref<!tpu.dma_semaphore, #tpu.memory_space<semaphore_mem>>)
      %dma_wait3A_304 = arith.constant 0 : i32
      %dma_wait3A_305 = arith.constant 0 : i32
      %dma_wait3A_306 = tpu.memref_slice %arg6[%dma_wait3A_304, %dma_wait3A_305] : memref<5000x128xi32, #tpu.memory_space<vmem_shared>> -> memref<5000x128xi32, #tpu.memory_space<vmem_shared>>
      tpu.wait_indirect_dma semaphore(%arg20 : memref<!tpu.dma_semaphore, #tpu.memory_space<semaphore_mem>>) src(%dma_wait3A_306 : memref<5000x128xi32, #tpu.memory_space<vmem_shared>>) dst(%arg15 : memref<80x128xi32, #tpu.memory_space<vmem>>)
      %dma_wait3A_307 = arith.constant 0 : i32
      %dma_wait3A_308 = arith.constant 0 : i32
      %dma_wait3A_309 = tpu.memref_slice %arg6[%dma_wait3A_307, %dma_wait3A_308] : memref<5000x128xi32, #tpu.memory_space<vmem_shared>> -> memref<5000x128xi32, #tpu.memory_space<vmem_shared>>
      tpu.wait_indirect_dma semaphore(%arg21 : memref<!tpu.dma_semaphore, #tpu.memory_space<semaphore_mem>>) src(%dma_wait3A_309 : memref<5000x128xi32, #tpu.memory_space<vmem_shared>>) dst(%arg16 : memref<80x128xi32, #tpu.memory_space<vmem>>)
      %add3A_310 = arith.constant 1 : i32
      %add3A_311 = arith.addi %mul3A_115, %add3A_310 : i32
      %scan3A_312 = arith.constant 0 : i32
      %scan3A_313 = arith.constant 0 : i32
      %scan3A_314 = arith.constant 5 : i32
      %scan3A_315 = arith.addi %scan3A_313, %scan3A_314 : i32
      %scan3A_316 = arith.constant 1 : i32
      scf.for %scan3A_318 = %scan3A_313 to %scan3A_315 step %scan3A_316  : i32 {
        %mul3A_319 = arith.constant 16 : i32
        %mul3A_320 = arith.muli %scan3A_318, %mul3A_319 : i32
        %get3A_321 = arith.index_cast %add3A_311 : i32 to index
        %get3A_322 = arith.index_cast %mul3A_320 : i32 to index
        %get3A_323 = tpu.vector_load %arg7[%get3A_321, %get3A_322] {strides = array<i32>} : memref<125x80xi32, #tpu.memory_space<vmem>>, vector<16xi32>,
        %and3A = arith.constant 1 : i32
        %and3A_324 = vector.broadcast %and3A : i32 to vector<16xi32>
        %and3A_325 = arith.andi %get3A_323, %and3A_324 : vector<16xi32>
        %mul3A_326 = arith.constant 64 : i32
        %mul3A_327 = vector.broadcast %mul3A_326 : i32 to vector<16xi32>
        %mul3A_328 = arith.muli %and3A_325, %mul3A_327 : vector<16xi32>
        %get3A_329 = arith.index_cast %add3A_311 : i32 to index
        %get3A_330 = arith.index_cast %mul3A_320 : i32 to index
        %get3A_331 = tpu.vector_load %arg8[%get3A_329, %get3A_330] {strides = array<i32>} : memref<125x80xi32, #tpu.memory_space<vmem>>, vector<16xi32>,
        %and3A_332 = arith.constant 1 : i32
        %and3A_333 = vector.broadcast %and3A_332 : i32 to vector<16xi32>
        %and3A_334 = arith.andi %get3A_331, %and3A_333 : vector<16xi32>
        %mul3A_335 = arith.constant 64 : i32
        %mul3A_336 = vector.broadcast %mul3A_335 : i32 to vector<16xi32>
        %mul3A_337 = arith.muli %and3A_334, %mul3A_336 : vector<16xi32>
        %broadcast_in_dim3A = arith.constant 0.000000e+00 : f32
        %broadcast_in_dim3A_338 = vector.broadcast %broadcast_in_dim3A : f32 to vector<16xf32>
        %slice3A = vector.extract_strided_slice %mul3A_328 {offsets = [0], sizes = [1], strides = [1]} : vector<16xi32> to vector<1xi32>
        %squeeze3A = vector.extract %slice3A[0] : i32 from vector<1xi32>
        %slice3A_339 = vector.extract_strided_slice %mul3A_337 {offsets = [0], sizes = [1], strides = [1]} : vector<16xi32> to vector<1xi32>
        %squeeze3A_340 = vector.extract %slice3A_339[0] : i32 from vector<1xi32>
        %add3A_341 = arith.constant 0 : i32
        %add3A_342 = arith.addi %mul3A_320, %add3A_341 : i32
        %add3A_343 = arith.constant 0 : i32
        %add3A_344 = arith.addi %squeeze3A, %add3A_343 : i32
        %get3A_345 = arith.index_cast %add3A_342 : i32 to index
        %get3A_346 = arith.index_cast %add3A_344 : i32 to index
        %get3A_347 = tpu.vector_load %arg15[%get3A_345, %get3A_346] {strides = array<i32>} : memref<80x128xi32, #tpu.memory_space<vmem>>, vector<16xi32>,
        %add3A_348 = arith.constant 0 : i32
        %add3A_349 = arith.addi %mul3A_320, %add3A_348 : i32
        %add3A_350 = arith.constant 0 : i32
        %add3A_351 = arith.addi %squeeze3A_340, %add3A_350 : i32
        %get3A_352 = arith.index_cast %add3A_349 : i32 to index
        %get3A_353 = arith.index_cast %add3A_351 : i32 to index
        %get3A_354 = tpu.vector_load %arg16[%get3A_352, %get3A_353] {strides = array<i32>} : memref<80x128xi32, #tpu.memory_space<vmem>>, vector<16xi32>,
        %bitcast3A = vector.bitcast %get3A_347 : vector<16xi32> to vector<32xbf16>
        %bitcast3A_355 = vector.bitcast %get3A_354 : vector<16xi32> to vector<32xbf16>
        %mul3A_356 = arith.mulf %bitcast3A, %bitcast3A_355 : vector<32xbf16>
        %add3A_357 = arith.constant 0 : i32
        %add3A_358 = arith.addi %mul3A_320, %add3A_357 : i32
        %add3A_359 = arith.constant 16 : i32
        %add3A_360 = arith.addi %squeeze3A, %add3A_359 : i32
        %get3A_361 = arith.index_cast %add3A_358 : i32 to index
        %get3A_362 = arith.index_cast %add3A_360 : i32 to index
        %get3A_363 = tpu.vector_load %arg15[%get3A_361, %get3A_362] {strides = array<i32>} : memref<80x128xi32, #tpu.memory_space<vmem>>, vector<16xi32>,
        %add3A_364 = arith.constant 0 : i32
        %add3A_365 = arith.addi %mul3A_320, %add3A_364 : i32
        %add3A_366 = arith.constant 16 : i32
        %add3A_367 = arith.addi %squeeze3A_340, %add3A_366 : i32
        %get3A_368 = arith.index_cast %add3A_365 : i32 to index
        %get3A_369 = arith.index_cast %add3A_367 : i32 to index
        %get3A_370 = tpu.vector_load %arg16[%get3A_368, %get3A_369] {strides = array<i32>} : memref<80x128xi32, #tpu.memory_space<vmem>>, vector<16xi32>,
        %bitcast3A_371 = vector.bitcast %get3A_363 : vector<16xi32> to vector<32xbf16>
        %bitcast3A_372 = vector.bitcast %get3A_370 : vector<16xi32> to vector<32xbf16>
        %mul3A_373 = arith.mulf %bitcast3A_371, %bitcast3A_372 : vector<32xbf16>
        %add3A_374 = arith.constant 0 : i32
        %add3A_375 = arith.addi %mul3A_320, %add3A_374 : i32
        %add3A_376 = arith.constant 32 : i32
        %add3A_377 = arith.addi %squeeze3A, %add3A_376 : i32
        %get3A_378 = arith.index_cast %add3A_375 : i32 to index
        %get3A_379 = arith.index_cast %add3A_377 : i32 to index
        %get3A_380 = tpu.vector_load %arg15[%get3A_378, %get3A_379] {strides = array<i32>} : memref<80x128xi32, #tpu.memory_space<vmem>>, vector<16xi32>,
        %add3A_381 = arith.constant 0 : i32
        %add3A_382 = arith.addi %mul3A_320, %add3A_381 : i32
        %add3A_383 = arith.constant 32 : i32
        %add3A_384 = arith.addi %squeeze3A_340, %add3A_383 : i32
        %get3A_385 = arith.index_cast %add3A_382 : i32 to index
        %get3A_386 = arith.index_cast %add3A_384 : i32 to index
        %get3A_387 = tpu.vector_load %arg16[%get3A_385, %get3A_386] {strides = array<i32>} : memref<80x128xi32, #tpu.memory_space<vmem>>, vector<16xi32>,
        %bitcast3A_388 = vector.bitcast %get3A_380 : vector<16xi32> to vector<32xbf16>
        %bitcast3A_389 = vector.bitcast %get3A_387 : vector<16xi32> to vector<32xbf16>
        %mul3A_390 = arith.mulf %bitcast3A_388, %bitcast3A_389 : vector<32xbf16>
        %add3A_391 = arith.constant 0 : i32
        %add3A_392 = arith.addi %mul3A_320, %add3A_391 : i32
        %add3A_393 = arith.constant 48 : i32
        %add3A_394 = arith.addi %squeeze3A, %add3A_393 : i32
        %get3A_395 = arith.index_cast %add3A_392 : i32 to index
        %get3A_396 = arith.index_cast %add3A_394 : i32 to index
        %get3A_397 = tpu.vector_load %arg15[%get3A_395, %get3A_396] {strides = array<i32>} : memref<80x128xi32, #tpu.memory_space<vmem>>, vector<16xi32>,
        %add3A_398 = arith.constant 0 : i32
        %add3A_399 = arith.addi %mul3A_320, %add3A_398 : i32
        %add3A_400 = arith.constant 48 : i32
        %add3A_401 = arith.addi %squeeze3A_340, %add3A_400 : i32
        %get3A_402 = arith.index_cast %add3A_399 : i32 to index
        %get3A_403 = arith.index_cast %add3A_401 : i32 to index
        %get3A_404 = tpu.vector_load %arg16[%get3A_402, %get3A_403] {strides = array<i32>} : memref<80x128xi32, #tpu.memory_space<vmem>>, vector<16xi32>,
        %bitcast3A_405 = vector.bitcast %get3A_397 : vector<16xi32> to vector<32xbf16>
        %bitcast3A_406 = vector.bitcast %get3A_404 : vector<16xi32> to vector<32xbf16>
        %mul3A_407 = arith.mulf %bitcast3A_405, %bitcast3A_406 : vector<32xbf16>
        %add3A_408 = arith.addf %mul3A_356, %mul3A_373 : vector<32xbf16>
        %add3A_409 = arith.addf %mul3A_390, %mul3A_407 : vector<32xbf16>
        %add3A_410 = arith.addf %add3A_408, %add3A_409 : vector<32xbf16>
        %unpack3A = tpu.unpack_subelements %add3A_410, 0 {pack_format = #tpu.pack_format<interleaved>} : vector<32xbf16> -> vector<16xf32>
        %unpack3A_411 = tpu.unpack_subelements %add3A_410, 1 {pack_format = #tpu.pack_format<interleaved>} : vector<32xbf16> -> vector<16xf32>
        %add3A_412 = arith.addf %unpack3A, %unpack3A_411 : vector<16xf32>
        %reduce_sum3A = arith.constant true
        %reduce_sum3A_413 = vector.broadcast %reduce_sum3A : i1 to vector<16xi1>
        %reduce_sum3A_414 = tpu.scan <sum>, %add3A_412 masked %reduce_sum3A_413 : vector<16xf32>, vector<16xi1> -> vector<16xf32>
        %reduce_sum3A_415 = vector.extract %reduce_sum3A_414[15] : f32 from vector<16xf32>
        %eq3A = arith.constant 0 : i32
        %eq3A_416 = vector.broadcast %eq3A : i32 to vector<16xi32>
        %eq3A_417 = arith.cmpi eq, %iota3A, %eq3A_416 : vector<16xi32>
        %broadcast_in_dim3A_418 = vector.broadcast %reduce_sum3A_415 : f32 to vector<16xf32>
        %select_n3A = arith.select %eq3A_417, %broadcast_in_dim3A_418, %broadcast_in_dim3A_338 : vector<16xi1>, vector<16xf32>
        %slice3A_419 = vector.extract_strided_slice %mul3A_328 {offsets = [1], sizes = [1], strides = [1]} : vector<16xi32> to vector<1xi32>
        %squeeze3A_420 = vector.extract %slice3A_419[0] : i32 from vector<1xi32>
        %slice3A_421 = vector.extract_strided_slice %mul3A_337 {offsets = [1], sizes = [1], strides = [1]} : vector<16xi32> to vector<1xi32>
        %squeeze3A_422 = vector.extract %slice3A_421[0] : i32 from vector<1xi32>
        %add3A_423 = arith.constant 1 : i32
        %add3A_424 = arith.addi %mul3A_320, %add3A_423 : i32
        %add3A_425 = arith.constant 0 : i32
        %add3A_426 = arith.addi %squeeze3A_420, %add3A_425 : i32
        %get3A_427 = arith.index_cast %add3A_424 : i32 to index
        %get3A_428 = arith.index_cast %add3A_426 : i32 to index
        %get3A_429 = tpu.vector_load %arg15[%get3A_427, %get3A_428] {strides = array<i32>} : memref<80x128xi32, #tpu.memory_space<vmem>>, vector<16xi32>,
        %add3A_430 = arith.constant 1 : i32
        %add3A_431 = arith.addi %mul3A_320, %add3A_430 : i32
        %add3A_432 = arith.constant 0 : i32
        %add3A_433 = arith.addi %squeeze3A_422, %add3A_432 : i32
        %get3A_434 = arith.index_cast %add3A_431 : i32 to index
        %get3A_435 = arith.index_cast %add3A_433 : i32 to index
        %get3A_436 = tpu.vector_load %arg16[%get3A_434, %get3A_435] {strides = array<i32>} : memref<80x128xi32, #tpu.memory_space<vmem>>, vector<16xi32>,
        %bitcast3A_437 = vector.bitcast %get3A_429 : vector<16xi32> to vector<32xbf16>
        %bitcast3A_438 = vector.bitcast %get3A_436 : vector<16xi32> to vector<32xbf16>
        %mul3A_439 = arith.mulf %bitcast3A_437, %bitcast3A_438 : vector<32xbf16>
        %add3A_440 = arith.constant 1 : i32
        %add3A_441 = arith.addi %mul3A_320, %add3A_440 : i32
        %add3A_442 = arith.constant 16 : i32
        %add3A_443 = arith.addi %squeeze3A_420, %add3A_442 : i32
        %get3A_444 = arith.index_cast %add3A_441 : i32 to index
        %get3A_445 = arith.index_cast %add3A_443 : i32 to index
        %get3A_446 = tpu.vector_load %arg15[%get3A_444, %get3A_445] {strides = array<i32>} : memref<80x128xi32, #tpu.memory_space<vmem>>, vector<16xi32>,
        %add3A_447 = arith.constant 1 : i32
        %add3A_448 = arith.addi %mul3A_320, %add3A_447 : i32
        %add3A_449 = arith.constant 16 : i32
        %add3A_450 = arith.addi %squeeze3A_422, %add3A_449 : i32
        %get3A_451 = arith.index_cast %add3A_448 : i32 to index
        %get3A_452 = arith.index_cast %add3A_450 : i32 to index
        %get3A_453 = tpu.vector_load %arg16[%get3A_451, %get3A_452] {strides = array<i32>} : memref<80x128xi32, #tpu.memory_space<vmem>>, vector<16xi32>,
        %bitcast3A_454 = vector.bitcast %get3A_446 : vector<16xi32> to vector<32xbf16>
        %bitcast3A_455 = vector.bitcast %get3A_453 : vector<16xi32> to vector<32xbf16>
        %mul3A_456 = arith.mulf %bitcast3A_454, %bitcast3A_455 : vector<32xbf16>
        %add3A_457 = arith.constant 1 : i32
        %add3A_458 = arith.addi %mul3A_320, %add3A_457 : i32
        %add3A_459 = arith.constant 32 : i32
        %add3A_460 = arith.addi %squeeze3A_420, %add3A_459 : i32
        %get3A_461 = arith.index_cast %add3A_458 : i32 to index
        %get3A_462 = arith.index_cast %add3A_460 : i32 to index
        %get3A_463 = tpu.vector_load %arg15[%get3A_461, %get3A_462] {strides = array<i32>} : memref<80x128xi32, #tpu.memory_space<vmem>>, vector<16xi32>,
        %add3A_464 = arith.constant 1 : i32
        %add3A_465 = arith.addi %mul3A_320, %add3A_464 : i32
        %add3A_466 = arith.constant 32 : i32
        %add3A_467 = arith.addi %squeeze3A_422, %add3A_466 : i32
        %get3A_468 = arith.index_cast %add3A_465 : i32 to index
        %get3A_469 = arith.index_cast %add3A_467 : i32 to index
        %get3A_470 = tpu.vector_load %arg16[%get3A_468, %get3A_469] {strides = array<i32>} : memref<80x128xi32, #tpu.memory_space<vmem>>, vector<16xi32>,
        %bitcast3A_471 = vector.bitcast %get3A_463 : vector<16xi32> to vector<32xbf16>
        %bitcast3A_472 = vector.bitcast %get3A_470 : vector<16xi32> to vector<32xbf16>
        %mul3A_473 = arith.mulf %bitcast3A_471, %bitcast3A_472 : vector<32xbf16>
        %add3A_474 = arith.constant 1 : i32
        %add3A_475 = arith.addi %mul3A_320, %add3A_474 : i32
        %add3A_476 = arith.constant 48 : i32
        %add3A_477 = arith.addi %squeeze3A_420, %add3A_476 : i32
        %get3A_478 = arith.index_cast %add3A_475 : i32 to index
        %get3A_479 = arith.index_cast %add3A_477 : i32 to index
        %get3A_480 = tpu.vector_load %arg15[%get3A_478, %get3A_479] {strides = array<i32>} : memref<80x128xi32, #tpu.memory_space<vmem>>, vector<16xi32>,
        %add3A_481 = arith.constant 1 : i32
        %add3A_482 = arith.addi %mul3A_320, %add3A_481 : i32
        %add3A_483 = arith.constant 48 : i32
        %add3A_484 = arith.addi %squeeze3A_422, %add3A_483 : i32
        %get3A_485 = arith.index_cast %add3A_482 : i32 to index
        %get3A_486 = arith.index_cast %add3A_484 : i32 to index
        %get3A_487 = tpu.vector_load %arg16[%get3A_485, %get3A_486] {strides = array<i32>} : memref<80x128xi32, #tpu.memory_space<vmem>>, vector<16xi32>,
        %bitcast3A_488 = vector.bitcast %get3A_480 : vector<16xi32> to vector<32xbf16>
        %bitcast3A_489 = vector.bitcast %get3A_487 : vector<16xi32> to vector<32xbf16>
        %mul3A_490 = arith.mulf %bitcast3A_488, %bitcast3A_489 : vector<32xbf16>
        %add3A_491 = arith.addf %mul3A_439, %mul3A_456 : vector<32xbf16>
        %add3A_492 = arith.addf %mul3A_473, %mul3A_490 : vector<32xbf16>
        %add3A_493 = arith.addf %add3A_491, %add3A_492 : vector<32xbf16>
        %unpack3A_494 = tpu.unpack_subelements %add3A_493, 0 {pack_format = #tpu.pack_format<interleaved>} : vector<32xbf16> -> vector<16xf32>
        %unpack3A_495 = tpu.unpack_subelements %add3A_493, 1 {pack_format = #tpu.pack_format<interleaved>} : vector<32xbf16> -> vector<16xf32>
        %add3A_496 = arith.addf %unpack3A_494, %unpack3A_495 : vector<16xf32>
        %reduce_sum3A_497 = arith.constant true
        %reduce_sum3A_498 = vector.broadcast %reduce_sum3A_497 : i1 to vector<16xi1>
        %reduce_sum3A_499 = tpu.scan <sum>, %add3A_496 masked %reduce_sum3A_498 : vector<16xf32>, vector<16xi1> -> vector<16xf32>
        %reduce_sum3A_500 = vector.extract %reduce_sum3A_499[15] : f32 from vector<16xf32>
        %eq3A_501 = arith.constant 1 : i32
        %eq3A_502 = vector.broadcast %eq3A_501 : i32 to vector<16xi32>
        %eq3A_503 = arith.cmpi eq, %iota3A, %eq3A_502 : vector<16xi32>
        %broadcast_in_dim3A_504 = vector.broadcast %reduce_sum3A_500 : f32 to vector<16xf32>
        %select_n3A_505 = arith.select %eq3A_503, %broadcast_in_dim3A_504, %select_n3A : vector<16xi1>, vector<16xf32>
        %slice3A_506 = vector.extract_strided_slice %mul3A_328 {offsets = [2], sizes = [1], strides = [1]} : vector<16xi32> to vector<1xi32>
        %squeeze3A_507 = vector.extract %slice3A_506[0] : i32 from vector<1xi32>
        %slice3A_508 = vector.extract_strided_slice %mul3A_337 {offsets = [2], sizes = [1], strides = [1]} : vector<16xi32> to vector<1xi32>
        %squeeze3A_509 = vector.extract %slice3A_508[0] : i32 from vector<1xi32>
        %add3A_510 = arith.constant 2 : i32
        %add3A_511 = arith.addi %mul3A_320, %add3A_510 : i32
        %add3A_512 = arith.constant 0 : i32
        %add3A_513 = arith.addi %squeeze3A_507, %add3A_512 : i32
        %get3A_514 = arith.index_cast %add3A_511 : i32 to index
        %get3A_515 = arith.index_cast %add3A_513 : i32 to index
        %get3A_516 = tpu.vector_load %arg15[%get3A_514, %get3A_515] {strides = array<i32>} : memref<80x128xi32, #tpu.memory_space<vmem>>, vector<16xi32>,
        %add3A_517 = arith.constant 2 : i32
        %add3A_518 = arith.addi %mul3A_320, %add3A_517 : i32
        %add3A_519 = arith.constant 0 : i32
        %add3A_520 = arith.addi %squeeze3A_509, %add3A_519 : i32
        %get3A_521 = arith.index_cast %add3A_518 : i32 to index
        %get3A_522 = arith.index_cast %add3A_520 : i32 to index
        %get3A_523 = tpu.vector_load %arg16[%get3A_521, %get3A_522] {strides = array<i32>} : memref<80x128xi32, #tpu.memory_space<vmem>>, vector<16xi32>,
        %bitcast3A_524 = vector.bitcast %get3A_516 : vector<16xi32> to vector<32xbf16>
        %bitcast3A_525 = vector.bitcast %get3A_523 : vector<16xi32> to vector<32xbf16>
        %mul3A_526 = arith.mulf %bitcast3A_524, %bitcast3A_525 : vector<32xbf16>
        %add3A_527 = arith.constant 2 : i32
        %add3A_528 = arith.addi %mul3A_320, %add3A_527 : i32
        %add3A_529 = arith.constant 16 : i32
        %add3A_530 = arith.addi %squeeze3A_507, %add3A_529 : i32
        %get3A_531 = arith.index_cast %add3A_528 : i32 to index
        %get3A_532 = arith.index_cast %add3A_530 : i32 to index
        %get3A_533 = tpu.vector_load %arg15[%get3A_531, %get3A_532] {strides = array<i32>} : memref<80x128xi32, #tpu.memory_space<vmem>>, vector<16xi32>,
        %add3A_534 = arith.constant 2 : i32
        %add3A_535 = arith.addi %mul3A_320, %add3A_534 : i32
        %add3A_536 = arith.constant 16 : i32
        %add3A_537 = arith.addi %squeeze3A_509, %add3A_536 : i32
        %get3A_538 = arith.index_cast %add3A_535 : i32 to index
        %get3A_539 = arith.index_cast %add3A_537 : i32 to index
        %get3A_540 = tpu.vector_load %arg16[%get3A_538, %get3A_539] {strides = array<i32>} : memref<80x128xi32, #tpu.memory_space<vmem>>, vector<16xi32>,
        %bitcast3A_541 = vector.bitcast %get3A_533 : vector<16xi32> to vector<32xbf16>
        %bitcast3A_542 = vector.bitcast %get3A_540 : vector<16xi32> to vector<32xbf16>
        %mul3A_543 = arith.mulf %bitcast3A_541, %bitcast3A_542 : vector<32xbf16>
        %add3A_544 = arith.constant 2 : i32
        %add3A_545 = arith.addi %mul3A_320, %add3A_544 : i32
        %add3A_546 = arith.constant 32 : i32
        %add3A_547 = arith.addi %squeeze3A_507, %add3A_546 : i32
        %get3A_548 = arith.index_cast %add3A_545 : i32 to index
        %get3A_549 = arith.index_cast %add3A_547 : i32 to index
        %get3A_550 = tpu.vector_load %arg15[%get3A_548, %get3A_549] {strides = array<i32>} : memref<80x128xi32, #tpu.memory_space<vmem>>, vector<16xi32>,
        %add3A_551 = arith.constant 2 : i32
        %add3A_552 = arith.addi %mul3A_320, %add3A_551 : i32
        %add3A_553 = arith.constant 32 : i32
        %add3A_554 = arith.addi %squeeze3A_509, %add3A_553 : i32
        %get3A_555 = arith.index_cast %add3A_552 : i32 to index
        %get3A_556 = arith.index_cast %add3A_554 : i32 to index
        %get3A_557 = tpu.vector_load %arg16[%get3A_555, %get3A_556] {strides = array<i32>} : memref<80x128xi32, #tpu.memory_space<vmem>>, vector<16xi32>,
        %bitcast3A_558 = vector.bitcast %get3A_550 : vector<16xi32> to vector<32xbf16>
        %bitcast3A_559 = vector.bitcast %get3A_557 : vector<16xi32> to vector<32xbf16>
        %mul3A_560 = arith.mulf %bitcast3A_558, %bitcast3A_559 : vector<32xbf16>
        %add3A_561 = arith.constant 2 : i32
        %add3A_562 = arith.addi %mul3A_320, %add3A_561 : i32
        %add3A_563 = arith.constant 48 : i32
        %add3A_564 = arith.addi %squeeze3A_507, %add3A_563 : i32
        %get3A_565 = arith.index_cast %add3A_562 : i32 to index
        %get3A_566 = arith.index_cast %add3A_564 : i32 to index
        %get3A_567 = tpu.vector_load %arg15[%get3A_565, %get3A_566] {strides = array<i32>} : memref<80x128xi32, #tpu.memory_space<vmem>>, vector<16xi32>,
        %add3A_568 = arith.constant 2 : i32
        %add3A_569 = arith.addi %mul3A_320, %add3A_568 : i32
        %add3A_570 = arith.constant 48 : i32
        %add3A_571 = arith.addi %squeeze3A_509, %add3A_570 : i32
        %get3A_572 = arith.index_cast %add3A_569 : i32 to index
        %get3A_573 = arith.index_cast %add3A_571 : i32 to index
        %get3A_574 = tpu.vector_load %arg16[%get3A_572, %get3A_573] {strides = array<i32>} : memref<80x128xi32, #tpu.memory_space<vmem>>, vector<16xi32>,
        %bitcast3A_575 = vector.bitcast %get3A_567 : vector<16xi32> to vector<32xbf16>
        %bitcast3A_576 = vector.bitcast %get3A_574 : vector<16xi32> to vector<32xbf16>
        %mul3A_577 = arith.mulf %bitcast3A_575, %bitcast3A_576 : vector<32xbf16>
        %add3A_578 = arith.addf %mul3A_526, %mul3A_543 : vector<32xbf16>
        %add3A_579 = arith.addf %mul3A_560, %mul3A_577 : vector<32xbf16>
        %add3A_580 = arith.addf %add3A_578, %add3A_579 : vector<32xbf16>
        %unpack3A_581 = tpu.unpack_subelements %add3A_580, 0 {pack_format = #tpu.pack_format<interleaved>} : vector<32xbf16> -> vector<16xf32>
        %unpack3A_582 = tpu.unpack_subelements %add3A_580, 1 {pack_format = #tpu.pack_format<interleaved>} : vector<32xbf16> -> vector<16xf32>
        %add3A_583 = arith.addf %unpack3A_581, %unpack3A_582 : vector<16xf32>
        %reduce_sum3A_584 = arith.constant true
        %reduce_sum3A_585 = vector.broadcast %reduce_sum3A_584 : i1 to vector<16xi1>
        %reduce_sum3A_586 = tpu.scan <sum>, %add3A_583 masked %reduce_sum3A_585 : vector<16xf32>, vector<16xi1> -> vector<16xf32>
        %reduce_sum3A_587 = vector.extract %reduce_sum3A_586[15] : f32 from vector<16xf32>
        %eq3A_588 = arith.constant 2 : i32
        %eq3A_589 = vector.broadcast %eq3A_588 : i32 to vector<16xi32>
        %eq3A_590 = arith.cmpi eq, %iota3A, %eq3A_589 : vector<16xi32>
        %broadcast_in_dim3A_591 = vector.broadcast %reduce_sum3A_587 : f32 to vector<16xf32>
        %select_n3A_592 = arith.select %eq3A_590, %broadcast_in_dim3A_591, %select_n3A_505 : vector<16xi1>, vector<16xf32>
        %slice3A_593 = vector.extract_strided_slice %mul3A_328 {offsets = [3], sizes = [1], strides = [1]} : vector<16xi32> to vector<1xi32>
        %squeeze3A_594 = vector.extract %slice3A_593[0] : i32 from vector<1xi32>
        %slice3A_595 = vector.extract_strided_slice %mul3A_337 {offsets = [3], sizes = [1], strides = [1]} : vector<16xi32> to vector<1xi32>
        %squeeze3A_596 = vector.extract %slice3A_595[0] : i32 from vector<1xi32>
        %add3A_597 = arith.constant 3 : i32
        %add3A_598 = arith.addi %mul3A_320, %add3A_597 : i32
        %add3A_599 = arith.constant 0 : i32
        %add3A_600 = arith.addi %squeeze3A_594, %add3A_599 : i32
        %get3A_601 = arith.index_cast %add3A_598 : i32 to index
        %get3A_602 = arith.index_cast %add3A_600 : i32 to index
        %get3A_603 = tpu.vector_load %arg15[%get3A_601, %get3A_602] {strides = array<i32>} : memref<80x128xi32, #tpu.memory_space<vmem>>, vector<16xi32>,
        %add3A_604 = arith.constant 3 : i32
        %add3A_605 = arith.addi %mul3A_320, %add3A_604 : i32
        %add3A_606 = arith.constant 0 : i32
        %add3A_607 = arith.addi %squeeze3A_596, %add3A_606 : i32
        %get3A_608 = arith.index_cast %add3A_605 : i32 to index
        %get3A_609 = arith.index_cast %add3A_607 : i32 to index
        %get3A_610 = tpu.vector_load %arg16[%get3A_608, %get3A_609] {strides = array<i32>} : memref<80x128xi32, #tpu.memory_space<vmem>>, vector<16xi32>,
        %bitcast3A_611 = vector.bitcast %get3A_603 : vector<16xi32> to vector<32xbf16>
        %bitcast3A_612 = vector.bitcast %get3A_610 : vector<16xi32> to vector<32xbf16>
        %mul3A_613 = arith.mulf %bitcast3A_611, %bitcast3A_612 : vector<32xbf16>
        %add3A_614 = arith.constant 3 : i32
        %add3A_615 = arith.addi %mul3A_320, %add3A_614 : i32
        %add3A_616 = arith.constant 16 : i32
        %add3A_617 = arith.addi %squeeze3A_594, %add3A_616 : i32
        %get3A_618 = arith.index_cast %add3A_615 : i32 to index
        %get3A_619 = arith.index_cast %add3A_617 : i32 to index
        %get3A_620 = tpu.vector_load %arg15[%get3A_618, %get3A_619] {strides = array<i32>} : memref<80x128xi32, #tpu.memory_space<vmem>>, vector<16xi32>,
        %add3A_621 = arith.constant 3 : i32
        %add3A_622 = arith.addi %mul3A_320, %add3A_621 : i32
        %add3A_623 = arith.constant 16 : i32
        %add3A_624 = arith.addi %squeeze3A_596, %add3A_623 : i32
        %get3A_625 = arith.index_cast %add3A_622 : i32 to index
        %get3A_626 = arith.index_cast %add3A_624 : i32 to index
        %get3A_627 = tpu.vector_load %arg16[%get3A_625, %get3A_626] {strides = array<i32>} : memref<80x128xi32, #tpu.memory_space<vmem>>, vector<16xi32>,
        %bitcast3A_628 = vector.bitcast %get3A_620 : vector<16xi32> to vector<32xbf16>
        %bitcast3A_629 = vector.bitcast %get3A_627 : vector<16xi32> to vector<32xbf16>
        %mul3A_630 = arith.mulf %bitcast3A_628, %bitcast3A_629 : vector<32xbf16>
        %add3A_631 = arith.constant 3 : i32
        %add3A_632 = arith.addi %mul3A_320, %add3A_631 : i32
        %add3A_633 = arith.constant 32 : i32
        %add3A_634 = arith.addi %squeeze3A_594, %add3A_633 : i32
        %get3A_635 = arith.index_cast %add3A_632 : i32 to index
        %get3A_636 = arith.index_cast %add3A_634 : i32 to index
        %get3A_637 = tpu.vector_load %arg15[%get3A_635, %get3A_636] {strides = array<i32>} : memref<80x128xi32, #tpu.memory_space<vmem>>, vector<16xi32>,
        %add3A_638 = arith.constant 3 : i32
        %add3A_639 = arith.addi %mul3A_320, %add3A_638 : i32
        %add3A_640 = arith.constant 32 : i32
        %add3A_641 = arith.addi %squeeze3A_596, %add3A_640 : i32
        %get3A_642 = arith.index_cast %add3A_639 : i32 to index
        %get3A_643 = arith.index_cast %add3A_641 : i32 to index
        %get3A_644 = tpu.vector_load %arg16[%get3A_642, %get3A_643] {strides = array<i32>} : memref<80x128xi32, #tpu.memory_space<vmem>>, vector<16xi32>,
        %bitcast3A_645 = vector.bitcast %get3A_637 : vector<16xi32> to vector<32xbf16>
        %bitcast3A_646 = vector.bitcast %get3A_644 : vector<16xi32> to vector<32xbf16>
        %mul3A_647 = arith.mulf %bitcast3A_645, %bitcast3A_646 : vector<32xbf16>
        %add3A_648 = arith.constant 3 : i32
        %add3A_649 = arith.addi %mul3A_320, %add3A_648 : i32
        %add3A_650 = arith.constant 48 : i32
        %add3A_651 = arith.addi %squeeze3A_594, %add3A_650 : i32
        %get3A_652 = arith.index_cast %add3A_649 : i32 to index
        %get3A_653 = arith.index_cast %add3A_651 : i32 to index
        %get3A_654 = tpu.vector_load %arg15[%get3A_652, %get3A_653] {strides = array<i32>} : memref<80x128xi32, #tpu.memory_space<vmem>>, vector<16xi32>,
        %add3A_655 = arith.constant 3 : i32
        %add3A_656 = arith.addi %mul3A_320, %add3A_655 : i32
        %add3A_657 = arith.constant 48 : i32
        %add3A_658 = arith.addi %squeeze3A_596, %add3A_657 : i32
        %get3A_659 = arith.index_cast %add3A_656 : i32 to index
        %get3A_660 = arith.index_cast %add3A_658 : i32 to index
        %get3A_661 = tpu.vector_load %arg16[%get3A_659, %get3A_660] {strides = array<i32>} : memref<80x128xi32, #tpu.memory_space<vmem>>, vector<16xi32>,
        %bitcast3A_662 = vector.bitcast %get3A_654 : vector<16xi32> to vector<32xbf16>
        %bitcast3A_663 = vector.bitcast %get3A_661 : vector<16xi32> to vector<32xbf16>
        %mul3A_664 = arith.mulf %bitcast3A_662, %bitcast3A_663 : vector<32xbf16>
        %add3A_665 = arith.addf %mul3A_613, %mul3A_630 : vector<32xbf16>
        %add3A_666 = arith.addf %mul3A_647, %mul3A_664 : vector<32xbf16>
        %add3A_667 = arith.addf %add3A_665, %add3A_666 : vector<32xbf16>
        %unpack3A_668 = tpu.unpack_subelements %add3A_667, 0 {pack_format = #tpu.pack_format<interleaved>} : vector<32xbf16> -> vector<16xf32>
        %unpack3A_669 = tpu.unpack_subelements %add3A_667, 1 {pack_format = #tpu.pack_format<interleaved>} : vector<32xbf16> -> vector<16xf32>
        %add3A_670 = arith.addf %unpack3A_668, %unpack3A_669 : vector<16xf32>
        %reduce_sum3A_671 = arith.constant true
        %reduce_sum3A_672 = vector.broadcast %reduce_sum3A_671 : i1 to vector<16xi1>
        %reduce_sum3A_673 = tpu.scan <sum>, %add3A_670 masked %reduce_sum3A_672 : vector<16xf32>, vector<16xi1> -> vector<16xf32>
        %reduce_sum3A_674 = vector.extract %reduce_sum3A_673[15] : f32 from vector<16xf32>
        %eq3A_675 = arith.constant 3 : i32
        %eq3A_676 = vector.broadcast %eq3A_675 : i32 to vector<16xi32>
        %eq3A_677 = arith.cmpi eq, %iota3A, %eq3A_676 : vector<16xi32>
        %broadcast_in_dim3A_678 = vector.broadcast %reduce_sum3A_674 : f32 to vector<16xf32>
        %select_n3A_679 = arith.select %eq3A_677, %broadcast_in_dim3A_678, %select_n3A_592 : vector<16xi1>, vector<16xf32>
        %slice3A_680 = vector.extract_strided_slice %mul3A_328 {offsets = [4], sizes = [1], strides = [1]} : vector<16xi32> to vector<1xi32>
        %squeeze3A_681 = vector.extract %slice3A_680[0] : i32 from vector<1xi32>
        %slice3A_682 = vector.extract_strided_slice %mul3A_337 {offsets = [4], sizes = [1], strides = [1]} : vector<16xi32> to vector<1xi32>
        %squeeze3A_683 = vector.extract %slice3A_682[0] : i32 from vector<1xi32>
        %add3A_684 = arith.constant 4 : i32
        %add3A_685 = arith.addi %mul3A_320, %add3A_684 : i32
        %add3A_686 = arith.constant 0 : i32
        %add3A_687 = arith.addi %squeeze3A_681, %add3A_686 : i32
        %get3A_688 = arith.index_cast %add3A_685 : i32 to index
        %get3A_689 = arith.index_cast %add3A_687 : i32 to index
        %get3A_690 = tpu.vector_load %arg15[%get3A_688, %get3A_689] {strides = array<i32>} : memref<80x128xi32, #tpu.memory_space<vmem>>, vector<16xi32>,
        %add3A_691 = arith.constant 4 : i32
        %add3A_692 = arith.addi %mul3A_320, %add3A_691 : i32
        %add3A_693 = arith.constant 0 : i32
        %add3A_694 = arith.addi %squeeze3A_683, %add3A_693 : i32
        %get3A_695 = arith.index_cast %add3A_692 : i32 to index
        %get3A_696 = arith.index_cast %add3A_694 : i32 to index
        %get3A_697 = tpu.vector_load %arg16[%get3A_695, %get3A_696] {strides = array<i32>} : memref<80x128xi32, #tpu.memory_space<vmem>>, vector<16xi32>,
        %bitcast3A_698 = vector.bitcast %get3A_690 : vector<16xi32> to vector<32xbf16>
        %bitcast3A_699 = vector.bitcast %get3A_697 : vector<16xi32> to vector<32xbf16>
        %mul3A_700 = arith.mulf %bitcast3A_698, %bitcast3A_699 : vector<32xbf16>
        %add3A_701 = arith.constant 4 : i32
        %add3A_702 = arith.addi %mul3A_320, %add3A_701 : i32
        %add3A_703 = arith.constant 16 : i32
        %add3A_704 = arith.addi %squeeze3A_681, %add3A_703 : i32
        %get3A_705 = arith.index_cast %add3A_702 : i32 to index
        %get3A_706 = arith.index_cast %add3A_704 : i32 to index
        %get3A_707 = tpu.vector_load %arg15[%get3A_705, %get3A_706] {strides = array<i32>} : memref<80x128xi32, #tpu.memory_space<vmem>>, vector<16xi32>,
        %add3A_708 = arith.constant 4 : i32
        %add3A_709 = arith.addi %mul3A_320, %add3A_708 : i32
        %add3A_710 = arith.constant 16 : i32
        %add3A_711 = arith.addi %squeeze3A_683, %add3A_710 : i32
        %get3A_712 = arith.index_cast %add3A_709 : i32 to index
        %get3A_713 = arith.index_cast %add3A_711 : i32 to index
        %get3A_714 = tpu.vector_load %arg16[%get3A_712, %get3A_713] {strides = array<i32>} : memref<80x128xi32, #tpu.memory_space<vmem>>, vector<16xi32>,
        %bitcast3A_715 = vector.bitcast %get3A_707 : vector<16xi32> to vector<32xbf16>
        %bitcast3A_716 = vector.bitcast %get3A_714 : vector<16xi32> to vector<32xbf16>
        %mul3A_717 = arith.mulf %bitcast3A_715, %bitcast3A_716 : vector<32xbf16>
        %add3A_718 = arith.constant 4 : i32
        %add3A_719 = arith.addi %mul3A_320, %add3A_718 : i32
        %add3A_720 = arith.constant 32 : i32
        %add3A_721 = arith.addi %squeeze3A_681, %add3A_720 : i32
        %get3A_722 = arith.index_cast %add3A_719 : i32 to index
        %get3A_723 = arith.index_cast %add3A_721 : i32 to index
        %get3A_724 = tpu.vector_load %arg15[%get3A_722, %get3A_723] {strides = array<i32>} : memref<80x128xi32, #tpu.memory_space<vmem>>, vector<16xi32>,
        %add3A_725 = arith.constant 4 : i32
        %add3A_726 = arith.addi %mul3A_320, %add3A_725 : i32
        %add3A_727 = arith.constant 32 : i32
        %add3A_728 = arith.addi %squeeze3A_683, %add3A_727 : i32
        %get3A_729 = arith.index_cast %add3A_726 : i32 to index
        %get3A_730 = arith.index_cast %add3A_728 : i32 to index
        %get3A_731 = tpu.vector_load %arg16[%get3A_729, %get3A_730] {strides = array<i32>} : memref<80x128xi32, #tpu.memory_space<vmem>>, vector<16xi32>,
        %bitcast3A_732 = vector.bitcast %get3A_724 : vector<16xi32> to vector<32xbf16>
        %bitcast3A_733 = vector.bitcast %get3A_731 : vector<16xi32> to vector<32xbf16>
        %mul3A_734 = arith.mulf %bitcast3A_732, %bitcast3A_733 : vector<32xbf16>
        %add3A_735 = arith.constant 4 : i32
        %add3A_736 = arith.addi %mul3A_320, %add3A_735 : i32
        %add3A_737 = arith.constant 48 : i32
        %add3A_738 = arith.addi %squeeze3A_681, %add3A_737 : i32
        %get3A_739 = arith.index_cast %add3A_736 : i32 to index
        %get3A_740 = arith.index_cast %add3A_738 : i32 to index
        %get3A_741 = tpu.vector_load %arg15[%get3A_739, %get3A_740] {strides = array<i32>} : memref<80x128xi32, #tpu.memory_space<vmem>>, vector<16xi32>,
        %add3A_742 = arith.constant 4 : i32
        %add3A_743 = arith.addi %mul3A_320, %add3A_742 : i32
        %add3A_744 = arith.constant 48 : i32
        %add3A_745 = arith.addi %squeeze3A_683, %add3A_744 : i32
        %get3A_746 = arith.index_cast %add3A_743 : i32 to index
        %get3A_747 = arith.index_cast %add3A_745 : i32 to index
        %get3A_748 = tpu.vector_load %arg16[%get3A_746, %get3A_747] {strides = array<i32>} : memref<80x128xi32, #tpu.memory_space<vmem>>, vector<16xi32>,
        %bitcast3A_749 = vector.bitcast %get3A_741 : vector<16xi32> to vector<32xbf16>
        %bitcast3A_750 = vector.bitcast %get3A_748 : vector<16xi32> to vector<32xbf16>
        %mul3A_751 = arith.mulf %bitcast3A_749, %bitcast3A_750 : vector<32xbf16>
        %add3A_752 = arith.addf %mul3A_700, %mul3A_717 : vector<32xbf16>
        %add3A_753 = arith.addf %mul3A_734, %mul3A_751 : vector<32xbf16>
        %add3A_754 = arith.addf %add3A_752, %add3A_753 : vector<32xbf16>
        %unpack3A_755 = tpu.unpack_subelements %add3A_754, 0 {pack_format = #tpu.pack_format<interleaved>} : vector<32xbf16> -> vector<16xf32>
        %unpack3A_756 = tpu.unpack_subelements %add3A_754, 1 {pack_format = #tpu.pack_format<interleaved>} : vector<32xbf16> -> vector<16xf32>
        %add3A_757 = arith.addf %unpack3A_755, %unpack3A_756 : vector<16xf32>
        %reduce_sum3A_758 = arith.constant true
        %reduce_sum3A_759 = vector.broadcast %reduce_sum3A_758 : i1 to vector<16xi1>
        %reduce_sum3A_760 = tpu.scan <sum>, %add3A_757 masked %reduce_sum3A_759 : vector<16xf32>, vector<16xi1> -> vector<16xf32>
        %reduce_sum3A_761 = vector.extract %reduce_sum3A_760[15] : f32 from vector<16xf32>
        %eq3A_762 = arith.constant 4 : i32
        %eq3A_763 = vector.broadcast %eq3A_762 : i32 to vector<16xi32>
        %eq3A_764 = arith.cmpi eq, %iota3A, %eq3A_763 : vector<16xi32>
        %broadcast_in_dim3A_765 = vector.broadcast %reduce_sum3A_761 : f32 to vector<16xf32>
        %select_n3A_766 = arith.select %eq3A_764, %broadcast_in_dim3A_765, %select_n3A_679 : vector<16xi1>, vector<16xf32>
        %slice3A_767 = vector.extract_strided_slice %mul3A_328 {offsets = [5], sizes = [1], strides = [1]} : vector<16xi32> to vector<1xi32>
        %squeeze3A_768 = vector.extract %slice3A_767[0] : i32 from vector<1xi32>
        %slice3A_769 = vector.extract_strided_slice %mul3A_337 {offsets = [5], sizes = [1], strides = [1]} : vector<16xi32> to vector<1xi32>
        %squeeze3A_770 = vector.extract %slice3A_769[0] : i32 from vector<1xi32>
        %add3A_771 = arith.constant 5 : i32
        %add3A_772 = arith.addi %mul3A_320, %add3A_771 : i32
        %add3A_773 = arith.constant 0 : i32
        %add3A_774 = arith.addi %squeeze3A_768, %add3A_773 : i32
        %get3A_775 = arith.index_cast %add3A_772 : i32 to index
        %get3A_776 = arith.index_cast %add3A_774 : i32 to index
        %get3A_777 = tpu.vector_load %arg15[%get3A_775, %get3A_776] {strides = array<i32>} : memref<80x128xi32, #tpu.memory_space<vmem>>, vector<16xi32>,
        %add3A_778 = arith.constant 5 : i32
        %add3A_779 = arith.addi %mul3A_320, %add3A_778 : i32
        %add3A_780 = arith.constant 0 : i32
        %add3A_781 = arith.addi %squeeze3A_770, %add3A_780 : i32
        %get3A_782 = arith.index_cast %add3A_779 : i32 to index
        %get3A_783 = arith.index_cast %add3A_781 : i32 to index
        %get3A_784 = tpu.vector_load %arg16[%get3A_782, %get3A_783] {strides = array<i32>} : memref<80x128xi32, #tpu.memory_space<vmem>>, vector<16xi32>,
        %bitcast3A_785 = vector.bitcast %get3A_777 : vector<16xi32> to vector<32xbf16>
        %bitcast3A_786 = vector.bitcast %get3A_784 : vector<16xi32> to vector<32xbf16>
        %mul3A_787 = arith.mulf %bitcast3A_785, %bitcast3A_786 : vector<32xbf16>
        %add3A_788 = arith.constant 5 : i32
        %add3A_789 = arith.addi %mul3A_320, %add3A_788 : i32
        %add3A_790 = arith.constant 16 : i32
        %add3A_791 = arith.addi %squeeze3A_768, %add3A_790 : i32
        %get3A_792 = arith.index_cast %add3A_789 : i32 to index
        %get3A_793 = arith.index_cast %add3A_791 : i32 to index
        %get3A_794 = tpu.vector_load %arg15[%get3A_792, %get3A_793] {strides = array<i32>} : memref<80x128xi32, #tpu.memory_space<vmem>>, vector<16xi32>,
        %add3A_795 = arith.constant 5 : i32
        %add3A_796 = arith.addi %mul3A_320, %add3A_795 : i32
        %add3A_797 = arith.constant 16 : i32
        %add3A_798 = arith.addi %squeeze3A_770, %add3A_797 : i32
        %get3A_799 = arith.index_cast %add3A_796 : i32 to index
        %get3A_800 = arith.index_cast %add3A_798 : i32 to index
        %get3A_801 = tpu.vector_load %arg16[%get3A_799, %get3A_800] {strides = array<i32>} : memref<80x128xi32, #tpu.memory_space<vmem>>, vector<16xi32>,
        %bitcast3A_802 = vector.bitcast %get3A_794 : vector<16xi32> to vector<32xbf16>
        %bitcast3A_803 = vector.bitcast %get3A_801 : vector<16xi32> to vector<32xbf16>
        %mul3A_804 = arith.mulf %bitcast3A_802, %bitcast3A_803 : vector<32xbf16>
        %add3A_805 = arith.constant 5 : i32
        %add3A_806 = arith.addi %mul3A_320, %add3A_805 : i32
        %add3A_807 = arith.constant 32 : i32
        %add3A_808 = arith.addi %squeeze3A_768, %add3A_807 : i32
        %get3A_809 = arith.index_cast %add3A_806 : i32 to index
        %get3A_810 = arith.index_cast %add3A_808 : i32 to index
        %get3A_811 = tpu.vector_load %arg15[%get3A_809, %get3A_810] {strides = array<i32>} : memref<80x128xi32, #tpu.memory_space<vmem>>, vector<16xi32>,
        %add3A_812 = arith.constant 5 : i32
        %add3A_813 = arith.addi %mul3A_320, %add3A_812 : i32
        %add3A_814 = arith.constant 32 : i32
        %add3A_815 = arith.addi %squeeze3A_770, %add3A_814 : i32
        %get3A_816 = arith.index_cast %add3A_813 : i32 to index
        %get3A_817 = arith.index_cast %add3A_815 : i32 to index
        %get3A_818 = tpu.vector_load %arg16[%get3A_816, %get3A_817] {strides = array<i32>} : memref<80x128xi32, #tpu.memory_space<vmem>>, vector<16xi32>,
        %bitcast3A_819 = vector.bitcast %get3A_811 : vector<16xi32> to vector<32xbf16>
        %bitcast3A_820 = vector.bitcast %get3A_818 : vector<16xi32> to vector<32xbf16>
        %mul3A_821 = arith.mulf %bitcast3A_819, %bitcast3A_820 : vector<32xbf16>
        %add3A_822 = arith.constant 5 : i32
        %add3A_823 = arith.addi %mul3A_320, %add3A_822 : i32
        %add3A_824 = arith.constant 48 : i32
        %add3A_825 = arith.addi %squeeze3A_768, %add3A_824 : i32
        %get3A_826 = arith.index_cast %add3A_823 : i32 to index
        %get3A_827 = arith.index_cast %add3A_825 : i32 to index
        %get3A_828 = tpu.vector_load %arg15[%get3A_826, %get3A_827] {strides = array<i32>} : memref<80x128xi32, #tpu.memory_space<vmem>>, vector<16xi32>,
        %add3A_829 = arith.constant 5 : i32
        %add3A_830 = arith.addi %mul3A_320, %add3A_829 : i32
        %add3A_831 = arith.constant 48 : i32
        %add3A_832 = arith.addi %squeeze3A_770, %add3A_831 : i32
        %get3A_833 = arith.index_cast %add3A_830 : i32 to index
        %get3A_834 = arith.index_cast %add3A_832 : i32 to index
        %get3A_835 = tpu.vector_load %arg16[%get3A_833, %get3A_834] {strides = array<i32>} : memref<80x128xi32, #tpu.memory_space<vmem>>, vector<16xi32>,
        %bitcast3A_836 = vector.bitcast %get3A_828 : vector<16xi32> to vector<32xbf16>
        %bitcast3A_837 = vector.bitcast %get3A_835 : vector<16xi32> to vector<32xbf16>
        %mul3A_838 = arith.mulf %bitcast3A_836, %bitcast3A_837 : vector<32xbf16>
        %add3A_839 = arith.addf %mul3A_787, %mul3A_804 : vector<32xbf16>
        %add3A_840 = arith.addf %mul3A_821, %mul3A_838 : vector<32xbf16>
        %add3A_841 = arith.addf %add3A_839, %add3A_840 : vector<32xbf16>
        %unpack3A_842 = tpu.unpack_subelements %add3A_841, 0 {pack_format = #tpu.pack_format<interleaved>} : vector<32xbf16> -> vector<16xf32>
        %unpack3A_843 = tpu.unpack_subelements %add3A_841, 1 {pack_format = #tpu.pack_format<interleaved>} : vector<32xbf16> -> vector<16xf32>
        %add3A_844 = arith.addf %unpack3A_842, %unpack3A_843 : vector<16xf32>
        %reduce_sum3A_845 = arith.constant true
        %reduce_sum3A_846 = vector.broadcast %reduce_sum3A_845 : i1 to vector<16xi1>
        %reduce_sum3A_847 = tpu.scan <sum>, %add3A_844 masked %reduce_sum3A_846 : vector<16xf32>, vector<16xi1> -> vector<16xf32>
        %reduce_sum3A_848 = vector.extract %reduce_sum3A_847[15] : f32 from vector<16xf32>
        %eq3A_849 = arith.constant 5 : i32
        %eq3A_850 = vector.broadcast %eq3A_849 : i32 to vector<16xi32>
        %eq3A_851 = arith.cmpi eq, %iota3A, %eq3A_850 : vector<16xi32>
        %broadcast_in_dim3A_852 = vector.broadcast %reduce_sum3A_848 : f32 to vector<16xf32>
        %select_n3A_853 = arith.select %eq3A_851, %broadcast_in_dim3A_852, %select_n3A_766 : vector<16xi1>, vector<16xf32>
        %slice3A_854 = vector.extract_strided_slice %mul3A_328 {offsets = [6], sizes = [1], strides = [1]} : vector<16xi32> to vector<1xi32>
        %squeeze3A_855 = vector.extract %slice3A_854[0] : i32 from vector<1xi32>
        %slice3A_856 = vector.extract_strided_slice %mul3A_337 {offsets = [6], sizes = [1], strides = [1]} : vector<16xi32> to vector<1xi32>
        %squeeze3A_857 = vector.extract %slice3A_856[0] : i32 from vector<1xi32>
        %add3A_858 = arith.constant 6 : i32
        %add3A_859 = arith.addi %mul3A_320, %add3A_858 : i32
        %add3A_860 = arith.constant 0 : i32
        %add3A_861 = arith.addi %squeeze3A_855, %add3A_860 : i32
        %get3A_862 = arith.index_cast %add3A_859 : i32 to index
        %get3A_863 = arith.index_cast %add3A_861 : i32 to index
        %get3A_864 = tpu.vector_load %arg15[%get3A_862, %get3A_863] {strides = array<i32>} : memref<80x128xi32, #tpu.memory_space<vmem>>, vector<16xi32>,
        %add3A_865 = arith.constant 6 : i32
        %add3A_866 = arith.addi %mul3A_320, %add3A_865 : i32
        %add3A_867 = arith.constant 0 : i32
        %add3A_868 = arith.addi %squeeze3A_857, %add3A_867 : i32
        %get3A_869 = arith.index_cast %add3A_866 : i32 to index
        %get3A_870 = arith.index_cast %add3A_868 : i32 to index
        %get3A_871 = tpu.vector_load %arg16[%get3A_869, %get3A_870] {strides = array<i32>} : memref<80x128xi32, #tpu.memory_space<vmem>>, vector<16xi32>,
        %bitcast3A_872 = vector.bitcast %get3A_864 : vector<16xi32> to vector<32xbf16>
        %bitcast3A_873 = vector.bitcast %get3A_871 : vector<16xi32> to vector<32xbf16>
        %mul3A_874 = arith.mulf %bitcast3A_872, %bitcast3A_873 : vector<32xbf16>
        %add3A_875 = arith.constant 6 : i32
        %add3A_876 = arith.addi %mul3A_320, %add3A_875 : i32
        %add3A_877 = arith.constant 16 : i32
        %add3A_878 = arith.addi %squeeze3A_855, %add3A_877 : i32
        %get3A_879 = arith.index_cast %add3A_876 : i32 to index
        %get3A_880 = arith.index_cast %add3A_878 : i32 to index
        %get3A_881 = tpu.vector_load %arg15[%get3A_879, %get3A_880] {strides = array<i32>} : memref<80x128xi32, #tpu.memory_space<vmem>>, vector<16xi32>,
        %add3A_882 = arith.constant 6 : i32
        %add3A_883 = arith.addi %mul3A_320, %add3A_882 : i32
        %add3A_884 = arith.constant 16 : i32
        %add3A_885 = arith.addi %squeeze3A_857, %add3A_884 : i32
        %get3A_886 = arith.index_cast %add3A_883 : i32 to index
        %get3A_887 = arith.index_cast %add3A_885 : i32 to index
        %get3A_888 = tpu.vector_load %arg16[%get3A_886, %get3A_887] {strides = array<i32>} : memref<80x128xi32, #tpu.memory_space<vmem>>, vector<16xi32>,
        %bitcast3A_889 = vector.bitcast %get3A_881 : vector<16xi32> to vector<32xbf16>
        %bitcast3A_890 = vector.bitcast %get3A_888 : vector<16xi32> to vector<32xbf16>
        %mul3A_891 = arith.mulf %bitcast3A_889, %bitcast3A_890 : vector<32xbf16>
        %add3A_892 = arith.constant 6 : i32
        %add3A_893 = arith.addi %mul3A_320, %add3A_892 : i32
        %add3A_894 = arith.constant 32 : i32
        %add3A_895 = arith.addi %squeeze3A_855, %add3A_894 : i32
        %get3A_896 = arith.index_cast %add3A_893 : i32 to index
        %get3A_897 = arith.index_cast %add3A_895 : i32 to index
        %get3A_898 = tpu.vector_load %arg15[%get3A_896, %get3A_897] {strides = array<i32>} : memref<80x128xi32, #tpu.memory_space<vmem>>, vector<16xi32>,
        %add3A_899 = arith.constant 6 : i32
        %add3A_900 = arith.addi %mul3A_320, %add3A_899 : i32
        %add3A_901 = arith.constant 32 : i32
        %add3A_902 = arith.addi %squeeze3A_857, %add3A_901 : i32
        %get3A_903 = arith.index_cast %add3A_900 : i32 to index
        %get3A_904 = arith.index_cast %add3A_902 : i32 to index
        %get3A_905 = tpu.vector_load %arg16[%get3A_903, %get3A_904] {strides = array<i32>} : memref<80x128xi32, #tpu.memory_space<vmem>>, vector<16xi32>,
        %bitcast3A_906 = vector.bitcast %get3A_898 : vector<16xi32> to vector<32xbf16>
        %bitcast3A_907 = vector.bitcast %get3A_905 : vector<16xi32> to vector<32xbf16>
        %mul3A_908 = arith.mulf %bitcast3A_906, %bitcast3A_907 : vector<32xbf16>
        %add3A_909 = arith.constant 6 : i32
        %add3A_910 = arith.addi %mul3A_320, %add3A_909 : i32
        %add3A_911 = arith.constant 48 : i32
        %add3A_912 = arith.addi %squeeze3A_855, %add3A_911 : i32
        %get3A_913 = arith.index_cast %add3A_910 : i32 to index
        %get3A_914 = arith.index_cast %add3A_912 : i32 to index
        %get3A_915 = tpu.vector_load %arg15[%get3A_913, %get3A_914] {strides = array<i32>} : memref<80x128xi32, #tpu.memory_space<vmem>>, vector<16xi32>,
        %add3A_916 = arith.constant 6 : i32
        %add3A_917 = arith.addi %mul3A_320, %add3A_916 : i32
        %add3A_918 = arith.constant 48 : i32
        %add3A_919 = arith.addi %squeeze3A_857, %add3A_918 : i32
        %get3A_920 = arith.index_cast %add3A_917 : i32 to index
        %get3A_921 = arith.index_cast %add3A_919 : i32 to index
        %get3A_922 = tpu.vector_load %arg16[%get3A_920, %get3A_921] {strides = array<i32>} : memref<80x128xi32, #tpu.memory_space<vmem>>, vector<16xi32>,
        %bitcast3A_923 = vector.bitcast %get3A_915 : vector<16xi32> to vector<32xbf16>
        %bitcast3A_924 = vector.bitcast %get3A_922 : vector<16xi32> to vector<32xbf16>
        %mul3A_925 = arith.mulf %bitcast3A_923, %bitcast3A_924 : vector<32xbf16>
        %add3A_926 = arith.addf %mul3A_874, %mul3A_891 : vector<32xbf16>
        %add3A_927 = arith.addf %mul3A_908, %mul3A_925 : vector<32xbf16>
        %add3A_928 = arith.addf %add3A_926, %add3A_927 : vector<32xbf16>
        %unpack3A_929 = tpu.unpack_subelements %add3A_928, 0 {pack_format = #tpu.pack_format<interleaved>} : vector<32xbf16> -> vector<16xf32>
        %unpack3A_930 = tpu.unpack_subelements %add3A_928, 1 {pack_format = #tpu.pack_format<interleaved>} : vector<32xbf16> -> vector<16xf32>
        %add3A_931 = arith.addf %unpack3A_929, %unpack3A_930 : vector<16xf32>
        %reduce_sum3A_932 = arith.constant true
        %reduce_sum3A_933 = vector.broadcast %reduce_sum3A_932 : i1 to vector<16xi1>
        %reduce_sum3A_934 = tpu.scan <sum>, %add3A_931 masked %reduce_sum3A_933 : vector<16xf32>, vector<16xi1> -> vector<16xf32>
        %reduce_sum3A_935 = vector.extract %reduce_sum3A_934[15] : f32 from vector<16xf32>
        %eq3A_936 = arith.constant 6 : i32
        %eq3A_937 = vector.broadcast %eq3A_936 : i32 to vector<16xi32>
        %eq3A_938 = arith.cmpi eq, %iota3A, %eq3A_937 : vector<16xi32>
        %broadcast_in_dim3A_939 = vector.broadcast %reduce_sum3A_935 : f32 to vector<16xf32>
        %select_n3A_940 = arith.select %eq3A_938, %broadcast_in_dim3A_939, %select_n3A_853 : vector<16xi1>, vector<16xf32>
        %slice3A_941 = vector.extract_strided_slice %mul3A_328 {offsets = [7], sizes = [1], strides = [1]} : vector<16xi32> to vector<1xi32>
        %squeeze3A_942 = vector.extract %slice3A_941[0] : i32 from vector<1xi32>
        %slice3A_943 = vector.extract_strided_slice %mul3A_337 {offsets = [7], sizes = [1], strides = [1]} : vector<16xi32> to vector<1xi32>
        %squeeze3A_944 = vector.extract %slice3A_943[0] : i32 from vector<1xi32>
        %add3A_945 = arith.constant 7 : i32
        %add3A_946 = arith.addi %mul3A_320, %add3A_945 : i32
        %add3A_947 = arith.constant 0 : i32
        %add3A_948 = arith.addi %squeeze3A_942, %add3A_947 : i32
        %get3A_949 = arith.index_cast %add3A_946 : i32 to index
        %get3A_950 = arith.index_cast %add3A_948 : i32 to index
        %get3A_951 = tpu.vector_load %arg15[%get3A_949, %get3A_950] {strides = array<i32>} : memref<80x128xi32, #tpu.memory_space<vmem>>, vector<16xi32>,
        %add3A_952 = arith.constant 7 : i32
        %add3A_953 = arith.addi %mul3A_320, %add3A_952 : i32
        %add3A_954 = arith.constant 0 : i32
        %add3A_955 = arith.addi %squeeze3A_944, %add3A_954 : i32
        %get3A_956 = arith.index_cast %add3A_953 : i32 to index
        %get3A_957 = arith.index_cast %add3A_955 : i32 to index
        %get3A_958 = tpu.vector_load %arg16[%get3A_956, %get3A_957] {strides = array<i32>} : memref<80x128xi32, #tpu.memory_space<vmem>>, vector<16xi32>,
        %bitcast3A_959 = vector.bitcast %get3A_951 : vector<16xi32> to vector<32xbf16>
        %bitcast3A_960 = vector.bitcast %get3A_958 : vector<16xi32> to vector<32xbf16>
        %mul3A_961 = arith.mulf %bitcast3A_959, %bitcast3A_960 : vector<32xbf16>
        %add3A_962 = arith.constant 7 : i32
        %add3A_963 = arith.addi %mul3A_320, %add3A_962 : i32
        %add3A_964 = arith.constant 16 : i32
        %add3A_965 = arith.addi %squeeze3A_942, %add3A_964 : i32
        %get3A_966 = arith.index_cast %add3A_963 : i32 to index
        %get3A_967 = arith.index_cast %add3A_965 : i32 to index
        %get3A_968 = tpu.vector_load %arg15[%get3A_966, %get3A_967] {strides = array<i32>} : memref<80x128xi32, #tpu.memory_space<vmem>>, vector<16xi32>,
        %add3A_969 = arith.constant 7 : i32
        %add3A_970 = arith.addi %mul3A_320, %add3A_969 : i32
        %add3A_971 = arith.constant 16 : i32
        %add3A_972 = arith.addi %squeeze3A_944, %add3A_971 : i32
        %get3A_973 = arith.index_cast %add3A_970 : i32 to index
        %get3A_974 = arith.index_cast %add3A_972 : i32 to index
        %get3A_975 = tpu.vector_load %arg16[%get3A_973, %get3A_974] {strides = array<i32>} : memref<80x128xi32, #tpu.memory_space<vmem>>, vector<16xi32>,
        %bitcast3A_976 = vector.bitcast %get3A_968 : vector<16xi32> to vector<32xbf16>
        %bitcast3A_977 = vector.bitcast %get3A_975 : vector<16xi32> to vector<32xbf16>
        %mul3A_978 = arith.mulf %bitcast3A_976, %bitcast3A_977 : vector<32xbf16>
        %add3A_979 = arith.constant 7 : i32
        %add3A_980 = arith.addi %mul3A_320, %add3A_979 : i32
        %add3A_981 = arith.constant 32 : i32
        %add3A_982 = arith.addi %squeeze3A_942, %add3A_981 : i32
        %get3A_983 = arith.index_cast %add3A_980 : i32 to index
        %get3A_984 = arith.index_cast %add3A_982 : i32 to index
        %get3A_985 = tpu.vector_load %arg15[%get3A_983, %get3A_984] {strides = array<i32>} : memref<80x128xi32, #tpu.memory_space<vmem>>, vector<16xi32>,
        %add3A_986 = arith.constant 7 : i32
        %add3A_987 = arith.addi %mul3A_320, %add3A_986 : i32
        %add3A_988 = arith.constant 32 : i32
        %add3A_989 = arith.addi %squeeze3A_944, %add3A_988 : i32
        %get3A_990 = arith.index_cast %add3A_987 : i32 to index
        %get3A_991 = arith.index_cast %add3A_989 : i32 to index
        %get3A_992 = tpu.vector_load %arg16[%get3A_990, %get3A_991] {strides = array<i32>} : memref<80x128xi32, #tpu.memory_space<vmem>>, vector<16xi32>,
        %bitcast3A_993 = vector.bitcast %get3A_985 : vector<16xi32> to vector<32xbf16>
        %bitcast3A_994 = vector.bitcast %get3A_992 : vector<16xi32> to vector<32xbf16>
        %mul3A_995 = arith.mulf %bitcast3A_993, %bitcast3A_994 : vector<32xbf16>
        %add3A_996 = arith.constant 7 : i32
        %add3A_997 = arith.addi %mul3A_320, %add3A_996 : i32
        %add3A_998 = arith.constant 48 : i32
        %add3A_999 = arith.addi %squeeze3A_942, %add3A_998 : i32
        %get3A_1000 = arith.index_cast %add3A_997 : i32 to index
        %get3A_1001 = arith.index_cast %add3A_999 : i32 to index
        %get3A_1002 = tpu.vector_load %arg15[%get3A_1000, %get3A_1001] {strides = array<i32>} : memref<80x128xi32, #tpu.memory_space<vmem>>, vector<16xi32>,
        %add3A_1003 = arith.constant 7 : i32
        %add3A_1004 = arith.addi %mul3A_320, %add3A_1003 : i32
        %add3A_1005 = arith.constant 48 : i32
        %add3A_1006 = arith.addi %squeeze3A_944, %add3A_1005 : i32
        %get3A_1007 = arith.index_cast %add3A_1004 : i32 to index
        %get3A_1008 = arith.index_cast %add3A_1006 : i32 to index
        %get3A_1009 = tpu.vector_load %arg16[%get3A_1007, %get3A_1008] {strides = array<i32>} : memref<80x128xi32, #tpu.memory_space<vmem>>, vector<16xi32>,
        %bitcast3A_1010 = vector.bitcast %get3A_1002 : vector<16xi32> to vector<32xbf16>
        %bitcast3A_1011 = vector.bitcast %get3A_1009 : vector<16xi32> to vector<32xbf16>
        %mul3A_1012 = arith.mulf %bitcast3A_1010, %bitcast3A_1011 : vector<32xbf16>
        %add3A_1013 = arith.addf %mul3A_961, %mul3A_978 : vector<32xbf16>
        %add3A_1014 = arith.addf %mul3A_995, %mul3A_1012 : vector<32xbf16>
        %add3A_1015 = arith.addf %add3A_1013, %add3A_1014 : vector<32xbf16>
        %unpack3A_1016 = tpu.unpack_subelements %add3A_1015, 0 {pack_format = #tpu.pack_format<interleaved>} : vector<32xbf16> -> vector<16xf32>
        %unpack3A_1017 = tpu.unpack_subelements %add3A_1015, 1 {pack_format = #tpu.pack_format<interleaved>} : vector<32xbf16> -> vector<16xf32>
        %add3A_1018 = arith.addf %unpack3A_1016, %unpack3A_1017 : vector<16xf32>
        %reduce_sum3A_1019 = arith.constant true
        %reduce_sum3A_1020 = vector.broadcast %reduce_sum3A_1019 : i1 to vector<16xi1>
        %reduce_sum3A_1021 = tpu.scan <sum>, %add3A_1018 masked %reduce_sum3A_1020 : vector<16xf32>, vector<16xi1> -> vector<16xf32>
        %reduce_sum3A_1022 = vector.extract %reduce_sum3A_1021[15] : f32 from vector<16xf32>
        %eq3A_1023 = arith.constant 7 : i32
        %eq3A_1024 = vector.broadcast %eq3A_1023 : i32 to vector<16xi32>
        %eq3A_1025 = arith.cmpi eq, %iota3A, %eq3A_1024 : vector<16xi32>
        %broadcast_in_dim3A_1026 = vector.broadcast %reduce_sum3A_1022 : f32 to vector<16xf32>
        %select_n3A_1027 = arith.select %eq3A_1025, %broadcast_in_dim3A_1026, %select_n3A_940 : vector<16xi1>, vector<16xf32>
        %slice3A_1028 = vector.extract_strided_slice %mul3A_328 {offsets = [8], sizes = [1], strides = [1]} : vector<16xi32> to vector<1xi32>
        %squeeze3A_1029 = vector.extract %slice3A_1028[0] : i32 from vector<1xi32>
        %slice3A_1030 = vector.extract_strided_slice %mul3A_337 {offsets = [8], sizes = [1], strides = [1]} : vector<16xi32> to vector<1xi32>
        %squeeze3A_1031 = vector.extract %slice3A_1030[0] : i32 from vector<1xi32>
        %add3A_1032 = arith.constant 8 : i32
        %add3A_1033 = arith.addi %mul3A_320, %add3A_1032 : i32
        %add3A_1034 = arith.constant 0 : i32
        %add3A_1035 = arith.addi %squeeze3A_1029, %add3A_1034 : i32
        %get3A_1036 = arith.index_cast %add3A_1033 : i32 to index
        %get3A_1037 = arith.index_cast %add3A_1035 : i32 to index
        %get3A_1038 = tpu.vector_load %arg15[%get3A_1036, %get3A_1037] {strides = array<i32>} : memref<80x128xi32, #tpu.memory_space<vmem>>, vector<16xi32>,
        %add3A_1039 = arith.constant 8 : i32
        %add3A_1040 = arith.addi %mul3A_320, %add3A_1039 : i32
        %add3A_1041 = arith.constant 0 : i32
        %add3A_1042 = arith.addi %squeeze3A_1031, %add3A_1041 : i32
        %get3A_1043 = arith.index_cast %add3A_1040 : i32 to index
        %get3A_1044 = arith.index_cast %add3A_1042 : i32 to index
        %get3A_1045 = tpu.vector_load %arg16[%get3A_1043, %get3A_1044] {strides = array<i32>} : memref<80x128xi32, #tpu.memory_space<vmem>>, vector<16xi32>,
        %bitcast3A_1046 = vector.bitcast %get3A_1038 : vector<16xi32> to vector<32xbf16>
        %bitcast3A_1047 = vector.bitcast %get3A_1045 : vector<16xi32> to vector<32xbf16>
        %mul3A_1048 = arith.mulf %bitcast3A_1046, %bitcast3A_1047 : vector<32xbf16>
        %add3A_1049 = arith.constant 8 : i32
        %add3A_1050 = arith.addi %mul3A_320, %add3A_1049 : i32
        %add3A_1051 = arith.constant 16 : i32
        %add3A_1052 = arith.addi %squeeze3A_1029, %add3A_1051 : i32
        %get3A_1053 = arith.index_cast %add3A_1050 : i32 to index
        %get3A_1054 = arith.index_cast %add3A_1052 : i32 to index
        %get3A_1055 = tpu.vector_load %arg15[%get3A_1053, %get3A_1054] {strides = array<i32>} : memref<80x128xi32, #tpu.memory_space<vmem>>, vector<16xi32>,
        %add3A_1056 = arith.constant 8 : i32
        %add3A_1057 = arith.addi %mul3A_320, %add3A_1056 : i32
        %add3A_1058 = arith.constant 16 : i32
        %add3A_1059 = arith.addi %squeeze3A_1031, %add3A_1058 : i32
        %get3A_1060 = arith.index_cast %add3A_1057 : i32 to index
        %get3A_1061 = arith.index_cast %add3A_1059 : i32 to index
        %get3A_1062 = tpu.vector_load %arg16[%get3A_1060, %get3A_1061] {strides = array<i32>} : memref<80x128xi32, #tpu.memory_space<vmem>>, vector<16xi32>,
        %bitcast3A_1063 = vector.bitcast %get3A_1055 : vector<16xi32> to vector<32xbf16>
        %bitcast3A_1064 = vector.bitcast %get3A_1062 : vector<16xi32> to vector<32xbf16>
        %mul3A_1065 = arith.mulf %bitcast3A_1063, %bitcast3A_1064 : vector<32xbf16>
        %add3A_1066 = arith.constant 8 : i32
        %add3A_1067 = arith.addi %mul3A_320, %add3A_1066 : i32
        %add3A_1068 = arith.constant 32 : i32
        %add3A_1069 = arith.addi %squeeze3A_1029, %add3A_1068 : i32
        %get3A_1070 = arith.index_cast %add3A_1067 : i32 to index
        %get3A_1071 = arith.index_cast %add3A_1069 : i32 to index
        %get3A_1072 = tpu.vector_load %arg15[%get3A_1070, %get3A_1071] {strides = array<i32>} : memref<80x128xi32, #tpu.memory_space<vmem>>, vector<16xi32>,
        %add3A_1073 = arith.constant 8 : i32
        %add3A_1074 = arith.addi %mul3A_320, %add3A_1073 : i32
        %add3A_1075 = arith.constant 32 : i32
        %add3A_1076 = arith.addi %squeeze3A_1031, %add3A_1075 : i32
        %get3A_1077 = arith.index_cast %add3A_1074 : i32 to index
        %get3A_1078 = arith.index_cast %add3A_1076 : i32 to index
        %get3A_1079 = tpu.vector_load %arg16[%get3A_1077, %get3A_1078] {strides = array<i32>} : memref<80x128xi32, #tpu.memory_space<vmem>>, vector<16xi32>,
        %bitcast3A_1080 = vector.bitcast %get3A_1072 : vector<16xi32> to vector<32xbf16>
        %bitcast3A_1081 = vector.bitcast %get3A_1079 : vector<16xi32> to vector<32xbf16>
        %mul3A_1082 = arith.mulf %bitcast3A_1080, %bitcast3A_1081 : vector<32xbf16>
        %add3A_1083 = arith.constant 8 : i32
        %add3A_1084 = arith.addi %mul3A_320, %add3A_1083 : i32
        %add3A_1085 = arith.constant 48 : i32
        %add3A_1086 = arith.addi %squeeze3A_1029, %add3A_1085 : i32
        %get3A_1087 = arith.index_cast %add3A_1084 : i32 to index
        %get3A_1088 = arith.index_cast %add3A_1086 : i32 to index
        %get3A_1089 = tpu.vector_load %arg15[%get3A_1087, %get3A_1088] {strides = array<i32>} : memref<80x128xi32, #tpu.memory_space<vmem>>, vector<16xi32>,
        %add3A_1090 = arith.constant 8 : i32
        %add3A_1091 = arith.addi %mul3A_320, %add3A_1090 : i32
        %add3A_1092 = arith.constant 48 : i32
        %add3A_1093 = arith.addi %squeeze3A_1031, %add3A_1092 : i32
        %get3A_1094 = arith.index_cast %add3A_1091 : i32 to index
        %get3A_1095 = arith.index_cast %add3A_1093 : i32 to index
        %get3A_1096 = tpu.vector_load %arg16[%get3A_1094, %get3A_1095] {strides = array<i32>} : memref<80x128xi32, #tpu.memory_space<vmem>>, vector<16xi32>,
        %bitcast3A_1097 = vector.bitcast %get3A_1089 : vector<16xi32> to vector<32xbf16>
        %bitcast3A_1098 = vector.bitcast %get3A_1096 : vector<16xi32> to vector<32xbf16>
        %mul3A_1099 = arith.mulf %bitcast3A_1097, %bitcast3A_1098 : vector<32xbf16>
        %add3A_1100 = arith.addf %mul3A_1048, %mul3A_1065 : vector<32xbf16>
        %add3A_1101 = arith.addf %mul3A_1082, %mul3A_1099 : vector<32xbf16>
        %add3A_1102 = arith.addf %add3A_1100, %add3A_1101 : vector<32xbf16>
        %unpack3A_1103 = tpu.unpack_subelements %add3A_1102, 0 {pack_format = #tpu.pack_format<interleaved>} : vector<32xbf16> -> vector<16xf32>
        %unpack3A_1104 = tpu.unpack_subelements %add3A_1102, 1 {pack_format = #tpu.pack_format<interleaved>} : vector<32xbf16> -> vector<16xf32>
        %add3A_1105 = arith.addf %unpack3A_1103, %unpack3A_1104 : vector<16xf32>
        %reduce_sum3A_1106 = arith.constant true
        %reduce_sum3A_1107 = vector.broadcast %reduce_sum3A_1106 : i1 to vector<16xi1>
        %reduce_sum3A_1108 = tpu.scan <sum>, %add3A_1105 masked %reduce_sum3A_1107 : vector<16xf32>, vector<16xi1> -> vector<16xf32>
        %reduce_sum3A_1109 = vector.extract %reduce_sum3A_1108[15] : f32 from vector<16xf32>
        %eq3A_1110 = arith.constant 8 : i32
        %eq3A_1111 = vector.broadcast %eq3A_1110 : i32 to vector<16xi32>
        %eq3A_1112 = arith.cmpi eq, %iota3A, %eq3A_1111 : vector<16xi32>
        %broadcast_in_dim3A_1113 = vector.broadcast %reduce_sum3A_1109 : f32 to vector<16xf32>
        %select_n3A_1114 = arith.select %eq3A_1112, %broadcast_in_dim3A_1113, %select_n3A_1027 : vector<16xi1>, vector<16xf32>
        %slice3A_1115 = vector.extract_strided_slice %mul3A_328 {offsets = [9], sizes = [1], strides = [1]} : vector<16xi32> to vector<1xi32>
        %squeeze3A_1116 = vector.extract %slice3A_1115[0] : i32 from vector<1xi32>
        %slice3A_1117 = vector.extract_strided_slice %mul3A_337 {offsets = [9], sizes = [1], strides = [1]} : vector<16xi32> to vector<1xi32>
        %squeeze3A_1118 = vector.extract %slice3A_1117[0] : i32 from vector<1xi32>
        %add3A_1119 = arith.constant 9 : i32
        %add3A_1120 = arith.addi %mul3A_320, %add3A_1119 : i32
        %add3A_1121 = arith.constant 0 : i32
        %add3A_1122 = arith.addi %squeeze3A_1116, %add3A_1121 : i32
        %get3A_1123 = arith.index_cast %add3A_1120 : i32 to index
        %get3A_1124 = arith.index_cast %add3A_1122 : i32 to index
        %get3A_1125 = tpu.vector_load %arg15[%get3A_1123, %get3A_1124] {strides = array<i32>} : memref<80x128xi32, #tpu.memory_space<vmem>>, vector<16xi32>,
        %add3A_1126 = arith.constant 9 : i32
        %add3A_1127 = arith.addi %mul3A_320, %add3A_1126 : i32
        %add3A_1128 = arith.constant 0 : i32
        %add3A_1129 = arith.addi %squeeze3A_1118, %add3A_1128 : i32
        %get3A_1130 = arith.index_cast %add3A_1127 : i32 to index
        %get3A_1131 = arith.index_cast %add3A_1129 : i32 to index
        %get3A_1132 = tpu.vector_load %arg16[%get3A_1130, %get3A_1131] {strides = array<i32>} : memref<80x128xi32, #tpu.memory_space<vmem>>, vector<16xi32>,
        %bitcast3A_1133 = vector.bitcast %get3A_1125 : vector<16xi32> to vector<32xbf16>
        %bitcast3A_1134 = vector.bitcast %get3A_1132 : vector<16xi32> to vector<32xbf16>
        %mul3A_1135 = arith.mulf %bitcast3A_1133, %bitcast3A_1134 : vector<32xbf16>
        %add3A_1136 = arith.constant 9 : i32
        %add3A_1137 = arith.addi %mul3A_320, %add3A_1136 : i32
        %add3A_1138 = arith.constant 16 : i32
        %add3A_1139 = arith.addi %squeeze3A_1116, %add3A_1138 : i32
        %get3A_1140 = arith.index_cast %add3A_1137 : i32 to index
        %get3A_1141 = arith.index_cast %add3A_1139 : i32 to index
        %get3A_1142 = tpu.vector_load %arg15[%get3A_1140, %get3A_1141] {strides = array<i32>} : memref<80x128xi32, #tpu.memory_space<vmem>>, vector<16xi32>,
        %add3A_1143 = arith.constant 9 : i32
        %add3A_1144 = arith.addi %mul3A_320, %add3A_1143 : i32
        %add3A_1145 = arith.constant 16 : i32
        %add3A_1146 = arith.addi %squeeze3A_1118, %add3A_1145 : i32
        %get3A_1147 = arith.index_cast %add3A_1144 : i32 to index
        %get3A_1148 = arith.index_cast %add3A_1146 : i32 to index
        %get3A_1149 = tpu.vector_load %arg16[%get3A_1147, %get3A_1148] {strides = array<i32>} : memref<80x128xi32, #tpu.memory_space<vmem>>, vector<16xi32>,
        %bitcast3A_1150 = vector.bitcast %get3A_1142 : vector<16xi32> to vector<32xbf16>
        %bitcast3A_1151 = vector.bitcast %get3A_1149 : vector<16xi32> to vector<32xbf16>
        %mul3A_1152 = arith.mulf %bitcast3A_1150, %bitcast3A_1151 : vector<32xbf16>
        %add3A_1153 = arith.constant 9 : i32
        %add3A_1154 = arith.addi %mul3A_320, %add3A_1153 : i32
        %add3A_1155 = arith.constant 32 : i32
        %add3A_1156 = arith.addi %squeeze3A_1116, %add3A_1155 : i32
        %get3A_1157 = arith.index_cast %add3A_1154 : i32 to index
        %get3A_1158 = arith.index_cast %add3A_1156 : i32 to index
        %get3A_1159 = tpu.vector_load %arg15[%get3A_1157, %get3A_1158] {strides = array<i32>} : memref<80x128xi32, #tpu.memory_space<vmem>>, vector<16xi32>,
        %add3A_1160 = arith.constant 9 : i32
        %add3A_1161 = arith.addi %mul3A_320, %add3A_1160 : i32
        %add3A_1162 = arith.constant 32 : i32
        %add3A_1163 = arith.addi %squeeze3A_1118, %add3A_1162 : i32
        %get3A_1164 = arith.index_cast %add3A_1161 : i32 to index
        %get3A_1165 = arith.index_cast %add3A_1163 : i32 to index
        %get3A_1166 = tpu.vector_load %arg16[%get3A_1164, %get3A_1165] {strides = array<i32>} : memref<80x128xi32, #tpu.memory_space<vmem>>, vector<16xi32>,
        %bitcast3A_1167 = vector.bitcast %get3A_1159 : vector<16xi32> to vector<32xbf16>
        %bitcast3A_1168 = vector.bitcast %get3A_1166 : vector<16xi32> to vector<32xbf16>
        %mul3A_1169 = arith.mulf %bitcast3A_1167, %bitcast3A_1168 : vector<32xbf16>
        %add3A_1170 = arith.constant 9 : i32
        %add3A_1171 = arith.addi %mul3A_320, %add3A_1170 : i32
        %add3A_1172 = arith.constant 48 : i32
        %add3A_1173 = arith.addi %squeeze3A_1116, %add3A_1172 : i32
        %get3A_1174 = arith.index_cast %add3A_1171 : i32 to index
        %get3A_1175 = arith.index_cast %add3A_1173 : i32 to index
        %get3A_1176 = tpu.vector_load %arg15[%get3A_1174, %get3A_1175] {strides = array<i32>} : memref<80x128xi32, #tpu.memory_space<vmem>>, vector<16xi32>,
        %add3A_1177 = arith.constant 9 : i32
        %add3A_1178 = arith.addi %mul3A_320, %add3A_1177 : i32
        %add3A_1179 = arith.constant 48 : i32
        %add3A_1180 = arith.addi %squeeze3A_1118, %add3A_1179 : i32
        %get3A_1181 = arith.index_cast %add3A_1178 : i32 to index
        %get3A_1182 = arith.index_cast %add3A_1180 : i32 to index
        %get3A_1183 = tpu.vector_load %arg16[%get3A_1181, %get3A_1182] {strides = array<i32>} : memref<80x128xi32, #tpu.memory_space<vmem>>, vector<16xi32>,
        %bitcast3A_1184 = vector.bitcast %get3A_1176 : vector<16xi32> to vector<32xbf16>
        %bitcast3A_1185 = vector.bitcast %get3A_1183 : vector<16xi32> to vector<32xbf16>
        %mul3A_1186 = arith.mulf %bitcast3A_1184, %bitcast3A_1185 : vector<32xbf16>
        %add3A_1187 = arith.addf %mul3A_1135, %mul3A_1152 : vector<32xbf16>
        %add3A_1188 = arith.addf %mul3A_1169, %mul3A_1186 : vector<32xbf16>
        %add3A_1189 = arith.addf %add3A_1187, %add3A_1188 : vector<32xbf16>
        %unpack3A_1190 = tpu.unpack_subelements %add3A_1189, 0 {pack_format = #tpu.pack_format<interleaved>} : vector<32xbf16> -> vector<16xf32>
        %unpack3A_1191 = tpu.unpack_subelements %add3A_1189, 1 {pack_format = #tpu.pack_format<interleaved>} : vector<32xbf16> -> vector<16xf32>
        %add3A_1192 = arith.addf %unpack3A_1190, %unpack3A_1191 : vector<16xf32>
        %reduce_sum3A_1193 = arith.constant true
        %reduce_sum3A_1194 = vector.broadcast %reduce_sum3A_1193 : i1 to vector<16xi1>
        %reduce_sum3A_1195 = tpu.scan <sum>, %add3A_1192 masked %reduce_sum3A_1194 : vector<16xf32>, vector<16xi1> -> vector<16xf32>
        %reduce_sum3A_1196 = vector.extract %reduce_sum3A_1195[15] : f32 from vector<16xf32>
        %eq3A_1197 = arith.constant 9 : i32
        %eq3A_1198 = vector.broadcast %eq3A_1197 : i32 to vector<16xi32>
        %eq3A_1199 = arith.cmpi eq, %iota3A, %eq3A_1198 : vector<16xi32>
        %broadcast_in_dim3A_1200 = vector.broadcast %reduce_sum3A_1196 : f32 to vector<16xf32>
        %select_n3A_1201 = arith.select %eq3A_1199, %broadcast_in_dim3A_1200, %select_n3A_1114 : vector<16xi1>, vector<16xf32>
        %slice3A_1202 = vector.extract_strided_slice %mul3A_328 {offsets = [10], sizes = [1], strides = [1]} : vector<16xi32> to vector<1xi32>
        %squeeze3A_1203 = vector.extract %slice3A_1202[0] : i32 from vector<1xi32>
        %slice3A_1204 = vector.extract_strided_slice %mul3A_337 {offsets = [10], sizes = [1], strides = [1]} : vector<16xi32> to vector<1xi32>
        %squeeze3A_1205 = vector.extract %slice3A_1204[0] : i32 from vector<1xi32>
        %add3A_1206 = arith.constant 10 : i32
        %add3A_1207 = arith.addi %mul3A_320, %add3A_1206 : i32
        %add3A_1208 = arith.constant 0 : i32
        %add3A_1209 = arith.addi %squeeze3A_1203, %add3A_1208 : i32
        %get3A_1210 = arith.index_cast %add3A_1207 : i32 to index
        %get3A_1211 = arith.index_cast %add3A_1209 : i32 to index
        %get3A_1212 = tpu.vector_load %arg15[%get3A_1210, %get3A_1211] {strides = array<i32>} : memref<80x128xi32, #tpu.memory_space<vmem>>, vector<16xi32>,
        %add3A_1213 = arith.constant 10 : i32
        %add3A_1214 = arith.addi %mul3A_320, %add3A_1213 : i32
        %add3A_1215 = arith.constant 0 : i32
        %add3A_1216 = arith.addi %squeeze3A_1205, %add3A_1215 : i32
        %get3A_1217 = arith.index_cast %add3A_1214 : i32 to index
        %get3A_1218 = arith.index_cast %add3A_1216 : i32 to index
        %get3A_1219 = tpu.vector_load %arg16[%get3A_1217, %get3A_1218] {strides = array<i32>} : memref<80x128xi32, #tpu.memory_space<vmem>>, vector<16xi32>,
        %bitcast3A_1220 = vector.bitcast %get3A_1212 : vector<16xi32> to vector<32xbf16>
        %bitcast3A_1221 = vector.bitcast %get3A_1219 : vector<16xi32> to vector<32xbf16>
        %mul3A_1222 = arith.mulf %bitcast3A_1220, %bitcast3A_1221 : vector<32xbf16>
        %add3A_1223 = arith.constant 10 : i32
        %add3A_1224 = arith.addi %mul3A_320, %add3A_1223 : i32
        %add3A_1225 = arith.constant 16 : i32
        %add3A_1226 = arith.addi %squeeze3A_1203, %add3A_1225 : i32
        %get3A_1227 = arith.index_cast %add3A_1224 : i32 to index
        %get3A_1228 = arith.index_cast %add3A_1226 : i32 to index
        %get3A_1229 = tpu.vector_load %arg15[%get3A_1227, %get3A_1228] {strides = array<i32>} : memref<80x128xi32, #tpu.memory_space<vmem>>, vector<16xi32>,
        %add3A_1230 = arith.constant 10 : i32
        %add3A_1231 = arith.addi %mul3A_320, %add3A_1230 : i32
        %add3A_1232 = arith.constant 16 : i32
        %add3A_1233 = arith.addi %squeeze3A_1205, %add3A_1232 : i32
        %get3A_1234 = arith.index_cast %add3A_1231 : i32 to index
        %get3A_1235 = arith.index_cast %add3A_1233 : i32 to index
        %get3A_1236 = tpu.vector_load %arg16[%get3A_1234, %get3A_1235] {strides = array<i32>} : memref<80x128xi32, #tpu.memory_space<vmem>>, vector<16xi32>,
        %bitcast3A_1237 = vector.bitcast %get3A_1229 : vector<16xi32> to vector<32xbf16>
        %bitcast3A_1238 = vector.bitcast %get3A_1236 : vector<16xi32> to vector<32xbf16>
        %mul3A_1239 = arith.mulf %bitcast3A_1237, %bitcast3A_1238 : vector<32xbf16>
        %add3A_1240 = arith.constant 10 : i32
        %add3A_1241 = arith.addi %mul3A_320, %add3A_1240 : i32
        %add3A_1242 = arith.constant 32 : i32
        %add3A_1243 = arith.addi %squeeze3A_1203, %add3A_1242 : i32
        %get3A_1244 = arith.index_cast %add3A_1241 : i32 to index
        %get3A_1245 = arith.index_cast %add3A_1243 : i32 to index
        %get3A_1246 = tpu.vector_load %arg15[%get3A_1244, %get3A_1245] {strides = array<i32>} : memref<80x128xi32, #tpu.memory_space<vmem>>, vector<16xi32>,
        %add3A_1247 = arith.constant 10 : i32
        %add3A_1248 = arith.addi %mul3A_320, %add3A_1247 : i32
        %add3A_1249 = arith.constant 32 : i32
        %add3A_1250 = arith.addi %squeeze3A_1205, %add3A_1249 : i32
        %get3A_1251 = arith.index_cast %add3A_1248 : i32 to index
        %get3A_1252 = arith.index_cast %add3A_1250 : i32 to index
        %get3A_1253 = tpu.vector_load %arg16[%get3A_1251, %get3A_1252] {strides = array<i32>} : memref<80x128xi32, #tpu.memory_space<vmem>>, vector<16xi32>,
        %bitcast3A_1254 = vector.bitcast %get3A_1246 : vector<16xi32> to vector<32xbf16>
        %bitcast3A_1255 = vector.bitcast %get3A_1253 : vector<16xi32> to vector<32xbf16>
        %mul3A_1256 = arith.mulf %bitcast3A_1254, %bitcast3A_1255 : vector<32xbf16>
        %add3A_1257 = arith.constant 10 : i32
        %add3A_1258 = arith.addi %mul3A_320, %add3A_1257 : i32
        %add3A_1259 = arith.constant 48 : i32
        %add3A_1260 = arith.addi %squeeze3A_1203, %add3A_1259 : i32
        %get3A_1261 = arith.index_cast %add3A_1258 : i32 to index
        %get3A_1262 = arith.index_cast %add3A_1260 : i32 to index
        %get3A_1263 = tpu.vector_load %arg15[%get3A_1261, %get3A_1262] {strides = array<i32>} : memref<80x128xi32, #tpu.memory_space<vmem>>, vector<16xi32>,
        %add3A_1264 = arith.constant 10 : i32
        %add3A_1265 = arith.addi %mul3A_320, %add3A_1264 : i32
        %add3A_1266 = arith.constant 48 : i32
        %add3A_1267 = arith.addi %squeeze3A_1205, %add3A_1266 : i32
        %get3A_1268 = arith.index_cast %add3A_1265 : i32 to index
        %get3A_1269 = arith.index_cast %add3A_1267 : i32 to index
        %get3A_1270 = tpu.vector_load %arg16[%get3A_1268, %get3A_1269] {strides = array<i32>} : memref<80x128xi32, #tpu.memory_space<vmem>>, vector<16xi32>,
        %bitcast3A_1271 = vector.bitcast %get3A_1263 : vector<16xi32> to vector<32xbf16>
        %bitcast3A_1272 = vector.bitcast %get3A_1270 : vector<16xi32> to vector<32xbf16>
        %mul3A_1273 = arith.mulf %bitcast3A_1271, %bitcast3A_1272 : vector<32xbf16>
        %add3A_1274 = arith.addf %mul3A_1222, %mul3A_1239 : vector<32xbf16>
        %add3A_1275 = arith.addf %mul3A_1256, %mul3A_1273 : vector<32xbf16>
        %add3A_1276 = arith.addf %add3A_1274, %add3A_1275 : vector<32xbf16>
        %unpack3A_1277 = tpu.unpack_subelements %add3A_1276, 0 {pack_format = #tpu.pack_format<interleaved>} : vector<32xbf16> -> vector<16xf32>
        %unpack3A_1278 = tpu.unpack_subelements %add3A_1276, 1 {pack_format = #tpu.pack_format<interleaved>} : vector<32xbf16> -> vector<16xf32>
        %add3A_1279 = arith.addf %unpack3A_1277, %unpack3A_1278 : vector<16xf32>
        %reduce_sum3A_1280 = arith.constant true
        %reduce_sum3A_1281 = vector.broadcast %reduce_sum3A_1280 : i1 to vector<16xi1>
        %reduce_sum3A_1282 = tpu.scan <sum>, %add3A_1279 masked %reduce_sum3A_1281 : vector<16xf32>, vector<16xi1> -> vector<16xf32>
        %reduce_sum3A_1283 = vector.extract %reduce_sum3A_1282[15] : f32 from vector<16xf32>
        %eq3A_1284 = arith.constant 10 : i32
        %eq3A_1285 = vector.broadcast %eq3A_1284 : i32 to vector<16xi32>
        %eq3A_1286 = arith.cmpi eq, %iota3A, %eq3A_1285 : vector<16xi32>
        %broadcast_in_dim3A_1287 = vector.broadcast %reduce_sum3A_1283 : f32 to vector<16xf32>
        %select_n3A_1288 = arith.select %eq3A_1286, %broadcast_in_dim3A_1287, %select_n3A_1201 : vector<16xi1>, vector<16xf32>
        %slice3A_1289 = vector.extract_strided_slice %mul3A_328 {offsets = [11], sizes = [1], strides = [1]} : vector<16xi32> to vector<1xi32>
        %squeeze3A_1290 = vector.extract %slice3A_1289[0] : i32 from vector<1xi32>
        %slice3A_1291 = vector.extract_strided_slice %mul3A_337 {offsets = [11], sizes = [1], strides = [1]} : vector<16xi32> to vector<1xi32>
        %squeeze3A_1292 = vector.extract %slice3A_1291[0] : i32 from vector<1xi32>
        %add3A_1293 = arith.constant 11 : i32
        %add3A_1294 = arith.addi %mul3A_320, %add3A_1293 : i32
        %add3A_1295 = arith.constant 0 : i32
        %add3A_1296 = arith.addi %squeeze3A_1290, %add3A_1295 : i32
        %get3A_1297 = arith.index_cast %add3A_1294 : i32 to index
        %get3A_1298 = arith.index_cast %add3A_1296 : i32 to index
        %get3A_1299 = tpu.vector_load %arg15[%get3A_1297, %get3A_1298] {strides = array<i32>} : memref<80x128xi32, #tpu.memory_space<vmem>>, vector<16xi32>,
        %add3A_1300 = arith.constant 11 : i32
        %add3A_1301 = arith.addi %mul3A_320, %add3A_1300 : i32
        %add3A_1302 = arith.constant 0 : i32
        %add3A_1303 = arith.addi %squeeze3A_1292, %add3A_1302 : i32
        %get3A_1304 = arith.index_cast %add3A_1301 : i32 to index
        %get3A_1305 = arith.index_cast %add3A_1303 : i32 to index
        %get3A_1306 = tpu.vector_load %arg16[%get3A_1304, %get3A_1305] {strides = array<i32>} : memref<80x128xi32, #tpu.memory_space<vmem>>, vector<16xi32>,
        %bitcast3A_1307 = vector.bitcast %get3A_1299 : vector<16xi32> to vector<32xbf16>
        %bitcast3A_1308 = vector.bitcast %get3A_1306 : vector<16xi32> to vector<32xbf16>
        %mul3A_1309 = arith.mulf %bitcast3A_1307, %bitcast3A_1308 : vector<32xbf16>
        %add3A_1310 = arith.constant 11 : i32
        %add3A_1311 = arith.addi %mul3A_320, %add3A_1310 : i32
        %add3A_1312 = arith.constant 16 : i32
        %add3A_1313 = arith.addi %squeeze3A_1290, %add3A_1312 : i32
        %get3A_1314 = arith.index_cast %add3A_1311 : i32 to index
        %get3A_1315 = arith.index_cast %add3A_1313 : i32 to index
        %get3A_1316 = tpu.vector_load %arg15[%get3A_1314, %get3A_1315] {strides = array<i32>} : memref<80x128xi32, #tpu.memory_space<vmem>>, vector<16xi32>,
        %add3A_1317 = arith.constant 11 : i32
        %add3A_1318 = arith.addi %mul3A_320, %add3A_1317 : i32
        %add3A_1319 = arith.constant 16 : i32
        %add3A_1320 = arith.addi %squeeze3A_1292, %add3A_1319 : i32
        %get3A_1321 = arith.index_cast %add3A_1318 : i32 to index
        %get3A_1322 = arith.index_cast %add3A_1320 : i32 to index
        %get3A_1323 = tpu.vector_load %arg16[%get3A_1321, %get3A_1322] {strides = array<i32>} : memref<80x128xi32, #tpu.memory_space<vmem>>, vector<16xi32>,
        %bitcast3A_1324 = vector.bitcast %get3A_1316 : vector<16xi32> to vector<32xbf16>
        %bitcast3A_1325 = vector.bitcast %get3A_1323 : vector<16xi32> to vector<32xbf16>
        %mul3A_1326 = arith.mulf %bitcast3A_1324, %bitcast3A_1325 : vector<32xbf16>
        %add3A_1327 = arith.constant 11 : i32
        %add3A_1328 = arith.addi %mul3A_320, %add3A_1327 : i32
        %add3A_1329 = arith.constant 32 : i32
        %add3A_1330 = arith.addi %squeeze3A_1290, %add3A_1329 : i32
        %get3A_1331 = arith.index_cast %add3A_1328 : i32 to index
        %get3A_1332 = arith.index_cast %add3A_1330 : i32 to index
        %get3A_1333 = tpu.vector_load %arg15[%get3A_1331, %get3A_1332] {strides = array<i32>} : memref<80x128xi32, #tpu.memory_space<vmem>>, vector<16xi32>,
        %add3A_1334 = arith.constant 11 : i32
        %add3A_1335 = arith.addi %mul3A_320, %add3A_1334 : i32
        %add3A_1336 = arith.constant 32 : i32
        %add3A_1337 = arith.addi %squeeze3A_1292, %add3A_1336 : i32
        %get3A_1338 = arith.index_cast %add3A_1335 : i32 to index
        %get3A_1339 = arith.index_cast %add3A_1337 : i32 to index
        %get3A_1340 = tpu.vector_load %arg16[%get3A_1338, %get3A_1339] {strides = array<i32>} : memref<80x128xi32, #tpu.memory_space<vmem>>, vector<16xi32>,
        %bitcast3A_1341 = vector.bitcast %get3A_1333 : vector<16xi32> to vector<32xbf16>
        %bitcast3A_1342 = vector.bitcast %get3A_1340 : vector<16xi32> to vector<32xbf16>
        %mul3A_1343 = arith.mulf %bitcast3A_1341, %bitcast3A_1342 : vector<32xbf16>
        %add3A_1344 = arith.constant 11 : i32
        %add3A_1345 = arith.addi %mul3A_320, %add3A_1344 : i32
        %add3A_1346 = arith.constant 48 : i32
        %add3A_1347 = arith.addi %squeeze3A_1290, %add3A_1346 : i32
        %get3A_1348 = arith.index_cast %add3A_1345 : i32 to index
        %get3A_1349 = arith.index_cast %add3A_1347 : i32 to index
        %get3A_1350 = tpu.vector_load %arg15[%get3A_1348, %get3A_1349] {strides = array<i32>} : memref<80x128xi32, #tpu.memory_space<vmem>>, vector<16xi32>,
        %add3A_1351 = arith.constant 11 : i32
        %add3A_1352 = arith.addi %mul3A_320, %add3A_1351 : i32
        %add3A_1353 = arith.constant 48 : i32
        %add3A_1354 = arith.addi %squeeze3A_1292, %add3A_1353 : i32
        %get3A_1355 = arith.index_cast %add3A_1352 : i32 to index
        %get3A_1356 = arith.index_cast %add3A_1354 : i32 to index
        %get3A_1357 = tpu.vector_load %arg16[%get3A_1355, %get3A_1356] {strides = array<i32>} : memref<80x128xi32, #tpu.memory_space<vmem>>, vector<16xi32>,
        %bitcast3A_1358 = vector.bitcast %get3A_1350 : vector<16xi32> to vector<32xbf16>
        %bitcast3A_1359 = vector.bitcast %get3A_1357 : vector<16xi32> to vector<32xbf16>
        %mul3A_1360 = arith.mulf %bitcast3A_1358, %bitcast3A_1359 : vector<32xbf16>
        %add3A_1361 = arith.addf %mul3A_1309, %mul3A_1326 : vector<32xbf16>
        %add3A_1362 = arith.addf %mul3A_1343, %mul3A_1360 : vector<32xbf16>
        %add3A_1363 = arith.addf %add3A_1361, %add3A_1362 : vector<32xbf16>
        %unpack3A_1364 = tpu.unpack_subelements %add3A_1363, 0 {pack_format = #tpu.pack_format<interleaved>} : vector<32xbf16> -> vector<16xf32>
        %unpack3A_1365 = tpu.unpack_subelements %add3A_1363, 1 {pack_format = #tpu.pack_format<interleaved>} : vector<32xbf16> -> vector<16xf32>
        %add3A_1366 = arith.addf %unpack3A_1364, %unpack3A_1365 : vector<16xf32>
        %reduce_sum3A_1367 = arith.constant true
        %reduce_sum3A_1368 = vector.broadcast %reduce_sum3A_1367 : i1 to vector<16xi1>
        %reduce_sum3A_1369 = tpu.scan <sum>, %add3A_1366 masked %reduce_sum3A_1368 : vector<16xf32>, vector<16xi1> -> vector<16xf32>
        %reduce_sum3A_1370 = vector.extract %reduce_sum3A_1369[15] : f32 from vector<16xf32>
        %eq3A_1371 = arith.constant 11 : i32
        %eq3A_1372 = vector.broadcast %eq3A_1371 : i32 to vector<16xi32>
        %eq3A_1373 = arith.cmpi eq, %iota3A, %eq3A_1372 : vector<16xi32>
        %broadcast_in_dim3A_1374 = vector.broadcast %reduce_sum3A_1370 : f32 to vector<16xf32>
        %select_n3A_1375 = arith.select %eq3A_1373, %broadcast_in_dim3A_1374, %select_n3A_1288 : vector<16xi1>, vector<16xf32>
        %slice3A_1376 = vector.extract_strided_slice %mul3A_328 {offsets = [12], sizes = [1], strides = [1]} : vector<16xi32> to vector<1xi32>
        %squeeze3A_1377 = vector.extract %slice3A_1376[0] : i32 from vector<1xi32>
        %slice3A_1378 = vector.extract_strided_slice %mul3A_337 {offsets = [12], sizes = [1], strides = [1]} : vector<16xi32> to vector<1xi32>
        %squeeze3A_1379 = vector.extract %slice3A_1378[0] : i32 from vector<1xi32>
        %add3A_1380 = arith.constant 12 : i32
        %add3A_1381 = arith.addi %mul3A_320, %add3A_1380 : i32
        %add3A_1382 = arith.constant 0 : i32
        %add3A_1383 = arith.addi %squeeze3A_1377, %add3A_1382 : i32
        %get3A_1384 = arith.index_cast %add3A_1381 : i32 to index
        %get3A_1385 = arith.index_cast %add3A_1383 : i32 to index
        %get3A_1386 = tpu.vector_load %arg15[%get3A_1384, %get3A_1385] {strides = array<i32>} : memref<80x128xi32, #tpu.memory_space<vmem>>, vector<16xi32>,
        %add3A_1387 = arith.constant 12 : i32
        %add3A_1388 = arith.addi %mul3A_320, %add3A_1387 : i32
        %add3A_1389 = arith.constant 0 : i32
        %add3A_1390 = arith.addi %squeeze3A_1379, %add3A_1389 : i32
        %get3A_1391 = arith.index_cast %add3A_1388 : i32 to index
        %get3A_1392 = arith.index_cast %add3A_1390 : i32 to index
        %get3A_1393 = tpu.vector_load %arg16[%get3A_1391, %get3A_1392] {strides = array<i32>} : memref<80x128xi32, #tpu.memory_space<vmem>>, vector<16xi32>,
        %bitcast3A_1394 = vector.bitcast %get3A_1386 : vector<16xi32> to vector<32xbf16>
        %bitcast3A_1395 = vector.bitcast %get3A_1393 : vector<16xi32> to vector<32xbf16>
        %mul3A_1396 = arith.mulf %bitcast3A_1394, %bitcast3A_1395 : vector<32xbf16>
        %add3A_1397 = arith.constant 12 : i32
        %add3A_1398 = arith.addi %mul3A_320, %add3A_1397 : i32
        %add3A_1399 = arith.constant 16 : i32
        %add3A_1400 = arith.addi %squeeze3A_1377, %add3A_1399 : i32
        %get3A_1401 = arith.index_cast %add3A_1398 : i32 to index
        %get3A_1402 = arith.index_cast %add3A_1400 : i32 to index
        %get3A_1403 = tpu.vector_load %arg15[%get3A_1401, %get3A_1402] {strides = array<i32>} : memref<80x128xi32, #tpu.memory_space<vmem>>, vector<16xi32>,
        %add3A_1404 = arith.constant 12 : i32
        %add3A_1405 = arith.addi %mul3A_320, %add3A_1404 : i32
        %add3A_1406 = arith.constant 16 : i32
        %add3A_1407 = arith.addi %squeeze3A_1379, %add3A_1406 : i32
        %get3A_1408 = arith.index_cast %add3A_1405 : i32 to index
        %get3A_1409 = arith.index_cast %add3A_1407 : i32 to index
        %get3A_1410 = tpu.vector_load %arg16[%get3A_1408, %get3A_1409] {strides = array<i32>} : memref<80x128xi32, #tpu.memory_space<vmem>>, vector<16xi32>,
        %bitcast3A_1411 = vector.bitcast %get3A_1403 : vector<16xi32> to vector<32xbf16>
        %bitcast3A_1412 = vector.bitcast %get3A_1410 : vector<16xi32> to vector<32xbf16>
        %mul3A_1413 = arith.mulf %bitcast3A_1411, %bitcast3A_1412 : vector<32xbf16>
        %add3A_1414 = arith.constant 12 : i32
        %add3A_1415 = arith.addi %mul3A_320, %add3A_1414 : i32
        %add3A_1416 = arith.constant 32 : i32
        %add3A_1417 = arith.addi %squeeze3A_1377, %add3A_1416 : i32
        %get3A_1418 = arith.index_cast %add3A_1415 : i32 to index
        %get3A_1419 = arith.index_cast %add3A_1417 : i32 to index
        %get3A_1420 = tpu.vector_load %arg15[%get3A_1418, %get3A_1419] {strides = array<i32>} : memref<80x128xi32, #tpu.memory_space<vmem>>, vector<16xi32>,
        %add3A_1421 = arith.constant 12 : i32
        %add3A_1422 = arith.addi %mul3A_320, %add3A_1421 : i32
        %add3A_1423 = arith.constant 32 : i32
        %add3A_1424 = arith.addi %squeeze3A_1379, %add3A_1423 : i32
        %get3A_1425 = arith.index_cast %add3A_1422 : i32 to index
        %get3A_1426 = arith.index_cast %add3A_1424 : i32 to index
        %get3A_1427 = tpu.vector_load %arg16[%get3A_1425, %get3A_1426] {strides = array<i32>} : memref<80x128xi32, #tpu.memory_space<vmem>>, vector<16xi32>,
        %bitcast3A_1428 = vector.bitcast %get3A_1420 : vector<16xi32> to vector<32xbf16>
        %bitcast3A_1429 = vector.bitcast %get3A_1427 : vector<16xi32> to vector<32xbf16>
        %mul3A_1430 = arith.mulf %bitcast3A_1428, %bitcast3A_1429 : vector<32xbf16>
        %add3A_1431 = arith.constant 12 : i32
        %add3A_1432 = arith.addi %mul3A_320, %add3A_1431 : i32
        %add3A_1433 = arith.constant 48 : i32
        %add3A_1434 = arith.addi %squeeze3A_1377, %add3A_1433 : i32
        %get3A_1435 = arith.index_cast %add3A_1432 : i32 to index
        %get3A_1436 = arith.index_cast %add3A_1434 : i32 to index
        %get3A_1437 = tpu.vector_load %arg15[%get3A_1435, %get3A_1436] {strides = array<i32>} : memref<80x128xi32, #tpu.memory_space<vmem>>, vector<16xi32>,
        %add3A_1438 = arith.constant 12 : i32
        %add3A_1439 = arith.addi %mul3A_320, %add3A_1438 : i32
        %add3A_1440 = arith.constant 48 : i32
        %add3A_1441 = arith.addi %squeeze3A_1379, %add3A_1440 : i32
        %get3A_1442 = arith.index_cast %add3A_1439 : i32 to index
        %get3A_1443 = arith.index_cast %add3A_1441 : i32 to index
        %get3A_1444 = tpu.vector_load %arg16[%get3A_1442, %get3A_1443] {strides = array<i32>} : memref<80x128xi32, #tpu.memory_space<vmem>>, vector<16xi32>,
        %bitcast3A_1445 = vector.bitcast %get3A_1437 : vector<16xi32> to vector<32xbf16>
        %bitcast3A_1446 = vector.bitcast %get3A_1444 : vector<16xi32> to vector<32xbf16>
        %mul3A_1447 = arith.mulf %bitcast3A_1445, %bitcast3A_1446 : vector<32xbf16>
        %add3A_1448 = arith.addf %mul3A_1396, %mul3A_1413 : vector<32xbf16>
        %add3A_1449 = arith.addf %mul3A_1430, %mul3A_1447 : vector<32xbf16>
        %add3A_1450 = arith.addf %add3A_1448, %add3A_1449 : vector<32xbf16>
        %unpack3A_1451 = tpu.unpack_subelements %add3A_1450, 0 {pack_format = #tpu.pack_format<interleaved>} : vector<32xbf16> -> vector<16xf32>
        %unpack3A_1452 = tpu.unpack_subelements %add3A_1450, 1 {pack_format = #tpu.pack_format<interleaved>} : vector<32xbf16> -> vector<16xf32>
        %add3A_1453 = arith.addf %unpack3A_1451, %unpack3A_1452 : vector<16xf32>
        %reduce_sum3A_1454 = arith.constant true
        %reduce_sum3A_1455 = vector.broadcast %reduce_sum3A_1454 : i1 to vector<16xi1>
        %reduce_sum3A_1456 = tpu.scan <sum>, %add3A_1453 masked %reduce_sum3A_1455 : vector<16xf32>, vector<16xi1> -> vector<16xf32>
        %reduce_sum3A_1457 = vector.extract %reduce_sum3A_1456[15] : f32 from vector<16xf32>
        %eq3A_1458 = arith.constant 12 : i32
        %eq3A_1459 = vector.broadcast %eq3A_1458 : i32 to vector<16xi32>
        %eq3A_1460 = arith.cmpi eq, %iota3A, %eq3A_1459 : vector<16xi32>
        %broadcast_in_dim3A_1461 = vector.broadcast %reduce_sum3A_1457 : f32 to vector<16xf32>
        %select_n3A_1462 = arith.select %eq3A_1460, %broadcast_in_dim3A_1461, %select_n3A_1375 : vector<16xi1>, vector<16xf32>
        %slice3A_1463 = vector.extract_strided_slice %mul3A_328 {offsets = [13], sizes = [1], strides = [1]} : vector<16xi32> to vector<1xi32>
        %squeeze3A_1464 = vector.extract %slice3A_1463[0] : i32 from vector<1xi32>
        %slice3A_1465 = vector.extract_strided_slice %mul3A_337 {offsets = [13], sizes = [1], strides = [1]} : vector<16xi32> to vector<1xi32>
        %squeeze3A_1466 = vector.extract %slice3A_1465[0] : i32 from vector<1xi32>
        %add3A_1467 = arith.constant 13 : i32
        %add3A_1468 = arith.addi %mul3A_320, %add3A_1467 : i32
        %add3A_1469 = arith.constant 0 : i32
        %add3A_1470 = arith.addi %squeeze3A_1464, %add3A_1469 : i32
        %get3A_1471 = arith.index_cast %add3A_1468 : i32 to index
        %get3A_1472 = arith.index_cast %add3A_1470 : i32 to index
        %get3A_1473 = tpu.vector_load %arg15[%get3A_1471, %get3A_1472] {strides = array<i32>} : memref<80x128xi32, #tpu.memory_space<vmem>>, vector<16xi32>,
        %add3A_1474 = arith.constant 13 : i32
        %add3A_1475 = arith.addi %mul3A_320, %add3A_1474 : i32
        %add3A_1476 = arith.constant 0 : i32
        %add3A_1477 = arith.addi %squeeze3A_1466, %add3A_1476 : i32
        %get3A_1478 = arith.index_cast %add3A_1475 : i32 to index
        %get3A_1479 = arith.index_cast %add3A_1477 : i32 to index
        %get3A_1480 = tpu.vector_load %arg16[%get3A_1478, %get3A_1479] {strides = array<i32>} : memref<80x128xi32, #tpu.memory_space<vmem>>, vector<16xi32>,
        %bitcast3A_1481 = vector.bitcast %get3A_1473 : vector<16xi32> to vector<32xbf16>
        %bitcast3A_1482 = vector.bitcast %get3A_1480 : vector<16xi32> to vector<32xbf16>
        %mul3A_1483 = arith.mulf %bitcast3A_1481, %bitcast3A_1482 : vector<32xbf16>
        %add3A_1484 = arith.constant 13 : i32
        %add3A_1485 = arith.addi %mul3A_320, %add3A_1484 : i32
        %add3A_1486 = arith.constant 16 : i32
        %add3A_1487 = arith.addi %squeeze3A_1464, %add3A_1486 : i32
        %get3A_1488 = arith.index_cast %add3A_1485 : i32 to index
        %get3A_1489 = arith.index_cast %add3A_1487 : i32 to index
        %get3A_1490 = tpu.vector_load %arg15[%get3A_1488, %get3A_1489] {strides = array<i32>} : memref<80x128xi32, #tpu.memory_space<vmem>>, vector<16xi32>,
        %add3A_1491 = arith.constant 13 : i32
        %add3A_1492 = arith.addi %mul3A_320, %add3A_1491 : i32
        %add3A_1493 = arith.constant 16 : i32
        %add3A_1494 = arith.addi %squeeze3A_1466, %add3A_1493 : i32
        %get3A_1495 = arith.index_cast %add3A_1492 : i32 to index
        %get3A_1496 = arith.index_cast %add3A_1494 : i32 to index
        %get3A_1497 = tpu.vector_load %arg16[%get3A_1495, %get3A_1496] {strides = array<i32>} : memref<80x128xi32, #tpu.memory_space<vmem>>, vector<16xi32>,
        %bitcast3A_1498 = vector.bitcast %get3A_1490 : vector<16xi32> to vector<32xbf16>
        %bitcast3A_1499 = vector.bitcast %get3A_1497 : vector<16xi32> to vector<32xbf16>
        %mul3A_1500 = arith.mulf %bitcast3A_1498, %bitcast3A_1499 : vector<32xbf16>
        %add3A_1501 = arith.constant 13 : i32
        %add3A_1502 = arith.addi %mul3A_320, %add3A_1501 : i32
        %add3A_1503 = arith.constant 32 : i32
        %add3A_1504 = arith.addi %squeeze3A_1464, %add3A_1503 : i32
        %get3A_1505 = arith.index_cast %add3A_1502 : i32 to index
        %get3A_1506 = arith.index_cast %add3A_1504 : i32 to index
        %get3A_1507 = tpu.vector_load %arg15[%get3A_1505, %get3A_1506] {strides = array<i32>} : memref<80x128xi32, #tpu.memory_space<vmem>>, vector<16xi32>,
        %add3A_1508 = arith.constant 13 : i32
        %add3A_1509 = arith.addi %mul3A_320, %add3A_1508 : i32
        %add3A_1510 = arith.constant 32 : i32
        %add3A_1511 = arith.addi %squeeze3A_1466, %add3A_1510 : i32
        %get3A_1512 = arith.index_cast %add3A_1509 : i32 to index
        %get3A_1513 = arith.index_cast %add3A_1511 : i32 to index
        %get3A_1514 = tpu.vector_load %arg16[%get3A_1512, %get3A_1513] {strides = array<i32>} : memref<80x128xi32, #tpu.memory_space<vmem>>, vector<16xi32>,
        %bitcast3A_1515 = vector.bitcast %get3A_1507 : vector<16xi32> to vector<32xbf16>
        %bitcast3A_1516 = vector.bitcast %get3A_1514 : vector<16xi32> to vector<32xbf16>
        %mul3A_1517 = arith.mulf %bitcast3A_1515, %bitcast3A_1516 : vector<32xbf16>
        %add3A_1518 = arith.constant 13 : i32
        %add3A_1519 = arith.addi %mul3A_320, %add3A_1518 : i32
        %add3A_1520 = arith.constant 48 : i32
        %add3A_1521 = arith.addi %squeeze3A_1464, %add3A_1520 : i32
        %get3A_1522 = arith.index_cast %add3A_1519 : i32 to index
        %get3A_1523 = arith.index_cast %add3A_1521 : i32 to index
        %get3A_1524 = tpu.vector_load %arg15[%get3A_1522, %get3A_1523] {strides = array<i32>} : memref<80x128xi32, #tpu.memory_space<vmem>>, vector<16xi32>,
        %add3A_1525 = arith.constant 13 : i32
        %add3A_1526 = arith.addi %mul3A_320, %add3A_1525 : i32
        %add3A_1527 = arith.constant 48 : i32
        %add3A_1528 = arith.addi %squeeze3A_1466, %add3A_1527 : i32
        %get3A_1529 = arith.index_cast %add3A_1526 : i32 to index
        %get3A_1530 = arith.index_cast %add3A_1528 : i32 to index
        %get3A_1531 = tpu.vector_load %arg16[%get3A_1529, %get3A_1530] {strides = array<i32>} : memref<80x128xi32, #tpu.memory_space<vmem>>, vector<16xi32>,
        %bitcast3A_1532 = vector.bitcast %get3A_1524 : vector<16xi32> to vector<32xbf16>
        %bitcast3A_1533 = vector.bitcast %get3A_1531 : vector<16xi32> to vector<32xbf16>
        %mul3A_1534 = arith.mulf %bitcast3A_1532, %bitcast3A_1533 : vector<32xbf16>
        %add3A_1535 = arith.addf %mul3A_1483, %mul3A_1500 : vector<32xbf16>
        %add3A_1536 = arith.addf %mul3A_1517, %mul3A_1534 : vector<32xbf16>
        %add3A_1537 = arith.addf %add3A_1535, %add3A_1536 : vector<32xbf16>
        %unpack3A_1538 = tpu.unpack_subelements %add3A_1537, 0 {pack_format = #tpu.pack_format<interleaved>} : vector<32xbf16> -> vector<16xf32>
        %unpack3A_1539 = tpu.unpack_subelements %add3A_1537, 1 {pack_format = #tpu.pack_format<interleaved>} : vector<32xbf16> -> vector<16xf32>
        %add3A_1540 = arith.addf %unpack3A_1538, %unpack3A_1539 : vector<16xf32>
        %reduce_sum3A_1541 = arith.constant true
        %reduce_sum3A_1542 = vector.broadcast %reduce_sum3A_1541 : i1 to vector<16xi1>
        %reduce_sum3A_1543 = tpu.scan <sum>, %add3A_1540 masked %reduce_sum3A_1542 : vector<16xf32>, vector<16xi1> -> vector<16xf32>
        %reduce_sum3A_1544 = vector.extract %reduce_sum3A_1543[15] : f32 from vector<16xf32>
        %eq3A_1545 = arith.constant 13 : i32
        %eq3A_1546 = vector.broadcast %eq3A_1545 : i32 to vector<16xi32>
        %eq3A_1547 = arith.cmpi eq, %iota3A, %eq3A_1546 : vector<16xi32>
        %broadcast_in_dim3A_1548 = vector.broadcast %reduce_sum3A_1544 : f32 to vector<16xf32>
        %select_n3A_1549 = arith.select %eq3A_1547, %broadcast_in_dim3A_1548, %select_n3A_1462 : vector<16xi1>, vector<16xf32>
        %slice3A_1550 = vector.extract_strided_slice %mul3A_328 {offsets = [14], sizes = [1], strides = [1]} : vector<16xi32> to vector<1xi32>
        %squeeze3A_1551 = vector.extract %slice3A_1550[0] : i32 from vector<1xi32>
        %slice3A_1552 = vector.extract_strided_slice %mul3A_337 {offsets = [14], sizes = [1], strides = [1]} : vector<16xi32> to vector<1xi32>
        %squeeze3A_1553 = vector.extract %slice3A_1552[0] : i32 from vector<1xi32>
        %add3A_1554 = arith.constant 14 : i32
        %add3A_1555 = arith.addi %mul3A_320, %add3A_1554 : i32
        %add3A_1556 = arith.constant 0 : i32
        %add3A_1557 = arith.addi %squeeze3A_1551, %add3A_1556 : i32
        %get3A_1558 = arith.index_cast %add3A_1555 : i32 to index
        %get3A_1559 = arith.index_cast %add3A_1557 : i32 to index
        %get3A_1560 = tpu.vector_load %arg15[%get3A_1558, %get3A_1559] {strides = array<i32>} : memref<80x128xi32, #tpu.memory_space<vmem>>, vector<16xi32>,
        %add3A_1561 = arith.constant 14 : i32
        %add3A_1562 = arith.addi %mul3A_320, %add3A_1561 : i32
        %add3A_1563 = arith.constant 0 : i32
        %add3A_1564 = arith.addi %squeeze3A_1553, %add3A_1563 : i32
        %get3A_1565 = arith.index_cast %add3A_1562 : i32 to index
        %get3A_1566 = arith.index_cast %add3A_1564 : i32 to index
        %get3A_1567 = tpu.vector_load %arg16[%get3A_1565, %get3A_1566] {strides = array<i32>} : memref<80x128xi32, #tpu.memory_space<vmem>>, vector<16xi32>,
        %bitcast3A_1568 = vector.bitcast %get3A_1560 : vector<16xi32> to vector<32xbf16>
        %bitcast3A_1569 = vector.bitcast %get3A_1567 : vector<16xi32> to vector<32xbf16>
        %mul3A_1570 = arith.mulf %bitcast3A_1568, %bitcast3A_1569 : vector<32xbf16>
        %add3A_1571 = arith.constant 14 : i32
        %add3A_1572 = arith.addi %mul3A_320, %add3A_1571 : i32
        %add3A_1573 = arith.constant 16 : i32
        %add3A_1574 = arith.addi %squeeze3A_1551, %add3A_1573 : i32
        %get3A_1575 = arith.index_cast %add3A_1572 : i32 to index
        %get3A_1576 = arith.index_cast %add3A_1574 : i32 to index
        %get3A_1577 = tpu.vector_load %arg15[%get3A_1575, %get3A_1576] {strides = array<i32>} : memref<80x128xi32, #tpu.memory_space<vmem>>, vector<16xi32>,
        %add3A_1578 = arith.constant 14 : i32
        %add3A_1579 = arith.addi %mul3A_320, %add3A_1578 : i32
        %add3A_1580 = arith.constant 16 : i32
        %add3A_1581 = arith.addi %squeeze3A_1553, %add3A_1580 : i32
        %get3A_1582 = arith.index_cast %add3A_1579 : i32 to index
        %get3A_1583 = arith.index_cast %add3A_1581 : i32 to index
        %get3A_1584 = tpu.vector_load %arg16[%get3A_1582, %get3A_1583] {strides = array<i32>} : memref<80x128xi32, #tpu.memory_space<vmem>>, vector<16xi32>,
        %bitcast3A_1585 = vector.bitcast %get3A_1577 : vector<16xi32> to vector<32xbf16>
        %bitcast3A_1586 = vector.bitcast %get3A_1584 : vector<16xi32> to vector<32xbf16>
        %mul3A_1587 = arith.mulf %bitcast3A_1585, %bitcast3A_1586 : vector<32xbf16>
        %add3A_1588 = arith.constant 14 : i32
        %add3A_1589 = arith.addi %mul3A_320, %add3A_1588 : i32
        %add3A_1590 = arith.constant 32 : i32
        %add3A_1591 = arith.addi %squeeze3A_1551, %add3A_1590 : i32
        %get3A_1592 = arith.index_cast %add3A_1589 : i32 to index
        %get3A_1593 = arith.index_cast %add3A_1591 : i32 to index
        %get3A_1594 = tpu.vector_load %arg15[%get3A_1592, %get3A_1593] {strides = array<i32>} : memref<80x128xi32, #tpu.memory_space<vmem>>, vector<16xi32>,
        %add3A_1595 = arith.constant 14 : i32
        %add3A_1596 = arith.addi %mul3A_320, %add3A_1595 : i32
        %add3A_1597 = arith.constant 32 : i32
        %add3A_1598 = arith.addi %squeeze3A_1553, %add3A_1597 : i32
        %get3A_1599 = arith.index_cast %add3A_1596 : i32 to index
        %get3A_1600 = arith.index_cast %add3A_1598 : i32 to index
        %get3A_1601 = tpu.vector_load %arg16[%get3A_1599, %get3A_1600] {strides = array<i32>} : memref<80x128xi32, #tpu.memory_space<vmem>>, vector<16xi32>,
        %bitcast3A_1602 = vector.bitcast %get3A_1594 : vector<16xi32> to vector<32xbf16>
        %bitcast3A_1603 = vector.bitcast %get3A_1601 : vector<16xi32> to vector<32xbf16>
        %mul3A_1604 = arith.mulf %bitcast3A_1602, %bitcast3A_1603 : vector<32xbf16>
        %add3A_1605 = arith.constant 14 : i32
        %add3A_1606 = arith.addi %mul3A_320, %add3A_1605 : i32
        %add3A_1607 = arith.constant 48 : i32
        %add3A_1608 = arith.addi %squeeze3A_1551, %add3A_1607 : i32
        %get3A_1609 = arith.index_cast %add3A_1606 : i32 to index
        %get3A_1610 = arith.index_cast %add3A_1608 : i32 to index
        %get3A_1611 = tpu.vector_load %arg15[%get3A_1609, %get3A_1610] {strides = array<i32>} : memref<80x128xi32, #tpu.memory_space<vmem>>, vector<16xi32>,
        %add3A_1612 = arith.constant 14 : i32
        %add3A_1613 = arith.addi %mul3A_320, %add3A_1612 : i32
        %add3A_1614 = arith.constant 48 : i32
        %add3A_1615 = arith.addi %squeeze3A_1553, %add3A_1614 : i32
        %get3A_1616 = arith.index_cast %add3A_1613 : i32 to index
        %get3A_1617 = arith.index_cast %add3A_1615 : i32 to index
        %get3A_1618 = tpu.vector_load %arg16[%get3A_1616, %get3A_1617] {strides = array<i32>} : memref<80x128xi32, #tpu.memory_space<vmem>>, vector<16xi32>,
        %bitcast3A_1619 = vector.bitcast %get3A_1611 : vector<16xi32> to vector<32xbf16>
        %bitcast3A_1620 = vector.bitcast %get3A_1618 : vector<16xi32> to vector<32xbf16>
        %mul3A_1621 = arith.mulf %bitcast3A_1619, %bitcast3A_1620 : vector<32xbf16>
        %add3A_1622 = arith.addf %mul3A_1570, %mul3A_1587 : vector<32xbf16>
        %add3A_1623 = arith.addf %mul3A_1604, %mul3A_1621 : vector<32xbf16>
        %add3A_1624 = arith.addf %add3A_1622, %add3A_1623 : vector<32xbf16>
        %unpack3A_1625 = tpu.unpack_subelements %add3A_1624, 0 {pack_format = #tpu.pack_format<interleaved>} : vector<32xbf16> -> vector<16xf32>
        %unpack3A_1626 = tpu.unpack_subelements %add3A_1624, 1 {pack_format = #tpu.pack_format<interleaved>} : vector<32xbf16> -> vector<16xf32>
        %add3A_1627 = arith.addf %unpack3A_1625, %unpack3A_1626 : vector<16xf32>
        %reduce_sum3A_1628 = arith.constant true
        %reduce_sum3A_1629 = vector.broadcast %reduce_sum3A_1628 : i1 to vector<16xi1>
        %reduce_sum3A_1630 = tpu.scan <sum>, %add3A_1627 masked %reduce_sum3A_1629 : vector<16xf32>, vector<16xi1> -> vector<16xf32>
        %reduce_sum3A_1631 = vector.extract %reduce_sum3A_1630[15] : f32 from vector<16xf32>
        %eq3A_1632 = arith.constant 14 : i32
        %eq3A_1633 = vector.broadcast %eq3A_1632 : i32 to vector<16xi32>
        %eq3A_1634 = arith.cmpi eq, %iota3A, %eq3A_1633 : vector<16xi32>
        %broadcast_in_dim3A_1635 = vector.broadcast %reduce_sum3A_1631 : f32 to vector<16xf32>
        %select_n3A_1636 = arith.select %eq3A_1634, %broadcast_in_dim3A_1635, %select_n3A_1549 : vector<16xi1>, vector<16xf32>
        %slice3A_1637 = vector.extract_strided_slice %mul3A_328 {offsets = [15], sizes = [1], strides = [1]} : vector<16xi32> to vector<1xi32>
        %squeeze3A_1638 = vector.extract %slice3A_1637[0] : i32 from vector<1xi32>
        %slice3A_1639 = vector.extract_strided_slice %mul3A_337 {offsets = [15], sizes = [1], strides = [1]} : vector<16xi32> to vector<1xi32>
        %squeeze3A_1640 = vector.extract %slice3A_1639[0] : i32 from vector<1xi32>
        %add3A_1641 = arith.constant 15 : i32
        %add3A_1642 = arith.addi %mul3A_320, %add3A_1641 : i32
        %add3A_1643 = arith.constant 0 : i32
        %add3A_1644 = arith.addi %squeeze3A_1638, %add3A_1643 : i32
        %get3A_1645 = arith.index_cast %add3A_1642 : i32 to index
        %get3A_1646 = arith.index_cast %add3A_1644 : i32 to index
        %get3A_1647 = tpu.vector_load %arg15[%get3A_1645, %get3A_1646] {strides = array<i32>} : memref<80x128xi32, #tpu.memory_space<vmem>>, vector<16xi32>,
        %add3A_1648 = arith.constant 15 : i32
        %add3A_1649 = arith.addi %mul3A_320, %add3A_1648 : i32
        %add3A_1650 = arith.constant 0 : i32
        %add3A_1651 = arith.addi %squeeze3A_1640, %add3A_1650 : i32
        %get3A_1652 = arith.index_cast %add3A_1649 : i32 to index
        %get3A_1653 = arith.index_cast %add3A_1651 : i32 to index
        %get3A_1654 = tpu.vector_load %arg16[%get3A_1652, %get3A_1653] {strides = array<i32>} : memref<80x128xi32, #tpu.memory_space<vmem>>, vector<16xi32>,
        %bitcast3A_1655 = vector.bitcast %get3A_1647 : vector<16xi32> to vector<32xbf16>
        %bitcast3A_1656 = vector.bitcast %get3A_1654 : vector<16xi32> to vector<32xbf16>
        %mul3A_1657 = arith.mulf %bitcast3A_1655, %bitcast3A_1656 : vector<32xbf16>
        %add3A_1658 = arith.constant 15 : i32
        %add3A_1659 = arith.addi %mul3A_320, %add3A_1658 : i32
        %add3A_1660 = arith.constant 16 : i32
        %add3A_1661 = arith.addi %squeeze3A_1638, %add3A_1660 : i32
        %get3A_1662 = arith.index_cast %add3A_1659 : i32 to index
        %get3A_1663 = arith.index_cast %add3A_1661 : i32 to index
        %get3A_1664 = tpu.vector_load %arg15[%get3A_1662, %get3A_1663] {strides = array<i32>} : memref<80x128xi32, #tpu.memory_space<vmem>>, vector<16xi32>,
        %add3A_1665 = arith.constant 15 : i32
        %add3A_1666 = arith.addi %mul3A_320, %add3A_1665 : i32
        %add3A_1667 = arith.constant 16 : i32
        %add3A_1668 = arith.addi %squeeze3A_1640, %add3A_1667 : i32
        %get3A_1669 = arith.index_cast %add3A_1666 : i32 to index
        %get3A_1670 = arith.index_cast %add3A_1668 : i32 to index
        %get3A_1671 = tpu.vector_load %arg16[%get3A_1669, %get3A_1670] {strides = array<i32>} : memref<80x128xi32, #tpu.memory_space<vmem>>, vector<16xi32>,
        %bitcast3A_1672 = vector.bitcast %get3A_1664 : vector<16xi32> to vector<32xbf16>
        %bitcast3A_1673 = vector.bitcast %get3A_1671 : vector<16xi32> to vector<32xbf16>
        %mul3A_1674 = arith.mulf %bitcast3A_1672, %bitcast3A_1673 : vector<32xbf16>
        %add3A_1675 = arith.constant 15 : i32
        %add3A_1676 = arith.addi %mul3A_320, %add3A_1675 : i32
        %add3A_1677 = arith.constant 32 : i32
        %add3A_1678 = arith.addi %squeeze3A_1638, %add3A_1677 : i32
        %get3A_1679 = arith.index_cast %add3A_1676 : i32 to index
        %get3A_1680 = arith.index_cast %add3A_1678 : i32 to index
        %get3A_1681 = tpu.vector_load %arg15[%get3A_1679, %get3A_1680] {strides = array<i32>} : memref<80x128xi32, #tpu.memory_space<vmem>>, vector<16xi32>,
        %add3A_1682 = arith.constant 15 : i32
        %add3A_1683 = arith.addi %mul3A_320, %add3A_1682 : i32
        %add3A_1684 = arith.constant 32 : i32
        %add3A_1685 = arith.addi %squeeze3A_1640, %add3A_1684 : i32
        %get3A_1686 = arith.index_cast %add3A_1683 : i32 to index
        %get3A_1687 = arith.index_cast %add3A_1685 : i32 to index
        %get3A_1688 = tpu.vector_load %arg16[%get3A_1686, %get3A_1687] {strides = array<i32>} : memref<80x128xi32, #tpu.memory_space<vmem>>, vector<16xi32>,
        %bitcast3A_1689 = vector.bitcast %get3A_1681 : vector<16xi32> to vector<32xbf16>
        %bitcast3A_1690 = vector.bitcast %get3A_1688 : vector<16xi32> to vector<32xbf16>
        %mul3A_1691 = arith.mulf %bitcast3A_1689, %bitcast3A_1690 : vector<32xbf16>
        %add3A_1692 = arith.constant 15 : i32
        %add3A_1693 = arith.addi %mul3A_320, %add3A_1692 : i32
        %add3A_1694 = arith.constant 48 : i32
        %add3A_1695 = arith.addi %squeeze3A_1638, %add3A_1694 : i32
        %get3A_1696 = arith.index_cast %add3A_1693 : i32 to index
        %get3A_1697 = arith.index_cast %add3A_1695 : i32 to index
        %get3A_1698 = tpu.vector_load %arg15[%get3A_1696, %get3A_1697] {strides = array<i32>} : memref<80x128xi32, #tpu.memory_space<vmem>>, vector<16xi32>,
        %add3A_1699 = arith.constant 15 : i32
        %add3A_1700 = arith.addi %mul3A_320, %add3A_1699 : i32
        %add3A_1701 = arith.constant 48 : i32
        %add3A_1702 = arith.addi %squeeze3A_1640, %add3A_1701 : i32
        %get3A_1703 = arith.index_cast %add3A_1700 : i32 to index
        %get3A_1704 = arith.index_cast %add3A_1702 : i32 to index
        %get3A_1705 = tpu.vector_load %arg16[%get3A_1703, %get3A_1704] {strides = array<i32>} : memref<80x128xi32, #tpu.memory_space<vmem>>, vector<16xi32>,
        %bitcast3A_1706 = vector.bitcast %get3A_1698 : vector<16xi32> to vector<32xbf16>
        %bitcast3A_1707 = vector.bitcast %get3A_1705 : vector<16xi32> to vector<32xbf16>
        %mul3A_1708 = arith.mulf %bitcast3A_1706, %bitcast3A_1707 : vector<32xbf16>
        %add3A_1709 = arith.addf %mul3A_1657, %mul3A_1674 : vector<32xbf16>
        %add3A_1710 = arith.addf %mul3A_1691, %mul3A_1708 : vector<32xbf16>
        %add3A_1711 = arith.addf %add3A_1709, %add3A_1710 : vector<32xbf16>
        %unpack3A_1712 = tpu.unpack_subelements %add3A_1711, 0 {pack_format = #tpu.pack_format<interleaved>} : vector<32xbf16> -> vector<16xf32>
        %unpack3A_1713 = tpu.unpack_subelements %add3A_1711, 1 {pack_format = #tpu.pack_format<interleaved>} : vector<32xbf16> -> vector<16xf32>
        %add3A_1714 = arith.addf %unpack3A_1712, %unpack3A_1713 : vector<16xf32>
        %reduce_sum3A_1715 = arith.constant true
        %reduce_sum3A_1716 = vector.broadcast %reduce_sum3A_1715 : i1 to vector<16xi1>
        %reduce_sum3A_1717 = tpu.scan <sum>, %add3A_1714 masked %reduce_sum3A_1716 : vector<16xf32>, vector<16xi1> -> vector<16xf32>
        %reduce_sum3A_1718 = vector.extract %reduce_sum3A_1717[15] : f32 from vector<16xf32>
        %eq3A_1719 = arith.constant 15 : i32
        %eq3A_1720 = vector.broadcast %eq3A_1719 : i32 to vector<16xi32>
        %eq3A_1721 = arith.cmpi eq, %iota3A, %eq3A_1720 : vector<16xi32>
        %broadcast_in_dim3A_1722 = vector.broadcast %reduce_sum3A_1718 : f32 to vector<16xf32>
        %select_n3A_1723 = arith.select %eq3A_1721, %broadcast_in_dim3A_1722, %select_n3A_1636 : vector<16xi1>, vector<16xf32>
        %neg3A = arith.constant 0.000000e+00 : f32
        %neg3A_1724 = vector.broadcast %neg3A : f32 to vector<16xf32>
        %neg3A_1725 = arith.subf %neg3A_1724, %select_n3A_1723 : vector<16xf32>
        %exp3A = math.exp %neg3A_1725 : vector<16xf32>
        %add3A_1726 = arith.constant 1.000000e+00 : f32
        %add3A_1727 = vector.broadcast %add3A_1726 : f32 to vector<16xf32>
        %add3A_1728 = arith.addf %add3A_1727, %exp3A : vector<16xf32>
        %div3A = arith.constant 1.000000e+00 : f32
        %div3A_1729 = vector.broadcast %div3A : f32 to vector<16xf32>
        %div3A_1730 = arith.divf %div3A_1729, %add3A_1728 : vector<16xf32>
        %mul3A_1731 = arith.constant 80 : i32
        %mul3A_1732 = arith.muli %add3A_311, %mul3A_1731 : i32
        %add3A_1733 = arith.addi %mul3A_1732, %mul3A_320 : i32
        %swap3A_1734 = arith.index_cast %add3A_1733 : i32 to index
        %swap3A_1735 = tpu.vector_load %arg17[%swap3A_1734] {strides = array<i32>} : memref<10000xf32, #tpu.memory_space<vmem>>, vector<16xf32>,
        tpu.vector_store %arg17[%swap3A_1734], %div3A_1730 {strides = array<i32>} : memref<10000xf32, #tpu.memory_space<vmem>>, vector<16xf32>,
      }
      %scan3A_317 = arith.constant 5 : i32
    }
    %scan3A_101 = arith.constant 62 : i32
    %dma_wait3A = arith.constant 0 : i32
    %dma_wait3A_102 = arith.constant 0 : i32
    %dma_wait3A_103 = tpu.memref_slice %arg6[%dma_wait3A, %dma_wait3A_102] : memref<5000x128xi32, #tpu.memory_space<vmem_shared>> -> memref<5000x128xi32, #tpu.memory_space<vmem_shared>>
    tpu.wait_indirect_dma semaphore(%arg18 : memref<!tpu.dma_semaphore, #tpu.memory_space<semaphore_mem>>) src(%dma_wait3A_103 : memref<5000x128xi32, #tpu.memory_space<vmem_shared>>) dst(%arg13 : memref<80x128xi32, #tpu.memory_space<vmem>>)
    %dma_wait3A_104 = arith.constant 0 : i32
    %dma_wait3A_105 = arith.constant 0 : i32
    %dma_wait3A_106 = tpu.memref_slice %arg6[%dma_wait3A_104, %dma_wait3A_105] : memref<5000x128xi32, #tpu.memory_space<vmem_shared>> -> memref<5000x128xi32, #tpu.memory_space<vmem_shared>>
    tpu.wait_indirect_dma semaphore(%arg19 : memref<!tpu.dma_semaphore, #tpu.memory_space<semaphore_mem>>) src(%dma_wait3A_106 : memref<5000x128xi32, #tpu.memory_space<vmem_shared>>) dst(%arg14 : memref<80x128xi32, #tpu.memory_space<vmem>>)
    %scan3A_107 = arith.constant 0 : i32
    %scan3A_108 = arith.constant 0 : i32
    %scan3A_109 = arith.constant 5 : i32
    %scan3A_110 = arith.addi %scan3A_108, %scan3A_109 : i32
    %scan3A_111 = arith.constant 1 : i32
    scf.for %scan3A_113 = %scan3A_108 to %scan3A_110 step %scan3A_111  : i32 {
      %mul3A_114 = arith.constant 16 : i32
      %mul3A_115 = arith.muli %scan3A_113, %mul3A_114 : i32
      %get3A_116 = arith.constant 124 : i32
      %get3A_117 = arith.index_cast %get3A_116 : i32 to index
      %get3A_118 = arith.index_cast %mul3A_115 : i32 to index
      %get3A_119 = tpu.vector_load %arg7[%get3A_117, %get3A_118] {strides = array<i32>} : memref<125x80xi32, #tpu.memory_space<vmem>>, vector<16xi32>,
      %and3A = arith.constant 1 : i32
      %and3A_120 = vector.broadcast %and3A : i32 to vector<16xi32>
      %and3A_121 = arith.andi %get3A_119, %and3A_120 : vector<16xi32>
      %mul3A_122 = arith.constant 64 : i32
      %mul3A_123 = vector.broadcast %mul3A_122 : i32 to vector<16xi32>
      %mul3A_124 = arith.muli %and3A_121, %mul3A_123 : vector<16xi32>
      %get3A_125 = arith.constant 124 : i32
      %get3A_126 = arith.index_cast %get3A_125 : i32 to index
      %get3A_127 = arith.index_cast %mul3A_115 : i32 to index
      %get3A_128 = tpu.vector_load %arg8[%get3A_126, %get3A_127] {strides = array<i32>} : memref<125x80xi32, #tpu.memory_space<vmem>>, vector<16xi32>,
      %and3A_129 = arith.constant 1 : i32
      %and3A_130 = vector.broadcast %and3A_129 : i32 to vector<16xi32>
      %and3A_131 = arith.andi %get3A_128, %and3A_130 : vector<16xi32>
      %mul3A_132 = arith.constant 64 : i32
      %mul3A_133 = vector.broadcast %mul3A_132 : i32 to vector<16xi32>
      %mul3A_134 = arith.muli %and3A_131, %mul3A_133 : vector<16xi32>
      %broadcast_in_dim3A = arith.constant 0.000000e+00 : f32
      %broadcast_in_dim3A_135 = vector.broadcast %broadcast_in_dim3A : f32 to vector<16xf32>
      %slice3A = vector.extract_strided_slice %mul3A_124 {offsets = [0], sizes = [1], strides = [1]} : vector<16xi32> to vector<1xi32>
      %squeeze3A = vector.extract %slice3A[0] : i32 from vector<1xi32>
      %slice3A_136 = vector.extract_strided_slice %mul3A_134 {offsets = [0], sizes = [1], strides = [1]} : vector<16xi32> to vector<1xi32>
      %squeeze3A_137 = vector.extract %slice3A_136[0] : i32 from vector<1xi32>
      %add3A_138 = arith.constant 0 : i32
      %add3A_139 = arith.addi %mul3A_115, %add3A_138 : i32
      %add3A_140 = arith.constant 0 : i32
      %add3A_141 = arith.addi %squeeze3A, %add3A_140 : i32
      %get3A_142 = arith.index_cast %add3A_139 : i32 to index
      %get3A_143 = arith.index_cast %add3A_141 : i32 to index
      %get3A_144 = tpu.vector_load %arg13[%get3A_142, %get3A_143] {strides = array<i32>} : memref<80x128xi32, #tpu.memory_space<vmem>>, vector<16xi32>,
      %add3A_145 = arith.constant 0 : i32
      %add3A_146 = arith.addi %mul3A_115, %add3A_145 : i32
      %add3A_147 = arith.constant 0 : i32
      %add3A_148 = arith.addi %squeeze3A_137, %add3A_147 : i32
      %get3A_149 = arith.index_cast %add3A_146 : i32 to index
      %get3A_150 = arith.index_cast %add3A_148 : i32 to index
      %get3A_151 = tpu.vector_load %arg14[%get3A_149, %get3A_150] {strides = array<i32>} : memref<80x128xi32, #tpu.memory_space<vmem>>, vector<16xi32>,
      %bitcast3A = vector.bitcast %get3A_144 : vector<16xi32> to vector<32xbf16>
      %bitcast3A_152 = vector.bitcast %get3A_151 : vector<16xi32> to vector<32xbf16>
      %mul3A_153 = arith.mulf %bitcast3A, %bitcast3A_152 : vector<32xbf16>
      %add3A_154 = arith.constant 0 : i32
      %add3A_155 = arith.addi %mul3A_115, %add3A_154 : i32
      %add3A_156 = arith.constant 16 : i32
      %add3A_157 = arith.addi %squeeze3A, %add3A_156 : i32
      %get3A_158 = arith.index_cast %add3A_155 : i32 to index
      %get3A_159 = arith.index_cast %add3A_157 : i32 to index
      %get3A_160 = tpu.vector_load %arg13[%get3A_158, %get3A_159] {strides = array<i32>} : memref<80x128xi32, #tpu.memory_space<vmem>>, vector<16xi32>,
      %add3A_161 = arith.constant 0 : i32
      %add3A_162 = arith.addi %mul3A_115, %add3A_161 : i32
      %add3A_163 = arith.constant 16 : i32
      %add3A_164 = arith.addi %squeeze3A_137, %add3A_163 : i32
      %get3A_165 = arith.index_cast %add3A_162 : i32 to index
      %get3A_166 = arith.index_cast %add3A_164 : i32 to index
      %get3A_167 = tpu.vector_load %arg14[%get3A_165, %get3A_166] {strides = array<i32>} : memref<80x128xi32, #tpu.memory_space<vmem>>, vector<16xi32>,
      %bitcast3A_168 = vector.bitcast %get3A_160 : vector<16xi32> to vector<32xbf16>
      %bitcast3A_169 = vector.bitcast %get3A_167 : vector<16xi32> to vector<32xbf16>
      %mul3A_170 = arith.mulf %bitcast3A_168, %bitcast3A_169 : vector<32xbf16>
      %add3A_171 = arith.constant 0 : i32
      %add3A_172 = arith.addi %mul3A_115, %add3A_171 : i32
      %add3A_173 = arith.constant 32 : i32
      %add3A_174 = arith.addi %squeeze3A, %add3A_173 : i32
      %get3A_175 = arith.index_cast %add3A_172 : i32 to index
      %get3A_176 = arith.index_cast %add3A_174 : i32 to index
      %get3A_177 = tpu.vector_load %arg13[%get3A_175, %get3A_176] {strides = array<i32>} : memref<80x128xi32, #tpu.memory_space<vmem>>, vector<16xi32>,
      %add3A_178 = arith.constant 0 : i32
      %add3A_179 = arith.addi %mul3A_115, %add3A_178 : i32
      %add3A_180 = arith.constant 32 : i32
      %add3A_181 = arith.addi %squeeze3A_137, %add3A_180 : i32
      %get3A_182 = arith.index_cast %add3A_179 : i32 to index
      %get3A_183 = arith.index_cast %add3A_181 : i32 to index
      %get3A_184 = tpu.vector_load %arg14[%get3A_182, %get3A_183] {strides = array<i32>} : memref<80x128xi32, #tpu.memory_space<vmem>>, vector<16xi32>,
      %bitcast3A_185 = vector.bitcast %get3A_177 : vector<16xi32> to vector<32xbf16>
      %bitcast3A_186 = vector.bitcast %get3A_184 : vector<16xi32> to vector<32xbf16>
      %mul3A_187 = arith.mulf %bitcast3A_185, %bitcast3A_186 : vector<32xbf16>
      %add3A_188 = arith.constant 0 : i32
      %add3A_189 = arith.addi %mul3A_115, %add3A_188 : i32
      %add3A_190 = arith.constant 48 : i32
      %add3A_191 = arith.addi %squeeze3A, %add3A_190 : i32
      %get3A_192 = arith.index_cast %add3A_189 : i32 to index
      %get3A_193 = arith.index_cast %add3A_191 : i32 to index
      %get3A_194 = tpu.vector_load %arg13[%get3A_192, %get3A_193] {strides = array<i32>} : memref<80x128xi32, #tpu.memory_space<vmem>>, vector<16xi32>,
      %add3A_195 = arith.constant 0 : i32
      %add3A_196 = arith.addi %mul3A_115, %add3A_195 : i32
      %add3A_197 = arith.constant 48 : i32
      %add3A_198 = arith.addi %squeeze3A_137, %add3A_197 : i32
      %get3A_199 = arith.index_cast %add3A_196 : i32 to index
      %get3A_200 = arith.index_cast %add3A_198 : i32 to index
      %get3A_201 = tpu.vector_load %arg14[%get3A_199, %get3A_200] {strides = array<i32>} : memref<80x128xi32, #tpu.memory_space<vmem>>, vector<16xi32>,
      %bitcast3A_202 = vector.bitcast %get3A_194 : vector<16xi32> to vector<32xbf16>
      %bitcast3A_203 = vector.bitcast %get3A_201 : vector<16xi32> to vector<32xbf16>
      %mul3A_204 = arith.mulf %bitcast3A_202, %bitcast3A_203 : vector<32xbf16>
      %add3A_205 = arith.addf %mul3A_153, %mul3A_170 : vector<32xbf16>
      %add3A_206 = arith.addf %mul3A_187, %mul3A_204 : vector<32xbf16>
      %add3A_207 = arith.addf %add3A_205, %add3A_206 : vector<32xbf16>
      %unpack3A = tpu.unpack_subelements %add3A_207, 0 {pack_format = #tpu.pack_format<interleaved>} : vector<32xbf16> -> vector<16xf32>
      %unpack3A_208 = tpu.unpack_subelements %add3A_207, 1 {pack_format = #tpu.pack_format<interleaved>} : vector<32xbf16> -> vector<16xf32>
      %add3A_209 = arith.addf %unpack3A, %unpack3A_208 : vector<16xf32>
      %reduce_sum3A = arith.constant true
      %reduce_sum3A_210 = vector.broadcast %reduce_sum3A : i1 to vector<16xi1>
      %reduce_sum3A_211 = tpu.scan <sum>, %add3A_209 masked %reduce_sum3A_210 : vector<16xf32>, vector<16xi1> -> vector<16xf32>
      %reduce_sum3A_212 = vector.extract %reduce_sum3A_211[15] : f32 from vector<16xf32>
      %eq3A = arith.constant 0 : i32
      %eq3A_213 = vector.broadcast %eq3A : i32 to vector<16xi32>
      %eq3A_214 = arith.cmpi eq, %iota3A, %eq3A_213 : vector<16xi32>
      %broadcast_in_dim3A_215 = vector.broadcast %reduce_sum3A_212 : f32 to vector<16xf32>
      %select_n3A = arith.select %eq3A_214, %broadcast_in_dim3A_215, %broadcast_in_dim3A_135 : vector<16xi1>, vector<16xf32>
      %slice3A_216 = vector.extract_strided_slice %mul3A_124 {offsets = [1], sizes = [1], strides = [1]} : vector<16xi32> to vector<1xi32>
      %squeeze3A_217 = vector.extract %slice3A_216[0] : i32 from vector<1xi32>
      %slice3A_218 = vector.extract_strided_slice %mul3A_134 {offsets = [1], sizes = [1], strides = [1]} : vector<16xi32> to vector<1xi32>
      %squeeze3A_219 = vector.extract %slice3A_218[0] : i32 from vector<1xi32>
      %add3A_220 = arith.constant 1 : i32
      %add3A_221 = arith.addi %mul3A_115, %add3A_220 : i32
      %add3A_222 = arith.constant 0 : i32
      %add3A_223 = arith.addi %squeeze3A_217, %add3A_222 : i32
      %get3A_224 = arith.index_cast %add3A_221 : i32 to index
      %get3A_225 = arith.index_cast %add3A_223 : i32 to index
      %get3A_226 = tpu.vector_load %arg13[%get3A_224, %get3A_225] {strides = array<i32>} : memref<80x128xi32, #tpu.memory_space<vmem>>, vector<16xi32>,
      %add3A_227 = arith.constant 1 : i32
      %add3A_228 = arith.addi %mul3A_115, %add3A_227 : i32
      %add3A_229 = arith.constant 0 : i32
      %add3A_230 = arith.addi %squeeze3A_219, %add3A_229 : i32
      %get3A_231 = arith.index_cast %add3A_228 : i32 to index
      %get3A_232 = arith.index_cast %add3A_230 : i32 to index
      %get3A_233 = tpu.vector_load %arg14[%get3A_231, %get3A_232] {strides = array<i32>} : memref<80x128xi32, #tpu.memory_space<vmem>>, vector<16xi32>,
      %bitcast3A_234 = vector.bitcast %get3A_226 : vector<16xi32> to vector<32xbf16>
      %bitcast3A_235 = vector.bitcast %get3A_233 : vector<16xi32> to vector<32xbf16>
      %mul3A_236 = arith.mulf %bitcast3A_234, %bitcast3A_235 : vector<32xbf16>
      %add3A_237 = arith.constant 1 : i32
      %add3A_238 = arith.addi %mul3A_115, %add3A_237 : i32
      %add3A_239 = arith.constant 16 : i32
      %add3A_240 = arith.addi %squeeze3A_217, %add3A_239 : i32
      %get3A_241 = arith.index_cast %add3A_238 : i32 to index
      %get3A_242 = arith.index_cast %add3A_240 : i32 to index
      %get3A_243 = tpu.vector_load %arg13[%get3A_241, %get3A_242] {strides = array<i32>} : memref<80x128xi32, #tpu.memory_space<vmem>>, vector<16xi32>,
      %add3A_244 = arith.constant 1 : i32
      %add3A_245 = arith.addi %mul3A_115, %add3A_244 : i32
      %add3A_246 = arith.constant 16 : i32
      %add3A_247 = arith.addi %squeeze3A_219, %add3A_246 : i32
      %get3A_248 = arith.index_cast %add3A_245 : i32 to index
      %get3A_249 = arith.index_cast %add3A_247 : i32 to index
      %get3A_250 = tpu.vector_load %arg14[%get3A_248, %get3A_249] {strides = array<i32>} : memref<80x128xi32, #tpu.memory_space<vmem>>, vector<16xi32>,
      %bitcast3A_251 = vector.bitcast %get3A_243 : vector<16xi32> to vector<32xbf16>
      %bitcast3A_252 = vector.bitcast %get3A_250 : vector<16xi32> to vector<32xbf16>
      %mul3A_253 = arith.mulf %bitcast3A_251, %bitcast3A_252 : vector<32xbf16>
      %add3A_254 = arith.constant 1 : i32
      %add3A_255 = arith.addi %mul3A_115, %add3A_254 : i32
      %add3A_256 = arith.constant 32 : i32
      %add3A_257 = arith.addi %squeeze3A_217, %add3A_256 : i32
      %get3A_258 = arith.index_cast %add3A_255 : i32 to index
      %get3A_259 = arith.index_cast %add3A_257 : i32 to index
      %get3A_260 = tpu.vector_load %arg13[%get3A_258, %get3A_259] {strides = array<i32>} : memref<80x128xi32, #tpu.memory_space<vmem>>, vector<16xi32>,
      %add3A_261 = arith.constant 1 : i32
      %add3A_262 = arith.addi %mul3A_115, %add3A_261 : i32
      %add3A_263 = arith.constant 32 : i32
      %add3A_264 = arith.addi %squeeze3A_219, %add3A_263 : i32
      %get3A_265 = arith.index_cast %add3A_262 : i32 to index
      %get3A_266 = arith.index_cast %add3A_264 : i32 to index
      %get3A_267 = tpu.vector_load %arg14[%get3A_265, %get3A_266] {strides = array<i32>} : memref<80x128xi32, #tpu.memory_space<vmem>>, vector<16xi32>,
      %bitcast3A_268 = vector.bitcast %get3A_260 : vector<16xi32> to vector<32xbf16>
      %bitcast3A_269 = vector.bitcast %get3A_267 : vector<16xi32> to vector<32xbf16>
      %mul3A_270 = arith.mulf %bitcast3A_268, %bitcast3A_269 : vector<32xbf16>
      %add3A_271 = arith.constant 1 : i32
      %add3A_272 = arith.addi %mul3A_115, %add3A_271 : i32
      %add3A_273 = arith.constant 48 : i32
      %add3A_274 = arith.addi %squeeze3A_217, %add3A_273 : i32
      %get3A_275 = arith.index_cast %add3A_272 : i32 to index
      %get3A_276 = arith.index_cast %add3A_274 : i32 to index
      %get3A_277 = tpu.vector_load %arg13[%get3A_275, %get3A_276] {strides = array<i32>} : memref<80x128xi32, #tpu.memory_space<vmem>>, vector<16xi32>,
      %add3A_278 = arith.constant 1 : i32
      %add3A_279 = arith.addi %mul3A_115, %add3A_278 : i32
      %add3A_280 = arith.constant 48 : i32
      %add3A_281 = arith.addi %squeeze3A_219, %add3A_280 : i32
      %get3A_282 = arith.index_cast %add3A_279 : i32 to index
      %get3A_283 = arith.index_cast %add3A_281 : i32 to index
      %get3A_284 = tpu.vector_load %arg14[%get3A_282, %get3A_283] {strides = array<i32>} : memref<80x128xi32, #tpu.memory_space<vmem>>, vector<16xi32>,
      %bitcast3A_285 = vector.bitcast %get3A_277 : vector<16xi32> to vector<32xbf16>
      %bitcast3A_286 = vector.bitcast %get3A_284 : vector<16xi32> to vector<32xbf16>
      %mul3A_287 = arith.mulf %bitcast3A_285, %bitcast3A_286 : vector<32xbf16>
      %add3A_288 = arith.addf %mul3A_236, %mul3A_253 : vector<32xbf16>
      %add3A_289 = arith.addf %mul3A_270, %mul3A_287 : vector<32xbf16>
      %add3A_290 = arith.addf %add3A_288, %add3A_289 : vector<32xbf16>
      %unpack3A_291 = tpu.unpack_subelements %add3A_290, 0 {pack_format = #tpu.pack_format<interleaved>} : vector<32xbf16> -> vector<16xf32>
      %unpack3A_292 = tpu.unpack_subelements %add3A_290, 1 {pack_format = #tpu.pack_format<interleaved>} : vector<32xbf16> -> vector<16xf32>
      %add3A_293 = arith.addf %unpack3A_291, %unpack3A_292 : vector<16xf32>
      %reduce_sum3A_294 = arith.constant true
      %reduce_sum3A_295 = vector.broadcast %reduce_sum3A_294 : i1 to vector<16xi1>
      %reduce_sum3A_296 = tpu.scan <sum>, %add3A_293 masked %reduce_sum3A_295 : vector<16xf32>, vector<16xi1> -> vector<16xf32>
      %reduce_sum3A_297 = vector.extract %reduce_sum3A_296[15] : f32 from vector<16xf32>
      %eq3A_298 = arith.constant 1 : i32
      %eq3A_299 = vector.broadcast %eq3A_298 : i32 to vector<16xi32>
      %eq3A_300 = arith.cmpi eq, %iota3A, %eq3A_299 : vector<16xi32>
      %broadcast_in_dim3A_301 = vector.broadcast %reduce_sum3A_297 : f32 to vector<16xf32>
      %select_n3A_302 = arith.select %eq3A_300, %broadcast_in_dim3A_301, %select_n3A : vector<16xi1>, vector<16xf32>
      %slice3A_303 = vector.extract_strided_slice %mul3A_124 {offsets = [2], sizes = [1], strides = [1]} : vector<16xi32> to vector<1xi32>
      %squeeze3A_304 = vector.extract %slice3A_303[0] : i32 from vector<1xi32>
      %slice3A_305 = vector.extract_strided_slice %mul3A_134 {offsets = [2], sizes = [1], strides = [1]} : vector<16xi32> to vector<1xi32>
      %squeeze3A_306 = vector.extract %slice3A_305[0] : i32 from vector<1xi32>
      %add3A_307 = arith.constant 2 : i32
      %add3A_308 = arith.addi %mul3A_115, %add3A_307 : i32
      %add3A_309 = arith.constant 0 : i32
      %add3A_310 = arith.addi %squeeze3A_304, %add3A_309 : i32
      %get3A_311 = arith.index_cast %add3A_308 : i32 to index
      %get3A_312 = arith.index_cast %add3A_310 : i32 to index
      %get3A_313 = tpu.vector_load %arg13[%get3A_311, %get3A_312] {strides = array<i32>} : memref<80x128xi32, #tpu.memory_space<vmem>>, vector<16xi32>,
      %add3A_314 = arith.constant 2 : i32
      %add3A_315 = arith.addi %mul3A_115, %add3A_314 : i32
      %add3A_316 = arith.constant 0 : i32
      %add3A_317 = arith.addi %squeeze3A_306, %add3A_316 : i32
      %get3A_318 = arith.index_cast %add3A_315 : i32 to index
      %get3A_319 = arith.index_cast %add3A_317 : i32 to index
      %get3A_320 = tpu.vector_load %arg14[%get3A_318, %get3A_319] {strides = array<i32>} : memref<80x128xi32, #tpu.memory_space<vmem>>, vector<16xi32>,
      %bitcast3A_321 = vector.bitcast %get3A_313 : vector<16xi32> to vector<32xbf16>
      %bitcast3A_322 = vector.bitcast %get3A_320 : vector<16xi32> to vector<32xbf16>
      %mul3A_323 = arith.mulf %bitcast3A_321, %bitcast3A_322 : vector<32xbf16>
      %add3A_324 = arith.constant 2 : i32
      %add3A_325 = arith.addi %mul3A_115, %add3A_324 : i32
      %add3A_326 = arith.constant 16 : i32
      %add3A_327 = arith.addi %squeeze3A_304, %add3A_326 : i32
      %get3A_328 = arith.index_cast %add3A_325 : i32 to index
      %get3A_329 = arith.index_cast %add3A_327 : i32 to index
      %get3A_330 = tpu.vector_load %arg13[%get3A_328, %get3A_329] {strides = array<i32>} : memref<80x128xi32, #tpu.memory_space<vmem>>, vector<16xi32>,
      %add3A_331 = arith.constant 2 : i32
      %add3A_332 = arith.addi %mul3A_115, %add3A_331 : i32
      %add3A_333 = arith.constant 16 : i32
      %add3A_334 = arith.addi %squeeze3A_306, %add3A_333 : i32
      %get3A_335 = arith.index_cast %add3A_332 : i32 to index
      %get3A_336 = arith.index_cast %add3A_334 : i32 to index
      %get3A_337 = tpu.vector_load %arg14[%get3A_335, %get3A_336] {strides = array<i32>} : memref<80x128xi32, #tpu.memory_space<vmem>>, vector<16xi32>,
      %bitcast3A_338 = vector.bitcast %get3A_330 : vector<16xi32> to vector<32xbf16>
      %bitcast3A_339 = vector.bitcast %get3A_337 : vector<16xi32> to vector<32xbf16>
      %mul3A_340 = arith.mulf %bitcast3A_338, %bitcast3A_339 : vector<32xbf16>
      %add3A_341 = arith.constant 2 : i32
      %add3A_342 = arith.addi %mul3A_115, %add3A_341 : i32
      %add3A_343 = arith.constant 32 : i32
      %add3A_344 = arith.addi %squeeze3A_304, %add3A_343 : i32
      %get3A_345 = arith.index_cast %add3A_342 : i32 to index
      %get3A_346 = arith.index_cast %add3A_344 : i32 to index
      %get3A_347 = tpu.vector_load %arg13[%get3A_345, %get3A_346] {strides = array<i32>} : memref<80x128xi32, #tpu.memory_space<vmem>>, vector<16xi32>,
      %add3A_348 = arith.constant 2 : i32
      %add3A_349 = arith.addi %mul3A_115, %add3A_348 : i32
      %add3A_350 = arith.constant 32 : i32
      %add3A_351 = arith.addi %squeeze3A_306, %add3A_350 : i32
      %get3A_352 = arith.index_cast %add3A_349 : i32 to index
      %get3A_353 = arith.index_cast %add3A_351 : i32 to index
      %get3A_354 = tpu.vector_load %arg14[%get3A_352, %get3A_353] {strides = array<i32>} : memref<80x128xi32, #tpu.memory_space<vmem>>, vector<16xi32>,
      %bitcast3A_355 = vector.bitcast %get3A_347 : vector<16xi32> to vector<32xbf16>
      %bitcast3A_356 = vector.bitcast %get3A_354 : vector<16xi32> to vector<32xbf16>
      %mul3A_357 = arith.mulf %bitcast3A_355, %bitcast3A_356 : vector<32xbf16>
      %add3A_358 = arith.constant 2 : i32
      %add3A_359 = arith.addi %mul3A_115, %add3A_358 : i32
      %add3A_360 = arith.constant 48 : i32
      %add3A_361 = arith.addi %squeeze3A_304, %add3A_360 : i32
      %get3A_362 = arith.index_cast %add3A_359 : i32 to index
      %get3A_363 = arith.index_cast %add3A_361 : i32 to index
      %get3A_364 = tpu.vector_load %arg13[%get3A_362, %get3A_363] {strides = array<i32>} : memref<80x128xi32, #tpu.memory_space<vmem>>, vector<16xi32>,
      %add3A_365 = arith.constant 2 : i32
      %add3A_366 = arith.addi %mul3A_115, %add3A_365 : i32
      %add3A_367 = arith.constant 48 : i32
      %add3A_368 = arith.addi %squeeze3A_306, %add3A_367 : i32
      %get3A_369 = arith.index_cast %add3A_366 : i32 to index
      %get3A_370 = arith.index_cast %add3A_368 : i32 to index
      %get3A_371 = tpu.vector_load %arg14[%get3A_369, %get3A_370] {strides = array<i32>} : memref<80x128xi32, #tpu.memory_space<vmem>>, vector<16xi32>,
      %bitcast3A_372 = vector.bitcast %get3A_364 : vector<16xi32> to vector<32xbf16>
      %bitcast3A_373 = vector.bitcast %get3A_371 : vector<16xi32> to vector<32xbf16>
      %mul3A_374 = arith.mulf %bitcast3A_372, %bitcast3A_373 : vector<32xbf16>
      %add3A_375 = arith.addf %mul3A_323, %mul3A_340 : vector<32xbf16>
      %add3A_376 = arith.addf %mul3A_357, %mul3A_374 : vector<32xbf16>
      %add3A_377 = arith.addf %add3A_375, %add3A_376 : vector<32xbf16>
      %unpack3A_378 = tpu.unpack_subelements %add3A_377, 0 {pack_format = #tpu.pack_format<interleaved>} : vector<32xbf16> -> vector<16xf32>
      %unpack3A_379 = tpu.unpack_subelements %add3A_377, 1 {pack_format = #tpu.pack_format<interleaved>} : vector<32xbf16> -> vector<16xf32>
      %add3A_380 = arith.addf %unpack3A_378, %unpack3A_379 : vector<16xf32>
      %reduce_sum3A_381 = arith.constant true
      %reduce_sum3A_382 = vector.broadcast %reduce_sum3A_381 : i1 to vector<16xi1>
      %reduce_sum3A_383 = tpu.scan <sum>, %add3A_380 masked %reduce_sum3A_382 : vector<16xf32>, vector<16xi1> -> vector<16xf32>
      %reduce_sum3A_384 = vector.extract %reduce_sum3A_383[15] : f32 from vector<16xf32>
      %eq3A_385 = arith.constant 2 : i32
      %eq3A_386 = vector.broadcast %eq3A_385 : i32 to vector<16xi32>
      %eq3A_387 = arith.cmpi eq, %iota3A, %eq3A_386 : vector<16xi32>
      %broadcast_in_dim3A_388 = vector.broadcast %reduce_sum3A_384 : f32 to vector<16xf32>
      %select_n3A_389 = arith.select %eq3A_387, %broadcast_in_dim3A_388, %select_n3A_302 : vector<16xi1>, vector<16xf32>
      %slice3A_390 = vector.extract_strided_slice %mul3A_124 {offsets = [3], sizes = [1], strides = [1]} : vector<16xi32> to vector<1xi32>
      %squeeze3A_391 = vector.extract %slice3A_390[0] : i32 from vector<1xi32>
      %slice3A_392 = vector.extract_strided_slice %mul3A_134 {offsets = [3], sizes = [1], strides = [1]} : vector<16xi32> to vector<1xi32>
      %squeeze3A_393 = vector.extract %slice3A_392[0] : i32 from vector<1xi32>
      %add3A_394 = arith.constant 3 : i32
      %add3A_395 = arith.addi %mul3A_115, %add3A_394 : i32
      %add3A_396 = arith.constant 0 : i32
      %add3A_397 = arith.addi %squeeze3A_391, %add3A_396 : i32
      %get3A_398 = arith.index_cast %add3A_395 : i32 to index
      %get3A_399 = arith.index_cast %add3A_397 : i32 to index
      %get3A_400 = tpu.vector_load %arg13[%get3A_398, %get3A_399] {strides = array<i32>} : memref<80x128xi32, #tpu.memory_space<vmem>>, vector<16xi32>,
      %add3A_401 = arith.constant 3 : i32
      %add3A_402 = arith.addi %mul3A_115, %add3A_401 : i32
      %add3A_403 = arith.constant 0 : i32
      %add3A_404 = arith.addi %squeeze3A_393, %add3A_403 : i32
      %get3A_405 = arith.index_cast %add3A_402 : i32 to index
      %get3A_406 = arith.index_cast %add3A_404 : i32 to index
      %get3A_407 = tpu.vector_load %arg14[%get3A_405, %get3A_406] {strides = array<i32>} : memref<80x128xi32, #tpu.memory_space<vmem>>, vector<16xi32>,
      %bitcast3A_408 = vector.bitcast %get3A_400 : vector<16xi32> to vector<32xbf16>
      %bitcast3A_409 = vector.bitcast %get3A_407 : vector<16xi32> to vector<32xbf16>
      %mul3A_410 = arith.mulf %bitcast3A_408, %bitcast3A_409 : vector<32xbf16>
      %add3A_411 = arith.constant 3 : i32
      %add3A_412 = arith.addi %mul3A_115, %add3A_411 : i32
      %add3A_413 = arith.constant 16 : i32
      %add3A_414 = arith.addi %squeeze3A_391, %add3A_413 : i32
      %get3A_415 = arith.index_cast %add3A_412 : i32 to index
      %get3A_416 = arith.index_cast %add3A_414 : i32 to index
      %get3A_417 = tpu.vector_load %arg13[%get3A_415, %get3A_416] {strides = array<i32>} : memref<80x128xi32, #tpu.memory_space<vmem>>, vector<16xi32>,
      %add3A_418 = arith.constant 3 : i32
      %add3A_419 = arith.addi %mul3A_115, %add3A_418 : i32
      %add3A_420 = arith.constant 16 : i32
      %add3A_421 = arith.addi %squeeze3A_393, %add3A_420 : i32
      %get3A_422 = arith.index_cast %add3A_419 : i32 to index
      %get3A_423 = arith.index_cast %add3A_421 : i32 to index
      %get3A_424 = tpu.vector_load %arg14[%get3A_422, %get3A_423] {strides = array<i32>} : memref<80x128xi32, #tpu.memory_space<vmem>>, vector<16xi32>,
      %bitcast3A_425 = vector.bitcast %get3A_417 : vector<16xi32> to vector<32xbf16>
      %bitcast3A_426 = vector.bitcast %get3A_424 : vector<16xi32> to vector<32xbf16>
      %mul3A_427 = arith.mulf %bitcast3A_425, %bitcast3A_426 : vector<32xbf16>
      %add3A_428 = arith.constant 3 : i32
      %add3A_429 = arith.addi %mul3A_115, %add3A_428 : i32
      %add3A_430 = arith.constant 32 : i32
      %add3A_431 = arith.addi %squeeze3A_391, %add3A_430 : i32
      %get3A_432 = arith.index_cast %add3A_429 : i32 to index
      %get3A_433 = arith.index_cast %add3A_431 : i32 to index
      %get3A_434 = tpu.vector_load %arg13[%get3A_432, %get3A_433] {strides = array<i32>} : memref<80x128xi32, #tpu.memory_space<vmem>>, vector<16xi32>,
      %add3A_435 = arith.constant 3 : i32
      %add3A_436 = arith.addi %mul3A_115, %add3A_435 : i32
      %add3A_437 = arith.constant 32 : i32
      %add3A_438 = arith.addi %squeeze3A_393, %add3A_437 : i32
      %get3A_439 = arith.index_cast %add3A_436 : i32 to index
      %get3A_440 = arith.index_cast %add3A_438 : i32 to index
      %get3A_441 = tpu.vector_load %arg14[%get3A_439, %get3A_440] {strides = array<i32>} : memref<80x128xi32, #tpu.memory_space<vmem>>, vector<16xi32>,
      %bitcast3A_442 = vector.bitcast %get3A_434 : vector<16xi32> to vector<32xbf16>
      %bitcast3A_443 = vector.bitcast %get3A_441 : vector<16xi32> to vector<32xbf16>
      %mul3A_444 = arith.mulf %bitcast3A_442, %bitcast3A_443 : vector<32xbf16>
      %add3A_445 = arith.constant 3 : i32
      %add3A_446 = arith.addi %mul3A_115, %add3A_445 : i32
      %add3A_447 = arith.constant 48 : i32
      %add3A_448 = arith.addi %squeeze3A_391, %add3A_447 : i32
      %get3A_449 = arith.index_cast %add3A_446 : i32 to index
      %get3A_450 = arith.index_cast %add3A_448 : i32 to index
      %get3A_451 = tpu.vector_load %arg13[%get3A_449, %get3A_450] {strides = array<i32>} : memref<80x128xi32, #tpu.memory_space<vmem>>, vector<16xi32>,
      %add3A_452 = arith.constant 3 : i32
      %add3A_453 = arith.addi %mul3A_115, %add3A_452 : i32
      %add3A_454 = arith.constant 48 : i32
      %add3A_455 = arith.addi %squeeze3A_393, %add3A_454 : i32
      %get3A_456 = arith.index_cast %add3A_453 : i32 to index
      %get3A_457 = arith.index_cast %add3A_455 : i32 to index
      %get3A_458 = tpu.vector_load %arg14[%get3A_456, %get3A_457] {strides = array<i32>} : memref<80x128xi32, #tpu.memory_space<vmem>>, vector<16xi32>,
      %bitcast3A_459 = vector.bitcast %get3A_451 : vector<16xi32> to vector<32xbf16>
      %bitcast3A_460 = vector.bitcast %get3A_458 : vector<16xi32> to vector<32xbf16>
      %mul3A_461 = arith.mulf %bitcast3A_459, %bitcast3A_460 : vector<32xbf16>
      %add3A_462 = arith.addf %mul3A_410, %mul3A_427 : vector<32xbf16>
      %add3A_463 = arith.addf %mul3A_444, %mul3A_461 : vector<32xbf16>
      %add3A_464 = arith.addf %add3A_462, %add3A_463 : vector<32xbf16>
      %unpack3A_465 = tpu.unpack_subelements %add3A_464, 0 {pack_format = #tpu.pack_format<interleaved>} : vector<32xbf16> -> vector<16xf32>
      %unpack3A_466 = tpu.unpack_subelements %add3A_464, 1 {pack_format = #tpu.pack_format<interleaved>} : vector<32xbf16> -> vector<16xf32>
      %add3A_467 = arith.addf %unpack3A_465, %unpack3A_466 : vector<16xf32>
      %reduce_sum3A_468 = arith.constant true
      %reduce_sum3A_469 = vector.broadcast %reduce_sum3A_468 : i1 to vector<16xi1>
      %reduce_sum3A_470 = tpu.scan <sum>, %add3A_467 masked %reduce_sum3A_469 : vector<16xf32>, vector<16xi1> -> vector<16xf32>
      %reduce_sum3A_471 = vector.extract %reduce_sum3A_470[15] : f32 from vector<16xf32>
      %eq3A_472 = arith.constant 3 : i32
      %eq3A_473 = vector.broadcast %eq3A_472 : i32 to vector<16xi32>
      %eq3A_474 = arith.cmpi eq, %iota3A, %eq3A_473 : vector<16xi32>
      %broadcast_in_dim3A_475 = vector.broadcast %reduce_sum3A_471 : f32 to vector<16xf32>
      %select_n3A_476 = arith.select %eq3A_474, %broadcast_in_dim3A_475, %select_n3A_389 : vector<16xi1>, vector<16xf32>
      %slice3A_477 = vector.extract_strided_slice %mul3A_124 {offsets = [4], sizes = [1], strides = [1]} : vector<16xi32> to vector<1xi32>
      %squeeze3A_478 = vector.extract %slice3A_477[0] : i32 from vector<1xi32>
      %slice3A_479 = vector.extract_strided_slice %mul3A_134 {offsets = [4], sizes = [1], strides = [1]} : vector<16xi32> to vector<1xi32>
      %squeeze3A_480 = vector.extract %slice3A_479[0] : i32 from vector<1xi32>
      %add3A_481 = arith.constant 4 : i32
      %add3A_482 = arith.addi %mul3A_115, %add3A_481 : i32
      %add3A_483 = arith.constant 0 : i32
      %add3A_484 = arith.addi %squeeze3A_478, %add3A_483 : i32
      %get3A_485 = arith.index_cast %add3A_482 : i32 to index
      %get3A_486 = arith.index_cast %add3A_484 : i32 to index
      %get3A_487 = tpu.vector_load %arg13[%get3A_485, %get3A_486] {strides = array<i32>} : memref<80x128xi32, #tpu.memory_space<vmem>>, vector<16xi32>,
      %add3A_488 = arith.constant 4 : i32
      %add3A_489 = arith.addi %mul3A_115, %add3A_488 : i32
      %add3A_490 = arith.constant 0 : i32
      %add3A_491 = arith.addi %squeeze3A_480, %add3A_490 : i32
      %get3A_492 = arith.index_cast %add3A_489 : i32 to index
      %get3A_493 = arith.index_cast %add3A_491 : i32 to index
      %get3A_494 = tpu.vector_load %arg14[%get3A_492, %get3A_493] {strides = array<i32>} : memref<80x128xi32, #tpu.memory_space<vmem>>, vector<16xi32>,
      %bitcast3A_495 = vector.bitcast %get3A_487 : vector<16xi32> to vector<32xbf16>
      %bitcast3A_496 = vector.bitcast %get3A_494 : vector<16xi32> to vector<32xbf16>
      %mul3A_497 = arith.mulf %bitcast3A_495, %bitcast3A_496 : vector<32xbf16>
      %add3A_498 = arith.constant 4 : i32
      %add3A_499 = arith.addi %mul3A_115, %add3A_498 : i32
      %add3A_500 = arith.constant 16 : i32
      %add3A_501 = arith.addi %squeeze3A_478, %add3A_500 : i32
      %get3A_502 = arith.index_cast %add3A_499 : i32 to index
      %get3A_503 = arith.index_cast %add3A_501 : i32 to index
      %get3A_504 = tpu.vector_load %arg13[%get3A_502, %get3A_503] {strides = array<i32>} : memref<80x128xi32, #tpu.memory_space<vmem>>, vector<16xi32>,
      %add3A_505 = arith.constant 4 : i32
      %add3A_506 = arith.addi %mul3A_115, %add3A_505 : i32
      %add3A_507 = arith.constant 16 : i32
      %add3A_508 = arith.addi %squeeze3A_480, %add3A_507 : i32
      %get3A_509 = arith.index_cast %add3A_506 : i32 to index
      %get3A_510 = arith.index_cast %add3A_508 : i32 to index
      %get3A_511 = tpu.vector_load %arg14[%get3A_509, %get3A_510] {strides = array<i32>} : memref<80x128xi32, #tpu.memory_space<vmem>>, vector<16xi32>,
      %bitcast3A_512 = vector.bitcast %get3A_504 : vector<16xi32> to vector<32xbf16>
      %bitcast3A_513 = vector.bitcast %get3A_511 : vector<16xi32> to vector<32xbf16>
      %mul3A_514 = arith.mulf %bitcast3A_512, %bitcast3A_513 : vector<32xbf16>
      %add3A_515 = arith.constant 4 : i32
      %add3A_516 = arith.addi %mul3A_115, %add3A_515 : i32
      %add3A_517 = arith.constant 32 : i32
      %add3A_518 = arith.addi %squeeze3A_478, %add3A_517 : i32
      %get3A_519 = arith.index_cast %add3A_516 : i32 to index
      %get3A_520 = arith.index_cast %add3A_518 : i32 to index
      %get3A_521 = tpu.vector_load %arg13[%get3A_519, %get3A_520] {strides = array<i32>} : memref<80x128xi32, #tpu.memory_space<vmem>>, vector<16xi32>,
      %add3A_522 = arith.constant 4 : i32
      %add3A_523 = arith.addi %mul3A_115, %add3A_522 : i32
      %add3A_524 = arith.constant 32 : i32
      %add3A_525 = arith.addi %squeeze3A_480, %add3A_524 : i32
      %get3A_526 = arith.index_cast %add3A_523 : i32 to index
      %get3A_527 = arith.index_cast %add3A_525 : i32 to index
      %get3A_528 = tpu.vector_load %arg14[%get3A_526, %get3A_527] {strides = array<i32>} : memref<80x128xi32, #tpu.memory_space<vmem>>, vector<16xi32>,
      %bitcast3A_529 = vector.bitcast %get3A_521 : vector<16xi32> to vector<32xbf16>
      %bitcast3A_530 = vector.bitcast %get3A_528 : vector<16xi32> to vector<32xbf16>
      %mul3A_531 = arith.mulf %bitcast3A_529, %bitcast3A_530 : vector<32xbf16>
      %add3A_532 = arith.constant 4 : i32
      %add3A_533 = arith.addi %mul3A_115, %add3A_532 : i32
      %add3A_534 = arith.constant 48 : i32
      %add3A_535 = arith.addi %squeeze3A_478, %add3A_534 : i32
      %get3A_536 = arith.index_cast %add3A_533 : i32 to index
      %get3A_537 = arith.index_cast %add3A_535 : i32 to index
      %get3A_538 = tpu.vector_load %arg13[%get3A_536, %get3A_537] {strides = array<i32>} : memref<80x128xi32, #tpu.memory_space<vmem>>, vector<16xi32>,
      %add3A_539 = arith.constant 4 : i32
      %add3A_540 = arith.addi %mul3A_115, %add3A_539 : i32
      %add3A_541 = arith.constant 48 : i32
      %add3A_542 = arith.addi %squeeze3A_480, %add3A_541 : i32
      %get3A_543 = arith.index_cast %add3A_540 : i32 to index
      %get3A_544 = arith.index_cast %add3A_542 : i32 to index
      %get3A_545 = tpu.vector_load %arg14[%get3A_543, %get3A_544] {strides = array<i32>} : memref<80x128xi32, #tpu.memory_space<vmem>>, vector<16xi32>,
      %bitcast3A_546 = vector.bitcast %get3A_538 : vector<16xi32> to vector<32xbf16>
      %bitcast3A_547 = vector.bitcast %get3A_545 : vector<16xi32> to vector<32xbf16>
      %mul3A_548 = arith.mulf %bitcast3A_546, %bitcast3A_547 : vector<32xbf16>
      %add3A_549 = arith.addf %mul3A_497, %mul3A_514 : vector<32xbf16>
      %add3A_550 = arith.addf %mul3A_531, %mul3A_548 : vector<32xbf16>
      %add3A_551 = arith.addf %add3A_549, %add3A_550 : vector<32xbf16>
      %unpack3A_552 = tpu.unpack_subelements %add3A_551, 0 {pack_format = #tpu.pack_format<interleaved>} : vector<32xbf16> -> vector<16xf32>
      %unpack3A_553 = tpu.unpack_subelements %add3A_551, 1 {pack_format = #tpu.pack_format<interleaved>} : vector<32xbf16> -> vector<16xf32>
      %add3A_554 = arith.addf %unpack3A_552, %unpack3A_553 : vector<16xf32>
      %reduce_sum3A_555 = arith.constant true
      %reduce_sum3A_556 = vector.broadcast %reduce_sum3A_555 : i1 to vector<16xi1>
      %reduce_sum3A_557 = tpu.scan <sum>, %add3A_554 masked %reduce_sum3A_556 : vector<16xf32>, vector<16xi1> -> vector<16xf32>
      %reduce_sum3A_558 = vector.extract %reduce_sum3A_557[15] : f32 from vector<16xf32>
      %eq3A_559 = arith.constant 4 : i32
      %eq3A_560 = vector.broadcast %eq3A_559 : i32 to vector<16xi32>
      %eq3A_561 = arith.cmpi eq, %iota3A, %eq3A_560 : vector<16xi32>
      %broadcast_in_dim3A_562 = vector.broadcast %reduce_sum3A_558 : f32 to vector<16xf32>
      %select_n3A_563 = arith.select %eq3A_561, %broadcast_in_dim3A_562, %select_n3A_476 : vector<16xi1>, vector<16xf32>
      %slice3A_564 = vector.extract_strided_slice %mul3A_124 {offsets = [5], sizes = [1], strides = [1]} : vector<16xi32> to vector<1xi32>
      %squeeze3A_565 = vector.extract %slice3A_564[0] : i32 from vector<1xi32>
      %slice3A_566 = vector.extract_strided_slice %mul3A_134 {offsets = [5], sizes = [1], strides = [1]} : vector<16xi32> to vector<1xi32>
      %squeeze3A_567 = vector.extract %slice3A_566[0] : i32 from vector<1xi32>
      %add3A_568 = arith.constant 5 : i32
      %add3A_569 = arith.addi %mul3A_115, %add3A_568 : i32
      %add3A_570 = arith.constant 0 : i32
      %add3A_571 = arith.addi %squeeze3A_565, %add3A_570 : i32
      %get3A_572 = arith.index_cast %add3A_569 : i32 to index
      %get3A_573 = arith.index_cast %add3A_571 : i32 to index
      %get3A_574 = tpu.vector_load %arg13[%get3A_572, %get3A_573] {strides = array<i32>} : memref<80x128xi32, #tpu.memory_space<vmem>>, vector<16xi32>,
      %add3A_575 = arith.constant 5 : i32
      %add3A_576 = arith.addi %mul3A_115, %add3A_575 : i32
      %add3A_577 = arith.constant 0 : i32
      %add3A_578 = arith.addi %squeeze3A_567, %add3A_577 : i32
      %get3A_579 = arith.index_cast %add3A_576 : i32 to index
      %get3A_580 = arith.index_cast %add3A_578 : i32 to index
      %get3A_581 = tpu.vector_load %arg14[%get3A_579, %get3A_580] {strides = array<i32>} : memref<80x128xi32, #tpu.memory_space<vmem>>, vector<16xi32>,
      %bitcast3A_582 = vector.bitcast %get3A_574 : vector<16xi32> to vector<32xbf16>
      %bitcast3A_583 = vector.bitcast %get3A_581 : vector<16xi32> to vector<32xbf16>
      %mul3A_584 = arith.mulf %bitcast3A_582, %bitcast3A_583 : vector<32xbf16>
      %add3A_585 = arith.constant 5 : i32
      %add3A_586 = arith.addi %mul3A_115, %add3A_585 : i32
      %add3A_587 = arith.constant 16 : i32
      %add3A_588 = arith.addi %squeeze3A_565, %add3A_587 : i32
      %get3A_589 = arith.index_cast %add3A_586 : i32 to index
      %get3A_590 = arith.index_cast %add3A_588 : i32 to index
      %get3A_591 = tpu.vector_load %arg13[%get3A_589, %get3A_590] {strides = array<i32>} : memref<80x128xi32, #tpu.memory_space<vmem>>, vector<16xi32>,
      %add3A_592 = arith.constant 5 : i32
      %add3A_593 = arith.addi %mul3A_115, %add3A_592 : i32
      %add3A_594 = arith.constant 16 : i32
      %add3A_595 = arith.addi %squeeze3A_567, %add3A_594 : i32
      %get3A_596 = arith.index_cast %add3A_593 : i32 to index
      %get3A_597 = arith.index_cast %add3A_595 : i32 to index
      %get3A_598 = tpu.vector_load %arg14[%get3A_596, %get3A_597] {strides = array<i32>} : memref<80x128xi32, #tpu.memory_space<vmem>>, vector<16xi32>,
      %bitcast3A_599 = vector.bitcast %get3A_591 : vector<16xi32> to vector<32xbf16>
      %bitcast3A_600 = vector.bitcast %get3A_598 : vector<16xi32> to vector<32xbf16>
      %mul3A_601 = arith.mulf %bitcast3A_599, %bitcast3A_600 : vector<32xbf16>
      %add3A_602 = arith.constant 5 : i32
      %add3A_603 = arith.addi %mul3A_115, %add3A_602 : i32
      %add3A_604 = arith.constant 32 : i32
      %add3A_605 = arith.addi %squeeze3A_565, %add3A_604 : i32
      %get3A_606 = arith.index_cast %add3A_603 : i32 to index
      %get3A_607 = arith.index_cast %add3A_605 : i32 to index
      %get3A_608 = tpu.vector_load %arg13[%get3A_606, %get3A_607] {strides = array<i32>} : memref<80x128xi32, #tpu.memory_space<vmem>>, vector<16xi32>,
      %add3A_609 = arith.constant 5 : i32
      %add3A_610 = arith.addi %mul3A_115, %add3A_609 : i32
      %add3A_611 = arith.constant 32 : i32
      %add3A_612 = arith.addi %squeeze3A_567, %add3A_611 : i32
      %get3A_613 = arith.index_cast %add3A_610 : i32 to index
      %get3A_614 = arith.index_cast %add3A_612 : i32 to index
      %get3A_615 = tpu.vector_load %arg14[%get3A_613, %get3A_614] {strides = array<i32>} : memref<80x128xi32, #tpu.memory_space<vmem>>, vector<16xi32>,
      %bitcast3A_616 = vector.bitcast %get3A_608 : vector<16xi32> to vector<32xbf16>
      %bitcast3A_617 = vector.bitcast %get3A_615 : vector<16xi32> to vector<32xbf16>
      %mul3A_618 = arith.mulf %bitcast3A_616, %bitcast3A_617 : vector<32xbf16>
      %add3A_619 = arith.constant 5 : i32
      %add3A_620 = arith.addi %mul3A_115, %add3A_619 : i32
      %add3A_621 = arith.constant 48 : i32
      %add3A_622 = arith.addi %squeeze3A_565, %add3A_621 : i32
      %get3A_623 = arith.index_cast %add3A_620 : i32 to index
      %get3A_624 = arith.index_cast %add3A_622 : i32 to index
      %get3A_625 = tpu.vector_load %arg13[%get3A_623, %get3A_624] {strides = array<i32>} : memref<80x128xi32, #tpu.memory_space<vmem>>, vector<16xi32>,
      %add3A_626 = arith.constant 5 : i32
      %add3A_627 = arith.addi %mul3A_115, %add3A_626 : i32
      %add3A_628 = arith.constant 48 : i32
      %add3A_629 = arith.addi %squeeze3A_567, %add3A_628 : i32
      %get3A_630 = arith.index_cast %add3A_627 : i32 to index
      %get3A_631 = arith.index_cast %add3A_629 : i32 to index
      %get3A_632 = tpu.vector_load %arg14[%get3A_630, %get3A_631] {strides = array<i32>} : memref<80x128xi32, #tpu.memory_space<vmem>>, vector<16xi32>,
      %bitcast3A_633 = vector.bitcast %get3A_625 : vector<16xi32> to vector<32xbf16>
      %bitcast3A_634 = vector.bitcast %get3A_632 : vector<16xi32> to vector<32xbf16>
      %mul3A_635 = arith.mulf %bitcast3A_633, %bitcast3A_634 : vector<32xbf16>
      %add3A_636 = arith.addf %mul3A_584, %mul3A_601 : vector<32xbf16>
      %add3A_637 = arith.addf %mul3A_618, %mul3A_635 : vector<32xbf16>
      %add3A_638 = arith.addf %add3A_636, %add3A_637 : vector<32xbf16>
      %unpack3A_639 = tpu.unpack_subelements %add3A_638, 0 {pack_format = #tpu.pack_format<interleaved>} : vector<32xbf16> -> vector<16xf32>
      %unpack3A_640 = tpu.unpack_subelements %add3A_638, 1 {pack_format = #tpu.pack_format<interleaved>} : vector<32xbf16> -> vector<16xf32>
      %add3A_641 = arith.addf %unpack3A_639, %unpack3A_640 : vector<16xf32>
      %reduce_sum3A_642 = arith.constant true
      %reduce_sum3A_643 = vector.broadcast %reduce_sum3A_642 : i1 to vector<16xi1>
      %reduce_sum3A_644 = tpu.scan <sum>, %add3A_641 masked %reduce_sum3A_643 : vector<16xf32>, vector<16xi1> -> vector<16xf32>
      %reduce_sum3A_645 = vector.extract %reduce_sum3A_644[15] : f32 from vector<16xf32>
      %eq3A_646 = arith.constant 5 : i32
      %eq3A_647 = vector.broadcast %eq3A_646 : i32 to vector<16xi32>
      %eq3A_648 = arith.cmpi eq, %iota3A, %eq3A_647 : vector<16xi32>
      %broadcast_in_dim3A_649 = vector.broadcast %reduce_sum3A_645 : f32 to vector<16xf32>
      %select_n3A_650 = arith.select %eq3A_648, %broadcast_in_dim3A_649, %select_n3A_563 : vector<16xi1>, vector<16xf32>
      %slice3A_651 = vector.extract_strided_slice %mul3A_124 {offsets = [6], sizes = [1], strides = [1]} : vector<16xi32> to vector<1xi32>
      %squeeze3A_652 = vector.extract %slice3A_651[0] : i32 from vector<1xi32>
      %slice3A_653 = vector.extract_strided_slice %mul3A_134 {offsets = [6], sizes = [1], strides = [1]} : vector<16xi32> to vector<1xi32>
      %squeeze3A_654 = vector.extract %slice3A_653[0] : i32 from vector<1xi32>
      %add3A_655 = arith.constant 6 : i32
      %add3A_656 = arith.addi %mul3A_115, %add3A_655 : i32
      %add3A_657 = arith.constant 0 : i32
      %add3A_658 = arith.addi %squeeze3A_652, %add3A_657 : i32
      %get3A_659 = arith.index_cast %add3A_656 : i32 to index
      %get3A_660 = arith.index_cast %add3A_658 : i32 to index
      %get3A_661 = tpu.vector_load %arg13[%get3A_659, %get3A_660] {strides = array<i32>} : memref<80x128xi32, #tpu.memory_space<vmem>>, vector<16xi32>,
      %add3A_662 = arith.constant 6 : i32
      %add3A_663 = arith.addi %mul3A_115, %add3A_662 : i32
      %add3A_664 = arith.constant 0 : i32
      %add3A_665 = arith.addi %squeeze3A_654, %add3A_664 : i32
      %get3A_666 = arith.index_cast %add3A_663 : i32 to index
      %get3A_667 = arith.index_cast %add3A_665 : i32 to index
      %get3A_668 = tpu.vector_load %arg14[%get3A_666, %get3A_667] {strides = array<i32>} : memref<80x128xi32, #tpu.memory_space<vmem>>, vector<16xi32>,
      %bitcast3A_669 = vector.bitcast %get3A_661 : vector<16xi32> to vector<32xbf16>
      %bitcast3A_670 = vector.bitcast %get3A_668 : vector<16xi32> to vector<32xbf16>
      %mul3A_671 = arith.mulf %bitcast3A_669, %bitcast3A_670 : vector<32xbf16>
      %add3A_672 = arith.constant 6 : i32
      %add3A_673 = arith.addi %mul3A_115, %add3A_672 : i32
      %add3A_674 = arith.constant 16 : i32
      %add3A_675 = arith.addi %squeeze3A_652, %add3A_674 : i32
      %get3A_676 = arith.index_cast %add3A_673 : i32 to index
      %get3A_677 = arith.index_cast %add3A_675 : i32 to index
      %get3A_678 = tpu.vector_load %arg13[%get3A_676, %get3A_677] {strides = array<i32>} : memref<80x128xi32, #tpu.memory_space<vmem>>, vector<16xi32>,
      %add3A_679 = arith.constant 6 : i32
      %add3A_680 = arith.addi %mul3A_115, %add3A_679 : i32
      %add3A_681 = arith.constant 16 : i32
      %add3A_682 = arith.addi %squeeze3A_654, %add3A_681 : i32
      %get3A_683 = arith.index_cast %add3A_680 : i32 to index
      %get3A_684 = arith.index_cast %add3A_682 : i32 to index
      %get3A_685 = tpu.vector_load %arg14[%get3A_683, %get3A_684] {strides = array<i32>} : memref<80x128xi32, #tpu.memory_space<vmem>>, vector<16xi32>,
      %bitcast3A_686 = vector.bitcast %get3A_678 : vector<16xi32> to vector<32xbf16>
      %bitcast3A_687 = vector.bitcast %get3A_685 : vector<16xi32> to vector<32xbf16>
      %mul3A_688 = arith.mulf %bitcast3A_686, %bitcast3A_687 : vector<32xbf16>
      %add3A_689 = arith.constant 6 : i32
      %add3A_690 = arith.addi %mul3A_115, %add3A_689 : i32
      %add3A_691 = arith.constant 32 : i32
      %add3A_692 = arith.addi %squeeze3A_652, %add3A_691 : i32
      %get3A_693 = arith.index_cast %add3A_690 : i32 to index
      %get3A_694 = arith.index_cast %add3A_692 : i32 to index
      %get3A_695 = tpu.vector_load %arg13[%get3A_693, %get3A_694] {strides = array<i32>} : memref<80x128xi32, #tpu.memory_space<vmem>>, vector<16xi32>,
      %add3A_696 = arith.constant 6 : i32
      %add3A_697 = arith.addi %mul3A_115, %add3A_696 : i32
      %add3A_698 = arith.constant 32 : i32
      %add3A_699 = arith.addi %squeeze3A_654, %add3A_698 : i32
      %get3A_700 = arith.index_cast %add3A_697 : i32 to index
      %get3A_701 = arith.index_cast %add3A_699 : i32 to index
      %get3A_702 = tpu.vector_load %arg14[%get3A_700, %get3A_701] {strides = array<i32>} : memref<80x128xi32, #tpu.memory_space<vmem>>, vector<16xi32>,
      %bitcast3A_703 = vector.bitcast %get3A_695 : vector<16xi32> to vector<32xbf16>
      %bitcast3A_704 = vector.bitcast %get3A_702 : vector<16xi32> to vector<32xbf16>
      %mul3A_705 = arith.mulf %bitcast3A_703, %bitcast3A_704 : vector<32xbf16>
      %add3A_706 = arith.constant 6 : i32
      %add3A_707 = arith.addi %mul3A_115, %add3A_706 : i32
      %add3A_708 = arith.constant 48 : i32
      %add3A_709 = arith.addi %squeeze3A_652, %add3A_708 : i32
      %get3A_710 = arith.index_cast %add3A_707 : i32 to index
      %get3A_711 = arith.index_cast %add3A_709 : i32 to index
      %get3A_712 = tpu.vector_load %arg13[%get3A_710, %get3A_711] {strides = array<i32>} : memref<80x128xi32, #tpu.memory_space<vmem>>, vector<16xi32>,
      %add3A_713 = arith.constant 6 : i32
      %add3A_714 = arith.addi %mul3A_115, %add3A_713 : i32
      %add3A_715 = arith.constant 48 : i32
      %add3A_716 = arith.addi %squeeze3A_654, %add3A_715 : i32
      %get3A_717 = arith.index_cast %add3A_714 : i32 to index
      %get3A_718 = arith.index_cast %add3A_716 : i32 to index
      %get3A_719 = tpu.vector_load %arg14[%get3A_717, %get3A_718] {strides = array<i32>} : memref<80x128xi32, #tpu.memory_space<vmem>>, vector<16xi32>,
      %bitcast3A_720 = vector.bitcast %get3A_712 : vector<16xi32> to vector<32xbf16>
      %bitcast3A_721 = vector.bitcast %get3A_719 : vector<16xi32> to vector<32xbf16>
      %mul3A_722 = arith.mulf %bitcast3A_720, %bitcast3A_721 : vector<32xbf16>
      %add3A_723 = arith.addf %mul3A_671, %mul3A_688 : vector<32xbf16>
      %add3A_724 = arith.addf %mul3A_705, %mul3A_722 : vector<32xbf16>
      %add3A_725 = arith.addf %add3A_723, %add3A_724 : vector<32xbf16>
      %unpack3A_726 = tpu.unpack_subelements %add3A_725, 0 {pack_format = #tpu.pack_format<interleaved>} : vector<32xbf16> -> vector<16xf32>
      %unpack3A_727 = tpu.unpack_subelements %add3A_725, 1 {pack_format = #tpu.pack_format<interleaved>} : vector<32xbf16> -> vector<16xf32>
      %add3A_728 = arith.addf %unpack3A_726, %unpack3A_727 : vector<16xf32>
      %reduce_sum3A_729 = arith.constant true
      %reduce_sum3A_730 = vector.broadcast %reduce_sum3A_729 : i1 to vector<16xi1>
      %reduce_sum3A_731 = tpu.scan <sum>, %add3A_728 masked %reduce_sum3A_730 : vector<16xf32>, vector<16xi1> -> vector<16xf32>
      %reduce_sum3A_732 = vector.extract %reduce_sum3A_731[15] : f32 from vector<16xf32>
      %eq3A_733 = arith.constant 6 : i32
      %eq3A_734 = vector.broadcast %eq3A_733 : i32 to vector<16xi32>
      %eq3A_735 = arith.cmpi eq, %iota3A, %eq3A_734 : vector<16xi32>
      %broadcast_in_dim3A_736 = vector.broadcast %reduce_sum3A_732 : f32 to vector<16xf32>
      %select_n3A_737 = arith.select %eq3A_735, %broadcast_in_dim3A_736, %select_n3A_650 : vector<16xi1>, vector<16xf32>
      %slice3A_738 = vector.extract_strided_slice %mul3A_124 {offsets = [7], sizes = [1], strides = [1]} : vector<16xi32> to vector<1xi32>
      %squeeze3A_739 = vector.extract %slice3A_738[0] : i32 from vector<1xi32>
      %slice3A_740 = vector.extract_strided_slice %mul3A_134 {offsets = [7], sizes = [1], strides = [1]} : vector<16xi32> to vector<1xi32>
      %squeeze3A_741 = vector.extract %slice3A_740[0] : i32 from vector<1xi32>
      %add3A_742 = arith.constant 7 : i32
      %add3A_743 = arith.addi %mul3A_115, %add3A_742 : i32
      %add3A_744 = arith.constant 0 : i32
      %add3A_745 = arith.addi %squeeze3A_739, %add3A_744 : i32
      %get3A_746 = arith.index_cast %add3A_743 : i32 to index
      %get3A_747 = arith.index_cast %add3A_745 : i32 to index
      %get3A_748 = tpu.vector_load %arg13[%get3A_746, %get3A_747] {strides = array<i32>} : memref<80x128xi32, #tpu.memory_space<vmem>>, vector<16xi32>,
      %add3A_749 = arith.constant 7 : i32
      %add3A_750 = arith.addi %mul3A_115, %add3A_749 : i32
      %add3A_751 = arith.constant 0 : i32
      %add3A_752 = arith.addi %squeeze3A_741, %add3A_751 : i32
      %get3A_753 = arith.index_cast %add3A_750 : i32 to index
      %get3A_754 = arith.index_cast %add3A_752 : i32 to index
      %get3A_755 = tpu.vector_load %arg14[%get3A_753, %get3A_754] {strides = array<i32>} : memref<80x128xi32, #tpu.memory_space<vmem>>, vector<16xi32>,
      %bitcast3A_756 = vector.bitcast %get3A_748 : vector<16xi32> to vector<32xbf16>
      %bitcast3A_757 = vector.bitcast %get3A_755 : vector<16xi32> to vector<32xbf16>
      %mul3A_758 = arith.mulf %bitcast3A_756, %bitcast3A_757 : vector<32xbf16>
      %add3A_759 = arith.constant 7 : i32
      %add3A_760 = arith.addi %mul3A_115, %add3A_759 : i32
      %add3A_761 = arith.constant 16 : i32
      %add3A_762 = arith.addi %squeeze3A_739, %add3A_761 : i32
      %get3A_763 = arith.index_cast %add3A_760 : i32 to index
      %get3A_764 = arith.index_cast %add3A_762 : i32 to index
      %get3A_765 = tpu.vector_load %arg13[%get3A_763, %get3A_764] {strides = array<i32>} : memref<80x128xi32, #tpu.memory_space<vmem>>, vector<16xi32>,
      %add3A_766 = arith.constant 7 : i32
      %add3A_767 = arith.addi %mul3A_115, %add3A_766 : i32
      %add3A_768 = arith.constant 16 : i32
      %add3A_769 = arith.addi %squeeze3A_741, %add3A_768 : i32
      %get3A_770 = arith.index_cast %add3A_767 : i32 to index
      %get3A_771 = arith.index_cast %add3A_769 : i32 to index
      %get3A_772 = tpu.vector_load %arg14[%get3A_770, %get3A_771] {strides = array<i32>} : memref<80x128xi32, #tpu.memory_space<vmem>>, vector<16xi32>,
      %bitcast3A_773 = vector.bitcast %get3A_765 : vector<16xi32> to vector<32xbf16>
      %bitcast3A_774 = vector.bitcast %get3A_772 : vector<16xi32> to vector<32xbf16>
      %mul3A_775 = arith.mulf %bitcast3A_773, %bitcast3A_774 : vector<32xbf16>
      %add3A_776 = arith.constant 7 : i32
      %add3A_777 = arith.addi %mul3A_115, %add3A_776 : i32
      %add3A_778 = arith.constant 32 : i32
      %add3A_779 = arith.addi %squeeze3A_739, %add3A_778 : i32
      %get3A_780 = arith.index_cast %add3A_777 : i32 to index
      %get3A_781 = arith.index_cast %add3A_779 : i32 to index
      %get3A_782 = tpu.vector_load %arg13[%get3A_780, %get3A_781] {strides = array<i32>} : memref<80x128xi32, #tpu.memory_space<vmem>>, vector<16xi32>,
      %add3A_783 = arith.constant 7 : i32
      %add3A_784 = arith.addi %mul3A_115, %add3A_783 : i32
      %add3A_785 = arith.constant 32 : i32
      %add3A_786 = arith.addi %squeeze3A_741, %add3A_785 : i32
      %get3A_787 = arith.index_cast %add3A_784 : i32 to index
      %get3A_788 = arith.index_cast %add3A_786 : i32 to index
      %get3A_789 = tpu.vector_load %arg14[%get3A_787, %get3A_788] {strides = array<i32>} : memref<80x128xi32, #tpu.memory_space<vmem>>, vector<16xi32>,
      %bitcast3A_790 = vector.bitcast %get3A_782 : vector<16xi32> to vector<32xbf16>
      %bitcast3A_791 = vector.bitcast %get3A_789 : vector<16xi32> to vector<32xbf16>
      %mul3A_792 = arith.mulf %bitcast3A_790, %bitcast3A_791 : vector<32xbf16>
      %add3A_793 = arith.constant 7 : i32
      %add3A_794 = arith.addi %mul3A_115, %add3A_793 : i32
      %add3A_795 = arith.constant 48 : i32
      %add3A_796 = arith.addi %squeeze3A_739, %add3A_795 : i32
      %get3A_797 = arith.index_cast %add3A_794 : i32 to index
      %get3A_798 = arith.index_cast %add3A_796 : i32 to index
      %get3A_799 = tpu.vector_load %arg13[%get3A_797, %get3A_798] {strides = array<i32>} : memref<80x128xi32, #tpu.memory_space<vmem>>, vector<16xi32>,
      %add3A_800 = arith.constant 7 : i32
      %add3A_801 = arith.addi %mul3A_115, %add3A_800 : i32
      %add3A_802 = arith.constant 48 : i32
      %add3A_803 = arith.addi %squeeze3A_741, %add3A_802 : i32
      %get3A_804 = arith.index_cast %add3A_801 : i32 to index
      %get3A_805 = arith.index_cast %add3A_803 : i32 to index
      %get3A_806 = tpu.vector_load %arg14[%get3A_804, %get3A_805] {strides = array<i32>} : memref<80x128xi32, #tpu.memory_space<vmem>>, vector<16xi32>,
      %bitcast3A_807 = vector.bitcast %get3A_799 : vector<16xi32> to vector<32xbf16>
      %bitcast3A_808 = vector.bitcast %get3A_806 : vector<16xi32> to vector<32xbf16>
      %mul3A_809 = arith.mulf %bitcast3A_807, %bitcast3A_808 : vector<32xbf16>
      %add3A_810 = arith.addf %mul3A_758, %mul3A_775 : vector<32xbf16>
      %add3A_811 = arith.addf %mul3A_792, %mul3A_809 : vector<32xbf16>
      %add3A_812 = arith.addf %add3A_810, %add3A_811 : vector<32xbf16>
      %unpack3A_813 = tpu.unpack_subelements %add3A_812, 0 {pack_format = #tpu.pack_format<interleaved>} : vector<32xbf16> -> vector<16xf32>
      %unpack3A_814 = tpu.unpack_subelements %add3A_812, 1 {pack_format = #tpu.pack_format<interleaved>} : vector<32xbf16> -> vector<16xf32>
      %add3A_815 = arith.addf %unpack3A_813, %unpack3A_814 : vector<16xf32>
      %reduce_sum3A_816 = arith.constant true
      %reduce_sum3A_817 = vector.broadcast %reduce_sum3A_816 : i1 to vector<16xi1>
      %reduce_sum3A_818 = tpu.scan <sum>, %add3A_815 masked %reduce_sum3A_817 : vector<16xf32>, vector<16xi1> -> vector<16xf32>
      %reduce_sum3A_819 = vector.extract %reduce_sum3A_818[15] : f32 from vector<16xf32>
      %eq3A_820 = arith.constant 7 : i32
      %eq3A_821 = vector.broadcast %eq3A_820 : i32 to vector<16xi32>
      %eq3A_822 = arith.cmpi eq, %iota3A, %eq3A_821 : vector<16xi32>
      %broadcast_in_dim3A_823 = vector.broadcast %reduce_sum3A_819 : f32 to vector<16xf32>
      %select_n3A_824 = arith.select %eq3A_822, %broadcast_in_dim3A_823, %select_n3A_737 : vector<16xi1>, vector<16xf32>
      %slice3A_825 = vector.extract_strided_slice %mul3A_124 {offsets = [8], sizes = [1], strides = [1]} : vector<16xi32> to vector<1xi32>
      %squeeze3A_826 = vector.extract %slice3A_825[0] : i32 from vector<1xi32>
      %slice3A_827 = vector.extract_strided_slice %mul3A_134 {offsets = [8], sizes = [1], strides = [1]} : vector<16xi32> to vector<1xi32>
      %squeeze3A_828 = vector.extract %slice3A_827[0] : i32 from vector<1xi32>
      %add3A_829 = arith.constant 8 : i32
      %add3A_830 = arith.addi %mul3A_115, %add3A_829 : i32
      %add3A_831 = arith.constant 0 : i32
      %add3A_832 = arith.addi %squeeze3A_826, %add3A_831 : i32
      %get3A_833 = arith.index_cast %add3A_830 : i32 to index
      %get3A_834 = arith.index_cast %add3A_832 : i32 to index
      %get3A_835 = tpu.vector_load %arg13[%get3A_833, %get3A_834] {strides = array<i32>} : memref<80x128xi32, #tpu.memory_space<vmem>>, vector<16xi32>,
      %add3A_836 = arith.constant 8 : i32
      %add3A_837 = arith.addi %mul3A_115, %add3A_836 : i32
      %add3A_838 = arith.constant 0 : i32
      %add3A_839 = arith.addi %squeeze3A_828, %add3A_838 : i32
      %get3A_840 = arith.index_cast %add3A_837 : i32 to index
      %get3A_841 = arith.index_cast %add3A_839 : i32 to index
      %get3A_842 = tpu.vector_load %arg14[%get3A_840, %get3A_841] {strides = array<i32>} : memref<80x128xi32, #tpu.memory_space<vmem>>, vector<16xi32>,
      %bitcast3A_843 = vector.bitcast %get3A_835 : vector<16xi32> to vector<32xbf16>
      %bitcast3A_844 = vector.bitcast %get3A_842 : vector<16xi32> to vector<32xbf16>
      %mul3A_845 = arith.mulf %bitcast3A_843, %bitcast3A_844 : vector<32xbf16>
      %add3A_846 = arith.constant 8 : i32
      %add3A_847 = arith.addi %mul3A_115, %add3A_846 : i32
      %add3A_848 = arith.constant 16 : i32
      %add3A_849 = arith.addi %squeeze3A_826, %add3A_848 : i32
      %get3A_850 = arith.index_cast %add3A_847 : i32 to index
      %get3A_851 = arith.index_cast %add3A_849 : i32 to index
      %get3A_852 = tpu.vector_load %arg13[%get3A_850, %get3A_851] {strides = array<i32>} : memref<80x128xi32, #tpu.memory_space<vmem>>, vector<16xi32>,
      %add3A_853 = arith.constant 8 : i32
      %add3A_854 = arith.addi %mul3A_115, %add3A_853 : i32
      %add3A_855 = arith.constant 16 : i32
      %add3A_856 = arith.addi %squeeze3A_828, %add3A_855 : i32
      %get3A_857 = arith.index_cast %add3A_854 : i32 to index
      %get3A_858 = arith.index_cast %add3A_856 : i32 to index
      %get3A_859 = tpu.vector_load %arg14[%get3A_857, %get3A_858] {strides = array<i32>} : memref<80x128xi32, #tpu.memory_space<vmem>>, vector<16xi32>,
      %bitcast3A_860 = vector.bitcast %get3A_852 : vector<16xi32> to vector<32xbf16>
      %bitcast3A_861 = vector.bitcast %get3A_859 : vector<16xi32> to vector<32xbf16>
      %mul3A_862 = arith.mulf %bitcast3A_860, %bitcast3A_861 : vector<32xbf16>
      %add3A_863 = arith.constant 8 : i32
      %add3A_864 = arith.addi %mul3A_115, %add3A_863 : i32
      %add3A_865 = arith.constant 32 : i32
      %add3A_866 = arith.addi %squeeze3A_826, %add3A_865 : i32
      %get3A_867 = arith.index_cast %add3A_864 : i32 to index
      %get3A_868 = arith.index_cast %add3A_866 : i32 to index
      %get3A_869 = tpu.vector_load %arg13[%get3A_867, %get3A_868] {strides = array<i32>} : memref<80x128xi32, #tpu.memory_space<vmem>>, vector<16xi32>,
      %add3A_870 = arith.constant 8 : i32
      %add3A_871 = arith.addi %mul3A_115, %add3A_870 : i32
      %add3A_872 = arith.constant 32 : i32
      %add3A_873 = arith.addi %squeeze3A_828, %add3A_872 : i32
      %get3A_874 = arith.index_cast %add3A_871 : i32 to index
      %get3A_875 = arith.index_cast %add3A_873 : i32 to index
      %get3A_876 = tpu.vector_load %arg14[%get3A_874, %get3A_875] {strides = array<i32>} : memref<80x128xi32, #tpu.memory_space<vmem>>, vector<16xi32>,
      %bitcast3A_877 = vector.bitcast %get3A_869 : vector<16xi32> to vector<32xbf16>
      %bitcast3A_878 = vector.bitcast %get3A_876 : vector<16xi32> to vector<32xbf16>
      %mul3A_879 = arith.mulf %bitcast3A_877, %bitcast3A_878 : vector<32xbf16>
      %add3A_880 = arith.constant 8 : i32
      %add3A_881 = arith.addi %mul3A_115, %add3A_880 : i32
      %add3A_882 = arith.constant 48 : i32
      %add3A_883 = arith.addi %squeeze3A_826, %add3A_882 : i32
      %get3A_884 = arith.index_cast %add3A_881 : i32 to index
      %get3A_885 = arith.index_cast %add3A_883 : i32 to index
      %get3A_886 = tpu.vector_load %arg13[%get3A_884, %get3A_885] {strides = array<i32>} : memref<80x128xi32, #tpu.memory_space<vmem>>, vector<16xi32>,
      %add3A_887 = arith.constant 8 : i32
      %add3A_888 = arith.addi %mul3A_115, %add3A_887 : i32
      %add3A_889 = arith.constant 48 : i32
      %add3A_890 = arith.addi %squeeze3A_828, %add3A_889 : i32
      %get3A_891 = arith.index_cast %add3A_888 : i32 to index
      %get3A_892 = arith.index_cast %add3A_890 : i32 to index
      %get3A_893 = tpu.vector_load %arg14[%get3A_891, %get3A_892] {strides = array<i32>} : memref<80x128xi32, #tpu.memory_space<vmem>>, vector<16xi32>,
      %bitcast3A_894 = vector.bitcast %get3A_886 : vector<16xi32> to vector<32xbf16>
      %bitcast3A_895 = vector.bitcast %get3A_893 : vector<16xi32> to vector<32xbf16>
      %mul3A_896 = arith.mulf %bitcast3A_894, %bitcast3A_895 : vector<32xbf16>
      %add3A_897 = arith.addf %mul3A_845, %mul3A_862 : vector<32xbf16>
      %add3A_898 = arith.addf %mul3A_879, %mul3A_896 : vector<32xbf16>
      %add3A_899 = arith.addf %add3A_897, %add3A_898 : vector<32xbf16>
      %unpack3A_900 = tpu.unpack_subelements %add3A_899, 0 {pack_format = #tpu.pack_format<interleaved>} : vector<32xbf16> -> vector<16xf32>
      %unpack3A_901 = tpu.unpack_subelements %add3A_899, 1 {pack_format = #tpu.pack_format<interleaved>} : vector<32xbf16> -> vector<16xf32>
      %add3A_902 = arith.addf %unpack3A_900, %unpack3A_901 : vector<16xf32>
      %reduce_sum3A_903 = arith.constant true
      %reduce_sum3A_904 = vector.broadcast %reduce_sum3A_903 : i1 to vector<16xi1>
      %reduce_sum3A_905 = tpu.scan <sum>, %add3A_902 masked %reduce_sum3A_904 : vector<16xf32>, vector<16xi1> -> vector<16xf32>
      %reduce_sum3A_906 = vector.extract %reduce_sum3A_905[15] : f32 from vector<16xf32>
      %eq3A_907 = arith.constant 8 : i32
      %eq3A_908 = vector.broadcast %eq3A_907 : i32 to vector<16xi32>
      %eq3A_909 = arith.cmpi eq, %iota3A, %eq3A_908 : vector<16xi32>
      %broadcast_in_dim3A_910 = vector.broadcast %reduce_sum3A_906 : f32 to vector<16xf32>
      %select_n3A_911 = arith.select %eq3A_909, %broadcast_in_dim3A_910, %select_n3A_824 : vector<16xi1>, vector<16xf32>
      %slice3A_912 = vector.extract_strided_slice %mul3A_124 {offsets = [9], sizes = [1], strides = [1]} : vector<16xi32> to vector<1xi32>
      %squeeze3A_913 = vector.extract %slice3A_912[0] : i32 from vector<1xi32>
      %slice3A_914 = vector.extract_strided_slice %mul3A_134 {offsets = [9], sizes = [1], strides = [1]} : vector<16xi32> to vector<1xi32>
      %squeeze3A_915 = vector.extract %slice3A_914[0] : i32 from vector<1xi32>
      %add3A_916 = arith.constant 9 : i32
      %add3A_917 = arith.addi %mul3A_115, %add3A_916 : i32
      %add3A_918 = arith.constant 0 : i32
      %add3A_919 = arith.addi %squeeze3A_913, %add3A_918 : i32
      %get3A_920 = arith.index_cast %add3A_917 : i32 to index
      %get3A_921 = arith.index_cast %add3A_919 : i32 to index
      %get3A_922 = tpu.vector_load %arg13[%get3A_920, %get3A_921] {strides = array<i32>} : memref<80x128xi32, #tpu.memory_space<vmem>>, vector<16xi32>,
      %add3A_923 = arith.constant 9 : i32
      %add3A_924 = arith.addi %mul3A_115, %add3A_923 : i32
      %add3A_925 = arith.constant 0 : i32
      %add3A_926 = arith.addi %squeeze3A_915, %add3A_925 : i32
      %get3A_927 = arith.index_cast %add3A_924 : i32 to index
      %get3A_928 = arith.index_cast %add3A_926 : i32 to index
      %get3A_929 = tpu.vector_load %arg14[%get3A_927, %get3A_928] {strides = array<i32>} : memref<80x128xi32, #tpu.memory_space<vmem>>, vector<16xi32>,
      %bitcast3A_930 = vector.bitcast %get3A_922 : vector<16xi32> to vector<32xbf16>
      %bitcast3A_931 = vector.bitcast %get3A_929 : vector<16xi32> to vector<32xbf16>
      %mul3A_932 = arith.mulf %bitcast3A_930, %bitcast3A_931 : vector<32xbf16>
      %add3A_933 = arith.constant 9 : i32
      %add3A_934 = arith.addi %mul3A_115, %add3A_933 : i32
      %add3A_935 = arith.constant 16 : i32
      %add3A_936 = arith.addi %squeeze3A_913, %add3A_935 : i32
      %get3A_937 = arith.index_cast %add3A_934 : i32 to index
      %get3A_938 = arith.index_cast %add3A_936 : i32 to index
      %get3A_939 = tpu.vector_load %arg13[%get3A_937, %get3A_938] {strides = array<i32>} : memref<80x128xi32, #tpu.memory_space<vmem>>, vector<16xi32>,
      %add3A_940 = arith.constant 9 : i32
      %add3A_941 = arith.addi %mul3A_115, %add3A_940 : i32
      %add3A_942 = arith.constant 16 : i32
      %add3A_943 = arith.addi %squeeze3A_915, %add3A_942 : i32
      %get3A_944 = arith.index_cast %add3A_941 : i32 to index
      %get3A_945 = arith.index_cast %add3A_943 : i32 to index
      %get3A_946 = tpu.vector_load %arg14[%get3A_944, %get3A_945] {strides = array<i32>} : memref<80x128xi32, #tpu.memory_space<vmem>>, vector<16xi32>,
      %bitcast3A_947 = vector.bitcast %get3A_939 : vector<16xi32> to vector<32xbf16>
      %bitcast3A_948 = vector.bitcast %get3A_946 : vector<16xi32> to vector<32xbf16>
      %mul3A_949 = arith.mulf %bitcast3A_947, %bitcast3A_948 : vector<32xbf16>
      %add3A_950 = arith.constant 9 : i32
      %add3A_951 = arith.addi %mul3A_115, %add3A_950 : i32
      %add3A_952 = arith.constant 32 : i32
      %add3A_953 = arith.addi %squeeze3A_913, %add3A_952 : i32
      %get3A_954 = arith.index_cast %add3A_951 : i32 to index
      %get3A_955 = arith.index_cast %add3A_953 : i32 to index
      %get3A_956 = tpu.vector_load %arg13[%get3A_954, %get3A_955] {strides = array<i32>} : memref<80x128xi32, #tpu.memory_space<vmem>>, vector<16xi32>,
      %add3A_957 = arith.constant 9 : i32
      %add3A_958 = arith.addi %mul3A_115, %add3A_957 : i32
      %add3A_959 = arith.constant 32 : i32
      %add3A_960 = arith.addi %squeeze3A_915, %add3A_959 : i32
      %get3A_961 = arith.index_cast %add3A_958 : i32 to index
      %get3A_962 = arith.index_cast %add3A_960 : i32 to index
      %get3A_963 = tpu.vector_load %arg14[%get3A_961, %get3A_962] {strides = array<i32>} : memref<80x128xi32, #tpu.memory_space<vmem>>, vector<16xi32>,
      %bitcast3A_964 = vector.bitcast %get3A_956 : vector<16xi32> to vector<32xbf16>
      %bitcast3A_965 = vector.bitcast %get3A_963 : vector<16xi32> to vector<32xbf16>
      %mul3A_966 = arith.mulf %bitcast3A_964, %bitcast3A_965 : vector<32xbf16>
      %add3A_967 = arith.constant 9 : i32
      %add3A_968 = arith.addi %mul3A_115, %add3A_967 : i32
      %add3A_969 = arith.constant 48 : i32
      %add3A_970 = arith.addi %squeeze3A_913, %add3A_969 : i32
      %get3A_971 = arith.index_cast %add3A_968 : i32 to index
      %get3A_972 = arith.index_cast %add3A_970 : i32 to index
      %get3A_973 = tpu.vector_load %arg13[%get3A_971, %get3A_972] {strides = array<i32>} : memref<80x128xi32, #tpu.memory_space<vmem>>, vector<16xi32>,
      %add3A_974 = arith.constant 9 : i32
      %add3A_975 = arith.addi %mul3A_115, %add3A_974 : i32
      %add3A_976 = arith.constant 48 : i32
      %add3A_977 = arith.addi %squeeze3A_915, %add3A_976 : i32
      %get3A_978 = arith.index_cast %add3A_975 : i32 to index
      %get3A_979 = arith.index_cast %add3A_977 : i32 to index
      %get3A_980 = tpu.vector_load %arg14[%get3A_978, %get3A_979] {strides = array<i32>} : memref<80x128xi32, #tpu.memory_space<vmem>>, vector<16xi32>,
      %bitcast3A_981 = vector.bitcast %get3A_973 : vector<16xi32> to vector<32xbf16>
      %bitcast3A_982 = vector.bitcast %get3A_980 : vector<16xi32> to vector<32xbf16>
      %mul3A_983 = arith.mulf %bitcast3A_981, %bitcast3A_982 : vector<32xbf16>
      %add3A_984 = arith.addf %mul3A_932, %mul3A_949 : vector<32xbf16>
      %add3A_985 = arith.addf %mul3A_966, %mul3A_983 : vector<32xbf16>
      %add3A_986 = arith.addf %add3A_984, %add3A_985 : vector<32xbf16>
      %unpack3A_987 = tpu.unpack_subelements %add3A_986, 0 {pack_format = #tpu.pack_format<interleaved>} : vector<32xbf16> -> vector<16xf32>
      %unpack3A_988 = tpu.unpack_subelements %add3A_986, 1 {pack_format = #tpu.pack_format<interleaved>} : vector<32xbf16> -> vector<16xf32>
      %add3A_989 = arith.addf %unpack3A_987, %unpack3A_988 : vector<16xf32>
      %reduce_sum3A_990 = arith.constant true
      %reduce_sum3A_991 = vector.broadcast %reduce_sum3A_990 : i1 to vector<16xi1>
      %reduce_sum3A_992 = tpu.scan <sum>, %add3A_989 masked %reduce_sum3A_991 : vector<16xf32>, vector<16xi1> -> vector<16xf32>
      %reduce_sum3A_993 = vector.extract %reduce_sum3A_992[15] : f32 from vector<16xf32>
      %eq3A_994 = arith.constant 9 : i32
      %eq3A_995 = vector.broadcast %eq3A_994 : i32 to vector<16xi32>
      %eq3A_996 = arith.cmpi eq, %iota3A, %eq3A_995 : vector<16xi32>
      %broadcast_in_dim3A_997 = vector.broadcast %reduce_sum3A_993 : f32 to vector<16xf32>
      %select_n3A_998 = arith.select %eq3A_996, %broadcast_in_dim3A_997, %select_n3A_911 : vector<16xi1>, vector<16xf32>
      %slice3A_999 = vector.extract_strided_slice %mul3A_124 {offsets = [10], sizes = [1], strides = [1]} : vector<16xi32> to vector<1xi32>
      %squeeze3A_1000 = vector.extract %slice3A_999[0] : i32 from vector<1xi32>
      %slice3A_1001 = vector.extract_strided_slice %mul3A_134 {offsets = [10], sizes = [1], strides = [1]} : vector<16xi32> to vector<1xi32>
      %squeeze3A_1002 = vector.extract %slice3A_1001[0] : i32 from vector<1xi32>
      %add3A_1003 = arith.constant 10 : i32
      %add3A_1004 = arith.addi %mul3A_115, %add3A_1003 : i32
      %add3A_1005 = arith.constant 0 : i32
      %add3A_1006 = arith.addi %squeeze3A_1000, %add3A_1005 : i32
      %get3A_1007 = arith.index_cast %add3A_1004 : i32 to index
      %get3A_1008 = arith.index_cast %add3A_1006 : i32 to index
      %get3A_1009 = tpu.vector_load %arg13[%get3A_1007, %get3A_1008] {strides = array<i32>} : memref<80x128xi32, #tpu.memory_space<vmem>>, vector<16xi32>,
      %add3A_1010 = arith.constant 10 : i32
      %add3A_1011 = arith.addi %mul3A_115, %add3A_1010 : i32
      %add3A_1012 = arith.constant 0 : i32
      %add3A_1013 = arith.addi %squeeze3A_1002, %add3A_1012 : i32
      %get3A_1014 = arith.index_cast %add3A_1011 : i32 to index
      %get3A_1015 = arith.index_cast %add3A_1013 : i32 to index
      %get3A_1016 = tpu.vector_load %arg14[%get3A_1014, %get3A_1015] {strides = array<i32>} : memref<80x128xi32, #tpu.memory_space<vmem>>, vector<16xi32>,
      %bitcast3A_1017 = vector.bitcast %get3A_1009 : vector<16xi32> to vector<32xbf16>
      %bitcast3A_1018 = vector.bitcast %get3A_1016 : vector<16xi32> to vector<32xbf16>
      %mul3A_1019 = arith.mulf %bitcast3A_1017, %bitcast3A_1018 : vector<32xbf16>
      %add3A_1020 = arith.constant 10 : i32
      %add3A_1021 = arith.addi %mul3A_115, %add3A_1020 : i32
      %add3A_1022 = arith.constant 16 : i32
      %add3A_1023 = arith.addi %squeeze3A_1000, %add3A_1022 : i32
      %get3A_1024 = arith.index_cast %add3A_1021 : i32 to index
      %get3A_1025 = arith.index_cast %add3A_1023 : i32 to index
      %get3A_1026 = tpu.vector_load %arg13[%get3A_1024, %get3A_1025] {strides = array<i32>} : memref<80x128xi32, #tpu.memory_space<vmem>>, vector<16xi32>,
      %add3A_1027 = arith.constant 10 : i32
      %add3A_1028 = arith.addi %mul3A_115, %add3A_1027 : i32
      %add3A_1029 = arith.constant 16 : i32
      %add3A_1030 = arith.addi %squeeze3A_1002, %add3A_1029 : i32
      %get3A_1031 = arith.index_cast %add3A_1028 : i32 to index
      %get3A_1032 = arith.index_cast %add3A_1030 : i32 to index
      %get3A_1033 = tpu.vector_load %arg14[%get3A_1031, %get3A_1032] {strides = array<i32>} : memref<80x128xi32, #tpu.memory_space<vmem>>, vector<16xi32>,
      %bitcast3A_1034 = vector.bitcast %get3A_1026 : vector<16xi32> to vector<32xbf16>
      %bitcast3A_1035 = vector.bitcast %get3A_1033 : vector<16xi32> to vector<32xbf16>
      %mul3A_1036 = arith.mulf %bitcast3A_1034, %bitcast3A_1035 : vector<32xbf16>
      %add3A_1037 = arith.constant 10 : i32
      %add3A_1038 = arith.addi %mul3A_115, %add3A_1037 : i32
      %add3A_1039 = arith.constant 32 : i32
      %add3A_1040 = arith.addi %squeeze3A_1000, %add3A_1039 : i32
      %get3A_1041 = arith.index_cast %add3A_1038 : i32 to index
      %get3A_1042 = arith.index_cast %add3A_1040 : i32 to index
      %get3A_1043 = tpu.vector_load %arg13[%get3A_1041, %get3A_1042] {strides = array<i32>} : memref<80x128xi32, #tpu.memory_space<vmem>>, vector<16xi32>,
      %add3A_1044 = arith.constant 10 : i32
      %add3A_1045 = arith.addi %mul3A_115, %add3A_1044 : i32
      %add3A_1046 = arith.constant 32 : i32
      %add3A_1047 = arith.addi %squeeze3A_1002, %add3A_1046 : i32
      %get3A_1048 = arith.index_cast %add3A_1045 : i32 to index
      %get3A_1049 = arith.index_cast %add3A_1047 : i32 to index
      %get3A_1050 = tpu.vector_load %arg14[%get3A_1048, %get3A_1049] {strides = array<i32>} : memref<80x128xi32, #tpu.memory_space<vmem>>, vector<16xi32>,
      %bitcast3A_1051 = vector.bitcast %get3A_1043 : vector<16xi32> to vector<32xbf16>
      %bitcast3A_1052 = vector.bitcast %get3A_1050 : vector<16xi32> to vector<32xbf16>
      %mul3A_1053 = arith.mulf %bitcast3A_1051, %bitcast3A_1052 : vector<32xbf16>
      %add3A_1054 = arith.constant 10 : i32
      %add3A_1055 = arith.addi %mul3A_115, %add3A_1054 : i32
      %add3A_1056 = arith.constant 48 : i32
      %add3A_1057 = arith.addi %squeeze3A_1000, %add3A_1056 : i32
      %get3A_1058 = arith.index_cast %add3A_1055 : i32 to index
      %get3A_1059 = arith.index_cast %add3A_1057 : i32 to index
      %get3A_1060 = tpu.vector_load %arg13[%get3A_1058, %get3A_1059] {strides = array<i32>} : memref<80x128xi32, #tpu.memory_space<vmem>>, vector<16xi32>,
      %add3A_1061 = arith.constant 10 : i32
      %add3A_1062 = arith.addi %mul3A_115, %add3A_1061 : i32
      %add3A_1063 = arith.constant 48 : i32
      %add3A_1064 = arith.addi %squeeze3A_1002, %add3A_1063 : i32
      %get3A_1065 = arith.index_cast %add3A_1062 : i32 to index
      %get3A_1066 = arith.index_cast %add3A_1064 : i32 to index
      %get3A_1067 = tpu.vector_load %arg14[%get3A_1065, %get3A_1066] {strides = array<i32>} : memref<80x128xi32, #tpu.memory_space<vmem>>, vector<16xi32>,
      %bitcast3A_1068 = vector.bitcast %get3A_1060 : vector<16xi32> to vector<32xbf16>
      %bitcast3A_1069 = vector.bitcast %get3A_1067 : vector<16xi32> to vector<32xbf16>
      %mul3A_1070 = arith.mulf %bitcast3A_1068, %bitcast3A_1069 : vector<32xbf16>
      %add3A_1071 = arith.addf %mul3A_1019, %mul3A_1036 : vector<32xbf16>
      %add3A_1072 = arith.addf %mul3A_1053, %mul3A_1070 : vector<32xbf16>
      %add3A_1073 = arith.addf %add3A_1071, %add3A_1072 : vector<32xbf16>
      %unpack3A_1074 = tpu.unpack_subelements %add3A_1073, 0 {pack_format = #tpu.pack_format<interleaved>} : vector<32xbf16> -> vector<16xf32>
      %unpack3A_1075 = tpu.unpack_subelements %add3A_1073, 1 {pack_format = #tpu.pack_format<interleaved>} : vector<32xbf16> -> vector<16xf32>
      %add3A_1076 = arith.addf %unpack3A_1074, %unpack3A_1075 : vector<16xf32>
      %reduce_sum3A_1077 = arith.constant true
      %reduce_sum3A_1078 = vector.broadcast %reduce_sum3A_1077 : i1 to vector<16xi1>
      %reduce_sum3A_1079 = tpu.scan <sum>, %add3A_1076 masked %reduce_sum3A_1078 : vector<16xf32>, vector<16xi1> -> vector<16xf32>
      %reduce_sum3A_1080 = vector.extract %reduce_sum3A_1079[15] : f32 from vector<16xf32>
      %eq3A_1081 = arith.constant 10 : i32
      %eq3A_1082 = vector.broadcast %eq3A_1081 : i32 to vector<16xi32>
      %eq3A_1083 = arith.cmpi eq, %iota3A, %eq3A_1082 : vector<16xi32>
      %broadcast_in_dim3A_1084 = vector.broadcast %reduce_sum3A_1080 : f32 to vector<16xf32>
      %select_n3A_1085 = arith.select %eq3A_1083, %broadcast_in_dim3A_1084, %select_n3A_998 : vector<16xi1>, vector<16xf32>
      %slice3A_1086 = vector.extract_strided_slice %mul3A_124 {offsets = [11], sizes = [1], strides = [1]} : vector<16xi32> to vector<1xi32>
      %squeeze3A_1087 = vector.extract %slice3A_1086[0] : i32 from vector<1xi32>
      %slice3A_1088 = vector.extract_strided_slice %mul3A_134 {offsets = [11], sizes = [1], strides = [1]} : vector<16xi32> to vector<1xi32>
      %squeeze3A_1089 = vector.extract %slice3A_1088[0] : i32 from vector<1xi32>
      %add3A_1090 = arith.constant 11 : i32
      %add3A_1091 = arith.addi %mul3A_115, %add3A_1090 : i32
      %add3A_1092 = arith.constant 0 : i32
      %add3A_1093 = arith.addi %squeeze3A_1087, %add3A_1092 : i32
      %get3A_1094 = arith.index_cast %add3A_1091 : i32 to index
      %get3A_1095 = arith.index_cast %add3A_1093 : i32 to index
      %get3A_1096 = tpu.vector_load %arg13[%get3A_1094, %get3A_1095] {strides = array<i32>} : memref<80x128xi32, #tpu.memory_space<vmem>>, vector<16xi32>,
      %add3A_1097 = arith.constant 11 : i32
      %add3A_1098 = arith.addi %mul3A_115, %add3A_1097 : i32
      %add3A_1099 = arith.constant 0 : i32
      %add3A_1100 = arith.addi %squeeze3A_1089, %add3A_1099 : i32
      %get3A_1101 = arith.index_cast %add3A_1098 : i32 to index
      %get3A_1102 = arith.index_cast %add3A_1100 : i32 to index
      %get3A_1103 = tpu.vector_load %arg14[%get3A_1101, %get3A_1102] {strides = array<i32>} : memref<80x128xi32, #tpu.memory_space<vmem>>, vector<16xi32>,
      %bitcast3A_1104 = vector.bitcast %get3A_1096 : vector<16xi32> to vector<32xbf16>
      %bitcast3A_1105 = vector.bitcast %get3A_1103 : vector<16xi32> to vector<32xbf16>
      %mul3A_1106 = arith.mulf %bitcast3A_1104, %bitcast3A_1105 : vector<32xbf16>
      %add3A_1107 = arith.constant 11 : i32
      %add3A_1108 = arith.addi %mul3A_115, %add3A_1107 : i32
      %add3A_1109 = arith.constant 16 : i32
      %add3A_1110 = arith.addi %squeeze3A_1087, %add3A_1109 : i32
      %get3A_1111 = arith.index_cast %add3A_1108 : i32 to index
      %get3A_1112 = arith.index_cast %add3A_1110 : i32 to index
      %get3A_1113 = tpu.vector_load %arg13[%get3A_1111, %get3A_1112] {strides = array<i32>} : memref<80x128xi32, #tpu.memory_space<vmem>>, vector<16xi32>,
      %add3A_1114 = arith.constant 11 : i32
      %add3A_1115 = arith.addi %mul3A_115, %add3A_1114 : i32
      %add3A_1116 = arith.constant 16 : i32
      %add3A_1117 = arith.addi %squeeze3A_1089, %add3A_1116 : i32
      %get3A_1118 = arith.index_cast %add3A_1115 : i32 to index
      %get3A_1119 = arith.index_cast %add3A_1117 : i32 to index
      %get3A_1120 = tpu.vector_load %arg14[%get3A_1118, %get3A_1119] {strides = array<i32>} : memref<80x128xi32, #tpu.memory_space<vmem>>, vector<16xi32>,
      %bitcast3A_1121 = vector.bitcast %get3A_1113 : vector<16xi32> to vector<32xbf16>
      %bitcast3A_1122 = vector.bitcast %get3A_1120 : vector<16xi32> to vector<32xbf16>
      %mul3A_1123 = arith.mulf %bitcast3A_1121, %bitcast3A_1122 : vector<32xbf16>
      %add3A_1124 = arith.constant 11 : i32
      %add3A_1125 = arith.addi %mul3A_115, %add3A_1124 : i32
      %add3A_1126 = arith.constant 32 : i32
      %add3A_1127 = arith.addi %squeeze3A_1087, %add3A_1126 : i32
      %get3A_1128 = arith.index_cast %add3A_1125 : i32 to index
      %get3A_1129 = arith.index_cast %add3A_1127 : i32 to index
      %get3A_1130 = tpu.vector_load %arg13[%get3A_1128, %get3A_1129] {strides = array<i32>} : memref<80x128xi32, #tpu.memory_space<vmem>>, vector<16xi32>,
      %add3A_1131 = arith.constant 11 : i32
      %add3A_1132 = arith.addi %mul3A_115, %add3A_1131 : i32
      %add3A_1133 = arith.constant 32 : i32
      %add3A_1134 = arith.addi %squeeze3A_1089, %add3A_1133 : i32
      %get3A_1135 = arith.index_cast %add3A_1132 : i32 to index
      %get3A_1136 = arith.index_cast %add3A_1134 : i32 to index
      %get3A_1137 = tpu.vector_load %arg14[%get3A_1135, %get3A_1136] {strides = array<i32>} : memref<80x128xi32, #tpu.memory_space<vmem>>, vector<16xi32>,
      %bitcast3A_1138 = vector.bitcast %get3A_1130 : vector<16xi32> to vector<32xbf16>
      %bitcast3A_1139 = vector.bitcast %get3A_1137 : vector<16xi32> to vector<32xbf16>
      %mul3A_1140 = arith.mulf %bitcast3A_1138, %bitcast3A_1139 : vector<32xbf16>
      %add3A_1141 = arith.constant 11 : i32
      %add3A_1142 = arith.addi %mul3A_115, %add3A_1141 : i32
      %add3A_1143 = arith.constant 48 : i32
      %add3A_1144 = arith.addi %squeeze3A_1087, %add3A_1143 : i32
      %get3A_1145 = arith.index_cast %add3A_1142 : i32 to index
      %get3A_1146 = arith.index_cast %add3A_1144 : i32 to index
      %get3A_1147 = tpu.vector_load %arg13[%get3A_1145, %get3A_1146] {strides = array<i32>} : memref<80x128xi32, #tpu.memory_space<vmem>>, vector<16xi32>,
      %add3A_1148 = arith.constant 11 : i32
      %add3A_1149 = arith.addi %mul3A_115, %add3A_1148 : i32
      %add3A_1150 = arith.constant 48 : i32
      %add3A_1151 = arith.addi %squeeze3A_1089, %add3A_1150 : i32
      %get3A_1152 = arith.index_cast %add3A_1149 : i32 to index
      %get3A_1153 = arith.index_cast %add3A_1151 : i32 to index
      %get3A_1154 = tpu.vector_load %arg14[%get3A_1152, %get3A_1153] {strides = array<i32>} : memref<80x128xi32, #tpu.memory_space<vmem>>, vector<16xi32>,
      %bitcast3A_1155 = vector.bitcast %get3A_1147 : vector<16xi32> to vector<32xbf16>
      %bitcast3A_1156 = vector.bitcast %get3A_1154 : vector<16xi32> to vector<32xbf16>
      %mul3A_1157 = arith.mulf %bitcast3A_1155, %bitcast3A_1156 : vector<32xbf16>
      %add3A_1158 = arith.addf %mul3A_1106, %mul3A_1123 : vector<32xbf16>
      %add3A_1159 = arith.addf %mul3A_1140, %mul3A_1157 : vector<32xbf16>
      %add3A_1160 = arith.addf %add3A_1158, %add3A_1159 : vector<32xbf16>
      %unpack3A_1161 = tpu.unpack_subelements %add3A_1160, 0 {pack_format = #tpu.pack_format<interleaved>} : vector<32xbf16> -> vector<16xf32>
      %unpack3A_1162 = tpu.unpack_subelements %add3A_1160, 1 {pack_format = #tpu.pack_format<interleaved>} : vector<32xbf16> -> vector<16xf32>
      %add3A_1163 = arith.addf %unpack3A_1161, %unpack3A_1162 : vector<16xf32>
      %reduce_sum3A_1164 = arith.constant true
      %reduce_sum3A_1165 = vector.broadcast %reduce_sum3A_1164 : i1 to vector<16xi1>
      %reduce_sum3A_1166 = tpu.scan <sum>, %add3A_1163 masked %reduce_sum3A_1165 : vector<16xf32>, vector<16xi1> -> vector<16xf32>
      %reduce_sum3A_1167 = vector.extract %reduce_sum3A_1166[15] : f32 from vector<16xf32>
      %eq3A_1168 = arith.constant 11 : i32
      %eq3A_1169 = vector.broadcast %eq3A_1168 : i32 to vector<16xi32>
      %eq3A_1170 = arith.cmpi eq, %iota3A, %eq3A_1169 : vector<16xi32>
      %broadcast_in_dim3A_1171 = vector.broadcast %reduce_sum3A_1167 : f32 to vector<16xf32>
      %select_n3A_1172 = arith.select %eq3A_1170, %broadcast_in_dim3A_1171, %select_n3A_1085 : vector<16xi1>, vector<16xf32>
      %slice3A_1173 = vector.extract_strided_slice %mul3A_124 {offsets = [12], sizes = [1], strides = [1]} : vector<16xi32> to vector<1xi32>
      %squeeze3A_1174 = vector.extract %slice3A_1173[0] : i32 from vector<1xi32>
      %slice3A_1175 = vector.extract_strided_slice %mul3A_134 {offsets = [12], sizes = [1], strides = [1]} : vector<16xi32> to vector<1xi32>
      %squeeze3A_1176 = vector.extract %slice3A_1175[0] : i32 from vector<1xi32>
      %add3A_1177 = arith.constant 12 : i32
      %add3A_1178 = arith.addi %mul3A_115, %add3A_1177 : i32
      %add3A_1179 = arith.constant 0 : i32
      %add3A_1180 = arith.addi %squeeze3A_1174, %add3A_1179 : i32
      %get3A_1181 = arith.index_cast %add3A_1178 : i32 to index
      %get3A_1182 = arith.index_cast %add3A_1180 : i32 to index
      %get3A_1183 = tpu.vector_load %arg13[%get3A_1181, %get3A_1182] {strides = array<i32>} : memref<80x128xi32, #tpu.memory_space<vmem>>, vector<16xi32>,
      %add3A_1184 = arith.constant 12 : i32
      %add3A_1185 = arith.addi %mul3A_115, %add3A_1184 : i32
      %add3A_1186 = arith.constant 0 : i32
      %add3A_1187 = arith.addi %squeeze3A_1176, %add3A_1186 : i32
      %get3A_1188 = arith.index_cast %add3A_1185 : i32 to index
      %get3A_1189 = arith.index_cast %add3A_1187 : i32 to index
      %get3A_1190 = tpu.vector_load %arg14[%get3A_1188, %get3A_1189] {strides = array<i32>} : memref<80x128xi32, #tpu.memory_space<vmem>>, vector<16xi32>,
      %bitcast3A_1191 = vector.bitcast %get3A_1183 : vector<16xi32> to vector<32xbf16>
      %bitcast3A_1192 = vector.bitcast %get3A_1190 : vector<16xi32> to vector<32xbf16>
      %mul3A_1193 = arith.mulf %bitcast3A_1191, %bitcast3A_1192 : vector<32xbf16>
      %add3A_1194 = arith.constant 12 : i32
      %add3A_1195 = arith.addi %mul3A_115, %add3A_1194 : i32
      %add3A_1196 = arith.constant 16 : i32
      %add3A_1197 = arith.addi %squeeze3A_1174, %add3A_1196 : i32
      %get3A_1198 = arith.index_cast %add3A_1195 : i32 to index
      %get3A_1199 = arith.index_cast %add3A_1197 : i32 to index
      %get3A_1200 = tpu.vector_load %arg13[%get3A_1198, %get3A_1199] {strides = array<i32>} : memref<80x128xi32, #tpu.memory_space<vmem>>, vector<16xi32>,
      %add3A_1201 = arith.constant 12 : i32
      %add3A_1202 = arith.addi %mul3A_115, %add3A_1201 : i32
      %add3A_1203 = arith.constant 16 : i32
      %add3A_1204 = arith.addi %squeeze3A_1176, %add3A_1203 : i32
      %get3A_1205 = arith.index_cast %add3A_1202 : i32 to index
      %get3A_1206 = arith.index_cast %add3A_1204 : i32 to index
      %get3A_1207 = tpu.vector_load %arg14[%get3A_1205, %get3A_1206] {strides = array<i32>} : memref<80x128xi32, #tpu.memory_space<vmem>>, vector<16xi32>,
      %bitcast3A_1208 = vector.bitcast %get3A_1200 : vector<16xi32> to vector<32xbf16>
      %bitcast3A_1209 = vector.bitcast %get3A_1207 : vector<16xi32> to vector<32xbf16>
      %mul3A_1210 = arith.mulf %bitcast3A_1208, %bitcast3A_1209 : vector<32xbf16>
      %add3A_1211 = arith.constant 12 : i32
      %add3A_1212 = arith.addi %mul3A_115, %add3A_1211 : i32
      %add3A_1213 = arith.constant 32 : i32
      %add3A_1214 = arith.addi %squeeze3A_1174, %add3A_1213 : i32
      %get3A_1215 = arith.index_cast %add3A_1212 : i32 to index
      %get3A_1216 = arith.index_cast %add3A_1214 : i32 to index
      %get3A_1217 = tpu.vector_load %arg13[%get3A_1215, %get3A_1216] {strides = array<i32>} : memref<80x128xi32, #tpu.memory_space<vmem>>, vector<16xi32>,
      %add3A_1218 = arith.constant 12 : i32
      %add3A_1219 = arith.addi %mul3A_115, %add3A_1218 : i32
      %add3A_1220 = arith.constant 32 : i32
      %add3A_1221 = arith.addi %squeeze3A_1176, %add3A_1220 : i32
      %get3A_1222 = arith.index_cast %add3A_1219 : i32 to index
      %get3A_1223 = arith.index_cast %add3A_1221 : i32 to index
      %get3A_1224 = tpu.vector_load %arg14[%get3A_1222, %get3A_1223] {strides = array<i32>} : memref<80x128xi32, #tpu.memory_space<vmem>>, vector<16xi32>,
      %bitcast3A_1225 = vector.bitcast %get3A_1217 : vector<16xi32> to vector<32xbf16>
      %bitcast3A_1226 = vector.bitcast %get3A_1224 : vector<16xi32> to vector<32xbf16>
      %mul3A_1227 = arith.mulf %bitcast3A_1225, %bitcast3A_1226 : vector<32xbf16>
      %add3A_1228 = arith.constant 12 : i32
      %add3A_1229 = arith.addi %mul3A_115, %add3A_1228 : i32
      %add3A_1230 = arith.constant 48 : i32
      %add3A_1231 = arith.addi %squeeze3A_1174, %add3A_1230 : i32
      %get3A_1232 = arith.index_cast %add3A_1229 : i32 to index
      %get3A_1233 = arith.index_cast %add3A_1231 : i32 to index
      %get3A_1234 = tpu.vector_load %arg13[%get3A_1232, %get3A_1233] {strides = array<i32>} : memref<80x128xi32, #tpu.memory_space<vmem>>, vector<16xi32>,
      %add3A_1235 = arith.constant 12 : i32
      %add3A_1236 = arith.addi %mul3A_115, %add3A_1235 : i32
      %add3A_1237 = arith.constant 48 : i32
      %add3A_1238 = arith.addi %squeeze3A_1176, %add3A_1237 : i32
      %get3A_1239 = arith.index_cast %add3A_1236 : i32 to index
      %get3A_1240 = arith.index_cast %add3A_1238 : i32 to index
      %get3A_1241 = tpu.vector_load %arg14[%get3A_1239, %get3A_1240] {strides = array<i32>} : memref<80x128xi32, #tpu.memory_space<vmem>>, vector<16xi32>,
      %bitcast3A_1242 = vector.bitcast %get3A_1234 : vector<16xi32> to vector<32xbf16>
      %bitcast3A_1243 = vector.bitcast %get3A_1241 : vector<16xi32> to vector<32xbf16>
      %mul3A_1244 = arith.mulf %bitcast3A_1242, %bitcast3A_1243 : vector<32xbf16>
      %add3A_1245 = arith.addf %mul3A_1193, %mul3A_1210 : vector<32xbf16>
      %add3A_1246 = arith.addf %mul3A_1227, %mul3A_1244 : vector<32xbf16>
      %add3A_1247 = arith.addf %add3A_1245, %add3A_1246 : vector<32xbf16>
      %unpack3A_1248 = tpu.unpack_subelements %add3A_1247, 0 {pack_format = #tpu.pack_format<interleaved>} : vector<32xbf16> -> vector<16xf32>
      %unpack3A_1249 = tpu.unpack_subelements %add3A_1247, 1 {pack_format = #tpu.pack_format<interleaved>} : vector<32xbf16> -> vector<16xf32>
      %add3A_1250 = arith.addf %unpack3A_1248, %unpack3A_1249 : vector<16xf32>
      %reduce_sum3A_1251 = arith.constant true
      %reduce_sum3A_1252 = vector.broadcast %reduce_sum3A_1251 : i1 to vector<16xi1>
      %reduce_sum3A_1253 = tpu.scan <sum>, %add3A_1250 masked %reduce_sum3A_1252 : vector<16xf32>, vector<16xi1> -> vector<16xf32>
      %reduce_sum3A_1254 = vector.extract %reduce_sum3A_1253[15] : f32 from vector<16xf32>
      %eq3A_1255 = arith.constant 12 : i32
      %eq3A_1256 = vector.broadcast %eq3A_1255 : i32 to vector<16xi32>
      %eq3A_1257 = arith.cmpi eq, %iota3A, %eq3A_1256 : vector<16xi32>
      %broadcast_in_dim3A_1258 = vector.broadcast %reduce_sum3A_1254 : f32 to vector<16xf32>
      %select_n3A_1259 = arith.select %eq3A_1257, %broadcast_in_dim3A_1258, %select_n3A_1172 : vector<16xi1>, vector<16xf32>
      %slice3A_1260 = vector.extract_strided_slice %mul3A_124 {offsets = [13], sizes = [1], strides = [1]} : vector<16xi32> to vector<1xi32>
      %squeeze3A_1261 = vector.extract %slice3A_1260[0] : i32 from vector<1xi32>
      %slice3A_1262 = vector.extract_strided_slice %mul3A_134 {offsets = [13], sizes = [1], strides = [1]} : vector<16xi32> to vector<1xi32>
      %squeeze3A_1263 = vector.extract %slice3A_1262[0] : i32 from vector<1xi32>
      %add3A_1264 = arith.constant 13 : i32
      %add3A_1265 = arith.addi %mul3A_115, %add3A_1264 : i32
      %add3A_1266 = arith.constant 0 : i32
      %add3A_1267 = arith.addi %squeeze3A_1261, %add3A_1266 : i32
      %get3A_1268 = arith.index_cast %add3A_1265 : i32 to index
      %get3A_1269 = arith.index_cast %add3A_1267 : i32 to index
      %get3A_1270 = tpu.vector_load %arg13[%get3A_1268, %get3A_1269] {strides = array<i32>} : memref<80x128xi32, #tpu.memory_space<vmem>>, vector<16xi32>,
      %add3A_1271 = arith.constant 13 : i32
      %add3A_1272 = arith.addi %mul3A_115, %add3A_1271 : i32
      %add3A_1273 = arith.constant 0 : i32
      %add3A_1274 = arith.addi %squeeze3A_1263, %add3A_1273 : i32
      %get3A_1275 = arith.index_cast %add3A_1272 : i32 to index
      %get3A_1276 = arith.index_cast %add3A_1274 : i32 to index
      %get3A_1277 = tpu.vector_load %arg14[%get3A_1275, %get3A_1276] {strides = array<i32>} : memref<80x128xi32, #tpu.memory_space<vmem>>, vector<16xi32>,
      %bitcast3A_1278 = vector.bitcast %get3A_1270 : vector<16xi32> to vector<32xbf16>
      %bitcast3A_1279 = vector.bitcast %get3A_1277 : vector<16xi32> to vector<32xbf16>
      %mul3A_1280 = arith.mulf %bitcast3A_1278, %bitcast3A_1279 : vector<32xbf16>
      %add3A_1281 = arith.constant 13 : i32
      %add3A_1282 = arith.addi %mul3A_115, %add3A_1281 : i32
      %add3A_1283 = arith.constant 16 : i32
      %add3A_1284 = arith.addi %squeeze3A_1261, %add3A_1283 : i32
      %get3A_1285 = arith.index_cast %add3A_1282 : i32 to index
      %get3A_1286 = arith.index_cast %add3A_1284 : i32 to index
      %get3A_1287 = tpu.vector_load %arg13[%get3A_1285, %get3A_1286] {strides = array<i32>} : memref<80x128xi32, #tpu.memory_space<vmem>>, vector<16xi32>,
      %add3A_1288 = arith.constant 13 : i32
      %add3A_1289 = arith.addi %mul3A_115, %add3A_1288 : i32
      %add3A_1290 = arith.constant 16 : i32
      %add3A_1291 = arith.addi %squeeze3A_1263, %add3A_1290 : i32
      %get3A_1292 = arith.index_cast %add3A_1289 : i32 to index
      %get3A_1293 = arith.index_cast %add3A_1291 : i32 to index
      %get3A_1294 = tpu.vector_load %arg14[%get3A_1292, %get3A_1293] {strides = array<i32>} : memref<80x128xi32, #tpu.memory_space<vmem>>, vector<16xi32>,
      %bitcast3A_1295 = vector.bitcast %get3A_1287 : vector<16xi32> to vector<32xbf16>
      %bitcast3A_1296 = vector.bitcast %get3A_1294 : vector<16xi32> to vector<32xbf16>
      %mul3A_1297 = arith.mulf %bitcast3A_1295, %bitcast3A_1296 : vector<32xbf16>
      %add3A_1298 = arith.constant 13 : i32
      %add3A_1299 = arith.addi %mul3A_115, %add3A_1298 : i32
      %add3A_1300 = arith.constant 32 : i32
      %add3A_1301 = arith.addi %squeeze3A_1261, %add3A_1300 : i32
      %get3A_1302 = arith.index_cast %add3A_1299 : i32 to index
      %get3A_1303 = arith.index_cast %add3A_1301 : i32 to index
      %get3A_1304 = tpu.vector_load %arg13[%get3A_1302, %get3A_1303] {strides = array<i32>} : memref<80x128xi32, #tpu.memory_space<vmem>>, vector<16xi32>,
      %add3A_1305 = arith.constant 13 : i32
      %add3A_1306 = arith.addi %mul3A_115, %add3A_1305 : i32
      %add3A_1307 = arith.constant 32 : i32
      %add3A_1308 = arith.addi %squeeze3A_1263, %add3A_1307 : i32
      %get3A_1309 = arith.index_cast %add3A_1306 : i32 to index
      %get3A_1310 = arith.index_cast %add3A_1308 : i32 to index
      %get3A_1311 = tpu.vector_load %arg14[%get3A_1309, %get3A_1310] {strides = array<i32>} : memref<80x128xi32, #tpu.memory_space<vmem>>, vector<16xi32>,
      %bitcast3A_1312 = vector.bitcast %get3A_1304 : vector<16xi32> to vector<32xbf16>
      %bitcast3A_1313 = vector.bitcast %get3A_1311 : vector<16xi32> to vector<32xbf16>
      %mul3A_1314 = arith.mulf %bitcast3A_1312, %bitcast3A_1313 : vector<32xbf16>
      %add3A_1315 = arith.constant 13 : i32
      %add3A_1316 = arith.addi %mul3A_115, %add3A_1315 : i32
      %add3A_1317 = arith.constant 48 : i32
      %add3A_1318 = arith.addi %squeeze3A_1261, %add3A_1317 : i32
      %get3A_1319 = arith.index_cast %add3A_1316 : i32 to index
      %get3A_1320 = arith.index_cast %add3A_1318 : i32 to index
      %get3A_1321 = tpu.vector_load %arg13[%get3A_1319, %get3A_1320] {strides = array<i32>} : memref<80x128xi32, #tpu.memory_space<vmem>>, vector<16xi32>,
      %add3A_1322 = arith.constant 13 : i32
      %add3A_1323 = arith.addi %mul3A_115, %add3A_1322 : i32
      %add3A_1324 = arith.constant 48 : i32
      %add3A_1325 = arith.addi %squeeze3A_1263, %add3A_1324 : i32
      %get3A_1326 = arith.index_cast %add3A_1323 : i32 to index
      %get3A_1327 = arith.index_cast %add3A_1325 : i32 to index
      %get3A_1328 = tpu.vector_load %arg14[%get3A_1326, %get3A_1327] {strides = array<i32>} : memref<80x128xi32, #tpu.memory_space<vmem>>, vector<16xi32>,
      %bitcast3A_1329 = vector.bitcast %get3A_1321 : vector<16xi32> to vector<32xbf16>
      %bitcast3A_1330 = vector.bitcast %get3A_1328 : vector<16xi32> to vector<32xbf16>
      %mul3A_1331 = arith.mulf %bitcast3A_1329, %bitcast3A_1330 : vector<32xbf16>
      %add3A_1332 = arith.addf %mul3A_1280, %mul3A_1297 : vector<32xbf16>
      %add3A_1333 = arith.addf %mul3A_1314, %mul3A_1331 : vector<32xbf16>
      %add3A_1334 = arith.addf %add3A_1332, %add3A_1333 : vector<32xbf16>
      %unpack3A_1335 = tpu.unpack_subelements %add3A_1334, 0 {pack_format = #tpu.pack_format<interleaved>} : vector<32xbf16> -> vector<16xf32>
      %unpack3A_1336 = tpu.unpack_subelements %add3A_1334, 1 {pack_format = #tpu.pack_format<interleaved>} : vector<32xbf16> -> vector<16xf32>
      %add3A_1337 = arith.addf %unpack3A_1335, %unpack3A_1336 : vector<16xf32>
      %reduce_sum3A_1338 = arith.constant true
      %reduce_sum3A_1339 = vector.broadcast %reduce_sum3A_1338 : i1 to vector<16xi1>
      %reduce_sum3A_1340 = tpu.scan <sum>, %add3A_1337 masked %reduce_sum3A_1339 : vector<16xf32>, vector<16xi1> -> vector<16xf32>
      %reduce_sum3A_1341 = vector.extract %reduce_sum3A_1340[15] : f32 from vector<16xf32>
      %eq3A_1342 = arith.constant 13 : i32
      %eq3A_1343 = vector.broadcast %eq3A_1342 : i32 to vector<16xi32>
      %eq3A_1344 = arith.cmpi eq, %iota3A, %eq3A_1343 : vector<16xi32>
      %broadcast_in_dim3A_1345 = vector.broadcast %reduce_sum3A_1341 : f32 to vector<16xf32>
      %select_n3A_1346 = arith.select %eq3A_1344, %broadcast_in_dim3A_1345, %select_n3A_1259 : vector<16xi1>, vector<16xf32>
      %slice3A_1347 = vector.extract_strided_slice %mul3A_124 {offsets = [14], sizes = [1], strides = [1]} : vector<16xi32> to vector<1xi32>
      %squeeze3A_1348 = vector.extract %slice3A_1347[0] : i32 from vector<1xi32>
      %slice3A_1349 = vector.extract_strided_slice %mul3A_134 {offsets = [14], sizes = [1], strides = [1]} : vector<16xi32> to vector<1xi32>
      %squeeze3A_1350 = vector.extract %slice3A_1349[0] : i32 from vector<1xi32>
      %add3A_1351 = arith.constant 14 : i32
      %add3A_1352 = arith.addi %mul3A_115, %add3A_1351 : i32
      %add3A_1353 = arith.constant 0 : i32
      %add3A_1354 = arith.addi %squeeze3A_1348, %add3A_1353 : i32
      %get3A_1355 = arith.index_cast %add3A_1352 : i32 to index
      %get3A_1356 = arith.index_cast %add3A_1354 : i32 to index
      %get3A_1357 = tpu.vector_load %arg13[%get3A_1355, %get3A_1356] {strides = array<i32>} : memref<80x128xi32, #tpu.memory_space<vmem>>, vector<16xi32>,
      %add3A_1358 = arith.constant 14 : i32
      %add3A_1359 = arith.addi %mul3A_115, %add3A_1358 : i32
      %add3A_1360 = arith.constant 0 : i32
      %add3A_1361 = arith.addi %squeeze3A_1350, %add3A_1360 : i32
      %get3A_1362 = arith.index_cast %add3A_1359 : i32 to index
      %get3A_1363 = arith.index_cast %add3A_1361 : i32 to index
      %get3A_1364 = tpu.vector_load %arg14[%get3A_1362, %get3A_1363] {strides = array<i32>} : memref<80x128xi32, #tpu.memory_space<vmem>>, vector<16xi32>,
      %bitcast3A_1365 = vector.bitcast %get3A_1357 : vector<16xi32> to vector<32xbf16>
      %bitcast3A_1366 = vector.bitcast %get3A_1364 : vector<16xi32> to vector<32xbf16>
      %mul3A_1367 = arith.mulf %bitcast3A_1365, %bitcast3A_1366 : vector<32xbf16>
      %add3A_1368 = arith.constant 14 : i32
      %add3A_1369 = arith.addi %mul3A_115, %add3A_1368 : i32
      %add3A_1370 = arith.constant 16 : i32
      %add3A_1371 = arith.addi %squeeze3A_1348, %add3A_1370 : i32
      %get3A_1372 = arith.index_cast %add3A_1369 : i32 to index
      %get3A_1373 = arith.index_cast %add3A_1371 : i32 to index
      %get3A_1374 = tpu.vector_load %arg13[%get3A_1372, %get3A_1373] {strides = array<i32>} : memref<80x128xi32, #tpu.memory_space<vmem>>, vector<16xi32>,
      %add3A_1375 = arith.constant 14 : i32
      %add3A_1376 = arith.addi %mul3A_115, %add3A_1375 : i32
      %add3A_1377 = arith.constant 16 : i32
      %add3A_1378 = arith.addi %squeeze3A_1350, %add3A_1377 : i32
      %get3A_1379 = arith.index_cast %add3A_1376 : i32 to index
      %get3A_1380 = arith.index_cast %add3A_1378 : i32 to index
      %get3A_1381 = tpu.vector_load %arg14[%get3A_1379, %get3A_1380] {strides = array<i32>} : memref<80x128xi32, #tpu.memory_space<vmem>>, vector<16xi32>,
      %bitcast3A_1382 = vector.bitcast %get3A_1374 : vector<16xi32> to vector<32xbf16>
      %bitcast3A_1383 = vector.bitcast %get3A_1381 : vector<16xi32> to vector<32xbf16>
      %mul3A_1384 = arith.mulf %bitcast3A_1382, %bitcast3A_1383 : vector<32xbf16>
      %add3A_1385 = arith.constant 14 : i32
      %add3A_1386 = arith.addi %mul3A_115, %add3A_1385 : i32
      %add3A_1387 = arith.constant 32 : i32
      %add3A_1388 = arith.addi %squeeze3A_1348, %add3A_1387 : i32
      %get3A_1389 = arith.index_cast %add3A_1386 : i32 to index
      %get3A_1390 = arith.index_cast %add3A_1388 : i32 to index
      %get3A_1391 = tpu.vector_load %arg13[%get3A_1389, %get3A_1390] {strides = array<i32>} : memref<80x128xi32, #tpu.memory_space<vmem>>, vector<16xi32>,
      %add3A_1392 = arith.constant 14 : i32
      %add3A_1393 = arith.addi %mul3A_115, %add3A_1392 : i32
      %add3A_1394 = arith.constant 32 : i32
      %add3A_1395 = arith.addi %squeeze3A_1350, %add3A_1394 : i32
      %get3A_1396 = arith.index_cast %add3A_1393 : i32 to index
      %get3A_1397 = arith.index_cast %add3A_1395 : i32 to index
      %get3A_1398 = tpu.vector_load %arg14[%get3A_1396, %get3A_1397] {strides = array<i32>} : memref<80x128xi32, #tpu.memory_space<vmem>>, vector<16xi32>,
      %bitcast3A_1399 = vector.bitcast %get3A_1391 : vector<16xi32> to vector<32xbf16>
      %bitcast3A_1400 = vector.bitcast %get3A_1398 : vector<16xi32> to vector<32xbf16>
      %mul3A_1401 = arith.mulf %bitcast3A_1399, %bitcast3A_1400 : vector<32xbf16>
      %add3A_1402 = arith.constant 14 : i32
      %add3A_1403 = arith.addi %mul3A_115, %add3A_1402 : i32
      %add3A_1404 = arith.constant 48 : i32
      %add3A_1405 = arith.addi %squeeze3A_1348, %add3A_1404 : i32
      %get3A_1406 = arith.index_cast %add3A_1403 : i32 to index
      %get3A_1407 = arith.index_cast %add3A_1405 : i32 to index
      %get3A_1408 = tpu.vector_load %arg13[%get3A_1406, %get3A_1407] {strides = array<i32>} : memref<80x128xi32, #tpu.memory_space<vmem>>, vector<16xi32>,
      %add3A_1409 = arith.constant 14 : i32
      %add3A_1410 = arith.addi %mul3A_115, %add3A_1409 : i32
      %add3A_1411 = arith.constant 48 : i32
      %add3A_1412 = arith.addi %squeeze3A_1350, %add3A_1411 : i32
      %get3A_1413 = arith.index_cast %add3A_1410 : i32 to index
      %get3A_1414 = arith.index_cast %add3A_1412 : i32 to index
      %get3A_1415 = tpu.vector_load %arg14[%get3A_1413, %get3A_1414] {strides = array<i32>} : memref<80x128xi32, #tpu.memory_space<vmem>>, vector<16xi32>,
      %bitcast3A_1416 = vector.bitcast %get3A_1408 : vector<16xi32> to vector<32xbf16>
      %bitcast3A_1417 = vector.bitcast %get3A_1415 : vector<16xi32> to vector<32xbf16>
      %mul3A_1418 = arith.mulf %bitcast3A_1416, %bitcast3A_1417 : vector<32xbf16>
      %add3A_1419 = arith.addf %mul3A_1367, %mul3A_1384 : vector<32xbf16>
      %add3A_1420 = arith.addf %mul3A_1401, %mul3A_1418 : vector<32xbf16>
      %add3A_1421 = arith.addf %add3A_1419, %add3A_1420 : vector<32xbf16>
      %unpack3A_1422 = tpu.unpack_subelements %add3A_1421, 0 {pack_format = #tpu.pack_format<interleaved>} : vector<32xbf16> -> vector<16xf32>
      %unpack3A_1423 = tpu.unpack_subelements %add3A_1421, 1 {pack_format = #tpu.pack_format<interleaved>} : vector<32xbf16> -> vector<16xf32>
      %add3A_1424 = arith.addf %unpack3A_1422, %unpack3A_1423 : vector<16xf32>
      %reduce_sum3A_1425 = arith.constant true
      %reduce_sum3A_1426 = vector.broadcast %reduce_sum3A_1425 : i1 to vector<16xi1>
      %reduce_sum3A_1427 = tpu.scan <sum>, %add3A_1424 masked %reduce_sum3A_1426 : vector<16xf32>, vector<16xi1> -> vector<16xf32>
      %reduce_sum3A_1428 = vector.extract %reduce_sum3A_1427[15] : f32 from vector<16xf32>
      %eq3A_1429 = arith.constant 14 : i32
      %eq3A_1430 = vector.broadcast %eq3A_1429 : i32 to vector<16xi32>
      %eq3A_1431 = arith.cmpi eq, %iota3A, %eq3A_1430 : vector<16xi32>
      %broadcast_in_dim3A_1432 = vector.broadcast %reduce_sum3A_1428 : f32 to vector<16xf32>
      %select_n3A_1433 = arith.select %eq3A_1431, %broadcast_in_dim3A_1432, %select_n3A_1346 : vector<16xi1>, vector<16xf32>
      %slice3A_1434 = vector.extract_strided_slice %mul3A_124 {offsets = [15], sizes = [1], strides = [1]} : vector<16xi32> to vector<1xi32>
      %squeeze3A_1435 = vector.extract %slice3A_1434[0] : i32 from vector<1xi32>
      %slice3A_1436 = vector.extract_strided_slice %mul3A_134 {offsets = [15], sizes = [1], strides = [1]} : vector<16xi32> to vector<1xi32>
      %squeeze3A_1437 = vector.extract %slice3A_1436[0] : i32 from vector<1xi32>
      %add3A_1438 = arith.constant 15 : i32
      %add3A_1439 = arith.addi %mul3A_115, %add3A_1438 : i32
      %add3A_1440 = arith.constant 0 : i32
      %add3A_1441 = arith.addi %squeeze3A_1435, %add3A_1440 : i32
      %get3A_1442 = arith.index_cast %add3A_1439 : i32 to index
      %get3A_1443 = arith.index_cast %add3A_1441 : i32 to index
      %get3A_1444 = tpu.vector_load %arg13[%get3A_1442, %get3A_1443] {strides = array<i32>} : memref<80x128xi32, #tpu.memory_space<vmem>>, vector<16xi32>,
      %add3A_1445 = arith.constant 15 : i32
      %add3A_1446 = arith.addi %mul3A_115, %add3A_1445 : i32
      %add3A_1447 = arith.constant 0 : i32
      %add3A_1448 = arith.addi %squeeze3A_1437, %add3A_1447 : i32
      %get3A_1449 = arith.index_cast %add3A_1446 : i32 to index
      %get3A_1450 = arith.index_cast %add3A_1448 : i32 to index
      %get3A_1451 = tpu.vector_load %arg14[%get3A_1449, %get3A_1450] {strides = array<i32>} : memref<80x128xi32, #tpu.memory_space<vmem>>, vector<16xi32>,
      %bitcast3A_1452 = vector.bitcast %get3A_1444 : vector<16xi32> to vector<32xbf16>
      %bitcast3A_1453 = vector.bitcast %get3A_1451 : vector<16xi32> to vector<32xbf16>
      %mul3A_1454 = arith.mulf %bitcast3A_1452, %bitcast3A_1453 : vector<32xbf16>
      %add3A_1455 = arith.constant 15 : i32
      %add3A_1456 = arith.addi %mul3A_115, %add3A_1455 : i32
      %add3A_1457 = arith.constant 16 : i32
      %add3A_1458 = arith.addi %squeeze3A_1435, %add3A_1457 : i32
      %get3A_1459 = arith.index_cast %add3A_1456 : i32 to index
      %get3A_1460 = arith.index_cast %add3A_1458 : i32 to index
      %get3A_1461 = tpu.vector_load %arg13[%get3A_1459, %get3A_1460] {strides = array<i32>} : memref<80x128xi32, #tpu.memory_space<vmem>>, vector<16xi32>,
      %add3A_1462 = arith.constant 15 : i32
      %add3A_1463 = arith.addi %mul3A_115, %add3A_1462 : i32
      %add3A_1464 = arith.constant 16 : i32
      %add3A_1465 = arith.addi %squeeze3A_1437, %add3A_1464 : i32
      %get3A_1466 = arith.index_cast %add3A_1463 : i32 to index
      %get3A_1467 = arith.index_cast %add3A_1465 : i32 to index
      %get3A_1468 = tpu.vector_load %arg14[%get3A_1466, %get3A_1467] {strides = array<i32>} : memref<80x128xi32, #tpu.memory_space<vmem>>, vector<16xi32>,
      %bitcast3A_1469 = vector.bitcast %get3A_1461 : vector<16xi32> to vector<32xbf16>
      %bitcast3A_1470 = vector.bitcast %get3A_1468 : vector<16xi32> to vector<32xbf16>
      %mul3A_1471 = arith.mulf %bitcast3A_1469, %bitcast3A_1470 : vector<32xbf16>
      %add3A_1472 = arith.constant 15 : i32
      %add3A_1473 = arith.addi %mul3A_115, %add3A_1472 : i32
      %add3A_1474 = arith.constant 32 : i32
      %add3A_1475 = arith.addi %squeeze3A_1435, %add3A_1474 : i32
      %get3A_1476 = arith.index_cast %add3A_1473 : i32 to index
      %get3A_1477 = arith.index_cast %add3A_1475 : i32 to index
      %get3A_1478 = tpu.vector_load %arg13[%get3A_1476, %get3A_1477] {strides = array<i32>} : memref<80x128xi32, #tpu.memory_space<vmem>>, vector<16xi32>,
      %add3A_1479 = arith.constant 15 : i32
      %add3A_1480 = arith.addi %mul3A_115, %add3A_1479 : i32
      %add3A_1481 = arith.constant 32 : i32
      %add3A_1482 = arith.addi %squeeze3A_1437, %add3A_1481 : i32
      %get3A_1483 = arith.index_cast %add3A_1480 : i32 to index
      %get3A_1484 = arith.index_cast %add3A_1482 : i32 to index
      %get3A_1485 = tpu.vector_load %arg14[%get3A_1483, %get3A_1484] {strides = array<i32>} : memref<80x128xi32, #tpu.memory_space<vmem>>, vector<16xi32>,
      %bitcast3A_1486 = vector.bitcast %get3A_1478 : vector<16xi32> to vector<32xbf16>
      %bitcast3A_1487 = vector.bitcast %get3A_1485 : vector<16xi32> to vector<32xbf16>
      %mul3A_1488 = arith.mulf %bitcast3A_1486, %bitcast3A_1487 : vector<32xbf16>
      %add3A_1489 = arith.constant 15 : i32
      %add3A_1490 = arith.addi %mul3A_115, %add3A_1489 : i32
      %add3A_1491 = arith.constant 48 : i32
      %add3A_1492 = arith.addi %squeeze3A_1435, %add3A_1491 : i32
      %get3A_1493 = arith.index_cast %add3A_1490 : i32 to index
      %get3A_1494 = arith.index_cast %add3A_1492 : i32 to index
      %get3A_1495 = tpu.vector_load %arg13[%get3A_1493, %get3A_1494] {strides = array<i32>} : memref<80x128xi32, #tpu.memory_space<vmem>>, vector<16xi32>,
      %add3A_1496 = arith.constant 15 : i32
      %add3A_1497 = arith.addi %mul3A_115, %add3A_1496 : i32
      %add3A_1498 = arith.constant 48 : i32
      %add3A_1499 = arith.addi %squeeze3A_1437, %add3A_1498 : i32
      %get3A_1500 = arith.index_cast %add3A_1497 : i32 to index
      %get3A_1501 = arith.index_cast %add3A_1499 : i32 to index
      %get3A_1502 = tpu.vector_load %arg14[%get3A_1500, %get3A_1501] {strides = array<i32>} : memref<80x128xi32, #tpu.memory_space<vmem>>, vector<16xi32>,
      %bitcast3A_1503 = vector.bitcast %get3A_1495 : vector<16xi32> to vector<32xbf16>
      %bitcast3A_1504 = vector.bitcast %get3A_1502 : vector<16xi32> to vector<32xbf16>
      %mul3A_1505 = arith.mulf %bitcast3A_1503, %bitcast3A_1504 : vector<32xbf16>
      %add3A_1506 = arith.addf %mul3A_1454, %mul3A_1471 : vector<32xbf16>
      %add3A_1507 = arith.addf %mul3A_1488, %mul3A_1505 : vector<32xbf16>
      %add3A_1508 = arith.addf %add3A_1506, %add3A_1507 : vector<32xbf16>
      %unpack3A_1509 = tpu.unpack_subelements %add3A_1508, 0 {pack_format = #tpu.pack_format<interleaved>} : vector<32xbf16> -> vector<16xf32>
      %unpack3A_1510 = tpu.unpack_subelements %add3A_1508, 1 {pack_format = #tpu.pack_format<interleaved>} : vector<32xbf16> -> vector<16xf32>
      %add3A_1511 = arith.addf %unpack3A_1509, %unpack3A_1510 : vector<16xf32>
      %reduce_sum3A_1512 = arith.constant true
      %reduce_sum3A_1513 = vector.broadcast %reduce_sum3A_1512 : i1 to vector<16xi1>
      %reduce_sum3A_1514 = tpu.scan <sum>, %add3A_1511 masked %reduce_sum3A_1513 : vector<16xf32>, vector<16xi1> -> vector<16xf32>
      %reduce_sum3A_1515 = vector.extract %reduce_sum3A_1514[15] : f32 from vector<16xf32>
      %eq3A_1516 = arith.constant 15 : i32
      %eq3A_1517 = vector.broadcast %eq3A_1516 : i32 to vector<16xi32>
      %eq3A_1518 = arith.cmpi eq, %iota3A, %eq3A_1517 : vector<16xi32>
      %broadcast_in_dim3A_1519 = vector.broadcast %reduce_sum3A_1515 : f32 to vector<16xf32>
      %select_n3A_1520 = arith.select %eq3A_1518, %broadcast_in_dim3A_1519, %select_n3A_1433 : vector<16xi1>, vector<16xf32>
      %neg3A = arith.constant 0.000000e+00 : f32
      %neg3A_1521 = vector.broadcast %neg3A : f32 to vector<16xf32>
      %neg3A_1522 = arith.subf %neg3A_1521, %select_n3A_1520 : vector<16xf32>
      %exp3A = math.exp %neg3A_1522 : vector<16xf32>
      %add3A_1523 = arith.constant 1.000000e+00 : f32
      %add3A_1524 = vector.broadcast %add3A_1523 : f32 to vector<16xf32>
      %add3A_1525 = arith.addf %add3A_1524, %exp3A : vector<16xf32>
      %div3A = arith.constant 1.000000e+00 : f32
      %div3A_1526 = vector.broadcast %div3A : f32 to vector<16xf32>
      %div3A_1527 = arith.divf %div3A_1526, %add3A_1525 : vector<16xf32>
      %add3A_1528 = arith.constant 9920 : i32
      %add3A_1529 = arith.addi %add3A_1528, %mul3A_115 : i32
      %swap3A_1530 = arith.index_cast %add3A_1529 : i32 to index
      %swap3A_1531 = tpu.vector_load %arg17[%swap3A_1530] {strides = array<i32>} : memref<10000xf32, #tpu.memory_space<vmem>>, vector<16xf32>,
      tpu.vector_store %arg17[%swap3A_1530], %div3A_1527 {strides = array<i32>} : memref<10000xf32, #tpu.memory_space<vmem>>, vector<16xf32>,
    }
    %scan3A_112 = arith.constant 5 : i32
    "tpu.region"() ({
      %run_scoped3A = tpu.sem_alloc : memref<!tpu.dma_semaphore, #tpu.memory_space<semaphore_mem>>
      %dma_start3A_113 = tpu.memref_slice %arg5[%mul3A_2] : memref<320000xf32, #tpu.memory_space<hbm>> -> memref<10000xf32, #tpu.memory_space<hbm>>
      %dma_start3A_114 = tpu.memref_slice %arg5[%mul3A_2] : memref<320000xf32, #tpu.memory_space<hbm>> -> memref<10000xf32, #tpu.memory_space<hbm>>
      tpu.enqueue_dma source(%arg17 : memref<10000xf32, #tpu.memory_space<vmem>>) target(%dma_start3A_114 : memref<10000xf32, #tpu.memory_space<hbm>>) target_semaphore(%run_scoped3A : memref<!tpu.dma_semaphore, #tpu.memory_space<semaphore_mem>>)
      %dma_wait3A_115 = tpu.memref_slice %arg5[%mul3A_2] : memref<320000xf32, #tpu.memory_space<hbm>> -> memref<10000xf32, #tpu.memory_space<hbm>>
      %dma_wait3A_116 = tpu.memref_slice %arg5[%mul3A_2] : memref<320000xf32, #tpu.memory_space<hbm>> -> memref<10000xf32, #tpu.memory_space<hbm>>
      tpu.wait_dma2 semaphore(%run_scoped3A : memref<!tpu.dma_semaphore, #tpu.memory_space<semaphore_mem>>) src(%arg17 : memref<10000xf32, #tpu.memory_space<vmem>>) dst(%dma_wait3A_116 : memref<10000xf32, #tpu.memory_space<hbm>>)
      tpu.yield
    }) : () -> ()
    return
  }
}

</mosaic_0001>

<sc_bundles>
// kernel: _decode.3.cloned.1.call-start
scs
__scs_entry_jumppad:
0x0: {  	(pc) =	sbr.rel $0x88, $3  }
0x1: {  	(tag) =	ssettag $0x0;
	lr =	simm.s32 $0x1  }
0x2: {  	[smem:$0x3F9E] =	sst lr;
	_ =	strace $0xD0000000  }
0x3: {  	_ = 	snop  }
0x4: {  	_ = 	snop  }
0x5: {  	_ = 	snop  }
0x6: {  	_ = 	snop  }
0x7: {  	_ = 	snop  }
__scs_overlays_trampoline_lowered:
0x8: {  	[smem:$0x3FAD] =	sst s0  }
0x9: {  	[smem:$0x3FAE] =	sst s1  }
0xa: {  	[smem:$0x3FAF] =	sst s2  }
0xb: {  	[smem:$0x3FB0] =	sst s3  }
0xc: {  	[smem:$0x3FB1] =	sst s4  }
0xd: {  	[smem:$0x3FB2] =	sst s5  }
0xe: {  	[smem:$0x3FB3] =	sst s6  }
0xf: {  	[smem:$0x3FB4] =	sst s7  }
0x10: {  	[smem:$0x3FB5] =	sst s8  }
0x11: {  	[smem:$0x3FB6] =	sst s9;
	s0 =	simm.s32 @!p0 $0x0  }
0x12: {  	s1 =	sld [smem:$0x3F9C];
	s0 =	simm.s32 @p0 $0x1  }
0x13: {  	[smem:$0x3FB7] =	sst s0;
	s0 =	simm.s32 @!p1 $0x0  }
0x14: {  	s2 =	sld [smem:$0x3F9B];
	s0 =	simm.s32 @p1 $0x1  }
0x15: {  	[smem:$0x3FB8] =	sst s0;
	s0 =	simm.s32 @!p2 $0x0  }
0x16: {  	s3 =	sld [smem:$0x3FDB];
	s0 =	simm.s32 @p2 $0x1  }
0x17: {  	s4 =	simm.s32 $0x1BF5;
	[smem:$0x3FBA] =	sst s0  }
0x18: {  	s0 =	sld [smem:$0x3F9D];
	_ =	swait.ge [sflag:s4], $0x0  }
0x19: {  	s7 =	sld [smem:$0x3F9E]  }
0x1a: {  	s8 =	sadd.s32 $0xFFFFE003, lr  }
0x1b: {  	s9 =	sadd.s32 $0xFFFFFEF7, lr;
	s5 =	simm.s32 $0xFFFFFFFF;
	p2 =	slt.u32 s8, $0xFFFFF086  }
0x1c: {  	p1 =	slt.u32 s9, $0xF7A;
	s5 =	simm.s32 @!p2 $0x0  }
0x1d: {  	s5 =	simm.s32 @p1 $0x1;
	p0 =	seq.s32 s7, s2  }
0x1e: {  	s7 =	smul.u32 @!p0 $0xF7A, s2;
	p2 =	seq.s32 @!p0 s5, $0x0  }
0x1f: {  	s9 =	smul.u32 $0xF7A, s1;
	s8 =	simm.s32 @!p0 $0x1BF5;
	p2 =	por !p2, p0  }
0x20: {  	[sflag:s8] =	ssyncset.s32 @!p0 $0xFFFFF086;
	s6 =	sadd.s32 @!p0 s3, s7;
	s7 =	simm.s32 @!p0 $0x108  }
0x21: {  	s3 =	sadd.s32 s3, s9;
	s6 =	sadd.s32 @!p0 $0x88, s6;
	s7 =	simm.s32 @p2 $0x1082  }
0x22: {  	[simem:s7], [sflag:s8] =	dma.local @!p0 [hbm:s6], $0xF7A  }
0x23: {  	s9 =	sor.u32 $0xD0000000, s2;
	s6 =	simm.s32 $0x108;
	_ =	swait.ge @!p0 [sflag:s8], $0x0  }
0x24: {  	s3 =	sadd.s32 $0x88, s3;
	s6 =	simm.s32 @!p1 $0x1082;
	[sflag:s4] =	ssyncset.s32 $0xFFFFF086  }
0x25: {  	[simem:s6], [sflag:s4] =	dma.local [hbm:s3], $0xF7A  }
0x26: {  	[smem:$0x3F9E] =	sst s1;
	(tag) =	ssettag s2;
	_ =	strace s9  }
0x27: {  	s1 =	sld [smem:$0x3FAE]  }
0x28: {  	s2 =	sld [smem:$0x3FAF]  }
0x29: {  	s4 =	sld [smem:$0x3FB1]  }
0x2a: {  	p0 =	seq.s32 s5, $0x0;
	s5 =	sld [smem:$0x3FB2]  }
0x2b: {  	s6 =	sld [smem:$0x3FB3]  }
0x2c: {  	s7 =	sld [smem:$0x3FB4]  }
0x2d: {  	s3 =	simm.s32 $0x108;
	s8 =	sld [smem:$0x3FB5]  }
0x2e: {  	s3 =	simm.s32 @!p0 $0x1082;
	s9 =	sld [smem:$0x3FB6]  }
0x2f: {  	lr =	sadd.s32 s0, s3;
	s0 =	sld [smem:$0x3FAD]  }
0x30: {  	s3 =	sld [smem:$0x3FB0]  }
0x31: {  	[smem:$0x3FB9] =	sst s10  }
0x32: {  	s10 =	sld [smem:$0x3FB7];
	_ =	sdelay $0x3  }
0x33: {  	p0 =	seq.s32 s10, $0x1;
	s10 =	sld [smem:$0x3FB9];
	_ =	sdelay $0x3  }
0x34: {  	[smem:$0x3FB9] =	sst s10  }
0x35: {  	s10 =	sld [smem:$0x3FB8];
	_ =	sdelay $0x3  }
0x36: {  	p1 =	seq.s32 s10, $0x1;
	s10 =	sld [smem:$0x3FB9];
	_ =	sdelay $0x3  }
0x37: {  	[smem:$0x3FB9] =	sst s10  }
0x38: {  	s10 =	sld [smem:$0x3FBA]  }
0x39: {  	_ = 	snop;
	(pc) =	sbr.ind lr, $3  }
0x3a: {  	_ = 	snop  }
0x3b: {  	_ = 	snop  }
0x3c: {  	p2 =	seq.s32 s10, $0x1;
	s10 =	sld [smem:$0x3FB9]  }
0x3d: {  	_ =	shalt  }
0x3e: {  	_ =	shalt  }
0x3f: {  	_ =	shalt  }
0x40: {  	_ =	shalt  }
0x41: {  	_ =	shalt  }
0x42: {  	_ =	shalt  }
0x43: {  	_ =	shalt  }
0x44: {  	_ =	shalt  }
0x45: {  	_ =	shalt  }
0x46: {  	_ =	shalt  }
0x47: {  	_ =	shalt  }
0x48: {  	_ =	shalt  }
0x49: {  	_ =	shalt  }
0x4a: {  	_ =	shalt  }
0x4b: {  	_ =	shalt  }
0x4c: {  	_ =	shalt  }
0x4d: {  	_ =	shalt  }
0x4e: {  	_ =	shalt  }
0x4f: {  	_ =	shalt  }
0x50: {  	_ =	shalt  }
0x51: {  	_ =	shalt  }
0x52: {  	_ =	shalt  }
0x53: {  	_ =	shalt  }
0x54: {  	_ =	shalt  }
0x55: {  	_ =	shalt  }
0x56: {  	_ =	shalt  }
0x57: {  	_ =	shalt  }
0x58: {  	_ =	shalt  }
0x59: {  	_ =	shalt  }
0x5a: {  	_ =	shalt  }
0x5b: {  	_ =	shalt  }
0x5c: {  	_ =	shalt  }
0x5d: {  	_ =	shalt  }
0x5e: {  	_ =	shalt  }
0x5f: {  	_ =	shalt  }
0x60: {  	_ =	shalt  }
0x61: {  	_ =	shalt  }
0x62: {  	_ =	shalt  }
0x63: {  	_ =	shalt  }
0x64: {  	_ =	shalt  }
0x65: {  	_ =	shalt  }
0x66: {  	_ =	shalt  }
0x67: {  	_ =	shalt  }
0x68: {  	_ =	shalt  }
0x69: {  	_ =	shalt  }
0x6a: {  	_ =	shalt  }
0x6b: {  	_ =	shalt  }
0x6c: {  	_ =	shalt  }
0x6d: {  	_ =	shalt  }
0x6e: {  	_ =	shalt  }
0x6f: {  	_ =	shalt  }
0x70: {  	_ =	shalt  }
0x71: {  	_ =	shalt  }
0x72: {  	_ =	shalt  }
0x73: {  	_ =	shalt  }
0x74: {  	_ =	shalt  }
0x75: {  	_ =	shalt  }
0x76: {  	_ =	shalt  }
0x77: {  	_ =	shalt  }
0x78: {  	_ =	shalt  }
0x79: {  	_ =	shalt  }
0x7a: {  	_ =	shalt  }
0x7b: {  	_ =	shalt  }
0x7c: {  	_ =	shalt  }
0x7d: {  	_ =	shalt  }
0x7e: {  	_ =	shalt  }
0x7f: {  	_ =	shalt  }
0x80: {  	_ =	shalt  }
0x81: {  	_ =	shalt  }
0x82: {  	_ =	shalt  }
0x83: {  	_ =	shalt  }
0x84: {  	_ =	shalt  }
0x85: {  	_ =	shalt  }
0x86: {  	_ =	shalt  }
0x87: {  	_ =	shalt  }
.Lfunc_end0:
.L_simem_size_0:
called_computation_lowered:
.L_overlay_start_0:
0x88: {  	s2 =	sld [smem:$0x3FD9]  }
0x89: {  	s3 =	sld [smem:$0x3FFE];
	_ =	sdelay $0x1  }
0x8a: {  	s1 =	srdreg.scid  }
0x8b: {  	s0 =	sand.u32 $0x1, s1  }
0x8c: {  	s17 =	sshll.u32 s0, $0xA;
	s2 =	sadd.s32 s3, s2  }
0x8d: {  	s2 =	sadd.s32 s2, s17  }
0x8e: {  	[smem:$0x3FC5] =	sst s2  }
0x8f: {  	_ = 	snop  }
0x90: {  	s2 =	sld [smem:$0x3FC9]  }
0x91: {  	s18 =	sld [smem:$0x3FD0];
	(tm) =	ssettm $0x1  }
0x92: {  	s4 =	sld [smem:$0x3FFB];
	_ =	sdelay $0x3  }
0x93: {  	_ =	strace s4  }
0x94: {  	s4 =	sld [smem:$0x3FFC];
	_ =	sdelay $0x3  }
0x95: {  	_ =	strace s4  }
0x96: {  	s4 =	sld [smem:$0x3FFD];
	_ =	sdelay $0x3  }
0x97: {  	_ =	strace s4  }
0x98: {  	_ =	strace $0x8FFFFFFF  }
0x99: {  	s19 =	sld [smem:$0x3FDB];
	_ =	sdelay $0x1  }
0x9a: {  	s5 =	simm.s32 $_scs_section_size  }
0x9b: {  	s6 =	simm.s32 $_size__tile_overlayer_lowered;
	s7 =	simm.s32 $_tile_overlayer_lowered  }
0x9c: {  	s22 =	simm.s32 $0x1BFF;
	s21 =	sshll.u32 s7, $0x1;
	s4 =	sadd.s32 s5, s19  }
0x9d: {  	s8 =	simm.s32 $0x0;
	s20 =	sshll.u32 s6, $0x1;
	s6 =	sadd.s32 s21, s4  }
0x9e: {  	[timem:s8], [sflag:s22] =	dma.local [hbm:s6], s20  }
0x9f: {  	_ =	swait.ge [sflag:s22], s20  }
0xa0: {  	s5 =	ssub.s32 $0x0, s20;
	[sflag:s22] =	ssyncset.done $0x0  }
0xa1: {  	[sflag:s22] =	ssyncadd.s32 s5;
	_ =	sdelay $0x1  }
0xa2: {  	s23 =	simm.s32 $0x1B8B  }
0xa3: {  	_ =	swait.ge [sflag:s23], $0x1  }
0xa4: {  	[sflag:s23] =	ssyncset.done $0x0  }
0xa5: {  	s25 =	simm.s32 $0x1B8E;
	s24 =	sld [smem:$0x3FFE];
	[sflag:s23] =	ssyncadd.s32 $0xFFFFFFFF  }
0xa6: {  	s26 =	simm.s32 $execute0_lowered;
	[smem:$0x3FD2] =	sst s25  }
0xa7: {  	s6 =	sshll.u32 s26, $0x1;
	_ =	strace $0x80000046;
	[dreg:$0x1] =	wrdreg $0xFFFFFFFF  }
0xa8: {  	s28 =	simm.s32 $_size_execute0_lowered;
	s4 =	sadd.s32 s4, s6;
	[dreg:$0x0] =	wrdreg $0x0  }
0xa9: {  	s6 =	sshll.u32 s28, $0x1;
	[dreg:$0x2] =	wrdreg s4  }
0xaa: {  	[dreg:$0x3] =	wrdreg s6  }
0xab: {  	[dreg:$0x4] =	wrdreg $0xC0  }
0xac: {  	_ =	task [dreg:s8], $0x5FFFF  }
0xad: {  	[dreg:$0x1] =	wrdreg $0xFFFFFFFF  }
0xae: {  	[dreg:$0x0] =	wrdreg $0x60  }
0xaf: {  	[dreg:$0x2] =	wrdreg s2  }
0xb0: {  	[dreg:$0x3] =	wrdreg s24  }
0xb1: {  	[dreg:$0x4] =	wrdreg s18  }
0xb2: {  	[dreg:$0x5] =	wrdreg $0x0  }
0xb3: {  	[dreg:$0x6] =	wrdreg $0x9  }
0xb4: {  	_ =	task.clear_ibuf [dreg:s8], $0x7FFFF;
	_ =	strace $0x90000046  }
0xb5: {  	s29 =	simm.s32 $0x9;
	_ =	strace $0x80000048  }
0xb6: {  	_ =	swait.ge [sflag:s29], $0x1  }
0xb7: {  	[sflag:s29] =	ssyncadd.s32 $0xFFFFFFFF  }
0xb8: {  	_ =	strace $0x90000048  }
0xb9: {  	_ =	sfence  }
0xba: {  	s30 =	sld [smem:$0x0];
	_ =	sdelay $0x2  }
0xbb: {  	s31 =	sshll.u32 s1, $0xD;
	s1 =	sshrl.u32 s1, $0x2  }
0xbc: {  	s3 =	sand.u32 $0x4000, s31;
	s1 =	sadd.s32 s1, s30  }
0xbd: {  	s0 =	sor.u32 s3, s0;
	s1 =	sshll.u32 s1, $0x11  }
0xbe: {  	s0 =	sor.u32 s1, s0  }
0xbf: {  	s0 =	sadd.s32 $0x8F2B, s0  }
0xc0: {  	[sflag:s0] =	ssyncadd.remote.s32 $0x1  }
0xc1: {  	_ =	sfence.sel $0xFFFF  }
0xc2: {  	[dreg:$0x0] =	wrdreg $0xFFFFFFFF;
	(pc) =	sbr.abs _section_cstart, $3  }
0xc3: {  	[dreg:$0x1] =	wrdreg $0xFFFFFFFF  }
0xc4: {  	_ =	task.clear_ibuf [dreg:s8], $0x2FFFF;
	_ =	strace $0x9FFFFFFF  }
0xc5: {  	(tm) =	ssettm $0x7FFFFFFF  }
tec
execute0_lowered:
.L_overlay_start_1:
0x0: {  	(tag) =	ssettag $0x1  }
0x1: {  	s0 =	rddreg [dreg:$0x0]  }
0x2: {  	s1 =	rddreg [dreg:$0x1]  }
0x3: {  	s3 =	rddreg [dreg:$0x2];
	s4 =	srdreg.scid  }
0x4: {  	s9 =	stileid.u32;
	s2 =	rddreg [dreg:$0x3]  }
0x5: {  	s12 =	simm.s32 $0x0;
	s14 =	simm.s32 $0x50;
	s15 =	simm.s32 $0x11C40  }
0x6: {  	s16 =	simm.s32 $0x11E40;
	s17 =	simm.s32 $0x11CC0;
	s18 =	simm.s32 $0x14640  }
0x7: {  	s19 =	simm.s32 $0x11D40;
	s20 =	simm.s32 $0x16E40;
	s4 =	sand.u32 $0x1, s4  }
0x8: {  	s5 =	sshll.u32 s9, $0x1;
	[smem:$0x7FF] =	sst s12;
	s7 =	smul.u32 $0x27000, s9  }
0x9: {  	s8 =	smul.u32 $0x1380, s9;
	s23 =	sshll.u32 s9, $0x6;
	s24 =	sadd.s32 $0x9C000, s2  }
0xa: {  	s5 =	sor.u32 s4, s5;
	_ =	strace $0x80000047;
	s4 =	ssub.s32 $0x2, s4  }
0xb: {  	s31 =	sshrl.u32 s24, $0x3;
	s24 =	simm.s32 $0x2;
	s6 =	sshll.u32 s5, $0xB  }
0xc: {  	s21 =	sshrl.u32 s4, $0x1;
	s7 =	sshrl.u32 s7, $0x2;
	s8 =	sadd.s32 s0, s8  }
0xd: {  	s5 =	smul.u32 $0x4E2, s5;
	s0 =	sadd.s32 $0x13800, s0;
	[dreg:$0xd] =	wrdreg s31  }
0xe: {  	s1 =	sadd.s32 s6, s1;
	s4 =	ssub.s32 s4, s21;
	[dreg:$0x5] =	wrdreg s8  }
0xf: {  	s22 =	sadd.s32 s7, s2;
	s7 =	sor.u32 $0x1C05, s23;
	[dreg:$0x7] =	wrdreg s0  }
0x10: {  	s21 =	simm.s32 $0x11DC0;
	[dreg:$0x6] =	wrdreg s7;
	s25 =	sadd.s32 $0x600, s1  }
0x11: {  	vm0 =	vmmov $0x1;
	vm1 =	vmmov $0x3;
	vm2 =	vmmov $0x7;
	s23 =	simm.s32 $0x1;
	s26 =	sadd.s32 $0x10600, s1;
	[dreg:$0x8] =	wrdreg s25  }
0x12: {  	vm3 =	vmmov $0xf;
	vm4 =	vmmov $0x1f;
	vm5 =	vmmov $0x3f;
	s28 =	sadd.s32 s3, s5;
	s29 =	smax.u32 s4, $0x1;
	[dreg:$0x9] =	wrdreg s26  }
0x13: {  	vm6 =	vmmov $0x7f;
	vm7 =	vmmov $0xff;
	vm8 =	vmmov $0x1ff;
	s30 =	sshrl.u32 s22, $0x3;
	s4 =	simm.s32 $0x5;
	[dreg:$0xa] =	wrdreg s28  }
0x14: {  	vm9 =	vmmov $0x3ff;
	vm10 =	vmmov $0x7ff;
	vm11 =	vmmov $0xfff;
	s22 =	simm.s32 $0x19640;
	s1 =	simm.s32 $0x0;
	[dreg:$0xb] =	wrdreg s29  }
0x15: {  	vm12 =	vmmov $0x1fff;
	vm13 =	vmmov $0x3fff;
	vm14 =	vmmov $0x7fff;
	[dreg:$0xc] =	wrdreg s30;
	s25 =	simm.s32 $0x3;
	s26 =	simm.s32 $0x4  }
.LBB2_1:
0x16: {  	[dreg:$0xe] =	wrdreg s1  }
0x17: {  	s0 =	rddreg [dreg:$0x5]  }
0x18: {  	s11 =	rddreg [dreg:$0x6]  }
0x19: {  	s3 =	rddreg [dreg:$0xc]  }
0x1a: {  	[spmem:s3], [sflag:s11] =	dma.local [hbm:s0], $0x1380  }
0x1b: {  	_ =	swait.ge [sflag:s4], $0x1380  }
0x1c: {  	[sflag:s4] =	ssyncset.done $0x0;
	s13 =	rddreg [dreg:$0x7]  }
0x1d: {  	s29 =	rddreg [dreg:$0xd];
	[sflag:s4] =	ssyncadd.s32 $0xFFFFEC80  }
0x1e: {  	[spmem:s29], [sflag:s11] =	dma.local [hbm:s13], $0x80  }
0x1f: {  	_ =	swait.ge [sflag:s4], $0x80  }
0x20: {  	[sflag:s4] =	ssyncset.done $0x0  }
0x21: {  	s10 =	simm.s32 $0x9C40;
	s30 =	rddreg [dreg:$0x8];
	[sflag:s4] =	ssyncadd.s32 $0xFFFFFF80  }
0x22: {  	[tilespmem:s10], [sflag:$0x5] =	stream.linear.gather [hbm4b:s30+s12], $0x3E80, $0x38;
	[tilespmem:$0x1E5C0] =	vst v63  }
0x23: {  	_ =	swait.ge [sflag:s4], $0x3E80  }
0x24: {  	[sflag:s4] =	ssyncset.done $0x0  }
0x25: {  	s11 =	simm.s32 $0xDC40;
	s31 =	rddreg [dreg:$0x9];
	[sflag:s4] =	ssyncadd.s32 $0xFFFFC180  }
0x26: {  	[tilespmem:s11], [sflag:$0x5] =	stream.linear.gather [hbm4b:s31+s12], $0x3E80, $0x38;
	[tilespmem:$0x1E5C0] =	vst v63  }
0x27: {  	_ =	swait.ge [sflag:s4], $0x3E80  }
0x28: {  	[sflag:s4] =	ssyncset.done $0x0  }
0x29: {  	[sflag:s4] =	ssyncadd.s32 $0xFFFFC180  }
0x2a: {  	[bflag:$0x0] =	sbarrier.arrive $0xFFFF  }
0x2b: {  	v0 =	vld [tilespmem:$0x9C40]  }
0x2c: {  	v1 =	vld [tilespmem:$0xDC40]  }
0x2d: {  	v2 =	vld [tilespmem:$0x9C50]  }
0x2e: {  	v3 =	vld [tilespmem:$0xDC50]  }
0x2f: {  	v4 =	vld [tilespmem:$0x9C60]  }
0x30: {  	v5 =	vld [tilespmem:$0xDC60];
	v0 =	vshrl.u32 v0, $0x1  }
0x31: {  	v52 =	vld [tilespmem:$0x9C70];
	v51 =	vshrl.u32 v1, $0x1;
	[tilespmem:$0x11C40] =	vst v0  }
0x32: {  	v54 =	vld [tilespmem:$0xDC70];
	v53 =	vshrl.u32 v2, $0x1;
	[tilespmem:$0x11CC0] =	vst v51  }
0x33: {  	v56 =	vld [tilespmem:$0x9C80];
	v55 =	vshrl.u32 v3, $0x1;
	[tilespmem:$0x11C50] =	vst v53  }
0x34: {  	v58 =	vld [tilespmem:$0xDC80];
	v57 =	vshrl.u32 v4, $0x1;
	[tilespmem:$0x11CD0] =	vst v55  }
0x35: {  	v59 =	vshrl.u32 v5, $0x1;
	[tilespmem:$0x11C60] =	vst v57  }
0x36: {  	v60 =	vshrl.u32 v52, $0x1;
	[tilespmem:$0x11CE0] =	vst v59  }
0x37: {  	v61 =	vshrl.u32 v54, $0x1;
	[tilespmem:$0x11C70] =	vst v60  }
0x38: {  	v62 =	vshrl.u32 v56, $0x1;
	[tilespmem:$0x11CF0] =	vst v61  }
0x39: {  	v63 =	vshrl.u32 v58, $0x1;
	[tilespmem:$0x11C80] =	vst v62  }
0x3a: {  	s1 =	simm.s32 $0x9CC0;
	s28 =	simm.s32 $0x1BE90;
	[tilespmem:$0x11D00] =	vst v63  }
0x3b: {  	[tilespmem:s16], [sflag:$0x1] =	stream.indirect.gather [spmem:s2], $0x80, s15, s14, $0xb8;
	[tilespmem:$0x1E5C0] =	vst v63  }
0x3c: {  	s9 =	simm.s32 $0x1BE40;
	s6 =	simm.s32 $0x0;
	s0 =	simm.s32 $0xDCC0  }
0x3d: {  	[tilespmem:s18], [sflag:$0x2] =	stream.indirect.gather [spmem:s2], $0x80, s17, s14, $0xb8;
	[tilespmem:$0x1E5C0] =	vst v63  }
.LBB2_2:
0x3e: {  	s7 =	sshll.u32 s6, $0x8  }
0x3f: {  	v0 =	vld [tilespmem:s7+$0x9CC0];
	_ =	sdelay $0x4  }
0x40: {  	v0 =	vshrl.u32 v0, $0x1  }
0x41: {  	[tilespmem:$0x11D40] =	vst v0  }
0x42: {  	v0 =	vld [tilespmem:s7+$0xDCC0];
	_ =	sdelay $0x4  }
0x43: {  	v0 =	vshrl.u32 v0, $0x1  }
0x44: {  	[tilespmem:$0x11DC0] =	vst v0  }
0x45: {  	v0 =	vld [tilespmem:s7+$0x9CD0];
	_ =	sdelay $0x4  }
0x46: {  	v0 =	vshrl.u32 v0, $0x1  }
0x47: {  	[tilespmem:$0x11D50] =	vst v0  }
0x48: {  	v0 =	vld [tilespmem:s7+$0xDCD0];
	_ =	sdelay $0x4  }
0x49: {  	v0 =	vshrl.u32 v0, $0x1  }
0x4a: {  	[tilespmem:$0x11DD0] =	vst v0  }
0x4b: {  	v0 =	vld [tilespmem:s7+$0x9CE0];
	_ =	sdelay $0x4  }
0x4c: {  	v0 =	vshrl.u32 v0, $0x1  }
0x4d: {  	[tilespmem:$0x11D60] =	vst v0  }
0x4e: {  	v0 =	vld [tilespmem:s7+$0xDCE0];
	_ =	sdelay $0x4  }
0x4f: {  	v0 =	vshrl.u32 v0, $0x1  }
0x50: {  	[tilespmem:$0x11DE0] =	vst v0  }
0x51: {  	v0 =	vld [tilespmem:s7+$0x9CF0];
	_ =	sdelay $0x4  }
0x52: {  	v0 =	vshrl.u32 v0, $0x1  }
0x53: {  	[tilespmem:$0x11D70] =	vst v0  }
0x54: {  	v0 =	vld [tilespmem:s7+$0xDCF0];
	_ =	sdelay $0x4  }
0x55: {  	v0 =	vshrl.u32 v0, $0x1  }
0x56: {  	[tilespmem:$0x11DF0] =	vst v0  }
0x57: {  	v0 =	vld [tilespmem:s7+$0x9D00];
	_ =	sdelay $0x4  }
0x58: {  	v0 =	vshrl.u32 v0, $0x1  }
0x59: {  	[tilespmem:$0x11D80] =	vst v0  }
0x5a: {  	v0 =	vld [tilespmem:s7+$0xDD00];
	_ =	sdelay $0x4  }
0x5b: {  	v0 =	vshrl.u32 v0, $0x1  }
0x5c: {  	[tilespmem:$0x11E00] =	vst v0  }
0x5d: {  	[tilespmem:s20], [sflag:$0x3] =	stream.indirect.gather [spmem:s2], $0x80, s19, s14, $0xb8;
	[tilespmem:$0x1E5C0] =	vst v63  }
0x5e: {  	_ = 	snop  }
0x5f: {  	[tilespmem:s22], [sflag:$0x4] =	stream.indirect.gather [spmem:s2], $0x80, s21, s14, $0xb8;
	[tilespmem:$0x1E5C0] =	vst v63  }
0x60: {  	_ =	swait.ge [sflag:s23], $0x2800  }
0x61: {  	[sflag:s23] =	ssyncset.done $0x0  }
0x62: {  	[sflag:s23] =	ssyncadd.s32 $0xFFFFD800  }
0x63: {  	_ =	swait.ge [sflag:s24], $0x2800  }
0x64: {  	s8 =	simm.s32 $0x0;
	s4 =	smov.u32 s9;
	[sflag:s24] =	ssyncset.done $0x0  }
0x65: {  	s30 =	smov.u32 s10;
	s31 =	smov.u32 s11;
	[sflag:s24] =	ssyncadd.s32 $0xFFFFD800  }
.LBB2_3:
0x66: {  	v0 =	vld [tilespmem:s30+$0x0];
	_ =	sdelay $0x1  }
0x67: {  	v1 =	vld [tilespmem:s31+$0x0];
	_ =	sdelay $0x2  }
0x68: {  	v0 =	vshll.u32 v0, $0x6  }
0x69: {  	s3 =	sshra.s32 s8, $0x2;
	v0 =	vand.u32 $0x40, v0  }
0x6a: {  	v1 =	vshll.u32 v1, $0x6;
	v0 =	vadd.s32 s3, v0  }
0x6b: {  	v2 =	vand.u32 $0x40, v1;
	v1 =	vadd.s32 $0x11E40, v0  }
0x6c: {  	(v2sf) =	vpush v1, $0x1  }
0x6d: {  	(v2sf) =	vpush v1, $0x0;
	_ =	sdelay $0x5  }
0x6e: {  	v21 =	vadd.s32 s3, v2  }
0x6f: {  	v0 =	vadd.s32 $0x14640, v21  }
0x70: {  	(v2sf) =	vpush v0, $0x1;
	_ =	sdelay $0x3  }
0x71: {  	(v2sf) =	vpush v0, $0x0;
	_ =	sdelay $0x1  }
0x72: {  	s12 =	spop (v2sf);
	(v2sf) =	vpush v1, $0x3  }
0x73: {  	s5 =	spop (v2sf);
	(v2sf) =	vpush v1, $0x2  }
0x74: {  	v36 =	vld [tilespmem:s12+$0x80]  }
0x75: {  	v38 =	vld [tilespmem:s12+$0x90]  }
0x76: {  	v40 =	vld [tilespmem:s12+$0xA0]  }
0x77: {  	v42 =	vld [tilespmem:s12+$0xB0]  }
0x78: {  	v2 =	vld [tilespmem:s5+$0x0]  }
0x79: {  	v6 =	vld [tilespmem:s5+$0x10]  }
0x7a: {  	v15 =	vld [tilespmem:s5+$0x20]  }
0x7b: {  	s13 =	spop (v2sf);
	(v2sf) =	vpush v0, $0x3;
	v34 =	vld [tilespmem:s5+$0x30]  }
0x7c: {  	v37 =	vld [tilespmem:s13+$0x80]  }
0x7d: {  	v39 =	vld [tilespmem:s13+$0x90]  }
0x7e: {  	v41 =	vld [tilespmem:s13+$0xA0]  }
0x7f: {  	s29 =	spop (v2sf);
	(v2sf) =	vpush v0, $0x2;
	v43 =	vld [tilespmem:s13+$0xB0]  }
0x80: {  	v3 =	vld [tilespmem:s29+$0x0]  }
0x81: {  	v12 =	vld [tilespmem:s29+$0x10];
	s5 =	spop (v2sf);
	(v2sf) =	vpush v1, $0x5  }
0x82: {  	v19 =	vld [tilespmem:s29+$0x20];
	s3 =	spop (v2sf);
	(v2sf) =	vpush v1, $0x4  }
0x83: {  	v35 =	vld [tilespmem:s29+$0x30]  }
0x84: {  	v52 =	vld [tilespmem:s5+$0x180]  }
0x85: {  	v54 =	vld [tilespmem:s5+$0x190]  }
0x86: {  	v56 =	vld [tilespmem:s5+$0x1A0]  }
0x87: {  	v58 =	vld [tilespmem:s5+$0x1B0]  }
0x88: {  	v44 =	vld [tilespmem:s3+$0x100]  }
0x89: {  	v46 =	vld [tilespmem:s3+$0x110]  }
0x8a: {  	s13 =	spop (v2sf);
	(v2sf) =	vpush v0, $0x5;
	v48 =	vld [tilespmem:s3+$0x120]  }
0x8b: {  	v50 =	vld [tilespmem:s3+$0x130]  }
0x8c: {  	v53 =	vld [tilespmem:s13+$0x180]  }
0x8d: {  	v55 =	vld [tilespmem:s13+$0x190]  }
0x8e: {  	s12 =	spop (v2sf);
	(v2sf) =	vpush v0, $0x4;
	v57 =	vld [tilespmem:s13+$0x1A0]  }
0x8f: {  	v59 =	vld [tilespmem:s13+$0x1B0]  }
0x90: {  	v45 =	vld [tilespmem:s12+$0x100];
	s3 =	spop (v2sf);
	(v2sf) =	vpush v1, $0x7  }
0x91: {  	v47 =	vld [tilespmem:s12+$0x110];
	s5 =	spop (v2sf);
	(v2sf) =	vpush v1, $0x6  }
0x92: {  	v49 =	vld [tilespmem:s12+$0x120]  }
0x93: {  	v51 =	vld [tilespmem:s12+$0x130]  }
0x94: {  	v9 =	vld [tilespmem:s3+$0x280]  }
0x95: {  	v24 =	vld [tilespmem:s3+$0x290]  }
0x96: {  	v22 =	vld [tilespmem:s3+$0x2A0]  }
0x97: {  	v60 =	vld [tilespmem:s5+$0x200]  }
0x98: {  	v62 =	vld [tilespmem:s5+$0x210]  }
0x99: {  	s13 =	spop (v2sf);
	(v2sf) =	vpush v0, $0x7;
	v8 =	vld [tilespmem:s5+$0x220]  }
0x9a: {  	v5 =	vld [tilespmem:s5+$0x230]  }
0x9b: {  	v25 =	vld [tilespmem:s13+$0x2A0]  }
0x9c: {  	v23 =	vld [tilespmem:s13+$0x280]  }
0x9d: {  	s12 =	spop (v2sf);
	(v2sf) =	vpush v0, $0x6;
	v29 =	vld [tilespmem:s13+$0x290]  }
0x9e: {  	v16 =	vld [tilespmem:s13+$0x2B0]  }
0x9f: {  	v61 =	vld [tilespmem:s12+$0x200];
	s5 =	spop (v2sf);
	(v2sf) =	vpush v1, $0x9  }
0xa0: {  	[tilespmem:$0x1FF30] =	vst v25;
	v25 =	vld [tilespmem:s3+$0x2B0];
	s3 =	spop (v2sf);
	(v2sf) =	vpush v1, $0x8  }
0xa1: {  	v63 =	vld [tilespmem:s12+$0x210]  }
0xa2: {  	v7 =	vld [tilespmem:s12+$0x220]  }
0xa3: {  	v4 =	vld [tilespmem:s12+$0x230]  }
0xa4: {  	v20 =	vld [tilespmem:s5+$0x380]  }
0xa5: {  	v27 =	vld [tilespmem:s5+$0x390]  }
0xa6: {  	v31 =	vld [tilespmem:s5+$0x3A0]  }
0xa7: {  	v33 =	vld [tilespmem:s5+$0x3B0]  }
0xa8: {  	s13 =	spop (v2sf);
	v30 =	vld [tilespmem:s3+$0x300];
	(v2sf) =	vpush v0, $0x9  }
0xa9: {  	v14 =	vld [tilespmem:s3+$0x310]  }
0xaa: {  	v11 =	vld [tilespmem:s3+$0x320]  }
0xab: {  	v18 =	vld [tilespmem:s3+$0x330]  }
0xac: {  	s12 =	spop (v2sf);
	(v2sf) =	vpush v0, $0x8;
	v26 =	vld [tilespmem:s13+$0x380]  }
0xad: {  	v28 =	vld [tilespmem:s13+$0x390]  }
0xae: {  	v32 =	vld [tilespmem:s13+$0x3A0];
	s3 =	spop (v2sf)  }
0xaf: {  	v13 =	vld [tilespmem:s12+$0x300];
	s29 =	spop (v2sf)  }
0xb0: {  	[tilespmem:$0x1FF20] =	vst v22;
	v22 =	vld [tilespmem:s29+$0x430]  }
0xb1: {  	v10 =	vld [tilespmem:s12+$0x310];
	(v2sf) =	vpush v1, $0xB  }
0xb2: {  	[tilespmem:$0x1FF10] =	vst v9;
	v9 =	vld [tilespmem:s12+$0x320];
	(v2sf) =	vpush v1, $0xA  }
0xb3: {  	v17 =	vld [tilespmem:s12+$0x330]  }
0xb4: {  	[tilespmem:$0x1FF80] =	vst v31;
	v31 =	vld [tilespmem:s13+$0x3B0]  }
0xb5: {  	[tilespmem:$0x1FFB0] =	vst v22;
	v22 =	vld [tilespmem:s3+$0x480]  }
0xb6: {  	v19 =	vmul.bf16 v19, v15;
	v15 =	vld [tilespmem:s3+$0x4B0]  }
0xb7: {  	[tilespmem:$0x1FF50] =	vst v26;
	s12 =	spop (v2sf);
	(v2sf) =	vpush v0, $0xB;
	v26 =	vld [tilespmem:s29+$0x400]  }
0xb8: {  	[tilespmem:$0x1FF60] =	vst v27;
	v27 =	vld [tilespmem:s29+$0x410]  }
0xb9: {  	v34 =	vmul.bf16 v35, v34;
	[tilespmem:$0x1FFA0] =	vst v33;
	v33 =	vld [tilespmem:s29+$0x420]  }
0xba: {  	[tilespmem:$0x1FFC0] =	vst v22;
	v22 =	vld [tilespmem:s12+$0x480]  }
0xbb: {  	v2 =	vmul.bf16 v3, v2;
	v3 =	vadd.bf16 v34, v19;
	s13 =	spop (v2sf);
	(v2sf) =	vpush v0, $0xA;
	v34 =	vld [tilespmem:s12+$0x4B0]  }
0xbc: {  	v21 =	vld [tilespmem:s13+$0x420]  }
0xbd: {  	[tilespmem:$0x1FF40] =	vst v20;
	v20 =	vld [tilespmem:s13+$0x400]  }
0xbe: {  	[tilespmem:$0x1FF90] =	vst v32;
	v32 =	vld [tilespmem:s13+$0x410]  }
0xbf: {  	[tilespmem:$0x1FFD0] =	vst v22;
	v22 =	vld [tilespmem:s3+$0x490]  }
0xc0: {  	v35 =	vmul.bf16 v39, v38;
	[tilespmem:$0x1FF70] =	vst v28;
	v28 =	vld [tilespmem:s13+$0x430];
	s13 =	spop (v2sf)  }
0xc1: {  	v19 =	vmul.bf16 v37, v36;
	v21 =	vmul.bf16 v21, v33;
	v33 =	vld [tilespmem:$0x1FFC0];
	s29 =	spop (v2sf)  }
0xc2: {  	v36 =	vld [tilespmem:s29+$0x500]  }
0xc3: {  	v37 =	vmul.bf16 v41, v40;
	v19 =	vadd.bf16 v35, v19;
	v41 =	vld [tilespmem:s29+$0x510]  }
0xc4: {  	v35 =	vmul.bf16 v45, v44;
	v40 =	vmul.bf16 v47, v46;
	(v2sf) =	vpush v1, $0xD;
	[tilespmem:$0x1FFE0] =	vst v22;
	v22 =	vld [tilespmem:s12+$0x490]  }
0xc5: {  	v45 =	vld [tilespmem:s29+$0x520]  }
0xc6: {  	v35 =	vadd.bf16 v40, v35;
	s5 =	spop (v2sf);
	v40 =	vld [tilespmem:s29+$0x530]  }
0xc7: {  	v46 =	vld [tilespmem:s5+$0x590]  }
0xc8: {  	v4 =	vmul.bf16 v4, v5;
	v5 =	vld [tilespmem:s5+$0x5A0]  }
0xc9: {  	[tilespmem:$0x1FFF0] =	vst v22;
	v22 =	vmul.bf16 v12, v6;
	v6 =	vld [tilespmem:s3+$0x4A0]  }
0xca: {  	v12 =	vld [tilespmem:s12+$0x4A0];
	s12 =	spop (v2sf)  }
0xcb: {  	v39 =	vld [tilespmem:s12+$0x500]  }
0xcc: {  	v47 =	vld [tilespmem:s12+$0x520]  }
0xcd: {  	v38 =	vmul.bf16 v49, v48;
	v44 =	vld [tilespmem:s12+$0x530];
	v2 =	vadd.bf16 v22, v2;
	v22 =	vmul.bf16 v43, v42  }
0xce: {  	v48 =	vmul.bf16 v53, v52;
	v49 =	vmul.bf16 v55, v54;
	v43 =	vld [tilespmem:s12+$0x510]  }
0xcf: {  	v30 =	vmul.bf16 v13, v30;
	(v2sf) =	vpush v1, $0xC;
	v42 =	vld [tilespmem:s5+$0x580];
	v37 =	vadd.bf16 v22, v37  }
0xd0: {  	v22 =	vmul.bf16 v51, v50;
	v2 =	vadd.bf16 v3, v2;
	v3 =	vadd.bf16 v49, v48;
	v48 =	vld [tilespmem:s13+$0x590]  }
0xd1: {  	v50 =	vmul.bf16 v57, v56;
	v56 =	vmul.bf16 v61, v60;
	v60 =	vld [tilespmem:$0x1FF10]  }
0xd2: {  	v10 =	vmul.bf16 v10, v14;
	v57 =	vmul.bf16 v63, v62;
	v62 =	vld [tilespmem:$0x1FF20]  }
0xd3: {  	s3 =	spop (v2sf);
	v51 =	vmul.bf16 v59, v58;
	v63 =	vld [tilespmem:$0x1FF30]  }
0xd4: {  	v7 =	vmul.bf16 v7, v8;
	v8 =	vadd.bf16 v10, v30;
	v30 =	vld [tilespmem:s3+$0x680]  }
0xd5: {  	(v2sf) =	vpush v0, $0xD;
	v52 =	vadd.bf16 v51, v50;
	v51 =	vld [tilespmem:s13+$0x5A0]  }
0xd6: {  	v4 =	vadd.bf16 v4, v7;
	(v2sf) =	vpush v0, $0xC;
	v50 =	vld [tilespmem:$0x1FF40]  }
0xd7: {  	v38 =	vadd.bf16 v22, v38;
	v59 =	vadd.bf16 v57, v56;
	v56 =	vld [tilespmem:$0x1FF80]  }
0xd8: {  	(v2sf) =	vpush v1, $0xF;
	v37 =	vadd.bf16 v37, v19;
	v57 =	vld [tilespmem:$0x1FF90]  }
0xd9: {  	v61 =	vmul.bf16 v29, v24;
	v53 =	vunpack.i.u.bf16.f32 v2;
	v35 =	vadd.bf16 v38, v35;
	v38 =	vld [tilespmem:s13+$0x580]  }
0xda: {  	v3 =	vadd.bf16 v52, v3;
	v54 =	vunpack.i.u.bf16.f32 v37;
	v37 =	vunpack.i.l.bf16.f32 v37;
	v52 =	vld [tilespmem:$0x1FF50]  }
0xdb: {  	v2 =	vunpack.i.l.bf16.f32 v2;
	v37 =	vadd.f32 v37, v54;
	v29 =	vmul.bf16 v63, v62;
	v54 =	vld [tilespmem:$0x1FF60]  }
0xdc: {  	v62 =	vmul.bf16 v32, v27;
	v32 =	vld [tilespmem:$0x1FFB0];
	v55 =	vunpack.i.u.bf16.f32 v35;
	v35 =	vunpack.i.l.bf16.f32 v35  }
0xdd: {  	v19 =	vadd.f32 v2, v53;
	v2 =	vadd.f32 v35, v55;
	v35 =	vld [tilespmem:s13+$0x5B0]  }
0xde: {  	v4 =	vadd.bf16 v4, v59;
	s13 =	spop (v2sf);
	(v2sf) =	vpush v1, $0xE;
	v1 =	vld [tilespmem:s5+$0x5B0]  }
0xdf: {  	v7 =	vmul.bf16 v23, v60;
	v58 =	vunpack.i.u.bf16.f32 v3;
	v3 =	vunpack.i.l.bf16.f32 v3;
	v55 =	vld [tilespmem:$0x1FF70]  }
0xe0: {  	v49 =	vunpack.i.u.bf16.f32 v4;
	v3 =	vadd.f32 v3, v58;
	v58 =	vld [tilespmem:$0x1FFA0]  }
0xe1: {  	v4 =	vunpack.i.l.bf16.f32 v4;
	v7 =	vadd.bf16 v61, v7;
	v61 =	vmul.bf16 v20, v26;
	v26 =	vld [tilespmem:s3+$0x690]  }
0xe2: {  	v16 =	vmul.bf16 v16, v25;
	v4 =	vadd.f32 v4, v49;
	v49 =	vld [tilespmem:$0x1FFD0]  }
0xe3: {  	v24 =	vld [tilespmem:s13+$0x600]  }
0xe4: {  	v16 =	vadd.bf16 v16, v29;
	v13 =	vld [tilespmem:s13+$0x610]  }
0xe5: {  	v17 =	vmul.bf16 v17, v18;
	v18 =	vld [tilespmem:s13+$0x620]  }
0xe6: {  	s5 =	spop (v2sf);
	v7 =	vadd.bf16 v16, v7;
	v16 =	vld [tilespmem:s13+$0x630]  }
0xe7: {  	v20 =	vld [tilespmem:s5+$0x680]  }
0xe8: {  	v9 =	vmul.bf16 v9, v11;
	v10 =	vmul.bf16 v52, v50;
	v52 =	vld [tilespmem:$0x1FFE0]  }
0xe9: {  	(v2sf) =	vpush v0, $0xF;
	v22 =	vmul.bf16 v28, v32;
	v28 =	vld [tilespmem:s5+$0x690];
	s29 =	spop (v2sf)  }
0xea: {  	v9 =	vadd.bf16 v17, v9;
	(v2sf) =	vpush v0, $0xE;
	v0 =	vld [tilespmem:s29+$0x600]  }
0xeb: {  	v11 =	vld [tilespmem:s29+$0x610]  }
0xec: {  	v8 =	vadd.bf16 v9, v8;
	v14 =	vld [tilespmem:s29+$0x620]  }
0xed: {  	v53 =	vunpack.i.u.bf16.f32 v7;
	v7 =	vunpack.i.l.bf16.f32 v7;
	v25 =	vld [tilespmem:s29+$0x630]  }
0xee: {  	v63 =	vunpack.i.u.bf16.f32 v8;
	v17 =	vmul.bf16 v57, v56;
	v7 =	vadd.f32 v7, v53;
	v53 =	vld [tilespmem:$0x1FFF0]  }
0xef: {  	v8 =	vunpack.i.l.bf16.f32 v8;
	v23 =	vmul.bf16 v55, v54;
	v59 =	vmul.bf16 v31, v58;
	v31 =	vld [tilespmem:s3+$0x6B0]  }
0xf0: {  	v56 =	vmul.bf16 v39, v36;
	v21 =	vadd.bf16 v22, v21;
	v54 =	vmul.bf16 v34, v15;
	v15 =	vld [tilespmem:s5+$0x6B0]  }
0xf1: {  	v57 =	vmul.bf16 v43, v41;
	v60 =	vadd.bf16 v23, v10;
	v10 =	vadd.bf16 v62, v61;
	s13 =	spop (v2sf);
	v23 =	vld [tilespmem:s5+$0x6A0]  }
0xf2: {  	v8 =	vadd.f32 v8, v63;
	v22 =	vmul.bf16 v49, v33;
	v17 =	vadd.bf16 v59, v17;
	v49 =	vld [tilespmem:s13+$0x780]  }
0xf3: {  	v6 =	vmul.bf16 v12, v6;
	(xrf2) =	vadd.scan.msk.f32 $0xffff, v19;
	v12 =	vadd.bf16 v57, v56;
	v56 =	vld [tilespmem:s13+$0x7A0];
	v10 =	vadd.bf16 v21, v10  }
0xf4: {  	v5 =	vmul.bf16 v5, v51;
	v58 =	vmul.bf16 v47, v45;
	v9 =	vadd.bf16 v17, v60;
	v17 =	vld [tilespmem:s3+$0x6A0]  }
0xf5: {  	v29 =	vmul.bf16 v53, v52;
	v52 =	vld [tilespmem:s13+$0x790];
	v60 =	vunpack.i.u.bf16.f32 v10;
	v10 =	vunpack.i.l.bf16.f32 v10  }
0xf6: {  	(xrf2) =	vadd.scan.msk.f32 $0xffff, v37;
	v1 =	vmul.bf16 v1, v35;
	v61 =	vmul.bf16 v44, v40;
	v10 =	vadd.f32 v10, v60;
	v60 =	vld [tilespmem:s13+$0x7B0];
	s12 =	spop (v2sf)  }
0xf7: {  	v63 =	vmul.bf16 v42, v38;
	v6 =	vadd.bf16 v54, v6;
	v44 =	vmul.bf16 v46, v48;
	v27 =	vld [tilespmem:s12+$0x700]  }
0xf8: {  	v1 =	vadd.bf16 v1, v5;
	v62 =	vadd.bf16 v61, v58;
	v36 =	vld [tilespmem:s12+$0x710]  }
0xf9: {  	v48 =	vadd.bf16 v44, v63;
	v0 =	vmul.bf16 v0, v24;
	v11 =	vmul.bf16 v11, v13;
	v42 =	vld [tilespmem:s12+$0x720]  }
0xfa: {  	v14 =	vmul.bf16 v14, v18;
	v50 =	vunpack.i.u.bf16.f32 v9;
	v9 =	vunpack.i.l.bf16.f32 v9;
	s3 =	spop (v2sf);
	v46 =	vld [tilespmem:s12+$0x730]  }
0xfb: {  	v16 =	vmul.bf16 v25, v16;
	v12 =	vadd.bf16 v62, v12;
	v9 =	vadd.f32 v9, v50;
	v50 =	vld [tilespmem:s3+$0x780];
	s29 =	spop (v2sf)  }
0xfc: {  	v54 =	vmul.bf16 v20, v30;
	v1 =	vadd.bf16 v1, v48;
	v55 =	vadd.bf16 v29, v22;
	v59 =	vld [tilespmem:s29+$0x700]  }
0xfd: {  	v58 =	vmul.bf16 v15, v31;
	v25, _, _ =	vpop (xrf2);
	v0 =	vadd.bf16 v11, v0;
	v14 =	vadd.bf16 v16, v14;
	v21 =	vld [tilespmem:s29+$0x710]  }
0xfe: {  	v29 =	vbroadcast v25, $0xF;
	v51 =	vunpack.i.u.bf16.f32 v12;
	v12 =	vunpack.i.l.bf16.f32 v12;
	v45 =	vld [tilespmem:s29+$0x720]  }
0xff: {  	v22 =	vunpack.i.u.bf16.f32 v1;
	v1 =	vunpack.i.l.bf16.f32 v1;
	v6 =	vadd.bf16 v6, v55;
	v47 =	vld [tilespmem:s29+$0x730]  }
0x100: {  	v11 =	vadd.f32 v12, v51;
	v0 =	vadd.bf16 v14, v0;
	v55 =	vmul.bf16 v28, v26;
	v28, _, _ =	vpop (xrf2);
	v53 =	vld [tilespmem:s3+$0x790]  }
0x101: {  	(xrf2) =	vadd.scan.msk.f32 $0xffff, v2;
	v17 =	vmul.bf16 v23, v17;
	v1 =	vadd.f32 v1, v22;
	v30 =	vbroadcast v28, $0xF;
	v57 =	vld [tilespmem:s3+$0x7A0]  }
0x102: {  	(xrf2) =	vadd.scan.msk.f32 $0xffff, v3;
	v43 =	vunpack.i.u.bf16.f32 v6;
	v6 =	vunpack.i.l.bf16.f32 v6;
	v14 =	vadd.bf16 v55, v54;
	v62 =	vld [tilespmem:s3+$0x7B0]  }
0x103: {  	(xrf2) =	vadd.scan.msk.f32 $0xffff, v4;
	v2 =	vadd.bf16 v58, v17;
	v59 =	vmul.bf16 v59, v27;
	v21 =	vmul.bf16 v21, v36  }
0x104: {  	(xrf2) =	vadd.scan.msk.f32 $0xffff, v7;
	v61 =	vunpack.i.u.bf16.f32 v0;
	v63 =	vmul.bf16 v45, v42;
	v13 =	vmul.bf16 v47, v46  }
0x105: {  	(xrf2) =	vadd.scan.msk.f32 $0xffff, v8;
	v6 =	vadd.f32 v6, v43;
	v2 =	vadd.bf16 v2, v14;
	v19 =	vmul.bf16 v50, v49  }
0x106: {  	(xrf2) =	vadd.scan.msk.f32 $0xffff, v9;
	v26 =	vmul.bf16 v57, v56;
	v17 =	vadd.bf16 v21, v59;
	v3 =	vadd.bf16 v13, v63  }
0x107: {  	(xrf2) =	vadd.scan.msk.f32 $0xffff, v10;
	v0 =	vunpack.i.l.bf16.f32 v0;
	v27 =	vmul.bf16 v62, v60;
	v21 =	vmul.bf16 v53, v52  }
0x108: {  	v0 =	vadd.f32 v0, v61;
	(xrf2) =	vadd.scan.msk.f32 $0xffff, v6;
	v32 =	vunpack.i.u.bf16.f32 v2;
	v3 =	vadd.bf16 v3, v17  }
0x109: {  	(xrf2) =	vadd.scan.msk.f32 $0xffff, v11;
	v2 =	vunpack.i.l.bf16.f32 v2;
	v31 =	vadd.bf16 v27, v26;
	v4 =	vadd.bf16 v21, v19  }
0x10a: {  	(xrf2) =	vadd.scan.msk.f32 $0xffff, v1;
	v33 =	vadd.f32 v2, v32;
	v34 =	vunpack.i.u.bf16.f32 v3;
	v3 =	vunpack.i.l.bf16.f32 v3  }
0x10b: {  	v35, _, _ =	vpop (xrf2);
	(xrf2) =	vadd.scan.msk.f32 $0xffff, v0;
	v37 =	vadd.bf16 v31, v4;
	v36 =	vadd.f32 v3, v34  }
0x10c: {  	v39 =	vbroadcast v35, $0xF;
	v40, _, _ =	vpop (xrf2);
	v38 =	vsel vm0, v29, v30;
	(xrf2) =	vadd.scan.msk.f32 $0xffff, v33  }
0x10d: {  	v41 =	vbroadcast v40, $0xF;
	v42, _, _ =	vpop (xrf2);
	v43 =	vunpack.i.u.bf16.f32 v37;
	v2 =	vunpack.i.l.bf16.f32 v37;
	(xrf2) =	vadd.scan.msk.f32 $0xffff, v36  }
0x10e: {  	v44, _, _ =	vpop (xrf2);
	v45 =	vbroadcast v42, $0xF;
	v3 =	vsel vm1, v38, v39;
	v0 =	vadd.f32 v2, v43  }
0x10f: {  	v46, _, _ =	vpop (xrf2);
	v47 =	vbroadcast v44, $0xF;
	v1 =	vsel vm2, v3, v41  }
0x110: {  	v48, _, _ =	vpop (xrf2);
	v1 =	vsel vm3, v1, v45;
	v2 =	vbroadcast v46, $0xF;
	(xrf2) =	vadd.scan.msk.f32 $0xffff, v0  }
0x111: {  	v49, _, _ =	vpop (xrf2);
	v50 =	vbroadcast v48, $0xF;
	v1 =	vsel vm4, v1, v47  }
0x112: {  	v51, _, _ =	vpop (xrf2);
	v1 =	vsel vm5, v1, v2;
	v0 =	vbroadcast v49, $0xF  }
0x113: {  	v52, _, _ =	vpop (xrf2);
	v53 =	vbroadcast v51, $0xF;
	v1 =	vsel vm6, v1, v50  }
0x114: {  	v54, _, _ =	vpop (xrf2);
	v55 =	vbroadcast v52, $0xF;
	v0 =	vsel vm7, v1, v0  }
0x115: {  	v56, _, _ =	vpop (xrf2);
	v57 =	vbroadcast v54, $0xF;
	v0 =	vsel vm8, v0, v53  }
0x116: {  	v58, _, _ =	vpop (xrf2);
	v59 =	vbroadcast v56, $0xF;
	v0 =	vsel vm9, v0, v55  }
0x117: {  	v61 =	vbroadcast v58, $0xF;
	v0 =	vsel vm10, v0, v57;
	v60, _, _ =	vpop (xrf2)  }
0x118: {  	v0 =	vsel vm11, v0, v59;
	v62 =	vbroadcast v60, $0xF  }
0x119: {  	v0 =	vsel vm12, v0, v61  }
0x11a: {  	v63, _, _ =	vpop (xrf2);
	v0 =	vsel vm13, v0, v62  }
0x11b: {  	v0 =	vsel vm14, v0, v63  }
0x11c: {  	v0 =	vsub.f32 $0.0e+00, v0;
	_ =	sdelay $0x1  }
0x11d: {  	v0 =	vmul.f32 $1.442695020e+00, v0;
	_ =	sdelay $0x1  }
0x11e: {  	(erf) = vpow2.f32 v0;
	_ =	sdelay $0x8  }
0x11f: {  	v0 =	vpop (erf)  }
0x120: {  	v0 =	vadd.f32 $1.000000000e+00, v0;
	_ =	sdelay $0x1  }
0x121: {  	(erf) = vrcp.f32 v0;
	_ =	sdelay $0x4  }
0x122: {  	p0 =	sne.s32 s8, $0x8000  }
.Ltmp0:
0x123: {  	_ = 	snop;
	(pc) =	sbr.rel @p0 .LBB2_3-.Ltmp0, $3  }
0x124: {  	_ =	sdelay $0x1  }
0x125: {  	s31 =	sadd.s32 $0x10, s31;
	v0 =	vpop (erf)  }
0x126: {  	s30 =	sadd.s32 $0x10, s30;
	s8 =	sadd.s32 $0x2000, s8;
	[tilespmem:s4+$0x0] =	vst v0;
	s4 =	sadd.s32 $0x10, s4  }
0x127: {  	v0 =	vld [tilespmem:s7+$0x9D40];
	_ =	sdelay $0x4  }
0x128: {  	v0 =	vshrl.u32 v0, $0x1  }
0x129: {  	[tilespmem:$0x11C40] =	vst v0  }
0x12a: {  	v0 =	vld [tilespmem:s7+$0xDD40];
	_ =	sdelay $0x4  }
0x12b: {  	v0 =	vshrl.u32 v0, $0x1  }
0x12c: {  	[tilespmem:$0x11CC0] =	vst v0  }
0x12d: {  	v0 =	vld [tilespmem:s7+$0x9D50];
	_ =	sdelay $0x4  }
0x12e: {  	v0 =	vshrl.u32 v0, $0x1  }
0x12f: {  	[tilespmem:$0x11C50] =	vst v0  }
0x130: {  	v0 =	vld [tilespmem:s7+$0xDD50];
	_ =	sdelay $0x4  }
0x131: {  	v0 =	vshrl.u32 v0, $0x1  }
0x132: {  	[tilespmem:$0x11CD0] =	vst v0  }
0x133: {  	v0 =	vld [tilespmem:s7+$0x9D60];
	_ =	sdelay $0x4  }
0x134: {  	v0 =	vshrl.u32 v0, $0x1  }
0x135: {  	[tilespmem:$0x11C60] =	vst v0  }
0x136: {  	v0 =	vld [tilespmem:s7+$0xDD60];
	_ =	sdelay $0x4  }
0x137: {  	v0 =	vshrl.u32 v0, $0x1  }
0x138: {  	[tilespmem:$0x11CE0] =	vst v0  }
0x139: {  	v0 =	vld [tilespmem:s7+$0x9D70];
	_ =	sdelay $0x4  }
0x13a: {  	v0 =	vshrl.u32 v0, $0x1  }
0x13b: {  	[tilespmem:$0x11C70] =	vst v0  }
0x13c: {  	v0 =	vld [tilespmem:s7+$0xDD70];
	_ =	sdelay $0x4  }
0x13d: {  	v0 =	vshrl.u32 v0, $0x1  }
0x13e: {  	[tilespmem:$0x11CF0] =	vst v0  }
0x13f: {  	v0 =	vld [tilespmem:s7+$0x9D80];
	_ =	sdelay $0x4  }
0x140: {  	v0 =	vshrl.u32 v0, $0x1  }
0x141: {  	[tilespmem:$0x11C80] =	vst v0  }
0x142: {  	v0 =	vld [tilespmem:s7+$0xDD80];
	_ =	sdelay $0x4  }
0x143: {  	v0 =	vshrl.u32 v0, $0x1  }
0x144: {  	[tilespmem:$0x11D00] =	vst v0  }
0x145: {  	[tilespmem:s16], [sflag:$0x1] =	stream.indirect.gather [spmem:s2], $0x80, s15, s14, $0xb8;
	[tilespmem:$0x1E5C0] =	vst v63  }
0x146: {  	_ = 	snop  }
0x147: {  	[tilespmem:s18], [sflag:$0x2] =	stream.indirect.gather [spmem:s2], $0x80, s17, s14, $0xb8;
	[tilespmem:$0x1E5C0] =	vst v63  }
0x148: {  	_ =	swait.ge [sflag:s25], $0x2800  }
0x149: {  	[sflag:s25] =	ssyncset.done $0x0  }
0x14a: {  	[sflag:s25] =	ssyncadd.s32 $0xFFFFD800  }
0x14b: {  	_ =	swait.ge [sflag:s26], $0x2800  }
0x14c: {  	s4 =	smov.u32 s28;
	s8 =	smov.u32 s0;
	[sflag:s26] =	ssyncset.done $0x0  }
0x14d: {  	s30 =	smov.u32 s1;
	s7 =	simm.s32 $0x0;
	[sflag:s26] =	ssyncadd.s32 $0xFFFFD800  }
.LBB2_5:
0x14e: {  	v0 =	vld [tilespmem:s30+$0x0];
	_ =	sdelay $0x1  }
0x14f: {  	v1 =	vld [tilespmem:s8+$0x0];
	_ =	sdelay $0x2  }
0x150: {  	v0 =	vshll.u32 v0, $0x6  }
0x151: {  	s3 =	sshra.s32 s7, $0x2;
	v0 =	vand.u32 $0x40, v0  }
0x152: {  	v1 =	vshll.u32 v1, $0x6;
	v0 =	vadd.s32 s3, v0  }
0x153: {  	v2 =	vand.u32 $0x40, v1;
	v1 =	vadd.s32 $0x16E40, v0  }
0x154: {  	(v2sf) =	vpush v1, $0x1;
	_ =	sdelay $0x1  }
0x155: {  	(v2sf) =	vpush v1, $0x0;
	_ =	sdelay $0x2  }
0x156: {  	v21 =	vadd.s32 s3, v2  }
0x157: {  	v0 =	vadd.s32 $0x19640, v21  }
0x158: {  	(v2sf) =	vpush v0, $0x1;
	_ =	sdelay $0x2  }
0x159: {  	(v2sf) =	vpush v0, $0x0;
	_ =	sdelay $0x4  }
0x15a: {  	s31 =	spop (v2sf)  }
0x15b: {  	(v2sf) =	vpush v1, $0x3;
	v36 =	vld [tilespmem:s31+$0x80]  }
0x15c: {  	s5 =	spop (v2sf);
	(v2sf) =	vpush v1, $0x2;
	v38 =	vld [tilespmem:s31+$0x90]  }
0x15d: {  	v40 =	vld [tilespmem:s31+$0xA0]  }
0x15e: {  	v42 =	vld [tilespmem:s31+$0xB0]  }
0x15f: {  	v2 =	vld [tilespmem:s5+$0x0]  }
0x160: {  	v6 =	vld [tilespmem:s5+$0x10]  }
0x161: {  	s12 =	spop (v2sf);
	(v2sf) =	vpush v0, $0x3;
	v15 =	vld [tilespmem:s5+$0x20]  }
0x162: {  	v34 =	vld [tilespmem:s5+$0x30]  }
0x163: {  	v37 =	vld [tilespmem:s12+$0x80]  }
0x164: {  	s13 =	spop (v2sf);
	(v2sf) =	vpush v0, $0x2;
	v39 =	vld [tilespmem:s12+$0x90]  }
0x165: {  	v41 =	vld [tilespmem:s12+$0xA0]  }
0x166: {  	v43 =	vld [tilespmem:s12+$0xB0]  }
0x167: {  	v3 =	vld [tilespmem:s13+$0x0]  }
0x168: {  	v12 =	vld [tilespmem:s13+$0x10]  }
0x169: {  	v19 =	vld [tilespmem:s13+$0x20]  }
0x16a: {  	v35 =	vld [tilespmem:s13+$0x30];
	s5 =	spop (v2sf);
	(v2sf) =	vpush v1, $0x5  }
0x16b: {  	s13 =	spop (v2sf);
	(v2sf) =	vpush v1, $0x4;
	v52 =	vld [tilespmem:s5+$0x180]  }
0x16c: {  	v54 =	vld [tilespmem:s5+$0x190]  }
0x16d: {  	v56 =	vld [tilespmem:s5+$0x1A0]  }
0x16e: {  	v58 =	vld [tilespmem:s5+$0x1B0]  }
0x16f: {  	v44 =	vld [tilespmem:s13+$0x100]  }
0x170: {  	s29 =	spop (v2sf);
	(v2sf) =	vpush v0, $0x5;
	v46 =	vld [tilespmem:s13+$0x110]  }
0x171: {  	v48 =	vld [tilespmem:s13+$0x120]  }
0x172: {  	v50 =	vld [tilespmem:s13+$0x130]  }
0x173: {  	s31 =	spop (v2sf);
	(v2sf) =	vpush v0, $0x4;
	v53 =	vld [tilespmem:s29+$0x180]  }
0x174: {  	v55 =	vld [tilespmem:s29+$0x190]  }
0x175: {  	v57 =	vld [tilespmem:s29+$0x1A0]  }
0x176: {  	v59 =	vld [tilespmem:s29+$0x1B0]  }
0x177: {  	v45 =	vld [tilespmem:s31+$0x100]  }
0x178: {  	v47 =	vld [tilespmem:s31+$0x110]  }
0x179: {  	v49 =	vld [tilespmem:s31+$0x120];
	s3 =	spop (v2sf);
	(v2sf) =	vpush v1, $0x7  }
0x17a: {  	v51 =	vld [tilespmem:s31+$0x130];
	s13 =	spop (v2sf);
	(v2sf) =	vpush v1, $0x6  }
0x17b: {  	v9 =	vld [tilespmem:s3+$0x280]  }
0x17c: {  	v24 =	vld [tilespmem:s3+$0x290]  }
0x17d: {  	v22 =	vld [tilespmem:s3+$0x2A0]  }
0x17e: {  	v60 =	vld [tilespmem:s13+$0x200]  }
0x17f: {  	s29 =	spop (v2sf);
	(v2sf) =	vpush v0, $0x7;
	v62 =	vld [tilespmem:s13+$0x210]  }
0x180: {  	v8 =	vld [tilespmem:s13+$0x220]  }
0x181: {  	v5 =	vld [tilespmem:s13+$0x230]  }
0x182: {  	s31 =	spop (v2sf);
	(v2sf) =	vpush v0, $0x6;
	v23 =	vld [tilespmem:s29+$0x280]  }
0x183: {  	v29 =	vld [tilespmem:s29+$0x290]  }
0x184: {  	v25 =	vld [tilespmem:s29+$0x2A0]  }
0x185: {  	v16 =	vld [tilespmem:s29+$0x2B0]  }
0x186: {  	v61 =	vld [tilespmem:s31+$0x200]  }
0x187: {  	v63 =	vld [tilespmem:s31+$0x210]  }
0x188: {  	v7 =	vld [tilespmem:s31+$0x220];
	s5 =	spop (v2sf);
	(v2sf) =	vpush v1, $0x9  }
0x189: {  	v4 =	vld [tilespmem:s31+$0x230];
	s13 =	spop (v2sf);
	(v2sf) =	vpush v1, $0x8  }
0x18a: {  	[tilespmem:$0x1FE40] =	vst v25;
	v25 =	vld [tilespmem:s3+$0x2B0]  }
0x18b: {  	v20 =	vld [tilespmem:s5+$0x380]  }
0x18c: {  	v27 =	vld [tilespmem:s5+$0x390]  }
0x18d: {  	v31 =	vld [tilespmem:s5+$0x3A0]  }
0x18e: {  	v33 =	vld [tilespmem:s5+$0x3B0];
	s12 =	spop (v2sf);
	(v2sf) =	vpush v0, $0x9  }
0x18f: {  	v30 =	vld [tilespmem:s13+$0x300]  }
0x190: {  	v14 =	vld [tilespmem:s13+$0x310]  }
0x191: {  	v11 =	vld [tilespmem:s13+$0x320];
	s29 =	spop (v2sf);
	(v2sf) =	vpush v0, $0x8  }
0x192: {  	v18 =	vld [tilespmem:s13+$0x330]  }
0x193: {  	v26 =	vld [tilespmem:s12+$0x380]  }
0x194: {  	v28 =	vld [tilespmem:s12+$0x390]  }
0x195: {  	v32 =	vld [tilespmem:s12+$0x3A0]  }
0x196: {  	v13 =	vld [tilespmem:s29+$0x300]  }
0x197: {  	v10 =	vld [tilespmem:s29+$0x310];
	s3 =	spop (v2sf)  }
0x198: {  	[tilespmem:$0x1FE20] =	vst v9;
	v9 =	vld [tilespmem:s29+$0x320];
	(v2sf) =	vpush v1, $0xB;
	s31 =	spop (v2sf)  }
0x199: {  	[tilespmem:$0x1FE30] =	vst v22;
	(v2sf) =	vpush v1, $0xA;
	v22 =	vld [tilespmem:s31+$0x430]  }
0x19a: {  	v17 =	vld [tilespmem:s29+$0x330]  }
0x19b: {  	[tilespmem:$0x1FE90] =	vst v31;
	v31 =	vld [tilespmem:s12+$0x3B0]  }
0x19c: {  	v19 =	vmul.bf16 v19, v15;
	v15 =	vld [tilespmem:s3+$0x4B0]  }
0x19d: {  	[tilespmem:$0x1FE60] =	vst v26;
	s29 =	spop (v2sf);
	(v2sf) =	vpush v0, $0xB;
	v26 =	vld [tilespmem:s31+$0x400]  }
0x19e: {  	[tilespmem:$0x1FEC0] =	vst v22;
	v22 =	vld [tilespmem:s3+$0x480]  }
0x19f: {  	v34 =	vmul.bf16 v35, v34;
	[tilespmem:$0x1FE70] =	vst v27;
	v27 =	vld [tilespmem:s31+$0x410]  }
0x1a0: {  	[tilespmem:$0x1FEB0] =	vst v33;
	v33 =	vld [tilespmem:s31+$0x420];
	s12 =	spop (v2sf);
	(v2sf) =	vpush v0, $0xA  }
0x1a1: {  	v2 =	vmul.bf16 v3, v2;
	v3 =	vadd.bf16 v34, v19;
	v34 =	vld [tilespmem:s29+$0x4B0]  }
0x1a2: {  	v21 =	vld [tilespmem:s12+$0x420]  }
0x1a3: {  	[tilespmem:$0x1FED0] =	vst v22;
	v22 =	vld [tilespmem:s29+$0x480]  }
0x1a4: {  	[tilespmem:$0x1FE50] =	vst v20;
	v20 =	vld [tilespmem:s12+$0x400]  }
0x1a5: {  	[tilespmem:$0x1FEA0] =	vst v32;
	v32 =	vld [tilespmem:s12+$0x410]  }
0x1a6: {  	[tilespmem:$0x1FE80] =	vst v28;
	v28 =	vld [tilespmem:s12+$0x430]  }
0x1a7: {  	v21 =	vmul.bf16 v21, v33;
	v33 =	vld [tilespmem:$0x1FED0];
	s13 =	spop (v2sf);
	(v2sf) =	vpush v1, $0xD  }
0x1a8: {  	v35 =	vmul.bf16 v39, v38;
	v19 =	vmul.bf16 v37, v36;
	s12 =	spop (v2sf);
	[tilespmem:$0x1FEE0] =	vst v22;
	v22 =	vld [tilespmem:s3+$0x490]  }
0x1a9: {  	v37 =	vmul.bf16 v41, v40;
	(v2sf) =	vpush v1, $0xC;
	v36 =	vld [tilespmem:s12+$0x500]  }
0x1aa: {  	v19 =	vadd.bf16 v35, v19;
	v35 =	vmul.bf16 v45, v44;
	v40 =	vmul.bf16 v47, v46;
	v41 =	vld [tilespmem:s12+$0x510]  }
0x1ab: {  	v45 =	vld [tilespmem:s12+$0x520]  }
0x1ac: {  	v35 =	vadd.bf16 v40, v35;
	s5 =	spop (v2sf);
	v40 =	vld [tilespmem:s12+$0x530]  }
0x1ad: {  	v46 =	vld [tilespmem:s5+$0x590]  }
0x1ae: {  	[tilespmem:$0x1FEF0] =	vst v22;
	v22 =	vld [tilespmem:s29+$0x490]  }
0x1af: {  	v4 =	vmul.bf16 v4, v5;
	s31 =	spop (v2sf);
	v5 =	vld [tilespmem:s5+$0x5A0]  }
0x1b0: {  	v39 =	vld [tilespmem:s31+$0x500]  }
0x1b1: {  	v47 =	vld [tilespmem:s31+$0x520]  }
0x1b2: {  	v44 =	vld [tilespmem:s31+$0x530]  }
0x1b3: {  	(v2sf) =	vpush v0, $0xD;
	[tilespmem:$0x1FF00] =	vst v22;
	v22 =	vmul.bf16 v12, v6;
	v6 =	vld [tilespmem:s3+$0x4A0]  }
0x1b4: {  	v38 =	vmul.bf16 v49, v48;
	v48 =	vmul.bf16 v53, v52;
	(v2sf) =	vpush v0, $0xC;
	v12 =	vld [tilespmem:s29+$0x4A0]  }
0x1b5: {  	v49 =	vmul.bf16 v55, v54;
	v2 =	vadd.bf16 v22, v2;
	v22 =	vmul.bf16 v43, v42;
	v43 =	vld [tilespmem:s31+$0x510]  }
0x1b6: {  	v42 =	vld [tilespmem:s5+$0x580];
	s3 =	spop (v2sf);
	(v2sf) =	vpush v1, $0xF  }
0x1b7: {  	v30 =	vmul.bf16 v13, v30;
	v2 =	vadd.bf16 v3, v2;
	v3 =	vadd.bf16 v49, v48;
	v48 =	vld [tilespmem:s13+$0x590]  }
0x1b8: {  	v37 =	vadd.bf16 v22, v37;
	v22 =	vmul.bf16 v51, v50;
	s29 =	spop (v2sf);
	(v2sf) =	vpush v1, $0xE;
	v1 =	vld [tilespmem:s5+$0x5B0]  }
0x1b9: {  	v50 =	vmul.bf16 v57, v56;
	v56 =	vmul.bf16 v61, v60;
	v60 =	vld [tilespmem:$0x1FE20]  }
0x1ba: {  	v10 =	vmul.bf16 v10, v14;
	v57 =	vmul.bf16 v63, v62;
	v62 =	vld [tilespmem:$0x1FE30]  }
0x1bb: {  	v63 =	vld [tilespmem:$0x1FE40]  }
0x1bc: {  	v7 =	vmul.bf16 v7, v8;
	v8 =	vadd.bf16 v10, v30;
	v30 =	vld [tilespmem:s3+$0x680]  }
0x1bd: {  	v61 =	vmul.bf16 v29, v24;
	v24 =	vld [tilespmem:s29+$0x600]  }
0x1be: {  	v51 =	vmul.bf16 v59, v58;
	v13 =	vld [tilespmem:s29+$0x610]  }
0x1bf: {  	v17 =	vmul.bf16 v17, v18;
	v18 =	vld [tilespmem:s29+$0x620]  }
0x1c0: {  	v52 =	vadd.bf16 v51, v50;
	v51 =	vld [tilespmem:s13+$0x5A0]  }
0x1c1: {  	v50 =	vld [tilespmem:$0x1FE50]  }
0x1c2: {  	s5 =	spop (v2sf);
	v59 =	vadd.bf16 v57, v56;
	v56 =	vld [tilespmem:$0x1FE90]  }
0x1c3: {  	(v2sf) =	vpush v0, $0xF;
	s31 =	spop (v2sf);
	v57 =	vld [tilespmem:$0x1FEA0]  }
0x1c4: {  	(v2sf) =	vpush v0, $0xE;
	v0 =	vld [tilespmem:s31+$0x600]  }
0x1c5: {  	v9 =	vmul.bf16 v9, v11;
	v11 =	vld [tilespmem:s31+$0x610]  }
0x1c6: {  	v38 =	vadd.bf16 v22, v38;
	v14 =	vld [tilespmem:s31+$0x620]  }
0x1c7: {  	v16 =	vmul.bf16 v16, v25;
	v37 =	vadd.bf16 v37, v19;
	v25 =	vld [tilespmem:s31+$0x630]  }
0x1c8: {  	v4 =	vadd.bf16 v4, v7;
	v53 =	vunpack.i.u.bf16.f32 v2;
	v35 =	vadd.bf16 v38, v35;
	v38 =	vld [tilespmem:s13+$0x580]  }
0x1c9: {  	v3 =	vadd.bf16 v52, v3;
	v54 =	vunpack.i.u.bf16.f32 v37;
	v37 =	vunpack.i.l.bf16.f32 v37;
	v52 =	vld [tilespmem:$0x1FE60]  }
0x1ca: {  	v2 =	vunpack.i.l.bf16.f32 v2;
	v37 =	vadd.f32 v37, v54;
	v29 =	vmul.bf16 v63, v62;
	v54 =	vld [tilespmem:$0x1FE70]  }
0x1cb: {  	v62 =	vmul.bf16 v32, v27;
	v32 =	vld [tilespmem:$0x1FEC0];
	v55 =	vunpack.i.u.bf16.f32 v35;
	v35 =	vunpack.i.l.bf16.f32 v35  }
0x1cc: {  	v19 =	vadd.f32 v2, v53;
	v2 =	vadd.f32 v35, v55;
	v35 =	vld [tilespmem:s13+$0x5B0]  }
0x1cd: {  	v7 =	vmul.bf16 v23, v60;
	v58 =	vunpack.i.u.bf16.f32 v3;
	v3 =	vunpack.i.l.bf16.f32 v3;
	v55 =	vld [tilespmem:$0x1FE80]  }
0x1ce: {  	v4 =	vadd.bf16 v4, v59;
	v3 =	vadd.f32 v3, v58;
	v58 =	vld [tilespmem:$0x1FEB0]  }
0x1cf: {  	v7 =	vadd.bf16 v61, v7;
	v61 =	vmul.bf16 v20, v26;
	v20 =	vld [tilespmem:s5+$0x680]  }
0x1d0: {  	v49 =	vunpack.i.u.bf16.f32 v4;
	v4 =	vunpack.i.l.bf16.f32 v4;
	v16 =	vadd.bf16 v16, v29;
	v26 =	vld [tilespmem:s3+$0x690]  }
0x1d1: {  	v9 =	vadd.bf16 v17, v9;
	v4 =	vadd.f32 v4, v49;
	v49 =	vld [tilespmem:$0x1FEE0]  }
0x1d2: {  	v7 =	vadd.bf16 v16, v7;
	v16 =	vld [tilespmem:s29+$0x630]  }
0x1d3: {  	v8 =	vadd.bf16 v9, v8;
	v10 =	vmul.bf16 v52, v50;
	v52 =	vld [tilespmem:$0x1FEF0]  }
0x1d4: {  	v22 =	vmul.bf16 v28, v32;
	v28 =	vld [tilespmem:s5+$0x690];
	v53 =	vunpack.i.u.bf16.f32 v7;
	v7 =	vunpack.i.l.bf16.f32 v7  }
0x1d5: {  	v6 =	vmul.bf16 v12, v6;
	v7 =	vadd.f32 v7, v53;
	v53 =	vld [tilespmem:$0x1FF00]  }
0x1d6: {  	v63 =	vunpack.i.u.bf16.f32 v8;
	v23 =	vmul.bf16 v55, v54;
	v59 =	vmul.bf16 v31, v58;
	v31 =	vld [tilespmem:s3+$0x6B0]  }
0x1d7: {  	v8 =	vunpack.i.l.bf16.f32 v8;
	v17 =	vmul.bf16 v57, v56;
	v54 =	vmul.bf16 v34, v15;
	v15 =	vld [tilespmem:s5+$0x6B0]  }
0x1d8: {  	v56 =	vmul.bf16 v39, v36;
	v57 =	vmul.bf16 v43, v41;
	v60 =	vadd.bf16 v23, v10;
	s13 =	spop (v2sf);
	v23 =	vld [tilespmem:s5+$0x6A0]  }
0x1d9: {  	v21 =	vadd.bf16 v22, v21;
	v22 =	vmul.bf16 v49, v33;
	v17 =	vadd.bf16 v59, v17;
	v49 =	vld [tilespmem:s13+$0x780]  }
0x1da: {  	(xrf2) =	vadd.scan.msk.f32 $0xffff, v19;
	v0 =	vmul.bf16 v0, v24;
	v11 =	vmul.bf16 v11, v13;
	v12 =	vadd.bf16 v57, v56;
	v56 =	vld [tilespmem:s13+$0x7A0]  }
0x1db: {  	v8 =	vadd.f32 v8, v63;
	v5 =	vmul.bf16 v5, v51;
	s12 =	spop (v2sf);
	v9 =	vadd.bf16 v17, v60;
	v17 =	vld [tilespmem:s3+$0x6A0]  }
0x1dc: {  	v14 =	vmul.bf16 v14, v18;
	v63 =	vmul.bf16 v42, v38;
	v0 =	vadd.bf16 v11, v0;
	v27 =	vld [tilespmem:s12+$0x700]  }
0x1dd: {  	v58 =	vmul.bf16 v47, v45;
	v1 =	vmul.bf16 v1, v35;
	v10 =	vadd.bf16 v62, v61;
	v36 =	vld [tilespmem:s12+$0x710]  }
0x1de: {  	v6 =	vadd.bf16 v54, v6;
	v61 =	vmul.bf16 v44, v40;
	v44 =	vmul.bf16 v46, v48;
	v42 =	vld [tilespmem:s12+$0x720]  }
0x1df: {  	v16 =	vmul.bf16 v25, v16;
	v1 =	vadd.bf16 v1, v5;
	v54 =	vmul.bf16 v20, v30;
	v46 =	vld [tilespmem:s12+$0x730]  }
0x1e0: {  	s29 =	spop (v2sf);
	v10 =	vadd.bf16 v21, v10;
	v62 =	vadd.bf16 v61, v58;
	v29 =	vmul.bf16 v53, v52;
	v52 =	vld [tilespmem:s13+$0x790]  }
0x1e1: {  	v48 =	vadd.bf16 v44, v63;
	v14 =	vadd.bf16 v16, v14;
	v53 =	vld [tilespmem:s29+$0x790];
	v58 =	vmul.bf16 v15, v31  }
0x1e2: {  	s31 =	spop (v2sf);
	v57 =	vld [tilespmem:s29+$0x7A0];
	v50 =	vunpack.i.u.bf16.f32 v9;
	v9 =	vunpack.i.l.bf16.f32 v9;
	v12 =	vadd.bf16 v62, v12  }
0x1e3: {  	v59 =	vld [tilespmem:s31+$0x700];
	v60 =	vunpack.i.u.bf16.f32 v10;
	v1 =	vadd.bf16 v1, v48;
	v0 =	vadd.bf16 v14, v0  }
0x1e4: {  	(xrf2) =	vadd.scan.msk.f32 $0xffff, v37;
	v25, _, _ =	vpop (xrf2);
	v10 =	vunpack.i.l.bf16.f32 v10;
	v21 =	vld [tilespmem:s31+$0x710];
	v9 =	vadd.f32 v9, v50;
	v55 =	vadd.bf16 v29, v22  }
0x1e5: {  	v45 =	vld [tilespmem:s31+$0x720];
	v10 =	vadd.f32 v10, v60;
	v29 =	vbroadcast v25, $0xF;
	v51 =	vunpack.i.u.bf16.f32 v12  }
0x1e6: {  	v47 =	vld [tilespmem:s31+$0x730];
	v12 =	vunpack.i.l.bf16.f32 v12;
	v22 =	vunpack.i.u.bf16.f32 v1;
	v1 =	vunpack.i.l.bf16.f32 v1  }
0x1e7: {  	v62 =	vld [tilespmem:s29+$0x7B0];
	v61 =	vunpack.i.u.bf16.f32 v0;
	v0 =	vunpack.i.l.bf16.f32 v0;
	v6 =	vadd.bf16 v6, v55  }
0x1e8: {  	(xrf2) =	vadd.scan.msk.f32 $0xffff, v2;
	v60 =	vld [tilespmem:s13+$0x7B0];
	v11 =	vadd.f32 v12, v51;
	v55 =	vmul.bf16 v28, v26;
	v17 =	vmul.bf16 v23, v17  }
0x1e9: {  	(xrf2) =	vadd.scan.msk.f32 $0xffff, v3;
	v50 =	vld [tilespmem:s29+$0x780];
	v1 =	vadd.f32 v1, v22;
	v0 =	vadd.f32 v0, v61;
	v43 =	vunpack.i.u.bf16.f32 v6  }
0x1ea: {  	(xrf2) =	vadd.scan.msk.f32 $0xffff, v4;
	v6 =	vunpack.i.l.bf16.f32 v6;
	v59 =	vmul.bf16 v59, v27;
	v21 =	vmul.bf16 v21, v36  }
0x1eb: {  	(xrf2) =	vadd.scan.msk.f32 $0xffff, v7;
	v63 =	vmul.bf16 v45, v42;
	v13 =	vmul.bf16 v47, v46;
	v14 =	vadd.bf16 v55, v54  }
0x1ec: {  	(xrf2) =	vadd.scan.msk.f32 $0xffff, v8;
	v26 =	vmul.bf16 v57, v56;
	v2 =	vadd.bf16 v58, v17;
	v6 =	vadd.f32 v6, v43  }
0x1ed: {  	(xrf2) =	vadd.scan.msk.f32 $0xffff, v9;
	v27 =	vmul.bf16 v62, v60;
	v17 =	vadd.bf16 v21, v59;
	v3 =	vadd.bf16 v13, v63  }
0x1ee: {  	v28, _, _ =	vpop (xrf2);
	(xrf2) =	vadd.scan.msk.f32 $0xffff, v10;
	v19 =	vmul.bf16 v50, v49;
	v2 =	vadd.bf16 v2, v14;
	v21 =	vmul.bf16 v53, v52  }
0x1ef: {  	v30 =	vbroadcast v28, $0xF;
	(xrf2) =	vadd.scan.msk.f32 $0xffff, v6;
	v31 =	vadd.bf16 v27, v26;
	v3 =	vadd.bf16 v3, v17  }
0x1f0: {  	v4 =	vadd.bf16 v21, v19;
	(xrf2) =	vadd.scan.msk.f32 $0xffff, v11;
	v32 =	vunpack.i.u.bf16.f32 v2;
	v2 =	vunpack.i.l.bf16.f32 v2  }
0x1f1: {  	(xrf2) =	vadd.scan.msk.f32 $0xffff, v1;
	v33 =	vadd.f32 v2, v32;
	v34 =	vunpack.i.u.bf16.f32 v3;
	v3 =	vunpack.i.l.bf16.f32 v3  }
0x1f2: {  	v35, _, _ =	vpop (xrf2);
	(xrf2) =	vadd.scan.msk.f32 $0xffff, v0;
	v37 =	vadd.bf16 v31, v4;
	v36 =	vadd.f32 v3, v34  }
0x1f3: {  	v39 =	vbroadcast v35, $0xF;
	v40, _, _ =	vpop (xrf2);
	v38 =	vsel vm0, v29, v30;
	(xrf2) =	vadd.scan.msk.f32 $0xffff, v33  }
0x1f4: {  	v41 =	vbroadcast v40, $0xF;
	v42, _, _ =	vpop (xrf2);
	v43 =	vunpack.i.u.bf16.f32 v37;
	v2 =	vunpack.i.l.bf16.f32 v37;
	(xrf2) =	vadd.scan.msk.f32 $0xffff, v36  }
0x1f5: {  	v44, _, _ =	vpop (xrf2);
	v45 =	vbroadcast v42, $0xF;
	v3 =	vsel vm1, v38, v39;
	v0 =	vadd.f32 v2, v43  }
0x1f6: {  	v46, _, _ =	vpop (xrf2);
	v47 =	vbroadcast v44, $0xF;
	v1 =	vsel vm2, v3, v41  }
0x1f7: {  	v48, _, _ =	vpop (xrf2);
	v1 =	vsel vm3, v1, v45;
	v2 =	vbroadcast v46, $0xF;
	(xrf2) =	vadd.scan.msk.f32 $0xffff, v0  }
0x1f8: {  	v49, _, _ =	vpop (xrf2);
	v50 =	vbroadcast v48, $0xF;
	v1 =	vsel vm4, v1, v47  }
0x1f9: {  	v1 =	vsel vm5, v1, v2;
	v0 =	vbroadcast v49, $0xF;
	v51, _, _ =	vpop (xrf2)  }
0x1fa: {  	v1 =	vsel vm6, v1, v50;
	v52, _, _ =	vpop (xrf2);
	v53 =	vbroadcast v51, $0xF  }
0x1fb: {  	v0 =	vsel vm7, v1, v0;
	v54, _, _ =	vpop (xrf2);
	v55 =	vbroadcast v52, $0xF  }
0x1fc: {  	v56, _, _ =	vpop (xrf2);
	v0 =	vsel vm8, v0, v53;
	v57 =	vbroadcast v54, $0xF  }
0x1fd: {  	v58, _, _ =	vpop (xrf2);
	v0 =	vsel vm9, v0, v55;
	v59 =	vbroadcast v56, $0xF  }
0x1fe: {  	v0 =	vsel vm10, v0, v57;
	v61 =	vbroadcast v58, $0xF;
	v60, _, _ =	vpop (xrf2)  }
0x1ff: {  	v0 =	vsel vm11, v0, v59;
	v62 =	vbroadcast v60, $0xF  }
0x200: {  	v0 =	vsel vm12, v0, v61  }
0x201: {  	v63, _, _ =	vpop (xrf2);
	v0 =	vsel vm13, v0, v62  }
0x202: {  	v0 =	vsel vm14, v0, v63  }
0x203: {  	v0 =	vsub.f32 $0.0e+00, v0;
	_ =	sdelay $0x1  }
0x204: {  	v0 =	vmul.f32 $1.442695020e+00, v0;
	_ =	sdelay $0x1  }
0x205: {  	(erf) = vpow2.f32 v0;
	_ =	sdelay $0x8  }
0x206: {  	v0 =	vpop (erf)  }
0x207: {  	v0 =	vadd.f32 $1.000000000e+00, v0;
	_ =	sdelay $0x1  }
0x208: {  	(erf) = vrcp.f32 v0;
	_ =	sdelay $0x4  }
0x209: {  	p0 =	sne.s32 s7, $0x8000  }
.Ltmp1:
0x20a: {  	_ = 	snop;
	(pc) =	sbr.rel @p0 .LBB2_5-.Ltmp1, $3  }
0x20b: {  	_ =	sdelay $0x1  }
0x20c: {  	s30 =	sadd.s32 $0x10, s30;
	v0 =	vpop (erf)  }
0x20d: {  	s8 =	sadd.s32 $0x10, s8;
	s7 =	sadd.s32 $0x2000, s7;
	[tilespmem:s4+$0x0] =	vst v0;
	s4 =	sadd.s32 $0x10, s4  }
0x20e: {  	s6 =	sadd.s32 $0x1, s6  }
0x20f: {  	p0 =	sne.s32 s6, $0x3E  }
.Ltmp2:
0x210: {  	_ = 	snop;
	(pc) =	sbr.rel @p0 .LBB2_2-.Ltmp2, $3  }
0x211: {  	_ =	sdelay $0x1  }
0x212: {  	s11 =	sadd.s32 $0x100, s11;
	s10 =	sadd.s32 $0x100, s10;
	s9 =	sadd.s32 $0xA0, s9  }
0x213: {  	s1 =	sadd.s32 $0x100, s1;
	s0 =	sadd.s32 $0x100, s0;
	s28 =	sadd.s32 $0xA0, s28  }
0x214: {  	_ =	swait.ge [sflag:s23], $0x2800  }
0x215: {  	[sflag:s23] =	ssyncset.done $0x0  }
0x216: {  	[sflag:s23] =	ssyncadd.s32 $0xFFFFD800  }
0x217: {  	_ =	swait.ge [sflag:s24], $0x2800  }
0x218: {  	s0 =	simm.s32 $0x0;
	s1 =	simm.s32 $0xDA40;
	[sflag:s24] =	ssyncset.done $0x0  }
0x219: {  	s4 =	simm.s32 $0x11A40;
	s6 =	simm.s32 $0x1E500;
	[sflag:s24] =	ssyncadd.s32 $0xFFFFD800  }
.LBB2_8:
0x21a: {  	v0 =	vld [tilespmem:s1+$0x0];
	_ =	sdelay $0x1  }
0x21b: {  	v1 =	vld [tilespmem:s4+$0x0];
	_ =	sdelay $0x2  }
0x21c: {  	v0 =	vshll.u32 v0, $0x6  }
0x21d: {  	s3 =	sshra.s32 s0, $0x2;
	v0 =	vand.u32 $0x40, v0  }
0x21e: {  	v1 =	vshll.u32 v1, $0x6;
	v0 =	vadd.s32 s3, v0  }
0x21f: {  	v2 =	vand.u32 $0x40, v1;
	v1 =	vadd.s32 $0x11E40, v0  }
0x220: {  	(v2sf) =	vpush v1, $0x1  }
0x221: {  	(v2sf) =	vpush v1, $0x0;
	_ =	sdelay $0x5  }
0x222: {  	v21 =	vadd.s32 s3, v2  }
0x223: {  	v0 =	vadd.s32 $0x14640, v21  }
0x224: {  	(v2sf) =	vpush v0, $0x1;
	_ =	sdelay $0x3  }
0x225: {  	(v2sf) =	vpush v0, $0x0;
	_ =	sdelay $0x1  }
0x226: {  	s31 =	spop (v2sf);
	(v2sf) =	vpush v1, $0x3  }
0x227: {  	s5 =	spop (v2sf);
	(v2sf) =	vpush v1, $0x2  }
0x228: {  	v36 =	vld [tilespmem:s31+$0x80]  }
0x229: {  	v38 =	vld [tilespmem:s31+$0x90]  }
0x22a: {  	v40 =	vld [tilespmem:s31+$0xA0]  }
0x22b: {  	v42 =	vld [tilespmem:s31+$0xB0]  }
0x22c: {  	v2 =	vld [tilespmem:s5+$0x0]  }
0x22d: {  	v6 =	vld [tilespmem:s5+$0x10]  }
0x22e: {  	v15 =	vld [tilespmem:s5+$0x20]  }
0x22f: {  	s7 =	spop (v2sf);
	(v2sf) =	vpush v0, $0x3;
	v34 =	vld [tilespmem:s5+$0x30]  }
0x230: {  	v37 =	vld [tilespmem:s7+$0x80]  }
0x231: {  	v39 =	vld [tilespmem:s7+$0x90]  }
0x232: {  	v41 =	vld [tilespmem:s7+$0xA0]  }
0x233: {  	s8 =	spop (v2sf);
	(v2sf) =	vpush v0, $0x2;
	v43 =	vld [tilespmem:s7+$0xB0]  }
0x234: {  	v3 =	vld [tilespmem:s8+$0x0]  }
0x235: {  	v12 =	vld [tilespmem:s8+$0x10];
	s9 =	spop (v2sf);
	(v2sf) =	vpush v1, $0x5  }
0x236: {  	v19 =	vld [tilespmem:s8+$0x20];
	s10 =	spop (v2sf);
	(v2sf) =	vpush v1, $0x4  }
0x237: {  	v35 =	vld [tilespmem:s8+$0x30]  }
0x238: {  	v52 =	vld [tilespmem:s9+$0x180]  }
0x239: {  	v54 =	vld [tilespmem:s9+$0x190]  }
0x23a: {  	v56 =	vld [tilespmem:s9+$0x1A0]  }
0x23b: {  	v58 =	vld [tilespmem:s9+$0x1B0]  }
0x23c: {  	v44 =	vld [tilespmem:s10+$0x100]  }
0x23d: {  	v46 =	vld [tilespmem:s10+$0x110]  }
0x23e: {  	s11 =	spop (v2sf);
	(v2sf) =	vpush v0, $0x5;
	v48 =	vld [tilespmem:s10+$0x120]  }
0x23f: {  	v50 =	vld [tilespmem:s10+$0x130]  }
0x240: {  	v53 =	vld [tilespmem:s11+$0x180]  }
0x241: {  	v55 =	vld [tilespmem:s11+$0x190]  }
0x242: {  	s12 =	spop (v2sf);
	(v2sf) =	vpush v0, $0x4;
	v57 =	vld [tilespmem:s11+$0x1A0]  }
0x243: {  	v59 =	vld [tilespmem:s11+$0x1B0]  }
0x244: {  	v45 =	vld [tilespmem:s12+$0x100];
	s13 =	spop (v2sf);
	(v2sf) =	vpush v1, $0x7  }
0x245: {  	v47 =	vld [tilespmem:s12+$0x110];
	s28 =	spop (v2sf);
	(v2sf) =	vpush v1, $0x6  }
0x246: {  	v49 =	vld [tilespmem:s12+$0x120]  }
0x247: {  	v51 =	vld [tilespmem:s12+$0x130]  }
0x248: {  	v9 =	vld [tilespmem:s13+$0x280]  }
0x249: {  	v24 =	vld [tilespmem:s13+$0x290]  }
0x24a: {  	v22 =	vld [tilespmem:s13+$0x2A0]  }
0x24b: {  	v60 =	vld [tilespmem:s28+$0x200]  }
0x24c: {  	v62 =	vld [tilespmem:s28+$0x210]  }
0x24d: {  	s29 =	spop (v2sf);
	(v2sf) =	vpush v0, $0x7;
	v8 =	vld [tilespmem:s28+$0x220]  }
0x24e: {  	v5 =	vld [tilespmem:s28+$0x230]  }
0x24f: {  	v23 =	vld [tilespmem:s29+$0x280]  }
0x250: {  	v29 =	vld [tilespmem:s29+$0x290]  }
0x251: {  	s30 =	spop (v2sf);
	(v2sf) =	vpush v0, $0x6;
	v25 =	vld [tilespmem:s29+$0x2A0]  }
0x252: {  	v16 =	vld [tilespmem:s29+$0x2B0]  }
0x253: {  	v61 =	vld [tilespmem:s30+$0x200];
	s31 =	spop (v2sf);
	(v2sf) =	vpush v1, $0x9  }
0x254: {  	v63 =	vld [tilespmem:s30+$0x210];
	s9 =	spop (v2sf);
	(v2sf) =	vpush v1, $0x8  }
0x255: {  	v7 =	vld [tilespmem:s30+$0x220]  }
0x256: {  	v4 =	vld [tilespmem:s30+$0x230]  }
0x257: {  	[tilespmem:$0x1FD50] =	vst v25;
	v25 =	vld [tilespmem:s13+$0x2B0]  }
0x258: {  	v20 =	vld [tilespmem:s31+$0x380]  }
0x259: {  	v27 =	vld [tilespmem:s31+$0x390]  }
0x25a: {  	v31 =	vld [tilespmem:s31+$0x3A0]  }
0x25b: {  	v33 =	vld [tilespmem:s31+$0x3B0]  }
0x25c: {  	s10 =	spop (v2sf);
	v30 =	vld [tilespmem:s9+$0x300];
	(v2sf) =	vpush v0, $0x9  }
0x25d: {  	v14 =	vld [tilespmem:s9+$0x310]  }
0x25e: {  	v11 =	vld [tilespmem:s9+$0x320]  }
0x25f: {  	v18 =	vld [tilespmem:s9+$0x330]  }
0x260: {  	s11 =	spop (v2sf);
	(v2sf) =	vpush v0, $0x8;
	v26 =	vld [tilespmem:s10+$0x380]  }
0x261: {  	v28 =	vld [tilespmem:s10+$0x390]  }
0x262: {  	v32 =	vld [tilespmem:s10+$0x3A0];
	s12 =	spop (v2sf)  }
0x263: {  	v13 =	vld [tilespmem:s11+$0x300];
	s13 =	spop (v2sf)  }
0x264: {  	[tilespmem:$0x1FD40] =	vst v22;
	v22 =	vld [tilespmem:s13+$0x430]  }
0x265: {  	v10 =	vld [tilespmem:s11+$0x310];
	(v2sf) =	vpush v1, $0xB  }
0x266: {  	[tilespmem:$0x1FD30] =	vst v9;
	v9 =	vld [tilespmem:s11+$0x320];
	(v2sf) =	vpush v1, $0xA  }
0x267: {  	v17 =	vld [tilespmem:s11+$0x330]  }
0x268: {  	[tilespmem:$0x1FDA0] =	vst v31;
	v31 =	vld [tilespmem:s10+$0x3B0]  }
0x269: {  	[tilespmem:$0x1FDD0] =	vst v22;
	v22 =	vld [tilespmem:s12+$0x480]  }
0x26a: {  	v19 =	vmul.bf16 v19, v15;
	v15 =	vld [tilespmem:s12+$0x4B0]  }
0x26b: {  	[tilespmem:$0x1FD70] =	vst v26;
	s9 =	spop (v2sf);
	(v2sf) =	vpush v0, $0xB;
	v26 =	vld [tilespmem:s13+$0x400]  }
0x26c: {  	[tilespmem:$0x1FD80] =	vst v27;
	v27 =	vld [tilespmem:s13+$0x410]  }
0x26d: {  	v34 =	vmul.bf16 v35, v34;
	[tilespmem:$0x1FDC0] =	vst v33;
	v33 =	vld [tilespmem:s13+$0x420]  }
0x26e: {  	[tilespmem:$0x1FDE0] =	vst v22;
	v22 =	vld [tilespmem:s9+$0x480]  }
0x26f: {  	v2 =	vmul.bf16 v3, v2;
	v3 =	vadd.bf16 v34, v19;
	s28 =	spop (v2sf);
	(v2sf) =	vpush v0, $0xA;
	v34 =	vld [tilespmem:s9+$0x4B0]  }
0x270: {  	v21 =	vld [tilespmem:s28+$0x420]  }
0x271: {  	[tilespmem:$0x1FD60] =	vst v20;
	v20 =	vld [tilespmem:s28+$0x400]  }
0x272: {  	[tilespmem:$0x1FDB0] =	vst v32;
	v32 =	vld [tilespmem:s28+$0x410]  }
0x273: {  	[tilespmem:$0x1FDF0] =	vst v22;
	v22 =	vld [tilespmem:s12+$0x490]  }
0x274: {  	[tilespmem:$0x1FD90] =	vst v28;
	v28 =	vld [tilespmem:s28+$0x430];
	s29 =	spop (v2sf);
	(v2sf) =	vpush v1, $0xD  }
0x275: {  	v21 =	vmul.bf16 v21, v33;
	v33 =	vld [tilespmem:$0x1FDE0];
	s30 =	spop (v2sf)  }
0x276: {  	v35 =	vmul.bf16 v39, v38;
	v19 =	vmul.bf16 v37, v36;
	(v2sf) =	vpush v1, $0xC;
	v36 =	vld [tilespmem:s30+$0x500]  }
0x277: {  	v37 =	vmul.bf16 v41, v40;
	v41 =	vld [tilespmem:s30+$0x510]  }
0x278: {  	v19 =	vadd.bf16 v35, v19;
	v35 =	vmul.bf16 v45, v44;
	v40 =	vmul.bf16 v47, v46;
	[tilespmem:$0x1FE00] =	vst v22;
	v22 =	vld [tilespmem:s9+$0x490]  }
0x279: {  	v45 =	vld [tilespmem:s30+$0x520]  }
0x27a: {  	v35 =	vadd.bf16 v40, v35;
	s31 =	spop (v2sf);
	v40 =	vld [tilespmem:s30+$0x530]  }
0x27b: {  	v46 =	vld [tilespmem:s31+$0x590]  }
0x27c: {  	v4 =	vmul.bf16 v4, v5;
	v5 =	vld [tilespmem:s31+$0x5A0]  }
0x27d: {  	[tilespmem:$0x1FE10] =	vst v22;
	v22 =	vmul.bf16 v12, v6;
	v6 =	vld [tilespmem:s12+$0x4A0]  }
0x27e: {  	v12 =	vld [tilespmem:s9+$0x4A0];
	s9 =	spop (v2sf)  }
0x27f: {  	v39 =	vld [tilespmem:s9+$0x500]  }
0x280: {  	v38 =	vmul.bf16 v49, v48;
	v47 =	vld [tilespmem:s9+$0x520]  }
0x281: {  	v48 =	vmul.bf16 v53, v52;
	v49 =	vmul.bf16 v55, v54;
	(v2sf) =	vpush v0, $0xD;
	v44 =	vld [tilespmem:s9+$0x530]  }
0x282: {  	(v2sf) =	vpush v0, $0xC;
	v2 =	vadd.bf16 v22, v2;
	v22 =	vmul.bf16 v43, v42;
	v43 =	vld [tilespmem:s9+$0x510]  }
0x283: {  	v42 =	vld [tilespmem:s31+$0x580];
	s10 =	spop (v2sf);
	(v2sf) =	vpush v1, $0xF  }
0x284: {  	v30 =	vmul.bf16 v13, v30;
	v2 =	vadd.bf16 v3, v2;
	v3 =	vadd.bf16 v49, v48;
	v48 =	vld [tilespmem:s29+$0x590]  }
0x285: {  	v37 =	vadd.bf16 v22, v37;
	v22 =	vmul.bf16 v51, v50;
	s11 =	spop (v2sf);
	(v2sf) =	vpush v1, $0xE;
	v1 =	vld [tilespmem:s31+$0x5B0]  }
0x286: {  	v50 =	vmul.bf16 v57, v56;
	v56 =	vmul.bf16 v61, v60;
	v60 =	vld [tilespmem:$0x1FD30]  }
0x287: {  	v10 =	vmul.bf16 v10, v14;
	v57 =	vmul.bf16 v63, v62;
	v62 =	vld [tilespmem:$0x1FD40]  }
0x288: {  	v63 =	vld [tilespmem:$0x1FD50]  }
0x289: {  	v7 =	vmul.bf16 v7, v8;
	v8 =	vadd.bf16 v10, v30;
	v30 =	vld [tilespmem:s10+$0x680]  }
0x28a: {  	v61 =	vmul.bf16 v29, v24;
	v24 =	vld [tilespmem:s11+$0x600]  }
0x28b: {  	v51 =	vmul.bf16 v59, v58;
	v13 =	vld [tilespmem:s11+$0x610]  }
0x28c: {  	v17 =	vmul.bf16 v17, v18;
	v18 =	vld [tilespmem:s11+$0x620]  }
0x28d: {  	v52 =	vadd.bf16 v51, v50;
	v51 =	vld [tilespmem:s29+$0x5A0]  }
0x28e: {  	v50 =	vld [tilespmem:$0x1FD60]  }
0x28f: {  	v38 =	vadd.bf16 v22, v38;
	v59 =	vadd.bf16 v57, v56;
	v56 =	vld [tilespmem:$0x1FDA0]  }
0x290: {  	v37 =	vadd.bf16 v37, v19;
	v57 =	vld [tilespmem:$0x1FDB0]  }
0x291: {  	v4 =	vadd.bf16 v4, v7;
	v53 =	vunpack.i.u.bf16.f32 v2;
	v35 =	vadd.bf16 v38, v35;
	v38 =	vld [tilespmem:s29+$0x580]  }
0x292: {  	v3 =	vadd.bf16 v52, v3;
	v54 =	vunpack.i.u.bf16.f32 v37;
	v37 =	vunpack.i.l.bf16.f32 v37;
	v52 =	vld [tilespmem:$0x1FD70]  }
0x293: {  	v2 =	vunpack.i.l.bf16.f32 v2;
	v37 =	vadd.f32 v37, v54;
	v29 =	vmul.bf16 v63, v62;
	v54 =	vld [tilespmem:$0x1FD80]  }
0x294: {  	v62 =	vmul.bf16 v32, v27;
	v32 =	vld [tilespmem:$0x1FDD0];
	v55 =	vunpack.i.u.bf16.f32 v35;
	v35 =	vunpack.i.l.bf16.f32 v35  }
0x295: {  	v19 =	vadd.f32 v2, v53;
	v2 =	vadd.f32 v35, v55;
	v35 =	vld [tilespmem:s29+$0x5B0]  }
0x296: {  	v7 =	vmul.bf16 v23, v60;
	v58 =	vunpack.i.u.bf16.f32 v3;
	v3 =	vunpack.i.l.bf16.f32 v3;
	v55 =	vld [tilespmem:$0x1FD90]  }
0x297: {  	v16 =	vmul.bf16 v16, v25;
	s12 =	spop (v2sf);
	v4 =	vadd.bf16 v4, v59;
	v3 =	vadd.f32 v3, v58;
	v58 =	vld [tilespmem:$0x1FDC0]  }
0x298: {  	v7 =	vadd.bf16 v61, v7;
	v61 =	vmul.bf16 v20, v26;
	v20 =	vld [tilespmem:s12+$0x680]  }
0x299: {  	v49 =	vunpack.i.u.bf16.f32 v4;
	v4 =	vunpack.i.l.bf16.f32 v4;
	v16 =	vadd.bf16 v16, v29;
	v26 =	vld [tilespmem:s10+$0x690]  }
0x29a: {  	v4 =	vadd.f32 v4, v49;
	v49 =	vld [tilespmem:$0x1FDF0]  }
0x29b: {  	v7 =	vadd.bf16 v16, v7;
	v16 =	vld [tilespmem:s11+$0x630]  }
0x29c: {  	v10 =	vmul.bf16 v52, v50;
	v52 =	vld [tilespmem:$0x1FE00]  }
0x29d: {  	v9 =	vmul.bf16 v9, v11;
	(v2sf) =	vpush v0, $0xF;
	v22 =	vmul.bf16 v28, v32;
	v28 =	vld [tilespmem:s12+$0x690];
	s13 =	spop (v2sf)  }
0x29e: {  	(v2sf) =	vpush v0, $0xE;
	v0 =	vld [tilespmem:s13+$0x600]  }
0x29f: {  	v9 =	vadd.bf16 v17, v9;
	v11 =	vld [tilespmem:s13+$0x610]  }
0x2a0: {  	v14 =	vld [tilespmem:s13+$0x620]  }
0x2a1: {  	v8 =	vadd.bf16 v9, v8;
	v53 =	vunpack.i.u.bf16.f32 v7;
	v7 =	vunpack.i.l.bf16.f32 v7;
	v25 =	vld [tilespmem:s13+$0x630]  }
0x2a2: {  	v6 =	vmul.bf16 v12, v6;
	v7 =	vadd.f32 v7, v53;
	v53 =	vld [tilespmem:$0x1FE10]  }
0x2a3: {  	v63 =	vunpack.i.u.bf16.f32 v8;
	v23 =	vmul.bf16 v55, v54;
	v59 =	vmul.bf16 v31, v58;
	v31 =	vld [tilespmem:s10+$0x6B0]  }
0x2a4: {  	v8 =	vunpack.i.l.bf16.f32 v8;
	v17 =	vmul.bf16 v57, v56;
	v54 =	vmul.bf16 v34, v15;
	v15 =	vld [tilespmem:s12+$0x6B0]  }
0x2a5: {  	v56 =	vmul.bf16 v39, v36;
	v57 =	vmul.bf16 v43, v41;
	v60 =	vadd.bf16 v23, v10;
	s28 =	spop (v2sf);
	v23 =	vld [tilespmem:s12+$0x6A0]  }
0x2a6: {  	v21 =	vadd.bf16 v22, v21;
	v22 =	vmul.bf16 v49, v33;
	v17 =	vadd.bf16 v59, v17;
	v49 =	vld [tilespmem:s28+$0x780]  }
0x2a7: {  	(xrf2) =	vadd.scan.msk.f32 $0xffff, v19;
	v8 =	vadd.f32 v8, v63;
	v5 =	vmul.bf16 v5, v51;
	v12 =	vadd.bf16 v57, v56;
	v56 =	vld [tilespmem:s28+$0x7A0]  }
0x2a8: {  	v63 =	vmul.bf16 v42, v38;
	v1 =	vmul.bf16 v1, v35;
	s29 =	spop (v2sf);
	v9 =	vadd.bf16 v17, v60;
	v17 =	vld [tilespmem:s10+$0x6A0]  }
0x2a9: {  	v58 =	vmul.bf16 v47, v45;
	v10 =	vadd.bf16 v62, v61;
	v61 =	vmul.bf16 v44, v40;
	v27 =	vld [tilespmem:s29+$0x700]  }
0x2aa: {  	v6 =	vadd.bf16 v54, v6;
	v44 =	vmul.bf16 v46, v48;
	v1 =	vadd.bf16 v1, v5;
	v36 =	vld [tilespmem:s29+$0x710]  }
0x2ab: {  	(xrf2) =	vadd.scan.msk.f32 $0xffff, v37;
	v10 =	vadd.bf16 v21, v10;
	v62 =	vadd.bf16 v61, v58;
	v42 =	vld [tilespmem:s29+$0x720];
	v29 =	vmul.bf16 v53, v52  }
0x2ac: {  	v46 =	vld [tilespmem:s29+$0x730];
	v48 =	vadd.bf16 v44, v63;
	v0 =	vmul.bf16 v0, v24;
	v11 =	vmul.bf16 v11, v13  }
0x2ad: {  	s30 =	spop (v2sf);
	v14 =	vmul.bf16 v14, v18;
	v16 =	vmul.bf16 v25, v16;
	v52 =	vld [tilespmem:s28+$0x790];
	v50 =	vunpack.i.u.bf16.f32 v9  }
0x2ae: {  	v53 =	vld [tilespmem:s30+$0x790];
	v9 =	vunpack.i.l.bf16.f32 v9;
	v60 =	vunpack.i.u.bf16.f32 v10;
	v12 =	vadd.bf16 v62, v12  }
0x2af: {  	v57 =	vld [tilespmem:s30+$0x7A0];
	v10 =	vunpack.i.l.bf16.f32 v10;
	v1 =	vadd.bf16 v1, v48;
	v9 =	vadd.f32 v9, v50;
	s31 =	spop (v2sf)  }
0x2b0: {  	v54 =	vmul.bf16 v20, v30;
	v55 =	vadd.bf16 v29, v22;
	v10 =	vadd.f32 v10, v60;
	v59 =	vld [tilespmem:s31+$0x700]  }
0x2b1: {  	v58 =	vmul.bf16 v15, v31;
	v25, _, _ =	vpop (xrf2);
	v0 =	vadd.bf16 v11, v0;
	v14 =	vadd.bf16 v16, v14;
	v21 =	vld [tilespmem:s31+$0x710]  }
0x2b2: {  	v29 =	vbroadcast v25, $0xF;
	v51 =	vunpack.i.u.bf16.f32 v12;
	v12 =	vunpack.i.l.bf16.f32 v12;
	v45 =	vld [tilespmem:s31+$0x720]  }
0x2b3: {  	v22 =	vunpack.i.u.bf16.f32 v1;
	v1 =	vunpack.i.l.bf16.f32 v1;
	v6 =	vadd.bf16 v6, v55;
	v47 =	vld [tilespmem:s31+$0x730]  }
0x2b4: {  	v62 =	vld [tilespmem:s30+$0x7B0];
	v11 =	vadd.f32 v12, v51;
	v0 =	vadd.bf16 v14, v0;
	v55 =	vmul.bf16 v28, v26  }
0x2b5: {  	(xrf2) =	vadd.scan.msk.f32 $0xffff, v2;
	v50 =	vld [tilespmem:s30+$0x780];
	v17 =	vmul.bf16 v23, v17;
	v1 =	vadd.f32 v1, v22;
	v28, _, _ =	vpop (xrf2);
	v26 =	vmul.bf16 v57, v56  }
0x2b6: {  	(xrf2) =	vadd.scan.msk.f32 $0xffff, v3;
	v60 =	vld [tilespmem:s28+$0x7B0];
	v30 =	vbroadcast v28, $0xF;
	v43 =	vunpack.i.u.bf16.f32 v6;
	v14 =	vadd.bf16 v55, v54  }
0x2b7: {  	(xrf2) =	vadd.scan.msk.f32 $0xffff, v4;
	v2 =	vadd.bf16 v58, v17;
	v59 =	vmul.bf16 v59, v27;
	v21 =	vmul.bf16 v21, v36  }
0x2b8: {  	(xrf2) =	vadd.scan.msk.f32 $0xffff, v7;
	v6 =	vunpack.i.l.bf16.f32 v6;
	v63 =	vmul.bf16 v45, v42;
	v13 =	vmul.bf16 v47, v46  }
0x2b9: {  	(xrf2) =	vadd.scan.msk.f32 $0xffff, v8;
	v61 =	vunpack.i.u.bf16.f32 v0;
	v6 =	vadd.f32 v6, v43;
	v2 =	vadd.bf16 v2, v14  }
0x2ba: {  	(xrf2) =	vadd.scan.msk.f32 $0xffff, v9;
	v19 =	vmul.bf16 v50, v49;
	v17 =	vadd.bf16 v21, v59;
	v3 =	vadd.bf16 v13, v63  }
0x2bb: {  	(xrf2) =	vadd.scan.msk.f32 $0xffff, v10;
	v0 =	vunpack.i.l.bf16.f32 v0;
	v27 =	vmul.bf16 v62, v60;
	v21 =	vmul.bf16 v53, v52  }
0x2bc: {  	v0 =	vadd.f32 v0, v61;
	(xrf2) =	vadd.scan.msk.f32 $0xffff, v6;
	v32 =	vunpack.i.u.bf16.f32 v2;
	v3 =	vadd.bf16 v3, v17  }
0x2bd: {  	(xrf2) =	vadd.scan.msk.f32 $0xffff, v11;
	v2 =	vunpack.i.l.bf16.f32 v2;
	v31 =	vadd.bf16 v27, v26;
	v4 =	vadd.bf16 v21, v19  }
0x2be: {  	(xrf2) =	vadd.scan.msk.f32 $0xffff, v1;
	v33 =	vadd.f32 v2, v32;
	v34 =	vunpack.i.u.bf16.f32 v3;
	v3 =	vunpack.i.l.bf16.f32 v3  }
0x2bf: {  	v35, _, _ =	vpop (xrf2);
	(xrf2) =	vadd.scan.msk.f32 $0xffff, v0;
	v37 =	vadd.bf16 v31, v4;
	v36 =	vadd.f32 v3, v34  }
0x2c0: {  	v39 =	vbroadcast v35, $0xF;
	v40, _, _ =	vpop (xrf2);
	v38 =	vsel vm0, v29, v30;
	(xrf2) =	vadd.scan.msk.f32 $0xffff, v33  }
0x2c1: {  	v41 =	vbroadcast v40, $0xF;
	v42, _, _ =	vpop (xrf2);
	v43 =	vunpack.i.u.bf16.f32 v37;
	v2 =	vunpack.i.l.bf16.f32 v37;
	(xrf2) =	vadd.scan.msk.f32 $0xffff, v36  }
0x2c2: {  	v44, _, _ =	vpop (xrf2);
	v45 =	vbroadcast v42, $0xF;
	v3 =	vsel vm1, v38, v39;
	v0 =	vadd.f32 v2, v43  }
0x2c3: {  	v46, _, _ =	vpop (xrf2);
	v47 =	vbroadcast v44, $0xF;
	v1 =	vsel vm2, v3, v41  }
0x2c4: {  	v48, _, _ =	vpop (xrf2);
	v1 =	vsel vm3, v1, v45;
	v2 =	vbroadcast v46, $0xF;
	(xrf2) =	vadd.scan.msk.f32 $0xffff, v0  }
0x2c5: {  	v49, _, _ =	vpop (xrf2);
	v50 =	vbroadcast v48, $0xF;
	v1 =	vsel vm4, v1, v47  }
0x2c6: {  	v51, _, _ =	vpop (xrf2);
	v1 =	vsel vm5, v1, v2;
	v0 =	vbroadcast v49, $0xF  }
0x2c7: {  	v52, _, _ =	vpop (xrf2);
	v53 =	vbroadcast v51, $0xF;
	v1 =	vsel vm6, v1, v50  }
0x2c8: {  	v54, _, _ =	vpop (xrf2);
	v55 =	vbroadcast v52, $0xF;
	v0 =	vsel vm7, v1, v0  }
0x2c9: {  	v56, _, _ =	vpop (xrf2);
	v57 =	vbroadcast v54, $0xF;
	v0 =	vsel vm8, v0, v53  }
0x2ca: {  	v58, _, _ =	vpop (xrf2);
	v59 =	vbroadcast v56, $0xF;
	v0 =	vsel vm9, v0, v55  }
0x2cb: {  	v61 =	vbroadcast v58, $0xF;
	v0 =	vsel vm10, v0, v57;
	v60, _, _ =	vpop (xrf2)  }
0x2cc: {  	v0 =	vsel vm11, v0, v59;
	v62 =	vbroadcast v60, $0xF  }
0x2cd: {  	v0 =	vsel vm12, v0, v61  }
0x2ce: {  	v63, _, _ =	vpop (xrf2);
	v0 =	vsel vm13, v0, v62  }
0x2cf: {  	v0 =	vsel vm14, v0, v63  }
0x2d0: {  	v0 =	vsub.f32 $0.0e+00, v0;
	_ =	sdelay $0x1  }
0x2d1: {  	v0 =	vmul.f32 $1.442695020e+00, v0;
	_ =	sdelay $0x1  }
0x2d2: {  	(erf) = vpow2.f32 v0;
	_ =	sdelay $0x8  }
0x2d3: {  	v0 =	vpop (erf)  }
0x2d4: {  	v0 =	vadd.f32 $1.000000000e+00, v0;
	_ =	sdelay $0x1  }
0x2d5: {  	(erf) = vrcp.f32 v0;
	_ =	sdelay $0x4  }
0x2d6: {  	p0 =	sne.s32 s0, $0x8000  }
.Ltmp3:
0x2d7: {  	_ = 	snop;
	(pc) =	sbr.rel @p0 .LBB2_8-.Ltmp3, $3  }
0x2d8: {  	_ =	sdelay $0x1  }
0x2d9: {  	s1 =	sadd.s32 $0x10, s1;
	v0 =	vpop (erf)  }
0x2da: {  	s4 =	sadd.s32 $0x10, s4;
	s0 =	sadd.s32 $0x2000, s0;
	[tilespmem:s6+$0x0] =	vst v0;
	s6 =	sadd.s32 $0x10, s6  }
0x2db: {  	s12 =	simm.s32 $0x0  }
0x2dc: {  	s0 =	rddreg [dreg:$0xa];
	s1 =	simm.s32 $0x1BE40;
	s4 =	simm.s32 $0x5  }
0x2dd: {  	[hbm4b:s0+s12] =	stream.linear.scatter [tilespmem:s1], [sflag:$0x5], $0x2710, $0x38;
	[tilespmem:$0x1E5C0] =	vst v63  }
0x2de: {  	_ =	swait.ge [sflag:s4], $0x2710  }
0x2df: {  	s30 =	rddreg [dreg:$0xe]  }
0x2e0: {  	s31 =	rddreg [dreg:$0xb];
	s1 =	sadd.s32 $0x1, s30  }
0x2e1: {  	p0 =	sne.s32 s1, s31  }
.Ltmp4:
0x2e2: {  	_ = 	snop;
	(pc) =	sbr.rel @p0 .LBB2_1-.Ltmp4, $3  }
0x2e3: {  	_ =	sdelay $0x1  }
0x2e4: {  	[sflag:s4] =	ssyncset.done $0x0  }
0x2e5: {  	[sflag:s4] =	ssyncadd.s32 $0xFFFFD8F0  }
0x2e6: {  	_ =	sfence.sel $0x180000  }
0x2e7: {  	[bflag:$0x0] =	sbarrier.arrive $0xFFFF  }
0x2e8: {  	_ =	strace $0x90000047  }
0x2e9: {  	s0 =	stileid.u32;
	[bflag:$0x2] =	sbarrier.arrive $0xFFFF  }
0x2ea: {  	p0 =	sne.s32 s0, $0x0;
	s0 =	rddreg [dreg:$0x4]  }
0x2eb: {  	s0 =	sadd.s32 @!p0 $0x100000, s0  }
0x2ec: {  	[sflag:s0] =	ssyncadd.tile.s32 @!p0 $0x1;
	_ =	shalt  }
.Lfunc_end2:
_tile_overlayer_lowered:
.L_overlay_start_2:
0x2ed: {  	(tag) =	ssettag $0x2  }
0x2ee: {  	s0 =	rddreg [dreg:$0x0];
	s2 =	stileid.u32  }
0x2ef: {  	s1 =	rddreg [dreg:$0x1];
	p0 =	sne.s32 s2, $0x0  }
0x2f0: {  	s3 =	rddreg [dreg:$0x2];
	[bflag:$0x3] =	sbarrier.arrive $0xFFFF;
	s2 =	simm.s32 @!p0 $0x1C05  }
0x2f1: {  	[timem:s3], [sflag:s2] =	dma.local @!p0 [hbm:s0], s1  }
0x2f2: {  	s0 =	simm.s32 @!p0 $0x5  }
0x2f3: {  	_ =	swait.ge @!p0 [sflag:s0], s1  }
0x2f4: {  	s1 =	ssub.s32 @!p0 $0x0, s1;
	[sflag:s0] =	ssyncset.done @!p0 $0x0  }
0x2f5: {  	[sflag:s0] =	ssyncadd.s32 @!p0 s1  }
0x2f6: {  	[bflag:$0x3] =	sbarrier.arrive $0xFFFF  }
0x2f7: {  	_ =	shalt  }

</sc_bundles>
